<compile_context>
chip_gen: v7x
topology: tpu7x:2x2x1
jax: 0.10.2.dev20260603
libtpu: 0.0.44.dev20260713+nightly
codegen_flags: <defaults>
</compile_context>

<pallas_src>
import functools

import jax
import jax.numpy as jnp
from jax import lax
from jax.experimental import pallas as pl
from jax.experimental.pallas import tpu as pltpu
from jax.experimental.pallas import tpu_sc as plsc

N = 10000
NPAD = 10240
E = 320000
IN_DIM = 128
HID = 64
OUT = 32

NC = 2
NS = 16
NW = NC * NS
CH = 128
K = 80
EPT = K * CH
EPAD = EPT * NW
RPT = NPAD // NS
RReal = N // NS
CHD = 80
KD = E // (NW * CHD)
DLAG = 8


def _mesh():
    return plsc.VectorSubcoreMesh(
        core_axis_name="c", subcore_axis_name="s",
        num_cores=NC, num_subcores=NS)


def _deg_kernel():

    @functools.partial(
        pl.kernel,
        out_type=jax.ShapeDtypeStruct((NC, NPAD), jnp.float32),
        mesh=_mesh(),
        compiler_params=pltpu.CompilerParams(use_tc_tiling_on_sc=False),
        scratch_types=[
            pltpu.VMEM((KD, CHD), jnp.int32),
            pltpu.VMEM((CHD,), jnp.float32),
            pltpu.VMEM((RPT,), jnp.float32),
            pltpu.SemaphoreType.DMA,
            pltpu.VMEM_SHARED((NPAD,), jnp.float32),
        ],
    )
    def deg(col_hbm, out_hbm, col_v, ones_v, stage_v, ssem, acc_sh):
        c = lax.axis_index("c")
        s = lax.axis_index("s")
        eb = c * NS + s
        r0 = s * RPT

        def fill_ones(i, carry):
            ones_v[pl.ds(i * 16, 16)] = jnp.full((16,), 1.0, jnp.float32)
            return carry

        lax.fori_loop(0, CHD // 16, fill_ones, 0)

        def fill_zero(i, carry):
            stage_v[pl.ds(i * 16, 16)] = jnp.zeros((16,), jnp.float32)
            return carry

        lax.fori_loop(0, RPT // 16, fill_zero, 0)
        pltpu.sync_copy(stage_v, acc_sh.at[pl.ds(r0, RPT)])
        pltpu.sync_copy(col_hbm.at[eb], col_v)
        plsc.subcore_barrier()

        def body(j, carry):
            pltpu.async_copy(
                ones_v.at[pl.ds(0, CHD)], acc_sh.at[col_v.at[j]], ssem,
                add=True)

            @pl.when(j >= DLAG)
            def _drain():
                pltpu.make_async_copy(
                    out_hbm.at[0, pl.ds(0, CHD)], ones_v.at[pl.ds(0, CHD)],
                    ssem).wait()

            return carry

        lax.fori_loop(0, KD, body, 0)
        for _ in range(DLAG):
            pltpu.make_async_copy(
                out_hbm.at[0, pl.ds(0, CHD)], ones_v.at[pl.ds(0, CHD)],
                ssem).wait()
        plsc.subcore_barrier()
        pltpu.sync_copy(acc_sh.at[pl.ds(r0, RPT)], stage_v)
        pltpu.sync_copy(stage_v, out_hbm.at[c, pl.ds(r0, RPT)])

    return deg


def _agg_kernel(D, spmem_gather, Q, F):
    scratch = [
        pltpu.VMEM((K, CH), jnp.int32),
        pltpu.VMEM((K, CH), jnp.int32),
        pltpu.VMEM((Q, CH, D), jnp.float32),
        pltpu.SemaphoreType.DMA((Q,)),
        pltpu.SemaphoreType.DMA((Q,)),
        pltpu.VMEM_SHARED((NPAD, D), jnp.float32),
    ]
    if spmem_gather:
        scratch.append(pltpu.VMEM_SHARED((N, D), jnp.float32))

    @functools.partial(
        pl.kernel,
        out_type=jax.ShapeDtypeStruct((NC, N, D), jnp.float32),
        mesh=_mesh(),
        compiler_params=pltpu.CompilerParams(use_tc_tiling_on_sc=False),
        scratch_types=scratch,
    )
    def agg(row_hbm, col_hbm, g_hbm, out_hbm,
            row_v, col_v, bufs, gsem, ssem, acc_sh, *maybe_gsh):
        c = lax.axis_index("c")
        s = lax.axis_index("s")
        eb = c * NS + s
        rr = s * RReal
        g_src = maybe_gsh[0] if spmem_gather else g_hbm

        for t in range(5):
            rows = CH if t < 4 else RReal - 4 * CH
            slab = bufs.at[0, pl.ds(0, rows)]
            pltpu.sync_copy(g_hbm.at[pl.ds(rr + t * CH, rows)], slab)
            pltpu.sync_copy(slab, acc_sh.at[pl.ds(rr + t * CH, rows)])
            if spmem_gather:
                pltpu.sync_copy(slab, maybe_gsh[0].at[pl.ds(rr + t * CH, rows)])
        pltpu.sync_copy(row_hbm.at[eb], row_v)
        pltpu.sync_copy(col_hbm.at[eb], col_v)
        plsc.subcore_barrier()

        for b in range(F):
            pltpu.async_copy(g_src.at[row_v.at[b]], bufs.at[b], gsem.at[b])

        def outer(jo, carry):
            for b in range(Q):
                j = jo * Q + b
                pltpu.make_async_copy(
                    g_src.at[row_v.at[j]], bufs.at[b], gsem.at[b]).wait()
                pltpu.async_copy(
                    bufs.at[b], acc_sh.at[col_v.at[j]], ssem.at[b], add=True)
                jf = j + F
                bf = (b + F) % Q

                @pl.when(jf < K)
                def _fire():
                    @pl.when(jf >= Q)
                    def _drain():
                        pltpu.make_async_copy(
                            g_hbm.at[pl.ds(0, CH)], bufs.at[bf],
                            ssem.at[bf]).wait()

                    pltpu.async_copy(
                        g_src.at[row_v.at[jf]], bufs.at[bf], gsem.at[bf])
            return carry

        lax.fori_loop(0, K // Q, outer, 0)
        for b in range(Q):
            pltpu.make_async_copy(
                g_hbm.at[pl.ds(0, CH)], bufs.at[b], ssem.at[b]).wait()
        plsc.subcore_barrier()

        for t in range(5):
            rows = CH if t < 4 else RReal - 4 * CH
            slab = bufs.at[0, pl.ds(0, rows)]
            pltpu.sync_copy(acc_sh.at[pl.ds(rr + t * CH, rows)], slab)
            pltpu.sync_copy(slab, out_hbm.at[c, pl.ds(rr + t * CH, rows)])

    return agg


_R = 2000


def _dinv_block(dp_ref):
    deg = dp_ref[:, 0:1] + dp_ref[:, 1:2] + 1.0
    return lax.rsqrt(deg)


def _tc_a(x, W1, dpT):
    def body(x_ref, w_ref, dp_ref, o_ref):
        dinv = _dinv_block(dp_ref)
        o_ref[...] = jnp.dot(x_ref[...], w_ref[...],
                             preferred_element_type=jnp.float32) * dinv

    return pl.pallas_call(
        body,
        grid=(N // _R,),
        in_specs=[
            pl.BlockSpec((_R, IN_DIM), lambda i: (i, 0)),
            pl.BlockSpec((IN_DIM, HID), lambda i: (0, 0)),
            pl.BlockSpec((_R, NC), lambda i: (i, 0)),
        ],
        out_specs=pl.BlockSpec((_R, HID), lambda i: (i, 0)),
        out_shape=jax.ShapeDtypeStruct((N, HID), jnp.float32),
    )(x, W1, dpT)


def _tc_b(parts, g1, dpT, b1, W2):
    def body(p_ref, g1_ref, dp_ref, b_ref, w_ref, o_ref):
        dinv = _dinv_block(dp_ref)
        pre = (p_ref[0] + p_ref[1] - g1_ref[...]) * dinv + b_ref[...]
        h = jnp.maximum(pre, 0.0)
        o_ref[...] = jnp.dot(h, w_ref[...],
                             preferred_element_type=jnp.float32) * dinv

    return pl.pallas_call(
        body,
        grid=(N // _R,),
        in_specs=[
            pl.BlockSpec((NC, _R, HID), lambda i: (0, i, 0)),
            pl.BlockSpec((_R, HID), lambda i: (i, 0)),
            pl.BlockSpec((_R, NC), lambda i: (i, 0)),
            pl.BlockSpec((1, HID), lambda i: (0, 0)),
            pl.BlockSpec((HID, OUT), lambda i: (0, 0)),
        ],
        out_specs=pl.BlockSpec((_R, OUT), lambda i: (i, 0)),
        out_shape=jax.ShapeDtypeStruct((N, OUT), jnp.float32),
    )(parts, g1, dpT, b1, W2)


def _tc_c(parts, g2, dpT, b2):
    def body(p_ref, g2_ref, dp_ref, b_ref, o_ref):
        dinv = _dinv_block(dp_ref)
        o_ref[...] = (p_ref[0] + p_ref[1] - g2_ref[...]) * dinv + b_ref[...]

    return pl.pallas_call(
        body,
        grid=(N // _R,),
        in_specs=[
            pl.BlockSpec((NC, _R, OUT), lambda i: (0, i, 0)),
            pl.BlockSpec((_R, OUT), lambda i: (i, 0)),
            pl.BlockSpec((_R, NC), lambda i: (i, 0)),
            pl.BlockSpec((1, OUT), lambda i: (0, 0)),
        ],
        out_specs=pl.BlockSpec((_R, OUT), lambda i: (i, 0)),
        out_shape=jax.ShapeDtypeStruct((N, OUT), jnp.float32),
    )(parts, g2, dpT, b2)


def kernel(x, edge_index, W1, b1, W2, b2):
    row = edge_index[0].astype(jnp.int32)
    col = edge_index[1].astype(jnp.int32)
    epad = EPAD - E
    col_raw = col.reshape(NW, KD, CHD)
    row_b, col_b = lax.optimization_barrier((row, col))
    pad_i = jnp.arange(epad, dtype=jnp.int32)
    row_p = jnp.concatenate([row_b, (pad_i * 97) % N]).reshape(NW, K, CH)
    col_p = jnp.concatenate([col_b, N + pad_i % (NPAD - N)]).reshape(NW, K, CH)

    deg_part = _deg_kernel()(col_raw)
    dpT = deg_part.T[:N]

    g1 = _tc_a(x, W1, dpT)
    agg1 = _agg_kernel(HID, False, 8, 4)(row_p, col_p, g1)
    g2 = _tc_b(agg1, g1, dpT, b1.reshape(1, HID), W2)
    agg2 = _agg_kernel(OUT, True, 8, 4)(row_p, col_p, g2)
    return _tc_c(agg2, g2, dpT, b2.reshape(1, OUT))

# --- scband reference (transcript-rebuilt; emitter-appended) ---
"""Pipeline reference for scband-gcnencoder-48172353192285 (READ-ONLY COPY).

The authoritative reference and input builder live on the scoring server;
editing this copy changes nothing except your own understanding.
"""

import jax, jax.numpy as jnp
import numpy as np

N_NODES = 10000
N_EDGES = 320000
IN_DIM = 128
HID = 64
OUT = 32


def _gcn_conv(x, edge_index, W, b):
    # PyG GCNConv with add_self_loops=True, normalize=True, edge_weight=None
    N = x.shape[0]
    row = edge_index[0]
    col = edge_index[1]
    loop = jnp.arange(N, dtype=edge_index.dtype)
    row = jnp.concatenate([row, loop])
    col = jnp.concatenate([col, loop])
    w = jnp.ones(row.shape[0], dtype=x.dtype)
    # symmetric normalization: deg computed at destination (col)
    deg = jnp.zeros(N, dtype=x.dtype).at[col].add(w)
    dinv = jnp.where(deg > 0, 1.0 / jnp.sqrt(deg), 0.0)
    norm = dinv[row] * w * dinv[col]
    h = x @ W
    msg = h[row] * norm[:, None]
    out = jnp.zeros((N, h.shape[1]), dtype=x.dtype).at[col].add(msg)
    return out + b


def setup_inputs(seed: int = 0) -> dict:
    key = jax.random.key(seed)
    k1, k2, k3, k4, k5, k6 = jax.random.split(key, 6)
    x = jax.random.normal(k1, (N_NODES, IN_DIM), dtype=jnp.float32)
    edge_index = jax.random.randint(k2, (2, N_EDGES), 0, N_NODES, dtype=jnp.int64)
    # glorot-style init for GCN weights, zero bias (PyG default bias init is zeros)
    s1 = 1.0 / np.sqrt(IN_DIM)
    s2 = 1.0 / np.sqrt(HID)
    W1 = jax.random.uniform(k3, (IN_DIM, HID), dtype=jnp.float32, minval=-s1, maxval=s1)
    b1 = jnp.zeros((HID,), dtype=jnp.float32)
    W2 = jax.random.uniform(k4, (HID, OUT), dtype=jnp.float32, minval=-s2, maxval=s2)
    b2 = jnp.zeros((OUT,), dtype=jnp.float32)
    return {"x": x, "edge_index": edge_index, "W1": W1, "b1": b1, "W2": W2, "b2": b2}


def reference(x, edge_index, W1, b1, W2, b2):
    h = _gcn_conv(x, edge_index, W1, b1)
    h = jax.nn.relu(h)
    # dropout p=0.0 (eval/identity)
    z = _gcn_conv(h, edge_index, W2, b2)
    return z

if __name__ == "__main__":
    import jax
    _d = setup_inputs()
    print(jax.jit(kernel)(*tuple(_d.values())))

</pallas_src>

<mosaic_0001>
#map = affine_map<(d0, d1) -> (0, 0, 0)>
#map1 = affine_map<(d0, d1) -> (0, 0)>
module attributes {stable_mosaic.version = 14 : i64} {
  func.func @deg(%arg0: i32, %arg1: i32, %arg2: memref<32x125x80xi32, #tpu.memory_space<hbm>>, %arg3: memref<2x10240xf32, #tpu.memory_space<hbm>>, %arg4: memref<125x80xi32, #tpu.memory_space<vmem>>, %arg5: memref<80xf32, #tpu.memory_space<vmem>>, %arg6: memref<640xf32, #tpu.memory_space<vmem>>, %arg7: memref<!tpu.dma_semaphore, #tpu.memory_space<semaphore_mem>>, %arg8: memref<10240xf32, #tpu.memory_space<vmem_shared>>) attributes {dimension_semantics = [#tpu.dimension_semantics<core_parallel>, #tpu.dimension_semantics<subcore_parallel>], iteration_bounds = array<i64: 2, 16>, scalar_prefetch = 0 : i64, scratch_operands = 5 : i64, tpu.core_type = #tpu.core_type<sc_vector_subcore>, window_params = [{transform_indices = #map}, {transform_indices = #map1}]} {
    %mul3A = arith.constant 16 : i32
    %mul3A_0 = arith.muli %arg0, %mul3A : i32
    %add3A = arith.addi %mul3A_0, %arg1 : i32
    %mul3A_1 = arith.constant 640 : i32
    %mul3A_2 = arith.muli %arg1, %mul3A_1 : i32
    %scan3A = arith.constant 0 : i32
    %scan3A_3 = arith.constant 0 : i32
    %scan3A_4 = arith.constant 5 : i32
    %scan3A_5 = arith.addi %scan3A_3, %scan3A_4 : i32
    %scan3A_6 = arith.constant 1 : i32
    scf.for %scan3A_108 = %scan3A_3 to %scan3A_5 step %scan3A_6  : i32 {
      %broadcast_in_dim3A = arith.constant 1.000000e+00 : f32
      %broadcast_in_dim3A_109 = vector.broadcast %broadcast_in_dim3A : f32 to vector<16xf32>
      %mul3A_110 = arith.constant 16 : i32
      %mul3A_111 = arith.muli %scan3A_108, %mul3A_110 : i32
      %swap3A = arith.index_cast %mul3A_111 : i32 to index
      %swap3A_112 = tpu.vector_load %arg5[%swap3A] {strides = array<i32>} : memref<80xf32, #tpu.memory_space<vmem>>, vector<16xf32>,
      %swap3A_113 = vector.shape_cast %swap3A_112 : vector<16xf32> to vector<16xf32>
      %swap3A_114 = vector.shape_cast %broadcast_in_dim3A_109 : vector<16xf32> to vector<16xf32>
      tpu.vector_store %arg5[%swap3A], %swap3A_114 {strides = array<i32>} : memref<80xf32, #tpu.memory_space<vmem>>, vector<16xf32>,
    }
    %scan3A_7 = arith.constant 5 : i32
    %scan3A_8 = arith.constant 0 : i32
    %scan3A_9 = arith.constant 0 : i32
    %scan3A_10 = arith.constant 40 : i32
    %scan3A_11 = arith.addi %scan3A_9, %scan3A_10 : i32
    %scan3A_12 = arith.constant 1 : i32
    scf.for %scan3A_108 = %scan3A_9 to %scan3A_11 step %scan3A_12  : i32 {
      %broadcast_in_dim3A = arith.constant 0.000000e+00 : f32
      %broadcast_in_dim3A_109 = vector.broadcast %broadcast_in_dim3A : f32 to vector<16xf32>
      %mul3A_110 = arith.constant 16 : i32
      %mul3A_111 = arith.muli %scan3A_108, %mul3A_110 : i32
      %swap3A = arith.index_cast %mul3A_111 : i32 to index
      %swap3A_112 = tpu.vector_load %arg6[%swap3A] {strides = array<i32>} : memref<640xf32, #tpu.memory_space<vmem>>, vector<16xf32>,
      %swap3A_113 = vector.shape_cast %swap3A_112 : vector<16xf32> to vector<16xf32>
      %swap3A_114 = vector.shape_cast %broadcast_in_dim3A_109 : vector<16xf32> to vector<16xf32>
      tpu.vector_store %arg6[%swap3A], %swap3A_114 {strides = array<i32>} : memref<640xf32, #tpu.memory_space<vmem>>, vector<16xf32>,
    }
    %scan3A_13 = arith.constant 40 : i32
    "tpu.region"() ({
      %run_scoped3A = tpu.sem_alloc : memref<!tpu.dma_semaphore, #tpu.memory_space<semaphore_mem>>
      %dma_start3A = tpu.memref_slice %arg8[%mul3A_2] : memref<10240xf32, #tpu.memory_space<vmem_shared>> -> memref<640xf32, #tpu.memory_space<vmem_shared>>
      %dma_start3A_108 = tpu.memref_slice %arg8[%mul3A_2] : memref<10240xf32, #tpu.memory_space<vmem_shared>> -> memref<640xf32, #tpu.memory_space<vmem_shared>>
      tpu.enqueue_dma source(%arg6 : memref<640xf32, #tpu.memory_space<vmem>>) target(%dma_start3A_108 : memref<640xf32, #tpu.memory_space<vmem_shared>>) target_semaphore(%run_scoped3A : memref<!tpu.dma_semaphore, #tpu.memory_space<semaphore_mem>>)
      %dma_wait3A_109 = tpu.memref_slice %arg8[%mul3A_2] : memref<10240xf32, #tpu.memory_space<vmem_shared>> -> memref<640xf32, #tpu.memory_space<vmem_shared>>
      %dma_wait3A_110 = tpu.memref_slice %arg8[%mul3A_2] : memref<10240xf32, #tpu.memory_space<vmem_shared>> -> memref<640xf32, #tpu.memory_space<vmem_shared>>
      tpu.wait_dma2 semaphore(%run_scoped3A : memref<!tpu.dma_semaphore, #tpu.memory_space<semaphore_mem>>) src(%arg6 : memref<640xf32, #tpu.memory_space<vmem>>) dst(%dma_wait3A_110 : memref<640xf32, #tpu.memory_space<vmem_shared>>)
      tpu.yield
    }) : () -> ()
    "tpu.region"() ({
      %run_scoped3A = tpu.sem_alloc : memref<!tpu.dma_semaphore, #tpu.memory_space<semaphore_mem>>
      %dma_start3A = arith.constant 0 : i32
      %dma_start3A_108 = arith.constant 0 : i32
      %dma_start3A_109 = tpu.memref_slice %arg2[%add3A, %dma_start3A, %dma_start3A_108] : memref<32x125x80xi32, #tpu.memory_space<hbm>> -> memref<1x125x80xi32, #tpu.memory_space<hbm>>
      %dma_start3A_110 = tpu.memref_squeeze %dma_start3A_109 : memref<1x125x80xi32, #tpu.memory_space<hbm>> -> memref<125x80xi32, #tpu.memory_space<hbm>>
      %dma_start3A_111 = arith.constant 0 : i32
      %dma_start3A_112 = arith.constant 0 : i32
      %dma_start3A_113 = tpu.memref_slice %arg2[%add3A, %dma_start3A_111, %dma_start3A_112] : memref<32x125x80xi32, #tpu.memory_space<hbm>> -> memref<1x125x80xi32, #tpu.memory_space<hbm>>
      %dma_start3A_114 = tpu.memref_squeeze %dma_start3A_113 : memref<1x125x80xi32, #tpu.memory_space<hbm>> -> memref<125x80xi32, #tpu.memory_space<hbm>>
      tpu.enqueue_dma source(%dma_start3A_114 : memref<125x80xi32, #tpu.memory_space<hbm>>) target(%arg4 : memref<125x80xi32, #tpu.memory_space<vmem>>) target_semaphore(%run_scoped3A : memref<!tpu.dma_semaphore, #tpu.memory_space<semaphore_mem>>)
      %dma_wait3A_115 = arith.constant 0 : i32
      %dma_wait3A_116 = arith.constant 0 : i32
      %dma_wait3A_117 = tpu.memref_slice %arg2[%add3A, %dma_wait3A_115, %dma_wait3A_116] : memref<32x125x80xi32, #tpu.memory_space<hbm>> -> memref<1x125x80xi32, #tpu.memory_space<hbm>>
      %dma_wait3A_118 = tpu.memref_squeeze %dma_wait3A_117 : memref<1x125x80xi32, #tpu.memory_space<hbm>> -> memref<125x80xi32, #tpu.memory_space<hbm>>
      %dma_wait3A_119 = arith.constant 0 : i32
      %dma_wait3A_120 = arith.constant 0 : i32
      %dma_wait3A_121 = tpu.memref_slice %arg2[%add3A, %dma_wait3A_119, %dma_wait3A_120] : memref<32x125x80xi32, #tpu.memory_space<hbm>> -> memref<1x125x80xi32, #tpu.memory_space<hbm>>
      %dma_wait3A_122 = tpu.memref_squeeze %dma_wait3A_121 : memref<1x125x80xi32, #tpu.memory_space<hbm>> -> memref<125x80xi32, #tpu.memory_space<hbm>>
      tpu.wait_dma2 semaphore(%run_scoped3A : memref<!tpu.dma_semaphore, #tpu.memory_space<semaphore_mem>>) src(%dma_wait3A_122 : memref<125x80xi32, #tpu.memory_space<hbm>>) dst(%arg4 : memref<125x80xi32, #tpu.memory_space<vmem>>)
      tpu.yield
    }) : () -> ()
    %barrier3A = arith.constant 0 : index
    tpu.barrier barrier_id(%barrier3A)
    %scan3A_14 = arith.constant 0 : i32
    %scan3A_15 = arith.constant 0 : i32
    %scan3A_16 = arith.constant 125 : i32
    %scan3A_17 = arith.addi %scan3A_15, %scan3A_16 : i32
    %scan3A_18 = arith.constant 1 : i32
    scf.for %scan3A_108 = %scan3A_15 to %scan3A_17 step %scan3A_18  : i32 {
      %dma_start3A = arith.constant 0 : i32
      %dma_start3A_109 = tpu.memref_slice %arg5[%dma_start3A] : memref<80xf32, #tpu.memory_space<vmem>> -> memref<80xf32, #tpu.memory_space<vmem>>
      %dma_start3A_110 = arith.constant 0 : i32
      %dma_start3A_111 = tpu.memref_slice %arg4[%scan3A_108, %dma_start3A_110] : memref<125x80xi32, #tpu.memory_space<vmem>> -> memref<1x80xi32, #tpu.memory_space<vmem>>
      %dma_start3A_112 = tpu.memref_squeeze %dma_start3A_111 : memref<1x80xi32, #tpu.memory_space<vmem>> -> memref<80xi32, #tpu.memory_space<vmem>>
      %dma_start3A_113 = arith.constant 0 : i32
      %dma_start3A_114 = tpu.memref_slice %arg8[%dma_start3A_113] : memref<10240xf32, #tpu.memory_space<vmem_shared>> -> memref<10240xf32, #tpu.memory_space<vmem_shared>>
      tpu.enqueue_indirect_dma source(%dma_start3A_109 : memref<80xf32, #tpu.memory_space<vmem>>) target(%dma_start3A_114 : memref<10240xf32, #tpu.memory_space<vmem_shared>>) offsets(%dma_start3A_112 : memref<80xi32, #tpu.memory_space<vmem>>) semaphore(%arg7 : memref<!tpu.dma_semaphore, #tpu.memory_space<semaphore_mem>>) {add = true}
      %ge3A = arith.constant 8 : i32
      %ge3A_115 = arith.cmpi sge, %scan3A_108, %ge3A : i32
      %convert_element_type3A = arith.extui %ge3A_115 : i1 to i32
      %cond3A = arith.constant 0 : i32
      %cond3A_116 = arith.cmpi ne, %convert_element_type3A, %cond3A : i32
      scf.if %cond3A_116 {
        %dma_wait3A_117 = arith.constant 0 : i32
        %dma_wait3A_118 = arith.constant 0 : i32
        %dma_wait3A_119 = tpu.memref_slice %arg5[%dma_wait3A_118] : memref<80xf32, #tpu.memory_space<vmem>> -> memref<80xf32, #tpu.memory_space<vmem>>
        %dma_wait3A_120 = arith.constant 0 : i32
        %dma_wait3A_121 = tpu.memref_slice %arg3[%dma_wait3A_117, %dma_wait3A_120] : memref<2x10240xf32, #tpu.memory_space<hbm>> -> memref<1x80xf32, #tpu.memory_space<hbm>>
        %dma_wait3A_122 = tpu.memref_squeeze %dma_wait3A_121 : memref<1x80xf32, #tpu.memory_space<hbm>> -> memref<80xf32, #tpu.memory_space<hbm>>
        %dma_wait3A_123 = arith.constant 0 : i32
        %dma_wait3A_124 = tpu.memref_slice %arg5[%dma_wait3A_123] : memref<80xf32, #tpu.memory_space<vmem>> -> memref<80xf32, #tpu.memory_space<vmem>>
        %dma_wait3A_125 = arith.constant 0 : i32
        %dma_wait3A_126 = tpu.memref_slice %arg3[%dma_wait3A_117, %dma_wait3A_125] : memref<2x10240xf32, #tpu.memory_space<hbm>> -> memref<1x80xf32, #tpu.memory_space<hbm>>
        %dma_wait3A_127 = tpu.memref_squeeze %dma_wait3A_126 : memref<1x80xf32, #tpu.memory_space<hbm>> -> memref<80xf32, #tpu.memory_space<hbm>>
        tpu.wait_dma2 semaphore(%arg7 : memref<!tpu.dma_semaphore, #tpu.memory_space<semaphore_mem>>) src(%dma_wait3A_127 : memref<80xf32, #tpu.memory_space<hbm>>) dst(%dma_wait3A_124 : memref<80xf32, #tpu.memory_space<vmem>>)
      } else {
      }
    }
    %scan3A_19 = arith.constant 125 : i32
    %dma_wait3A = arith.constant 0 : i32
    %dma_wait3A_20 = arith.constant 0 : i32
    %dma_wait3A_21 = tpu.memref_slice %arg5[%dma_wait3A_20] : memref<80xf32, #tpu.memory_space<vmem>> -> memref<80xf32, #tpu.memory_space<vmem>>
    %dma_wait3A_22 = arith.constant 0 : i32
    %dma_wait3A_23 = tpu.memref_slice %arg3[%dma_wait3A, %dma_wait3A_22] : memref<2x10240xf32, #tpu.memory_space<hbm>> -> memref<1x80xf32, #tpu.memory_space<hbm>>
    %dma_wait3A_24 = tpu.memref_squeeze %dma_wait3A_23 : memref<1x80xf32, #tpu.memory_space<hbm>> -> memref<80xf32, #tpu.memory_space<hbm>>
    %dma_wait3A_25 = arith.constant 0 : i32
    %dma_wait3A_26 = tpu.memref_slice %arg5[%dma_wait3A_25] : memref<80xf32, #tpu.memory_space<vmem>> -> memref<80xf32, #tpu.memory_space<vmem>>
    %dma_wait3A_27 = arith.constant 0 : i32
    %dma_wait3A_28 = tpu.memref_slice %arg3[%dma_wait3A, %dma_wait3A_27] : memref<2x10240xf32, #tpu.memory_space<hbm>> -> memref<1x80xf32, #tpu.memory_space<hbm>>
    %dma_wait3A_29 = tpu.memref_squeeze %dma_wait3A_28 : memref<1x80xf32, #tpu.memory_space<hbm>> -> memref<80xf32, #tpu.memory_space<hbm>>
    tpu.wait_dma2 semaphore(%arg7 : memref<!tpu.dma_semaphore, #tpu.memory_space<semaphore_mem>>) src(%dma_wait3A_29 : memref<80xf32, #tpu.memory_space<hbm>>) dst(%dma_wait3A_26 : memref<80xf32, #tpu.memory_space<vmem>>)
    %dma_wait3A_30 = arith.constant 0 : i32
    %dma_wait3A_31 = arith.constant 0 : i32
    %dma_wait3A_32 = tpu.memref_slice %arg5[%dma_wait3A_31] : memref<80xf32, #tpu.memory_space<vmem>> -> memref<80xf32, #tpu.memory_space<vmem>>
    %dma_wait3A_33 = arith.constant 0 : i32
    %dma_wait3A_34 = tpu.memref_slice %arg3[%dma_wait3A_30, %dma_wait3A_33] : memref<2x10240xf32, #tpu.memory_space<hbm>> -> memref<1x80xf32, #tpu.memory_space<hbm>>
    %dma_wait3A_35 = tpu.memref_squeeze %dma_wait3A_34 : memref<1x80xf32, #tpu.memory_space<hbm>> -> memref<80xf32, #tpu.memory_space<hbm>>
    %dma_wait3A_36 = arith.constant 0 : i32
    %dma_wait3A_37 = tpu.memref_slice %arg5[%dma_wait3A_36] : memref<80xf32, #tpu.memory_space<vmem>> -> memref<80xf32, #tpu.memory_space<vmem>>
    %dma_wait3A_38 = arith.constant 0 : i32
    %dma_wait3A_39 = tpu.memref_slice %arg3[%dma_wait3A_30, %dma_wait3A_38] : memref<2x10240xf32, #tpu.memory_space<hbm>> -> memref<1x80xf32, #tpu.memory_space<hbm>>
    %dma_wait3A_40 = tpu.memref_squeeze %dma_wait3A_39 : memref<1x80xf32, #tpu.memory_space<hbm>> -> memref<80xf32, #tpu.memory_space<hbm>>
    tpu.wait_dma2 semaphore(%arg7 : memref<!tpu.dma_semaphore, #tpu.memory_space<semaphore_mem>>) src(%dma_wait3A_40 : memref<80xf32, #tpu.memory_space<hbm>>) dst(%dma_wait3A_37 : memref<80xf32, #tpu.memory_space<vmem>>)
    %dma_wait3A_41 = arith.constant 0 : i32
    %dma_wait3A_42 = arith.constant 0 : i32
    %dma_wait3A_43 = tpu.memref_slice %arg5[%dma_wait3A_42] : memref<80xf32, #tpu.memory_space<vmem>> -> memref<80xf32, #tpu.memory_space<vmem>>
    %dma_wait3A_44 = arith.constant 0 : i32
    %dma_wait3A_45 = tpu.memref_slice %arg3[%dma_wait3A_41, %dma_wait3A_44] : memref<2x10240xf32, #tpu.memory_space<hbm>> -> memref<1x80xf32, #tpu.memory_space<hbm>>
    %dma_wait3A_46 = tpu.memref_squeeze %dma_wait3A_45 : memref<1x80xf32, #tpu.memory_space<hbm>> -> memref<80xf32, #tpu.memory_space<hbm>>
    %dma_wait3A_47 = arith.constant 0 : i32
    %dma_wait3A_48 = tpu.memref_slice %arg5[%dma_wait3A_47] : memref<80xf32, #tpu.memory_space<vmem>> -> memref<80xf32, #tpu.memory_space<vmem>>
    %dma_wait3A_49 = arith.constant 0 : i32
    %dma_wait3A_50 = tpu.memref_slice %arg3[%dma_wait3A_41, %dma_wait3A_49] : memref<2x10240xf32, #tpu.memory_space<hbm>> -> memref<1x80xf32, #tpu.memory_space<hbm>>
    %dma_wait3A_51 = tpu.memref_squeeze %dma_wait3A_50 : memref<1x80xf32, #tpu.memory_space<hbm>> -> memref<80xf32, #tpu.memory_space<hbm>>
    tpu.wait_dma2 semaphore(%arg7 : memref<!tpu.dma_semaphore, #tpu.memory_space<semaphore_mem>>) src(%dma_wait3A_51 : memref<80xf32, #tpu.memory_space<hbm>>) dst(%dma_wait3A_48 : memref<80xf32, #tpu.memory_space<vmem>>)
    %dma_wait3A_52 = arith.constant 0 : i32
    %dma_wait3A_53 = arith.constant 0 : i32
    %dma_wait3A_54 = tpu.memref_slice %arg5[%dma_wait3A_53] : memref<80xf32, #tpu.memory_space<vmem>> -> memref<80xf32, #tpu.memory_space<vmem>>
    %dma_wait3A_55 = arith.constant 0 : i32
    %dma_wait3A_56 = tpu.memref_slice %arg3[%dma_wait3A_52, %dma_wait3A_55] : memref<2x10240xf32, #tpu.memory_space<hbm>> -> memref<1x80xf32, #tpu.memory_space<hbm>>
    %dma_wait3A_57 = tpu.memref_squeeze %dma_wait3A_56 : memref<1x80xf32, #tpu.memory_space<hbm>> -> memref<80xf32, #tpu.memory_space<hbm>>
    %dma_wait3A_58 = arith.constant 0 : i32
    %dma_wait3A_59 = tpu.memref_slice %arg5[%dma_wait3A_58] : memref<80xf32, #tpu.memory_space<vmem>> -> memref<80xf32, #tpu.memory_space<vmem>>
    %dma_wait3A_60 = arith.constant 0 : i32
    %dma_wait3A_61 = tpu.memref_slice %arg3[%dma_wait3A_52, %dma_wait3A_60] : memref<2x10240xf32, #tpu.memory_space<hbm>> -> memref<1x80xf32, #tpu.memory_space<hbm>>
    %dma_wait3A_62 = tpu.memref_squeeze %dma_wait3A_61 : memref<1x80xf32, #tpu.memory_space<hbm>> -> memref<80xf32, #tpu.memory_space<hbm>>
    tpu.wait_dma2 semaphore(%arg7 : memref<!tpu.dma_semaphore, #tpu.memory_space<semaphore_mem>>) src(%dma_wait3A_62 : memref<80xf32, #tpu.memory_space<hbm>>) dst(%dma_wait3A_59 : memref<80xf32, #tpu.memory_space<vmem>>)
    %dma_wait3A_63 = arith.constant 0 : i32
    %dma_wait3A_64 = arith.constant 0 : i32
    %dma_wait3A_65 = tpu.memref_slice %arg5[%dma_wait3A_64] : memref<80xf32, #tpu.memory_space<vmem>> -> memref<80xf32, #tpu.memory_space<vmem>>
    %dma_wait3A_66 = arith.constant 0 : i32
    %dma_wait3A_67 = tpu.memref_slice %arg3[%dma_wait3A_63, %dma_wait3A_66] : memref<2x10240xf32, #tpu.memory_space<hbm>> -> memref<1x80xf32, #tpu.memory_space<hbm>>
    %dma_wait3A_68 = tpu.memref_squeeze %dma_wait3A_67 : memref<1x80xf32, #tpu.memory_space<hbm>> -> memref<80xf32, #tpu.memory_space<hbm>>
    %dma_wait3A_69 = arith.constant 0 : i32
    %dma_wait3A_70 = tpu.memref_slice %arg5[%dma_wait3A_69] : memref<80xf32, #tpu.memory_space<vmem>> -> memref<80xf32, #tpu.memory_space<vmem>>
    %dma_wait3A_71 = arith.constant 0 : i32
    %dma_wait3A_72 = tpu.memref_slice %arg3[%dma_wait3A_63, %dma_wait3A_71] : memref<2x10240xf32, #tpu.memory_space<hbm>> -> memref<1x80xf32, #tpu.memory_space<hbm>>
    %dma_wait3A_73 = tpu.memref_squeeze %dma_wait3A_72 : memref<1x80xf32, #tpu.memory_space<hbm>> -> memref<80xf32, #tpu.memory_space<hbm>>
    tpu.wait_dma2 semaphore(%arg7 : memref<!tpu.dma_semaphore, #tpu.memory_space<semaphore_mem>>) src(%dma_wait3A_73 : memref<80xf32, #tpu.memory_space<hbm>>) dst(%dma_wait3A_70 : memref<80xf32, #tpu.memory_space<vmem>>)
    %dma_wait3A_74 = arith.constant 0 : i32
    %dma_wait3A_75 = arith.constant 0 : i32
    %dma_wait3A_76 = tpu.memref_slice %arg5[%dma_wait3A_75] : memref<80xf32, #tpu.memory_space<vmem>> -> memref<80xf32, #tpu.memory_space<vmem>>
    %dma_wait3A_77 = arith.constant 0 : i32
    %dma_wait3A_78 = tpu.memref_slice %arg3[%dma_wait3A_74, %dma_wait3A_77] : memref<2x10240xf32, #tpu.memory_space<hbm>> -> memref<1x80xf32, #tpu.memory_space<hbm>>
    %dma_wait3A_79 = tpu.memref_squeeze %dma_wait3A_78 : memref<1x80xf32, #tpu.memory_space<hbm>> -> memref<80xf32, #tpu.memory_space<hbm>>
    %dma_wait3A_80 = arith.constant 0 : i32
    %dma_wait3A_81 = tpu.memref_slice %arg5[%dma_wait3A_80] : memref<80xf32, #tpu.memory_space<vmem>> -> memref<80xf32, #tpu.memory_space<vmem>>
    %dma_wait3A_82 = arith.constant 0 : i32
    %dma_wait3A_83 = tpu.memref_slice %arg3[%dma_wait3A_74, %dma_wait3A_82] : memref<2x10240xf32, #tpu.memory_space<hbm>> -> memref<1x80xf32, #tpu.memory_space<hbm>>
    %dma_wait3A_84 = tpu.memref_squeeze %dma_wait3A_83 : memref<1x80xf32, #tpu.memory_space<hbm>> -> memref<80xf32, #tpu.memory_space<hbm>>
    tpu.wait_dma2 semaphore(%arg7 : memref<!tpu.dma_semaphore, #tpu.memory_space<semaphore_mem>>) src(%dma_wait3A_84 : memref<80xf32, #tpu.memory_space<hbm>>) dst(%dma_wait3A_81 : memref<80xf32, #tpu.memory_space<vmem>>)
    %dma_wait3A_85 = arith.constant 0 : i32
    %dma_wait3A_86 = arith.constant 0 : i32
    %dma_wait3A_87 = tpu.memref_slice %arg5[%dma_wait3A_86] : memref<80xf32, #tpu.memory_space<vmem>> -> memref<80xf32, #tpu.memory_space<vmem>>
    %dma_wait3A_88 = arith.constant 0 : i32
    %dma_wait3A_89 = tpu.memref_slice %arg3[%dma_wait3A_85, %dma_wait3A_88] : memref<2x10240xf32, #tpu.memory_space<hbm>> -> memref<1x80xf32, #tpu.memory_space<hbm>>
    %dma_wait3A_90 = tpu.memref_squeeze %dma_wait3A_89 : memref<1x80xf32, #tpu.memory_space<hbm>> -> memref<80xf32, #tpu.memory_space<hbm>>
    %dma_wait3A_91 = arith.constant 0 : i32
    %dma_wait3A_92 = tpu.memref_slice %arg5[%dma_wait3A_91] : memref<80xf32, #tpu.memory_space<vmem>> -> memref<80xf32, #tpu.memory_space<vmem>>
    %dma_wait3A_93 = arith.constant 0 : i32
    %dma_wait3A_94 = tpu.memref_slice %arg3[%dma_wait3A_85, %dma_wait3A_93] : memref<2x10240xf32, #tpu.memory_space<hbm>> -> memref<1x80xf32, #tpu.memory_space<hbm>>
    %dma_wait3A_95 = tpu.memref_squeeze %dma_wait3A_94 : memref<1x80xf32, #tpu.memory_space<hbm>> -> memref<80xf32, #tpu.memory_space<hbm>>
    tpu.wait_dma2 semaphore(%arg7 : memref<!tpu.dma_semaphore, #tpu.memory_space<semaphore_mem>>) src(%dma_wait3A_95 : memref<80xf32, #tpu.memory_space<hbm>>) dst(%dma_wait3A_92 : memref<80xf32, #tpu.memory_space<vmem>>)
    %dma_wait3A_96 = arith.constant 0 : i32
    %dma_wait3A_97 = arith.constant 0 : i32
    %dma_wait3A_98 = tpu.memref_slice %arg5[%dma_wait3A_97] : memref<80xf32, #tpu.memory_space<vmem>> -> memref<80xf32, #tpu.memory_space<vmem>>
    %dma_wait3A_99 = arith.constant 0 : i32
    %dma_wait3A_100 = tpu.memref_slice %arg3[%dma_wait3A_96, %dma_wait3A_99] : memref<2x10240xf32, #tpu.memory_space<hbm>> -> memref<1x80xf32, #tpu.memory_space<hbm>>
    %dma_wait3A_101 = tpu.memref_squeeze %dma_wait3A_100 : memref<1x80xf32, #tpu.memory_space<hbm>> -> memref<80xf32, #tpu.memory_space<hbm>>
    %dma_wait3A_102 = arith.constant 0 : i32
    %dma_wait3A_103 = tpu.memref_slice %arg5[%dma_wait3A_102] : memref<80xf32, #tpu.memory_space<vmem>> -> memref<80xf32, #tpu.memory_space<vmem>>
    %dma_wait3A_104 = arith.constant 0 : i32
    %dma_wait3A_105 = tpu.memref_slice %arg3[%dma_wait3A_96, %dma_wait3A_104] : memref<2x10240xf32, #tpu.memory_space<hbm>> -> memref<1x80xf32, #tpu.memory_space<hbm>>
    %dma_wait3A_106 = tpu.memref_squeeze %dma_wait3A_105 : memref<1x80xf32, #tpu.memory_space<hbm>> -> memref<80xf32, #tpu.memory_space<hbm>>
    tpu.wait_dma2 semaphore(%arg7 : memref<!tpu.dma_semaphore, #tpu.memory_space<semaphore_mem>>) src(%dma_wait3A_106 : memref<80xf32, #tpu.memory_space<hbm>>) dst(%dma_wait3A_103 : memref<80xf32, #tpu.memory_space<vmem>>)
    %barrier3A_107 = arith.constant 0 : index
    tpu.barrier barrier_id(%barrier3A_107)
    "tpu.region"() ({
      %run_scoped3A = tpu.sem_alloc : memref<!tpu.dma_semaphore, #tpu.memory_space<semaphore_mem>>
      %dma_start3A = tpu.memref_slice %arg8[%mul3A_2] : memref<10240xf32, #tpu.memory_space<vmem_shared>> -> memref<640xf32, #tpu.memory_space<vmem_shared>>
      %dma_start3A_108 = tpu.memref_slice %arg8[%mul3A_2] : memref<10240xf32, #tpu.memory_space<vmem_shared>> -> memref<640xf32, #tpu.memory_space<vmem_shared>>
      tpu.enqueue_dma source(%dma_start3A_108 : memref<640xf32, #tpu.memory_space<vmem_shared>>) target(%arg6 : memref<640xf32, #tpu.memory_space<vmem>>) target_semaphore(%run_scoped3A : memref<!tpu.dma_semaphore, #tpu.memory_space<semaphore_mem>>)
      %dma_wait3A_109 = tpu.memref_slice %arg8[%mul3A_2] : memref<10240xf32, #tpu.memory_space<vmem_shared>> -> memref<640xf32, #tpu.memory_space<vmem_shared>>
      %dma_wait3A_110 = tpu.memref_slice %arg8[%mul3A_2] : memref<10240xf32, #tpu.memory_space<vmem_shared>> -> memref<640xf32, #tpu.memory_space<vmem_shared>>
      tpu.wait_dma2 semaphore(%run_scoped3A : memref<!tpu.dma_semaphore, #tpu.memory_space<semaphore_mem>>) src(%dma_wait3A_110 : memref<640xf32, #tpu.memory_space<vmem_shared>>) dst(%arg6 : memref<640xf32, #tpu.memory_space<vmem>>)
      tpu.yield
    }) : () -> ()
    "tpu.region"() ({
      %run_scoped3A = tpu.sem_alloc : memref<!tpu.dma_semaphore, #tpu.memory_space<semaphore_mem>>
      %dma_start3A = tpu.memref_slice %arg3[%arg0, %mul3A_2] : memref<2x10240xf32, #tpu.memory_space<hbm>> -> memref<1x640xf32, #tpu.memory_space<hbm>>
      %dma_start3A_108 = tpu.memref_squeeze %dma_start3A : memref<1x640xf32, #tpu.memory_space<hbm>> -> memref<640xf32, #tpu.memory_space<hbm>>
      %dma_start3A_109 = tpu.memref_slice %arg3[%arg0, %mul3A_2] : memref<2x10240xf32, #tpu.memory_space<hbm>> -> memref<1x640xf32, #tpu.memory_space<hbm>>
      %dma_start3A_110 = tpu.memref_squeeze %dma_start3A_109 : memref<1x640xf32, #tpu.memory_space<hbm>> -> memref<640xf32, #tpu.memory_space<hbm>>
      tpu.enqueue_dma source(%arg6 : memref<640xf32, #tpu.memory_space<vmem>>) target(%dma_start3A_110 : memref<640xf32, #tpu.memory_space<hbm>>) target_semaphore(%run_scoped3A : memref<!tpu.dma_semaphore, #tpu.memory_space<semaphore_mem>>)
      %dma_wait3A_111 = tpu.memref_slice %arg3[%arg0, %mul3A_2] : memref<2x10240xf32, #tpu.memory_space<hbm>> -> memref<1x640xf32, #tpu.memory_space<hbm>>
      %dma_wait3A_112 = tpu.memref_squeeze %dma_wait3A_111 : memref<1x640xf32, #tpu.memory_space<hbm>> -> memref<640xf32, #tpu.memory_space<hbm>>
      %dma_wait3A_113 = tpu.memref_slice %arg3[%arg0, %mul3A_2] : memref<2x10240xf32, #tpu.memory_space<hbm>> -> memref<1x640xf32, #tpu.memory_space<hbm>>
      %dma_wait3A_114 = tpu.memref_squeeze %dma_wait3A_113 : memref<1x640xf32, #tpu.memory_space<hbm>> -> memref<640xf32, #tpu.memory_space<hbm>>
      tpu.wait_dma2 semaphore(%run_scoped3A : memref<!tpu.dma_semaphore, #tpu.memory_space<semaphore_mem>>) src(%arg6 : memref<640xf32, #tpu.memory_space<vmem>>) dst(%dma_wait3A_114 : memref<640xf32, #tpu.memory_space<hbm>>)
      tpu.yield
    }) : () -> ()
    return
  }
}

#map = affine_map<(d0, d1) -> (0, 0, 0)>
#map1 = affine_map<(d0, d1) -> (0, 0)>
module attributes {stable_mosaic.version = 14 : i64} {
  func.func @agg(%arg0: i32, %arg1: i32, %arg2: memref<32x80x128xi32, #tpu.memory_space<hbm>>, %arg3: memref<32x80x128xi32, #tpu.memory_space<hbm>>, %arg4: memref<10000x32xf32, #tpu.memory_space<hbm>>, %arg5: memref<2x10000x32xf32, #tpu.memory_space<hbm>>, %arg6: memref<80x128xi32, #tpu.memory_space<vmem>>, %arg7: memref<80x128xi32, #tpu.memory_space<vmem>>, %arg8: memref<8x128x32xf32, #tpu.memory_space<vmem>>, %arg9: memref<8x!tpu.dma_semaphore, #tpu.memory_space<semaphore_mem>>, %arg10: memref<8x!tpu.dma_semaphore, #tpu.memory_space<semaphore_mem>>, %arg11: memref<10240x32xf32, #tpu.memory_space<vmem_shared>>, %arg12: memref<10000x32xf32, #tpu.memory_space<vmem_shared>>) attributes {dimension_semantics = [#tpu.dimension_semantics<core_parallel>, #tpu.dimension_semantics<subcore_parallel>], iteration_bounds = array<i64: 2, 16>, scalar_prefetch = 0 : i64, scratch_operands = 7 : i64, tpu.core_type = #tpu.core_type<sc_vector_subcore>, window_params = [{transform_indices = #map}, {transform_indices = #map}, {transform_indices = #map1}, {transform_indices = #map}]} {
    %mul3A = arith.constant 16 : i32
    %mul3A_0 = arith.muli %arg0, %mul3A : i32
    %add3A = arith.addi %mul3A_0, %arg1 : i32
    %mul3A_1 = arith.constant 625 : i32
    %mul3A_2 = arith.muli %arg1, %mul3A_1 : i32
    %add3A_3 = arith.constant 0 : i32
    %add3A_4 = arith.addi %mul3A_2, %add3A_3 : i32
    %run_scoped3A = arith.constant 0 : i32
    "tpu.region"() ({
      %run_scoped3A_285 = tpu.sem_alloc : memref<!tpu.dma_semaphore, #tpu.memory_space<semaphore_mem>>
      %dma_start3A_286 = arith.constant 0 : i32
      %dma_start3A_287 = arith.constant 0 : i32
      %dma_start3A_288 = tpu.memref_slice %arg8[%run_scoped3A, %dma_start3A_286, %dma_start3A_287] : memref<8x128x32xf32, #tpu.memory_space<vmem>> -> memref<1x128x32xf32, #tpu.memory_space<vmem>>
      %dma_start3A_289 = tpu.memref_squeeze %dma_start3A_288 : memref<1x128x32xf32, #tpu.memory_space<vmem>> -> memref<128x32xf32, #tpu.memory_space<vmem>>
      %dma_start3A_290 = arith.constant 0 : i32
      %dma_start3A_291 = tpu.memref_slice %arg4[%add3A_4, %dma_start3A_290] : memref<10000x32xf32, #tpu.memory_space<hbm>> -> memref<128x32xf32, #tpu.memory_space<hbm>>
      %dma_start3A_292 = arith.constant 0 : i32
      %dma_start3A_293 = arith.constant 0 : i32
      %dma_start3A_294 = tpu.memref_slice %arg8[%run_scoped3A, %dma_start3A_292, %dma_start3A_293] : memref<8x128x32xf32, #tpu.memory_space<vmem>> -> memref<1x128x32xf32, #tpu.memory_space<vmem>>
      %dma_start3A_295 = tpu.memref_squeeze %dma_start3A_294 : memref<1x128x32xf32, #tpu.memory_space<vmem>> -> memref<128x32xf32, #tpu.memory_space<vmem>>
      %dma_start3A_296 = arith.constant 0 : i32
      %dma_start3A_297 = tpu.memref_slice %arg4[%add3A_4, %dma_start3A_296] : memref<10000x32xf32, #tpu.memory_space<hbm>> -> memref<128x32xf32, #tpu.memory_space<hbm>>
      tpu.enqueue_dma source(%dma_start3A_297 : memref<128x32xf32, #tpu.memory_space<hbm>>) target(%dma_start3A_295 : memref<128x32xf32, #tpu.memory_space<vmem>>) target_semaphore(%run_scoped3A_285 : memref<!tpu.dma_semaphore, #tpu.memory_space<semaphore_mem>>)
      %dma_wait3A_298 = arith.constant 0 : i32
      %dma_wait3A_299 = arith.constant 0 : i32
      %dma_wait3A_300 = tpu.memref_slice %arg8[%run_scoped3A, %dma_wait3A_298, %dma_wait3A_299] : memref<8x128x32xf32, #tpu.memory_space<vmem>> -> memref<1x128x32xf32, #tpu.memory_space<vmem>>
      %dma_wait3A_301 = tpu.memref_squeeze %dma_wait3A_300 : memref<1x128x32xf32, #tpu.memory_space<vmem>> -> memref<128x32xf32, #tpu.memory_space<vmem>>
      %dma_wait3A_302 = arith.constant 0 : i32
      %dma_wait3A_303 = tpu.memref_slice %arg4[%add3A_4, %dma_wait3A_302] : memref<10000x32xf32, #tpu.memory_space<hbm>> -> memref<128x32xf32, #tpu.memory_space<hbm>>
      %dma_wait3A_304 = arith.constant 0 : i32
      %dma_wait3A_305 = arith.constant 0 : i32
      %dma_wait3A_306 = tpu.memref_slice %arg8[%run_scoped3A, %dma_wait3A_304, %dma_wait3A_305] : memref<8x128x32xf32, #tpu.memory_space<vmem>> -> memref<1x128x32xf32, #tpu.memory_space<vmem>>
      %dma_wait3A_307 = tpu.memref_squeeze %dma_wait3A_306 : memref<1x128x32xf32, #tpu.memory_space<vmem>> -> memref<128x32xf32, #tpu.memory_space<vmem>>
      %dma_wait3A_308 = arith.constant 0 : i32
      %dma_wait3A_309 = tpu.memref_slice %arg4[%add3A_4, %dma_wait3A_308] : memref<10000x32xf32, #tpu.memory_space<hbm>> -> memref<128x32xf32, #tpu.memory_space<hbm>>
      tpu.wait_dma2 semaphore(%run_scoped3A_285 : memref<!tpu.dma_semaphore, #tpu.memory_space<semaphore_mem>>) src(%dma_wait3A_309 : memref<128x32xf32, #tpu.memory_space<hbm>>) dst(%dma_wait3A_307 : memref<128x32xf32, #tpu.memory_space<vmem>>)
      tpu.yield
    }) : () -> ()
    %add3A_5 = arith.constant 0 : i32
    %add3A_6 = arith.addi %mul3A_2, %add3A_5 : i32
    %run_scoped3A_7 = arith.constant 0 : i32
    "tpu.region"() ({
      %run_scoped3A_285 = tpu.sem_alloc : memref<!tpu.dma_semaphore, #tpu.memory_space<semaphore_mem>>
      %dma_start3A_286 = arith.constant 0 : i32
      %dma_start3A_287 = arith.constant 0 : i32
      %dma_start3A_288 = tpu.memref_slice %arg8[%run_scoped3A_7, %dma_start3A_286, %dma_start3A_287] : memref<8x128x32xf32, #tpu.memory_space<vmem>> -> memref<1x128x32xf32, #tpu.memory_space<vmem>>
      %dma_start3A_289 = tpu.memref_squeeze %dma_start3A_288 : memref<1x128x32xf32, #tpu.memory_space<vmem>> -> memref<128x32xf32, #tpu.memory_space<vmem>>
      %dma_start3A_290 = arith.constant 0 : i32
      %dma_start3A_291 = tpu.memref_slice %arg11[%add3A_6, %dma_start3A_290] : memref<10240x32xf32, #tpu.memory_space<vmem_shared>> -> memref<128x32xf32, #tpu.memory_space<vmem_shared>>
      %dma_start3A_292 = arith.constant 0 : i32
      %dma_start3A_293 = tpu.memref_slice %arg11[%add3A_6, %dma_start3A_292] : memref<10240x32xf32, #tpu.memory_space<vmem_shared>> -> memref<128x32xf32, #tpu.memory_space<vmem_shared>>
      %dma_start3A_294 = arith.constant 0 : i32
      %dma_start3A_295 = arith.constant 0 : i32
      %dma_start3A_296 = tpu.memref_slice %arg8[%run_scoped3A_7, %dma_start3A_294, %dma_start3A_295] : memref<8x128x32xf32, #tpu.memory_space<vmem>> -> memref<1x128x32xf32, #tpu.memory_space<vmem>>
      %dma_start3A_297 = tpu.memref_squeeze %dma_start3A_296 : memref<1x128x32xf32, #tpu.memory_space<vmem>> -> memref<128x32xf32, #tpu.memory_space<vmem>>
      tpu.enqueue_dma source(%dma_start3A_297 : memref<128x32xf32, #tpu.memory_space<vmem>>) target(%dma_start3A_293 : memref<128x32xf32, #tpu.memory_space<vmem_shared>>) target_semaphore(%run_scoped3A_285 : memref<!tpu.dma_semaphore, #tpu.memory_space<semaphore_mem>>)
      %dma_wait3A_298 = arith.constant 0 : i32
      %dma_wait3A_299 = arith.constant 0 : i32
      %dma_wait3A_300 = tpu.memref_slice %arg8[%run_scoped3A_7, %dma_wait3A_298, %dma_wait3A_299] : memref<8x128x32xf32, #tpu.memory_space<vmem>> -> memref<1x128x32xf32, #tpu.memory_space<vmem>>
      %dma_wait3A_301 = tpu.memref_squeeze %dma_wait3A_300 : memref<1x128x32xf32, #tpu.memory_space<vmem>> -> memref<128x32xf32, #tpu.memory_space<vmem>>
      %dma_wait3A_302 = arith.constant 0 : i32
      %dma_wait3A_303 = tpu.memref_slice %arg11[%add3A_6, %dma_wait3A_302] : memref<10240x32xf32, #tpu.memory_space<vmem_shared>> -> memref<128x32xf32, #tpu.memory_space<vmem_shared>>
      %dma_wait3A_304 = arith.constant 0 : i32
      %dma_wait3A_305 = tpu.memref_slice %arg11[%add3A_6, %dma_wait3A_304] : memref<10240x32xf32, #tpu.memory_space<vmem_shared>> -> memref<128x32xf32, #tpu.memory_space<vmem_shared>>
      %dma_wait3A_306 = arith.constant 0 : i32
      %dma_wait3A_307 = arith.constant 0 : i32
      %dma_wait3A_308 = tpu.memref_slice %arg8[%run_scoped3A_7, %dma_wait3A_306, %dma_wait3A_307] : memref<8x128x32xf32, #tpu.memory_space<vmem>> -> memref<1x128x32xf32, #tpu.memory_space<vmem>>
      %dma_wait3A_309 = tpu.memref_squeeze %dma_wait3A_308 : memref<1x128x32xf32, #tpu.memory_space<vmem>> -> memref<128x32xf32, #tpu.memory_space<vmem>>
      tpu.wait_dma2 semaphore(%run_scoped3A_285 : memref<!tpu.dma_semaphore, #tpu.memory_space<semaphore_mem>>) src(%dma_wait3A_309 : memref<128x32xf32, #tpu.memory_space<vmem>>) dst(%dma_wait3A_305 : memref<128x32xf32, #tpu.memory_space<vmem_shared>>)
      tpu.yield
    }) : () -> ()
    %add3A_8 = arith.constant 0 : i32
    %add3A_9 = arith.addi %mul3A_2, %add3A_8 : i32
    %run_scoped3A_10 = arith.constant 0 : i32
    "tpu.region"() ({
      %run_scoped3A_285 = tpu.sem_alloc : memref<!tpu.dma_semaphore, #tpu.memory_space<semaphore_mem>>
      %dma_start3A_286 = arith.constant 0 : i32
      %dma_start3A_287 = arith.constant 0 : i32
      %dma_start3A_288 = tpu.memref_slice %arg8[%run_scoped3A_10, %dma_start3A_286, %dma_start3A_287] : memref<8x128x32xf32, #tpu.memory_space<vmem>> -> memref<1x128x32xf32, #tpu.memory_space<vmem>>
      %dma_start3A_289 = tpu.memref_squeeze %dma_start3A_288 : memref<1x128x32xf32, #tpu.memory_space<vmem>> -> memref<128x32xf32, #tpu.memory_space<vmem>>
      %dma_start3A_290 = arith.constant 0 : i32
      %dma_start3A_291 = tpu.memref_slice %arg12[%add3A_9, %dma_start3A_290] : memref<10000x32xf32, #tpu.memory_space<vmem_shared>> -> memref<128x32xf32, #tpu.memory_space<vmem_shared>>
      %dma_start3A_292 = arith.constant 0 : i32
      %dma_start3A_293 = tpu.memref_slice %arg12[%add3A_9, %dma_start3A_292] : memref<10000x32xf32, #tpu.memory_space<vmem_shared>> -> memref<128x32xf32, #tpu.memory_space<vmem_shared>>
      %dma_start3A_294 = arith.constant 0 : i32
      %dma_start3A_295 = arith.constant 0 : i32
      %dma_start3A_296 = tpu.memref_slice %arg8[%run_scoped3A_10, %dma_start3A_294, %dma_start3A_295] : memref<8x128x32xf32, #tpu.memory_space<vmem>> -> memref<1x128x32xf32, #tpu.memory_space<vmem>>
      %dma_start3A_297 = tpu.memref_squeeze %dma_start3A_296 : memref<1x128x32xf32, #tpu.memory_space<vmem>> -> memref<128x32xf32, #tpu.memory_space<vmem>>
      tpu.enqueue_dma source(%dma_start3A_297 : memref<128x32xf32, #tpu.memory_space<vmem>>) target(%dma_start3A_293 : memref<128x32xf32, #tpu.memory_space<vmem_shared>>) target_semaphore(%run_scoped3A_285 : memref<!tpu.dma_semaphore, #tpu.memory_space<semaphore_mem>>)
      %dma_wait3A_298 = arith.constant 0 : i32
      %dma_wait3A_299 = arith.constant 0 : i32
      %dma_wait3A_300 = tpu.memref_slice %arg8[%run_scoped3A_10, %dma_wait3A_298, %dma_wait3A_299] : memref<8x128x32xf32, #tpu.memory_space<vmem>> -> memref<1x128x32xf32, #tpu.memory_space<vmem>>
      %dma_wait3A_301 = tpu.memref_squeeze %dma_wait3A_300 : memref<1x128x32xf32, #tpu.memory_space<vmem>> -> memref<128x32xf32, #tpu.memory_space<vmem>>
      %dma_wait3A_302 = arith.constant 0 : i32
      %dma_wait3A_303 = tpu.memref_slice %arg12[%add3A_9, %dma_wait3A_302] : memref<10000x32xf32, #tpu.memory_space<vmem_shared>> -> memref<128x32xf32, #tpu.memory_space<vmem_shared>>
      %dma_wait3A_304 = arith.constant 0 : i32
      %dma_wait3A_305 = tpu.memref_slice %arg12[%add3A_9, %dma_wait3A_304] : memref<10000x32xf32, #tpu.memory_space<vmem_shared>> -> memref<128x32xf32, #tpu.memory_space<vmem_shared>>
      %dma_wait3A_306 = arith.constant 0 : i32
      %dma_wait3A_307 = arith.constant 0 : i32
      %dma_wait3A_308 = tpu.memref_slice %arg8[%run_scoped3A_10, %dma_wait3A_306, %dma_wait3A_307] : memref<8x128x32xf32, #tpu.memory_space<vmem>> -> memref<1x128x32xf32, #tpu.memory_space<vmem>>
      %dma_wait3A_309 = tpu.memref_squeeze %dma_wait3A_308 : memref<1x128x32xf32, #tpu.memory_space<vmem>> -> memref<128x32xf32, #tpu.memory_space<vmem>>
      tpu.wait_dma2 semaphore(%run_scoped3A_285 : memref<!tpu.dma_semaphore, #tpu.memory_space<semaphore_mem>>) src(%dma_wait3A_309 : memref<128x32xf32, #tpu.memory_space<vmem>>) dst(%dma_wait3A_305 : memref<128x32xf32, #tpu.memory_space<vmem_shared>>)
      tpu.yield
    }) : () -> ()
    %add3A_11 = arith.constant 128 : i32
    %add3A_12 = arith.addi %mul3A_2, %add3A_11 : i32
    %run_scoped3A_13 = arith.constant 0 : i32
    "tpu.region"() ({
      %run_scoped3A_285 = tpu.sem_alloc : memref<!tpu.dma_semaphore, #tpu.memory_space<semaphore_mem>>
      %dma_start3A_286 = arith.constant 0 : i32
      %dma_start3A_287 = arith.constant 0 : i32
      %dma_start3A_288 = tpu.memref_slice %arg8[%run_scoped3A_13, %dma_start3A_286, %dma_start3A_287] : memref<8x128x32xf32, #tpu.memory_space<vmem>> -> memref<1x128x32xf32, #tpu.memory_space<vmem>>
      %dma_start3A_289 = tpu.memref_squeeze %dma_start3A_288 : memref<1x128x32xf32, #tpu.memory_space<vmem>> -> memref<128x32xf32, #tpu.memory_space<vmem>>
      %dma_start3A_290 = arith.constant 0 : i32
      %dma_start3A_291 = tpu.memref_slice %arg4[%add3A_12, %dma_start3A_290] : memref<10000x32xf32, #tpu.memory_space<hbm>> -> memref<128x32xf32, #tpu.memory_space<hbm>>
      %dma_start3A_292 = arith.constant 0 : i32
      %dma_start3A_293 = arith.constant 0 : i32
      %dma_start3A_294 = tpu.memref_slice %arg8[%run_scoped3A_13, %dma_start3A_292, %dma_start3A_293] : memref<8x128x32xf32, #tpu.memory_space<vmem>> -> memref<1x128x32xf32, #tpu.memory_space<vmem>>
      %dma_start3A_295 = tpu.memref_squeeze %dma_start3A_294 : memref<1x128x32xf32, #tpu.memory_space<vmem>> -> memref<128x32xf32, #tpu.memory_space<vmem>>
      %dma_start3A_296 = arith.constant 0 : i32
      %dma_start3A_297 = tpu.memref_slice %arg4[%add3A_12, %dma_start3A_296] : memref<10000x32xf32, #tpu.memory_space<hbm>> -> memref<128x32xf32, #tpu.memory_space<hbm>>
      tpu.enqueue_dma source(%dma_start3A_297 : memref<128x32xf32, #tpu.memory_space<hbm>>) target(%dma_start3A_295 : memref<128x32xf32, #tpu.memory_space<vmem>>) target_semaphore(%run_scoped3A_285 : memref<!tpu.dma_semaphore, #tpu.memory_space<semaphore_mem>>)
      %dma_wait3A_298 = arith.constant 0 : i32
      %dma_wait3A_299 = arith.constant 0 : i32
      %dma_wait3A_300 = tpu.memref_slice %arg8[%run_scoped3A_13, %dma_wait3A_298, %dma_wait3A_299] : memref<8x128x32xf32, #tpu.memory_space<vmem>> -> memref<1x128x32xf32, #tpu.memory_space<vmem>>
      %dma_wait3A_301 = tpu.memref_squeeze %dma_wait3A_300 : memref<1x128x32xf32, #tpu.memory_space<vmem>> -> memref<128x32xf32, #tpu.memory_space<vmem>>
      %dma_wait3A_302 = arith.constant 0 : i32
      %dma_wait3A_303 = tpu.memref_slice %arg4[%add3A_12, %dma_wait3A_302] : memref<10000x32xf32, #tpu.memory_space<hbm>> -> memref<128x32xf32, #tpu.memory_space<hbm>>
      %dma_wait3A_304 = arith.constant 0 : i32
      %dma_wait3A_305 = arith.constant 0 : i32
      %dma_wait3A_306 = tpu.memref_slice %arg8[%run_scoped3A_13, %dma_wait3A_304, %dma_wait3A_305] : memref<8x128x32xf32, #tpu.memory_space<vmem>> -> memref<1x128x32xf32, #tpu.memory_space<vmem>>
      %dma_wait3A_307 = tpu.memref_squeeze %dma_wait3A_306 : memref<1x128x32xf32, #tpu.memory_space<vmem>> -> memref<128x32xf32, #tpu.memory_space<vmem>>
      %dma_wait3A_308 = arith.constant 0 : i32
      %dma_wait3A_309 = tpu.memref_slice %arg4[%add3A_12, %dma_wait3A_308] : memref<10000x32xf32, #tpu.memory_space<hbm>> -> memref<128x32xf32, #tpu.memory_space<hbm>>
      tpu.wait_dma2 semaphore(%run_scoped3A_285 : memref<!tpu.dma_semaphore, #tpu.memory_space<semaphore_mem>>) src(%dma_wait3A_309 : memref<128x32xf32, #tpu.memory_space<hbm>>) dst(%dma_wait3A_307 : memref<128x32xf32, #tpu.memory_space<vmem>>)
      tpu.yield
    }) : () -> ()
    %add3A_14 = arith.constant 128 : i32
    %add3A_15 = arith.addi %mul3A_2, %add3A_14 : i32
    %run_scoped3A_16 = arith.constant 0 : i32
    "tpu.region"() ({
      %run_scoped3A_285 = tpu.sem_alloc : memref<!tpu.dma_semaphore, #tpu.memory_space<semaphore_mem>>
      %dma_start3A_286 = arith.constant 0 : i32
      %dma_start3A_287 = arith.constant 0 : i32
      %dma_start3A_288 = tpu.memref_slice %arg8[%run_scoped3A_16, %dma_start3A_286, %dma_start3A_287] : memref<8x128x32xf32, #tpu.memory_space<vmem>> -> memref<1x128x32xf32, #tpu.memory_space<vmem>>
      %dma_start3A_289 = tpu.memref_squeeze %dma_start3A_288 : memref<1x128x32xf32, #tpu.memory_space<vmem>> -> memref<128x32xf32, #tpu.memory_space<vmem>>
      %dma_start3A_290 = arith.constant 0 : i32
      %dma_start3A_291 = tpu.memref_slice %arg11[%add3A_15, %dma_start3A_290] : memref<10240x32xf32, #tpu.memory_space<vmem_shared>> -> memref<128x32xf32, #tpu.memory_space<vmem_shared>>
      %dma_start3A_292 = arith.constant 0 : i32
      %dma_start3A_293 = tpu.memref_slice %arg11[%add3A_15, %dma_start3A_292] : memref<10240x32xf32, #tpu.memory_space<vmem_shared>> -> memref<128x32xf32, #tpu.memory_space<vmem_shared>>
      %dma_start3A_294 = arith.constant 0 : i32
      %dma_start3A_295 = arith.constant 0 : i32
      %dma_start3A_296 = tpu.memref_slice %arg8[%run_scoped3A_16, %dma_start3A_294, %dma_start3A_295] : memref<8x128x32xf32, #tpu.memory_space<vmem>> -> memref<1x128x32xf32, #tpu.memory_space<vmem>>
      %dma_start3A_297 = tpu.memref_squeeze %dma_start3A_296 : memref<1x128x32xf32, #tpu.memory_space<vmem>> -> memref<128x32xf32, #tpu.memory_space<vmem>>
      tpu.enqueue_dma source(%dma_start3A_297 : memref<128x32xf32, #tpu.memory_space<vmem>>) target(%dma_start3A_293 : memref<128x32xf32, #tpu.memory_space<vmem_shared>>) target_semaphore(%run_scoped3A_285 : memref<!tpu.dma_semaphore, #tpu.memory_space<semaphore_mem>>)
      %dma_wait3A_298 = arith.constant 0 : i32
      %dma_wait3A_299 = arith.constant 0 : i32
      %dma_wait3A_300 = tpu.memref_slice %arg8[%run_scoped3A_16, %dma_wait3A_298, %dma_wait3A_299] : memref<8x128x32xf32, #tpu.memory_space<vmem>> -> memref<1x128x32xf32, #tpu.memory_space<vmem>>
      %dma_wait3A_301 = tpu.memref_squeeze %dma_wait3A_300 : memref<1x128x32xf32, #tpu.memory_space<vmem>> -> memref<128x32xf32, #tpu.memory_space<vmem>>
      %dma_wait3A_302 = arith.constant 0 : i32
      %dma_wait3A_303 = tpu.memref_slice %arg11[%add3A_15, %dma_wait3A_302] : memref<10240x32xf32, #tpu.memory_space<vmem_shared>> -> memref<128x32xf32, #tpu.memory_space<vmem_shared>>
      %dma_wait3A_304 = arith.constant 0 : i32
      %dma_wait3A_305 = tpu.memref_slice %arg11[%add3A_15, %dma_wait3A_304] : memref<10240x32xf32, #tpu.memory_space<vmem_shared>> -> memref<128x32xf32, #tpu.memory_space<vmem_shared>>
      %dma_wait3A_306 = arith.constant 0 : i32
      %dma_wait3A_307 = arith.constant 0 : i32
      %dma_wait3A_308 = tpu.memref_slice %arg8[%run_scoped3A_16, %dma_wait3A_306, %dma_wait3A_307] : memref<8x128x32xf32, #tpu.memory_space<vmem>> -> memref<1x128x32xf32, #tpu.memory_space<vmem>>
      %dma_wait3A_309 = tpu.memref_squeeze %dma_wait3A_308 : memref<1x128x32xf32, #tpu.memory_space<vmem>> -> memref<128x32xf32, #tpu.memory_space<vmem>>
      tpu.wait_dma2 semaphore(%run_scoped3A_285 : memref<!tpu.dma_semaphore, #tpu.memory_space<semaphore_mem>>) src(%dma_wait3A_309 : memref<128x32xf32, #tpu.memory_space<vmem>>) dst(%dma_wait3A_305 : memref<128x32xf32, #tpu.memory_space<vmem_shared>>)
      tpu.yield
    }) : () -> ()
    %add3A_17 = arith.constant 128 : i32
    %add3A_18 = arith.addi %mul3A_2, %add3A_17 : i32
    %run_scoped3A_19 = arith.constant 0 : i32
    "tpu.region"() ({
      %run_scoped3A_285 = tpu.sem_alloc : memref<!tpu.dma_semaphore, #tpu.memory_space<semaphore_mem>>
      %dma_start3A_286 = arith.constant 0 : i32
      %dma_start3A_287 = arith.constant 0 : i32
      %dma_start3A_288 = tpu.memref_slice %arg8[%run_scoped3A_19, %dma_start3A_286, %dma_start3A_287] : memref<8x128x32xf32, #tpu.memory_space<vmem>> -> memref<1x128x32xf32, #tpu.memory_space<vmem>>
      %dma_start3A_289 = tpu.memref_squeeze %dma_start3A_288 : memref<1x128x32xf32, #tpu.memory_space<vmem>> -> memref<128x32xf32, #tpu.memory_space<vmem>>
      %dma_start3A_290 = arith.constant 0 : i32
      %dma_start3A_291 = tpu.memref_slice %arg12[%add3A_18, %dma_start3A_290] : memref<10000x32xf32, #tpu.memory_space<vmem_shared>> -> memref<128x32xf32, #tpu.memory_space<vmem_shared>>
      %dma_start3A_292 = arith.constant 0 : i32
      %dma_start3A_293 = tpu.memref_slice %arg12[%add3A_18, %dma_start3A_292] : memref<10000x32xf32, #tpu.memory_space<vmem_shared>> -> memref<128x32xf32, #tpu.memory_space<vmem_shared>>
      %dma_start3A_294 = arith.constant 0 : i32
      %dma_start3A_295 = arith.constant 0 : i32
      %dma_start3A_296 = tpu.memref_slice %arg8[%run_scoped3A_19, %dma_start3A_294, %dma_start3A_295] : memref<8x128x32xf32, #tpu.memory_space<vmem>> -> memref<1x128x32xf32, #tpu.memory_space<vmem>>
      %dma_start3A_297 = tpu.memref_squeeze %dma_start3A_296 : memref<1x128x32xf32, #tpu.memory_space<vmem>> -> memref<128x32xf32, #tpu.memory_space<vmem>>
      tpu.enqueue_dma source(%dma_start3A_297 : memref<128x32xf32, #tpu.memory_space<vmem>>) target(%dma_start3A_293 : memref<128x32xf32, #tpu.memory_space<vmem_shared>>) target_semaphore(%run_scoped3A_285 : memref<!tpu.dma_semaphore, #tpu.memory_space<semaphore_mem>>)
      %dma_wait3A_298 = arith.constant 0 : i32
      %dma_wait3A_299 = arith.constant 0 : i32
      %dma_wait3A_300 = tpu.memref_slice %arg8[%run_scoped3A_19, %dma_wait3A_298, %dma_wait3A_299] : memref<8x128x32xf32, #tpu.memory_space<vmem>> -> memref<1x128x32xf32, #tpu.memory_space<vmem>>
      %dma_wait3A_301 = tpu.memref_squeeze %dma_wait3A_300 : memref<1x128x32xf32, #tpu.memory_space<vmem>> -> memref<128x32xf32, #tpu.memory_space<vmem>>
      %dma_wait3A_302 = arith.constant 0 : i32
      %dma_wait3A_303 = tpu.memref_slice %arg12[%add3A_18, %dma_wait3A_302] : memref<10000x32xf32, #tpu.memory_space<vmem_shared>> -> memref<128x32xf32, #tpu.memory_space<vmem_shared>>
      %dma_wait3A_304 = arith.constant 0 : i32
      %dma_wait3A_305 = tpu.memref_slice %arg12[%add3A_18, %dma_wait3A_304] : memref<10000x32xf32, #tpu.memory_space<vmem_shared>> -> memref<128x32xf32, #tpu.memory_space<vmem_shared>>
      %dma_wait3A_306 = arith.constant 0 : i32
      %dma_wait3A_307 = arith.constant 0 : i32
      %dma_wait3A_308 = tpu.memref_slice %arg8[%run_scoped3A_19, %dma_wait3A_306, %dma_wait3A_307] : memref<8x128x32xf32, #tpu.memory_space<vmem>> -> memref<1x128x32xf32, #tpu.memory_space<vmem>>
      %dma_wait3A_309 = tpu.memref_squeeze %dma_wait3A_308 : memref<1x128x32xf32, #tpu.memory_space<vmem>> -> memref<128x32xf32, #tpu.memory_space<vmem>>
      tpu.wait_dma2 semaphore(%run_scoped3A_285 : memref<!tpu.dma_semaphore, #tpu.memory_space<semaphore_mem>>) src(%dma_wait3A_309 : memref<128x32xf32, #tpu.memory_space<vmem>>) dst(%dma_wait3A_305 : memref<128x32xf32, #tpu.memory_space<vmem_shared>>)
      tpu.yield
    }) : () -> ()
    %add3A_20 = arith.constant 256 : i32
    %add3A_21 = arith.addi %mul3A_2, %add3A_20 : i32
    %run_scoped3A_22 = arith.constant 0 : i32
    "tpu.region"() ({
      %run_scoped3A_285 = tpu.sem_alloc : memref<!tpu.dma_semaphore, #tpu.memory_space<semaphore_mem>>
      %dma_start3A_286 = arith.constant 0 : i32
      %dma_start3A_287 = arith.constant 0 : i32
      %dma_start3A_288 = tpu.memref_slice %arg8[%run_scoped3A_22, %dma_start3A_286, %dma_start3A_287] : memref<8x128x32xf32, #tpu.memory_space<vmem>> -> memref<1x128x32xf32, #tpu.memory_space<vmem>>
      %dma_start3A_289 = tpu.memref_squeeze %dma_start3A_288 : memref<1x128x32xf32, #tpu.memory_space<vmem>> -> memref<128x32xf32, #tpu.memory_space<vmem>>
      %dma_start3A_290 = arith.constant 0 : i32
      %dma_start3A_291 = tpu.memref_slice %arg4[%add3A_21, %dma_start3A_290] : memref<10000x32xf32, #tpu.memory_space<hbm>> -> memref<128x32xf32, #tpu.memory_space<hbm>>
      %dma_start3A_292 = arith.constant 0 : i32
      %dma_start3A_293 = arith.constant 0 : i32
      %dma_start3A_294 = tpu.memref_slice %arg8[%run_scoped3A_22, %dma_start3A_292, %dma_start3A_293] : memref<8x128x32xf32, #tpu.memory_space<vmem>> -> memref<1x128x32xf32, #tpu.memory_space<vmem>>
      %dma_start3A_295 = tpu.memref_squeeze %dma_start3A_294 : memref<1x128x32xf32, #tpu.memory_space<vmem>> -> memref<128x32xf32, #tpu.memory_space<vmem>>
      %dma_start3A_296 = arith.constant 0 : i32
      %dma_start3A_297 = tpu.memref_slice %arg4[%add3A_21, %dma_start3A_296] : memref<10000x32xf32, #tpu.memory_space<hbm>> -> memref<128x32xf32, #tpu.memory_space<hbm>>
      tpu.enqueue_dma source(%dma_start3A_297 : memref<128x32xf32, #tpu.memory_space<hbm>>) target(%dma_start3A_295 : memref<128x32xf32, #tpu.memory_space<vmem>>) target_semaphore(%run_scoped3A_285 : memref<!tpu.dma_semaphore, #tpu.memory_space<semaphore_mem>>)
      %dma_wait3A_298 = arith.constant 0 : i32
      %dma_wait3A_299 = arith.constant 0 : i32
      %dma_wait3A_300 = tpu.memref_slice %arg8[%run_scoped3A_22, %dma_wait3A_298, %dma_wait3A_299] : memref<8x128x32xf32, #tpu.memory_space<vmem>> -> memref<1x128x32xf32, #tpu.memory_space<vmem>>
      %dma_wait3A_301 = tpu.memref_squeeze %dma_wait3A_300 : memref<1x128x32xf32, #tpu.memory_space<vmem>> -> memref<128x32xf32, #tpu.memory_space<vmem>>
      %dma_wait3A_302 = arith.constant 0 : i32
      %dma_wait3A_303 = tpu.memref_slice %arg4[%add3A_21, %dma_wait3A_302] : memref<10000x32xf32, #tpu.memory_space<hbm>> -> memref<128x32xf32, #tpu.memory_space<hbm>>
      %dma_wait3A_304 = arith.constant 0 : i32
      %dma_wait3A_305 = arith.constant 0 : i32
      %dma_wait3A_306 = tpu.memref_slice %arg8[%run_scoped3A_22, %dma_wait3A_304, %dma_wait3A_305] : memref<8x128x32xf32, #tpu.memory_space<vmem>> -> memref<1x128x32xf32, #tpu.memory_space<vmem>>
      %dma_wait3A_307 = tpu.memref_squeeze %dma_wait3A_306 : memref<1x128x32xf32, #tpu.memory_space<vmem>> -> memref<128x32xf32, #tpu.memory_space<vmem>>
      %dma_wait3A_308 = arith.constant 0 : i32
      %dma_wait3A_309 = tpu.memref_slice %arg4[%add3A_21, %dma_wait3A_308] : memref<10000x32xf32, #tpu.memory_space<hbm>> -> memref<128x32xf32, #tpu.memory_space<hbm>>
      tpu.wait_dma2 semaphore(%run_scoped3A_285 : memref<!tpu.dma_semaphore, #tpu.memory_space<semaphore_mem>>) src(%dma_wait3A_309 : memref<128x32xf32, #tpu.memory_space<hbm>>) dst(%dma_wait3A_307 : memref<128x32xf32, #tpu.memory_space<vmem>>)
      tpu.yield
    }) : () -> ()
    %add3A_23 = arith.constant 256 : i32
    %add3A_24 = arith.addi %mul3A_2, %add3A_23 : i32
    %run_scoped3A_25 = arith.constant 0 : i32
    "tpu.region"() ({
      %run_scoped3A_285 = tpu.sem_alloc : memref<!tpu.dma_semaphore, #tpu.memory_space<semaphore_mem>>
      %dma_start3A_286 = arith.constant 0 : i32
      %dma_start3A_287 = arith.constant 0 : i32
      %dma_start3A_288 = tpu.memref_slice %arg8[%run_scoped3A_25, %dma_start3A_286, %dma_start3A_287] : memref<8x128x32xf32, #tpu.memory_space<vmem>> -> memref<1x128x32xf32, #tpu.memory_space<vmem>>
      %dma_start3A_289 = tpu.memref_squeeze %dma_start3A_288 : memref<1x128x32xf32, #tpu.memory_space<vmem>> -> memref<128x32xf32, #tpu.memory_space<vmem>>
      %dma_start3A_290 = arith.constant 0 : i32
      %dma_start3A_291 = tpu.memref_slice %arg11[%add3A_24, %dma_start3A_290] : memref<10240x32xf32, #tpu.memory_space<vmem_shared>> -> memref<128x32xf32, #tpu.memory_space<vmem_shared>>
      %dma_start3A_292 = arith.constant 0 : i32
      %dma_start3A_293 = tpu.memref_slice %arg11[%add3A_24, %dma_start3A_292] : memref<10240x32xf32, #tpu.memory_space<vmem_shared>> -> memref<128x32xf32, #tpu.memory_space<vmem_shared>>
      %dma_start3A_294 = arith.constant 0 : i32
      %dma_start3A_295 = arith.constant 0 : i32
      %dma_start3A_296 = tpu.memref_slice %arg8[%run_scoped3A_25, %dma_start3A_294, %dma_start3A_295] : memref<8x128x32xf32, #tpu.memory_space<vmem>> -> memref<1x128x32xf32, #tpu.memory_space<vmem>>
      %dma_start3A_297 = tpu.memref_squeeze %dma_start3A_296 : memref<1x128x32xf32, #tpu.memory_space<vmem>> -> memref<128x32xf32, #tpu.memory_space<vmem>>
      tpu.enqueue_dma source(%dma_start3A_297 : memref<128x32xf32, #tpu.memory_space<vmem>>) target(%dma_start3A_293 : memref<128x32xf32, #tpu.memory_space<vmem_shared>>) target_semaphore(%run_scoped3A_285 : memref<!tpu.dma_semaphore, #tpu.memory_space<semaphore_mem>>)
      %dma_wait3A_298 = arith.constant 0 : i32
      %dma_wait3A_299 = arith.constant 0 : i32
      %dma_wait3A_300 = tpu.memref_slice %arg8[%run_scoped3A_25, %dma_wait3A_298, %dma_wait3A_299] : memref<8x128x32xf32, #tpu.memory_space<vmem>> -> memref<1x128x32xf32, #tpu.memory_space<vmem>>
      %dma_wait3A_301 = tpu.memref_squeeze %dma_wait3A_300 : memref<1x128x32xf32, #tpu.memory_space<vmem>> -> memref<128x32xf32, #tpu.memory_space<vmem>>
      %dma_wait3A_302 = arith.constant 0 : i32
      %dma_wait3A_303 = tpu.memref_slice %arg11[%add3A_24, %dma_wait3A_302] : memref<10240x32xf32, #tpu.memory_space<vmem_shared>> -> memref<128x32xf32, #tpu.memory_space<vmem_shared>>
      %dma_wait3A_304 = arith.constant 0 : i32
      %dma_wait3A_305 = tpu.memref_slice %arg11[%add3A_24, %dma_wait3A_304] : memref<10240x32xf32, #tpu.memory_space<vmem_shared>> -> memref<128x32xf32, #tpu.memory_space<vmem_shared>>
      %dma_wait3A_306 = arith.constant 0 : i32
      %dma_wait3A_307 = arith.constant 0 : i32
      %dma_wait3A_308 = tpu.memref_slice %arg8[%run_scoped3A_25, %dma_wait3A_306, %dma_wait3A_307] : memref<8x128x32xf32, #tpu.memory_space<vmem>> -> memref<1x128x32xf32, #tpu.memory_space<vmem>>
      %dma_wait3A_309 = tpu.memref_squeeze %dma_wait3A_308 : memref<1x128x32xf32, #tpu.memory_space<vmem>> -> memref<128x32xf32, #tpu.memory_space<vmem>>
      tpu.wait_dma2 semaphore(%run_scoped3A_285 : memref<!tpu.dma_semaphore, #tpu.memory_space<semaphore_mem>>) src(%dma_wait3A_309 : memref<128x32xf32, #tpu.memory_space<vmem>>) dst(%dma_wait3A_305 : memref<128x32xf32, #tpu.memory_space<vmem_shared>>)
      tpu.yield
    }) : () -> ()
    %add3A_26 = arith.constant 256 : i32
    %add3A_27 = arith.addi %mul3A_2, %add3A_26 : i32
    %run_scoped3A_28 = arith.constant 0 : i32
    "tpu.region"() ({
      %run_scoped3A_285 = tpu.sem_alloc : memref<!tpu.dma_semaphore, #tpu.memory_space<semaphore_mem>>
      %dma_start3A_286 = arith.constant 0 : i32
      %dma_start3A_287 = arith.constant 0 : i32
      %dma_start3A_288 = tpu.memref_slice %arg8[%run_scoped3A_28, %dma_start3A_286, %dma_start3A_287] : memref<8x128x32xf32, #tpu.memory_space<vmem>> -> memref<1x128x32xf32, #tpu.memory_space<vmem>>
      %dma_start3A_289 = tpu.memref_squeeze %dma_start3A_288 : memref<1x128x32xf32, #tpu.memory_space<vmem>> -> memref<128x32xf32, #tpu.memory_space<vmem>>
      %dma_start3A_290 = arith.constant 0 : i32
      %dma_start3A_291 = tpu.memref_slice %arg12[%add3A_27, %dma_start3A_290] : memref<10000x32xf32, #tpu.memory_space<vmem_shared>> -> memref<128x32xf32, #tpu.memory_space<vmem_shared>>
      %dma_start3A_292 = arith.constant 0 : i32
      %dma_start3A_293 = tpu.memref_slice %arg12[%add3A_27, %dma_start3A_292] : memref<10000x32xf32, #tpu.memory_space<vmem_shared>> -> memref<128x32xf32, #tpu.memory_space<vmem_shared>>
      %dma_start3A_294 = arith.constant 0 : i32
      %dma_start3A_295 = arith.constant 0 : i32
      %dma_start3A_296 = tpu.memref_slice %arg8[%run_scoped3A_28, %dma_start3A_294, %dma_start3A_295] : memref<8x128x32xf32, #tpu.memory_space<vmem>> -> memref<1x128x32xf32, #tpu.memory_space<vmem>>
      %dma_start3A_297 = tpu.memref_squeeze %dma_start3A_296 : memref<1x128x32xf32, #tpu.memory_space<vmem>> -> memref<128x32xf32, #tpu.memory_space<vmem>>
      tpu.enqueue_dma source(%dma_start3A_297 : memref<128x32xf32, #tpu.memory_space<vmem>>) target(%dma_start3A_293 : memref<128x32xf32, #tpu.memory_space<vmem_shared>>) target_semaphore(%run_scoped3A_285 : memref<!tpu.dma_semaphore, #tpu.memory_space<semaphore_mem>>)
      %dma_wait3A_298 = arith.constant 0 : i32
      %dma_wait3A_299 = arith.constant 0 : i32
      %dma_wait3A_300 = tpu.memref_slice %arg8[%run_scoped3A_28, %dma_wait3A_298, %dma_wait3A_299] : memref<8x128x32xf32, #tpu.memory_space<vmem>> -> memref<1x128x32xf32, #tpu.memory_space<vmem>>
      %dma_wait3A_301 = tpu.memref_squeeze %dma_wait3A_300 : memref<1x128x32xf32, #tpu.memory_space<vmem>> -> memref<128x32xf32, #tpu.memory_space<vmem>>
      %dma_wait3A_302 = arith.constant 0 : i32
      %dma_wait3A_303 = tpu.memref_slice %arg12[%add3A_27, %dma_wait3A_302] : memref<10000x32xf32, #tpu.memory_space<vmem_shared>> -> memref<128x32xf32, #tpu.memory_space<vmem_shared>>
      %dma_wait3A_304 = arith.constant 0 : i32
      %dma_wait3A_305 = tpu.memref_slice %arg12[%add3A_27, %dma_wait3A_304] : memref<10000x32xf32, #tpu.memory_space<vmem_shared>> -> memref<128x32xf32, #tpu.memory_space<vmem_shared>>
      %dma_wait3A_306 = arith.constant 0 : i32
      %dma_wait3A_307 = arith.constant 0 : i32
      %dma_wait3A_308 = tpu.memref_slice %arg8[%run_scoped3A_28, %dma_wait3A_306, %dma_wait3A_307] : memref<8x128x32xf32, #tpu.memory_space<vmem>> -> memref<1x128x32xf32, #tpu.memory_space<vmem>>
      %dma_wait3A_309 = tpu.memref_squeeze %dma_wait3A_308 : memref<1x128x32xf32, #tpu.memory_space<vmem>> -> memref<128x32xf32, #tpu.memory_space<vmem>>
      tpu.wait_dma2 semaphore(%run_scoped3A_285 : memref<!tpu.dma_semaphore, #tpu.memory_space<semaphore_mem>>) src(%dma_wait3A_309 : memref<128x32xf32, #tpu.memory_space<vmem>>) dst(%dma_wait3A_305 : memref<128x32xf32, #tpu.memory_space<vmem_shared>>)
      tpu.yield
    }) : () -> ()
    %add3A_29 = arith.constant 384 : i32
    %add3A_30 = arith.addi %mul3A_2, %add3A_29 : i32
    %run_scoped3A_31 = arith.constant 0 : i32
    "tpu.region"() ({
      %run_scoped3A_285 = tpu.sem_alloc : memref<!tpu.dma_semaphore, #tpu.memory_space<semaphore_mem>>
      %dma_start3A_286 = arith.constant 0 : i32
      %dma_start3A_287 = arith.constant 0 : i32
      %dma_start3A_288 = tpu.memref_slice %arg8[%run_scoped3A_31, %dma_start3A_286, %dma_start3A_287] : memref<8x128x32xf32, #tpu.memory_space<vmem>> -> memref<1x128x32xf32, #tpu.memory_space<vmem>>
      %dma_start3A_289 = tpu.memref_squeeze %dma_start3A_288 : memref<1x128x32xf32, #tpu.memory_space<vmem>> -> memref<128x32xf32, #tpu.memory_space<vmem>>
      %dma_start3A_290 = arith.constant 0 : i32
      %dma_start3A_291 = tpu.memref_slice %arg4[%add3A_30, %dma_start3A_290] : memref<10000x32xf32, #tpu.memory_space<hbm>> -> memref<128x32xf32, #tpu.memory_space<hbm>>
      %dma_start3A_292 = arith.constant 0 : i32
      %dma_start3A_293 = arith.constant 0 : i32
      %dma_start3A_294 = tpu.memref_slice %arg8[%run_scoped3A_31, %dma_start3A_292, %dma_start3A_293] : memref<8x128x32xf32, #tpu.memory_space<vmem>> -> memref<1x128x32xf32, #tpu.memory_space<vmem>>
      %dma_start3A_295 = tpu.memref_squeeze %dma_start3A_294 : memref<1x128x32xf32, #tpu.memory_space<vmem>> -> memref<128x32xf32, #tpu.memory_space<vmem>>
      %dma_start3A_296 = arith.constant 0 : i32
      %dma_start3A_297 = tpu.memref_slice %arg4[%add3A_30, %dma_start3A_296] : memref<10000x32xf32, #tpu.memory_space<hbm>> -> memref<128x32xf32, #tpu.memory_space<hbm>>
      tpu.enqueue_dma source(%dma_start3A_297 : memref<128x32xf32, #tpu.memory_space<hbm>>) target(%dma_start3A_295 : memref<128x32xf32, #tpu.memory_space<vmem>>) target_semaphore(%run_scoped3A_285 : memref<!tpu.dma_semaphore, #tpu.memory_space<semaphore_mem>>)
      %dma_wait3A_298 = arith.constant 0 : i32
      %dma_wait3A_299 = arith.constant 0 : i32
      %dma_wait3A_300 = tpu.memref_slice %arg8[%run_scoped3A_31, %dma_wait3A_298, %dma_wait3A_299] : memref<8x128x32xf32, #tpu.memory_space<vmem>> -> memref<1x128x32xf32, #tpu.memory_space<vmem>>
      %dma_wait3A_301 = tpu.memref_squeeze %dma_wait3A_300 : memref<1x128x32xf32, #tpu.memory_space<vmem>> -> memref<128x32xf32, #tpu.memory_space<vmem>>
      %dma_wait3A_302 = arith.constant 0 : i32
      %dma_wait3A_303 = tpu.memref_slice %arg4[%add3A_30, %dma_wait3A_302] : memref<10000x32xf32, #tpu.memory_space<hbm>> -> memref<128x32xf32, #tpu.memory_space<hbm>>
      %dma_wait3A_304 = arith.constant 0 : i32
      %dma_wait3A_305 = arith.constant 0 : i32
      %dma_wait3A_306 = tpu.memref_slice %arg8[%run_scoped3A_31, %dma_wait3A_304, %dma_wait3A_305] : memref<8x128x32xf32, #tpu.memory_space<vmem>> -> memref<1x128x32xf32, #tpu.memory_space<vmem>>
      %dma_wait3A_307 = tpu.memref_squeeze %dma_wait3A_306 : memref<1x128x32xf32, #tpu.memory_space<vmem>> -> memref<128x32xf32, #tpu.memory_space<vmem>>
      %dma_wait3A_308 = arith.constant 0 : i32
      %dma_wait3A_309 = tpu.memref_slice %arg4[%add3A_30, %dma_wait3A_308] : memref<10000x32xf32, #tpu.memory_space<hbm>> -> memref<128x32xf32, #tpu.memory_space<hbm>>
      tpu.wait_dma2 semaphore(%run_scoped3A_285 : memref<!tpu.dma_semaphore, #tpu.memory_space<semaphore_mem>>) src(%dma_wait3A_309 : memref<128x32xf32, #tpu.memory_space<hbm>>) dst(%dma_wait3A_307 : memref<128x32xf32, #tpu.memory_space<vmem>>)
      tpu.yield
    }) : () -> ()
    %add3A_32 = arith.constant 384 : i32
    %add3A_33 = arith.addi %mul3A_2, %add3A_32 : i32
    %run_scoped3A_34 = arith.constant 0 : i32
    "tpu.region"() ({
      %run_scoped3A_285 = tpu.sem_alloc : memref<!tpu.dma_semaphore, #tpu.memory_space<semaphore_mem>>
      %dma_start3A_286 = arith.constant 0 : i32
      %dma_start3A_287 = arith.constant 0 : i32
      %dma_start3A_288 = tpu.memref_slice %arg8[%run_scoped3A_34, %dma_start3A_286, %dma_start3A_287] : memref<8x128x32xf32, #tpu.memory_space<vmem>> -> memref<1x128x32xf32, #tpu.memory_space<vmem>>
      %dma_start3A_289 = tpu.memref_squeeze %dma_start3A_288 : memref<1x128x32xf32, #tpu.memory_space<vmem>> -> memref<128x32xf32, #tpu.memory_space<vmem>>
      %dma_start3A_290 = arith.constant 0 : i32
      %dma_start3A_291 = tpu.memref_slice %arg11[%add3A_33, %dma_start3A_290] : memref<10240x32xf32, #tpu.memory_space<vmem_shared>> -> memref<128x32xf32, #tpu.memory_space<vmem_shared>>
      %dma_start3A_292 = arith.constant 0 : i32
      %dma_start3A_293 = tpu.memref_slice %arg11[%add3A_33, %dma_start3A_292] : memref<10240x32xf32, #tpu.memory_space<vmem_shared>> -> memref<128x32xf32, #tpu.memory_space<vmem_shared>>
      %dma_start3A_294 = arith.constant 0 : i32
      %dma_start3A_295 = arith.constant 0 : i32
      %dma_start3A_296 = tpu.memref_slice %arg8[%run_scoped3A_34, %dma_start3A_294, %dma_start3A_295] : memref<8x128x32xf32, #tpu.memory_space<vmem>> -> memref<1x128x32xf32, #tpu.memory_space<vmem>>
      %dma_start3A_297 = tpu.memref_squeeze %dma_start3A_296 : memref<1x128x32xf32, #tpu.memory_space<vmem>> -> memref<128x32xf32, #tpu.memory_space<vmem>>
      tpu.enqueue_dma source(%dma_start3A_297 : memref<128x32xf32, #tpu.memory_space<vmem>>) target(%dma_start3A_293 : memref<128x32xf32, #tpu.memory_space<vmem_shared>>) target_semaphore(%run_scoped3A_285 : memref<!tpu.dma_semaphore, #tpu.memory_space<semaphore_mem>>)
      %dma_wait3A_298 = arith.constant 0 : i32
      %dma_wait3A_299 = arith.constant 0 : i32
      %dma_wait3A_300 = tpu.memref_slice %arg8[%run_scoped3A_34, %dma_wait3A_298, %dma_wait3A_299] : memref<8x128x32xf32, #tpu.memory_space<vmem>> -> memref<1x128x32xf32, #tpu.memory_space<vmem>>
      %dma_wait3A_301 = tpu.memref_squeeze %dma_wait3A_300 : memref<1x128x32xf32, #tpu.memory_space<vmem>> -> memref<128x32xf32, #tpu.memory_space<vmem>>
      %dma_wait3A_302 = arith.constant 0 : i32
      %dma_wait3A_303 = tpu.memref_slice %arg11[%add3A_33, %dma_wait3A_302] : memref<10240x32xf32, #tpu.memory_space<vmem_shared>> -> memref<128x32xf32, #tpu.memory_space<vmem_shared>>
      %dma_wait3A_304 = arith.constant 0 : i32
      %dma_wait3A_305 = tpu.memref_slice %arg11[%add3A_33, %dma_wait3A_304] : memref<10240x32xf32, #tpu.memory_space<vmem_shared>> -> memref<128x32xf32, #tpu.memory_space<vmem_shared>>
      %dma_wait3A_306 = arith.constant 0 : i32
      %dma_wait3A_307 = arith.constant 0 : i32
      %dma_wait3A_308 = tpu.memref_slice %arg8[%run_scoped3A_34, %dma_wait3A_306, %dma_wait3A_307] : memref<8x128x32xf32, #tpu.memory_space<vmem>> -> memref<1x128x32xf32, #tpu.memory_space<vmem>>
      %dma_wait3A_309 = tpu.memref_squeeze %dma_wait3A_308 : memref<1x128x32xf32, #tpu.memory_space<vmem>> -> memref<128x32xf32, #tpu.memory_space<vmem>>
      tpu.wait_dma2 semaphore(%run_scoped3A_285 : memref<!tpu.dma_semaphore, #tpu.memory_space<semaphore_mem>>) src(%dma_wait3A_309 : memref<128x32xf32, #tpu.memory_space<vmem>>) dst(%dma_wait3A_305 : memref<128x32xf32, #tpu.memory_space<vmem_shared>>)
      tpu.yield
    }) : () -> ()
    %add3A_35 = arith.constant 384 : i32
    %add3A_36 = arith.addi %mul3A_2, %add3A_35 : i32
    %run_scoped3A_37 = arith.constant 0 : i32
    "tpu.region"() ({
      %run_scoped3A_285 = tpu.sem_alloc : memref<!tpu.dma_semaphore, #tpu.memory_space<semaphore_mem>>
      %dma_start3A_286 = arith.constant 0 : i32
      %dma_start3A_287 = arith.constant 0 : i32
      %dma_start3A_288 = tpu.memref_slice %arg8[%run_scoped3A_37, %dma_start3A_286, %dma_start3A_287] : memref<8x128x32xf32, #tpu.memory_space<vmem>> -> memref<1x128x32xf32, #tpu.memory_space<vmem>>
      %dma_start3A_289 = tpu.memref_squeeze %dma_start3A_288 : memref<1x128x32xf32, #tpu.memory_space<vmem>> -> memref<128x32xf32, #tpu.memory_space<vmem>>
      %dma_start3A_290 = arith.constant 0 : i32
      %dma_start3A_291 = tpu.memref_slice %arg12[%add3A_36, %dma_start3A_290] : memref<10000x32xf32, #tpu.memory_space<vmem_shared>> -> memref<128x32xf32, #tpu.memory_space<vmem_shared>>
      %dma_start3A_292 = arith.constant 0 : i32
      %dma_start3A_293 = tpu.memref_slice %arg12[%add3A_36, %dma_start3A_292] : memref<10000x32xf32, #tpu.memory_space<vmem_shared>> -> memref<128x32xf32, #tpu.memory_space<vmem_shared>>
      %dma_start3A_294 = arith.constant 0 : i32
      %dma_start3A_295 = arith.constant 0 : i32
      %dma_start3A_296 = tpu.memref_slice %arg8[%run_scoped3A_37, %dma_start3A_294, %dma_start3A_295] : memref<8x128x32xf32, #tpu.memory_space<vmem>> -> memref<1x128x32xf32, #tpu.memory_space<vmem>>
      %dma_start3A_297 = tpu.memref_squeeze %dma_start3A_296 : memref<1x128x32xf32, #tpu.memory_space<vmem>> -> memref<128x32xf32, #tpu.memory_space<vmem>>
      tpu.enqueue_dma source(%dma_start3A_297 : memref<128x32xf32, #tpu.memory_space<vmem>>) target(%dma_start3A_293 : memref<128x32xf32, #tpu.memory_space<vmem_shared>>) target_semaphore(%run_scoped3A_285 : memref<!tpu.dma_semaphore, #tpu.memory_space<semaphore_mem>>)
      %dma_wait3A_298 = arith.constant 0 : i32
      %dma_wait3A_299 = arith.constant 0 : i32
      %dma_wait3A_300 = tpu.memref_slice %arg8[%run_scoped3A_37, %dma_wait3A_298, %dma_wait3A_299] : memref<8x128x32xf32, #tpu.memory_space<vmem>> -> memref<1x128x32xf32, #tpu.memory_space<vmem>>
      %dma_wait3A_301 = tpu.memref_squeeze %dma_wait3A_300 : memref<1x128x32xf32, #tpu.memory_space<vmem>> -> memref<128x32xf32, #tpu.memory_space<vmem>>
      %dma_wait3A_302 = arith.constant 0 : i32
      %dma_wait3A_303 = tpu.memref_slice %arg12[%add3A_36, %dma_wait3A_302] : memref<10000x32xf32, #tpu.memory_space<vmem_shared>> -> memref<128x32xf32, #tpu.memory_space<vmem_shared>>
      %dma_wait3A_304 = arith.constant 0 : i32
      %dma_wait3A_305 = tpu.memref_slice %arg12[%add3A_36, %dma_wait3A_304] : memref<10000x32xf32, #tpu.memory_space<vmem_shared>> -> memref<128x32xf32, #tpu.memory_space<vmem_shared>>
      %dma_wait3A_306 = arith.constant 0 : i32
      %dma_wait3A_307 = arith.constant 0 : i32
      %dma_wait3A_308 = tpu.memref_slice %arg8[%run_scoped3A_37, %dma_wait3A_306, %dma_wait3A_307] : memref<8x128x32xf32, #tpu.memory_space<vmem>> -> memref<1x128x32xf32, #tpu.memory_space<vmem>>
      %dma_wait3A_309 = tpu.memref_squeeze %dma_wait3A_308 : memref<1x128x32xf32, #tpu.memory_space<vmem>> -> memref<128x32xf32, #tpu.memory_space<vmem>>
      tpu.wait_dma2 semaphore(%run_scoped3A_285 : memref<!tpu.dma_semaphore, #tpu.memory_space<semaphore_mem>>) src(%dma_wait3A_309 : memref<128x32xf32, #tpu.memory_space<vmem>>) dst(%dma_wait3A_305 : memref<128x32xf32, #tpu.memory_space<vmem_shared>>)
      tpu.yield
    }) : () -> ()
    %add3A_38 = arith.constant 512 : i32
    %add3A_39 = arith.addi %mul3A_2, %add3A_38 : i32
    %run_scoped3A_40 = arith.constant 0 : i32
    "tpu.region"() ({
      %run_scoped3A_285 = tpu.sem_alloc : memref<!tpu.dma_semaphore, #tpu.memory_space<semaphore_mem>>
      %dma_start3A_286 = arith.constant 0 : i32
      %dma_start3A_287 = arith.constant 0 : i32
      %dma_start3A_288 = tpu.memref_slice %arg8[%run_scoped3A_40, %dma_start3A_286, %dma_start3A_287] : memref<8x128x32xf32, #tpu.memory_space<vmem>> -> memref<1x113x32xf32, #tpu.memory_space<vmem>>
      %dma_start3A_289 = tpu.memref_squeeze %dma_start3A_288 : memref<1x113x32xf32, #tpu.memory_space<vmem>> -> memref<113x32xf32, #tpu.memory_space<vmem>>
      %dma_start3A_290 = arith.constant 0 : i32
      %dma_start3A_291 = tpu.memref_slice %arg4[%add3A_39, %dma_start3A_290] : memref<10000x32xf32, #tpu.memory_space<hbm>> -> memref<113x32xf32, #tpu.memory_space<hbm>>
      %dma_start3A_292 = arith.constant 0 : i32
      %dma_start3A_293 = arith.constant 0 : i32
      %dma_start3A_294 = tpu.memref_slice %arg8[%run_scoped3A_40, %dma_start3A_292, %dma_start3A_293] : memref<8x128x32xf32, #tpu.memory_space<vmem>> -> memref<1x113x32xf32, #tpu.memory_space<vmem>>
      %dma_start3A_295 = tpu.memref_squeeze %dma_start3A_294 : memref<1x113x32xf32, #tpu.memory_space<vmem>> -> memref<113x32xf32, #tpu.memory_space<vmem>>
      %dma_start3A_296 = arith.constant 0 : i32
      %dma_start3A_297 = tpu.memref_slice %arg4[%add3A_39, %dma_start3A_296] : memref<10000x32xf32, #tpu.memory_space<hbm>> -> memref<113x32xf32, #tpu.memory_space<hbm>>
      tpu.enqueue_dma source(%dma_start3A_297 : memref<113x32xf32, #tpu.memory_space<hbm>>) target(%dma_start3A_295 : memref<113x32xf32, #tpu.memory_space<vmem>>) target_semaphore(%run_scoped3A_285 : memref<!tpu.dma_semaphore, #tpu.memory_space<semaphore_mem>>)
      %dma_wait3A_298 = arith.constant 0 : i32
      %dma_wait3A_299 = arith.constant 0 : i32
      %dma_wait3A_300 = tpu.memref_slice %arg8[%run_scoped3A_40, %dma_wait3A_298, %dma_wait3A_299] : memref<8x128x32xf32, #tpu.memory_space<vmem>> -> memref<1x113x32xf32, #tpu.memory_space<vmem>>
      %dma_wait3A_301 = tpu.memref_squeeze %dma_wait3A_300 : memref<1x113x32xf32, #tpu.memory_space<vmem>> -> memref<113x32xf32, #tpu.memory_space<vmem>>
      %dma_wait3A_302 = arith.constant 0 : i32
      %dma_wait3A_303 = tpu.memref_slice %arg4[%add3A_39, %dma_wait3A_302] : memref<10000x32xf32, #tpu.memory_space<hbm>> -> memref<113x32xf32, #tpu.memory_space<hbm>>
      %dma_wait3A_304 = arith.constant 0 : i32
      %dma_wait3A_305 = arith.constant 0 : i32
      %dma_wait3A_306 = tpu.memref_slice %arg8[%run_scoped3A_40, %dma_wait3A_304, %dma_wait3A_305] : memref<8x128x32xf32, #tpu.memory_space<vmem>> -> memref<1x113x32xf32, #tpu.memory_space<vmem>>
      %dma_wait3A_307 = tpu.memref_squeeze %dma_wait3A_306 : memref<1x113x32xf32, #tpu.memory_space<vmem>> -> memref<113x32xf32, #tpu.memory_space<vmem>>
      %dma_wait3A_308 = arith.constant 0 : i32
      %dma_wait3A_309 = tpu.memref_slice %arg4[%add3A_39, %dma_wait3A_308] : memref<10000x32xf32, #tpu.memory_space<hbm>> -> memref<113x32xf32, #tpu.memory_space<hbm>>
      tpu.wait_dma2 semaphore(%run_scoped3A_285 : memref<!tpu.dma_semaphore, #tpu.memory_space<semaphore_mem>>) src(%dma_wait3A_309 : memref<113x32xf32, #tpu.memory_space<hbm>>) dst(%dma_wait3A_307 : memref<113x32xf32, #tpu.memory_space<vmem>>)
      tpu.yield
    }) : () -> ()
    %add3A_41 = arith.constant 512 : i32
    %add3A_42 = arith.addi %mul3A_2, %add3A_41 : i32
    %run_scoped3A_43 = arith.constant 0 : i32
    "tpu.region"() ({
      %run_scoped3A_285 = tpu.sem_alloc : memref<!tpu.dma_semaphore, #tpu.memory_space<semaphore_mem>>
      %dma_start3A_286 = arith.constant 0 : i32
      %dma_start3A_287 = arith.constant 0 : i32
      %dma_start3A_288 = tpu.memref_slice %arg8[%run_scoped3A_43, %dma_start3A_286, %dma_start3A_287] : memref<8x128x32xf32, #tpu.memory_space<vmem>> -> memref<1x113x32xf32, #tpu.memory_space<vmem>>
      %dma_start3A_289 = tpu.memref_squeeze %dma_start3A_288 : memref<1x113x32xf32, #tpu.memory_space<vmem>> -> memref<113x32xf32, #tpu.memory_space<vmem>>
      %dma_start3A_290 = arith.constant 0 : i32
      %dma_start3A_291 = tpu.memref_slice %arg11[%add3A_42, %dma_start3A_290] : memref<10240x32xf32, #tpu.memory_space<vmem_shared>> -> memref<113x32xf32, #tpu.memory_space<vmem_shared>>
      %dma_start3A_292 = arith.constant 0 : i32
      %dma_start3A_293 = tpu.memref_slice %arg11[%add3A_42, %dma_start3A_292] : memref<10240x32xf32, #tpu.memory_space<vmem_shared>> -> memref<113x32xf32, #tpu.memory_space<vmem_shared>>
      %dma_start3A_294 = arith.constant 0 : i32
      %dma_start3A_295 = arith.constant 0 : i32
      %dma_start3A_296 = tpu.memref_slice %arg8[%run_scoped3A_43, %dma_start3A_294, %dma_start3A_295] : memref<8x128x32xf32, #tpu.memory_space<vmem>> -> memref<1x113x32xf32, #tpu.memory_space<vmem>>
      %dma_start3A_297 = tpu.memref_squeeze %dma_start3A_296 : memref<1x113x32xf32, #tpu.memory_space<vmem>> -> memref<113x32xf32, #tpu.memory_space<vmem>>
      tpu.enqueue_dma source(%dma_start3A_297 : memref<113x32xf32, #tpu.memory_space<vmem>>) target(%dma_start3A_293 : memref<113x32xf32, #tpu.memory_space<vmem_shared>>) target_semaphore(%run_scoped3A_285 : memref<!tpu.dma_semaphore, #tpu.memory_space<semaphore_mem>>)
      %dma_wait3A_298 = arith.constant 0 : i32
      %dma_wait3A_299 = arith.constant 0 : i32
      %dma_wait3A_300 = tpu.memref_slice %arg8[%run_scoped3A_43, %dma_wait3A_298, %dma_wait3A_299] : memref<8x128x32xf32, #tpu.memory_space<vmem>> -> memref<1x113x32xf32, #tpu.memory_space<vmem>>
      %dma_wait3A_301 = tpu.memref_squeeze %dma_wait3A_300 : memref<1x113x32xf32, #tpu.memory_space<vmem>> -> memref<113x32xf32, #tpu.memory_space<vmem>>
      %dma_wait3A_302 = arith.constant 0 : i32
      %dma_wait3A_303 = tpu.memref_slice %arg11[%add3A_42, %dma_wait3A_302] : memref<10240x32xf32, #tpu.memory_space<vmem_shared>> -> memref<113x32xf32, #tpu.memory_space<vmem_shared>>
      %dma_wait3A_304 = arith.constant 0 : i32
      %dma_wait3A_305 = tpu.memref_slice %arg11[%add3A_42, %dma_wait3A_304] : memref<10240x32xf32, #tpu.memory_space<vmem_shared>> -> memref<113x32xf32, #tpu.memory_space<vmem_shared>>
      %dma_wait3A_306 = arith.constant 0 : i32
      %dma_wait3A_307 = arith.constant 0 : i32
      %dma_wait3A_308 = tpu.memref_slice %arg8[%run_scoped3A_43, %dma_wait3A_306, %dma_wait3A_307] : memref<8x128x32xf32, #tpu.memory_space<vmem>> -> memref<1x113x32xf32, #tpu.memory_space<vmem>>
      %dma_wait3A_309 = tpu.memref_squeeze %dma_wait3A_308 : memref<1x113x32xf32, #tpu.memory_space<vmem>> -> memref<113x32xf32, #tpu.memory_space<vmem>>
      tpu.wait_dma2 semaphore(%run_scoped3A_285 : memref<!tpu.dma_semaphore, #tpu.memory_space<semaphore_mem>>) src(%dma_wait3A_309 : memref<113x32xf32, #tpu.memory_space<vmem>>) dst(%dma_wait3A_305 : memref<113x32xf32, #tpu.memory_space<vmem_shared>>)
      tpu.yield
    }) : () -> ()
    %add3A_44 = arith.constant 512 : i32
    %add3A_45 = arith.addi %mul3A_2, %add3A_44 : i32
    %run_scoped3A_46 = arith.constant 0 : i32
    "tpu.region"() ({
      %run_scoped3A_285 = tpu.sem_alloc : memref<!tpu.dma_semaphore, #tpu.memory_space<semaphore_mem>>
      %dma_start3A_286 = arith.constant 0 : i32
      %dma_start3A_287 = arith.constant 0 : i32
      %dma_start3A_288 = tpu.memref_slice %arg8[%run_scoped3A_46, %dma_start3A_286, %dma_start3A_287] : memref<8x128x32xf32, #tpu.memory_space<vmem>> -> memref<1x113x32xf32, #tpu.memory_space<vmem>>
      %dma_start3A_289 = tpu.memref_squeeze %dma_start3A_288 : memref<1x113x32xf32, #tpu.memory_space<vmem>> -> memref<113x32xf32, #tpu.memory_space<vmem>>
      %dma_start3A_290 = arith.constant 0 : i32
      %dma_start3A_291 = tpu.memref_slice %arg12[%add3A_45, %dma_start3A_290] : memref<10000x32xf32, #tpu.memory_space<vmem_shared>> -> memref<113x32xf32, #tpu.memory_space<vmem_shared>>
      %dma_start3A_292 = arith.constant 0 : i32
      %dma_start3A_293 = tpu.memref_slice %arg12[%add3A_45, %dma_start3A_292] : memref<10000x32xf32, #tpu.memory_space<vmem_shared>> -> memref<113x32xf32, #tpu.memory_space<vmem_shared>>
      %dma_start3A_294 = arith.constant 0 : i32
      %dma_start3A_295 = arith.constant 0 : i32
      %dma_start3A_296 = tpu.memref_slice %arg8[%run_scoped3A_46, %dma_start3A_294, %dma_start3A_295] : memref<8x128x32xf32, #tpu.memory_space<vmem>> -> memref<1x113x32xf32, #tpu.memory_space<vmem>>
      %dma_start3A_297 = tpu.memref_squeeze %dma_start3A_296 : memref<1x113x32xf32, #tpu.memory_space<vmem>> -> memref<113x32xf32, #tpu.memory_space<vmem>>
      tpu.enqueue_dma source(%dma_start3A_297 : memref<113x32xf32, #tpu.memory_space<vmem>>) target(%dma_start3A_293 : memref<113x32xf32, #tpu.memory_space<vmem_shared>>) target_semaphore(%run_scoped3A_285 : memref<!tpu.dma_semaphore, #tpu.memory_space<semaphore_mem>>)
      %dma_wait3A_298 = arith.constant 0 : i32
      %dma_wait3A_299 = arith.constant 0 : i32
      %dma_wait3A_300 = tpu.memref_slice %arg8[%run_scoped3A_46, %dma_wait3A_298, %dma_wait3A_299] : memref<8x128x32xf32, #tpu.memory_space<vmem>> -> memref<1x113x32xf32, #tpu.memory_space<vmem>>
      %dma_wait3A_301 = tpu.memref_squeeze %dma_wait3A_300 : memref<1x113x32xf32, #tpu.memory_space<vmem>> -> memref<113x32xf32, #tpu.memory_space<vmem>>
      %dma_wait3A_302 = arith.constant 0 : i32
      %dma_wait3A_303 = tpu.memref_slice %arg12[%add3A_45, %dma_wait3A_302] : memref<10000x32xf32, #tpu.memory_space<vmem_shared>> -> memref<113x32xf32, #tpu.memory_space<vmem_shared>>
      %dma_wait3A_304 = arith.constant 0 : i32
      %dma_wait3A_305 = tpu.memref_slice %arg12[%add3A_45, %dma_wait3A_304] : memref<10000x32xf32, #tpu.memory_space<vmem_shared>> -> memref<113x32xf32, #tpu.memory_space<vmem_shared>>
      %dma_wait3A_306 = arith.constant 0 : i32
      %dma_wait3A_307 = arith.constant 0 : i32
      %dma_wait3A_308 = tpu.memref_slice %arg8[%run_scoped3A_46, %dma_wait3A_306, %dma_wait3A_307] : memref<8x128x32xf32, #tpu.memory_space<vmem>> -> memref<1x113x32xf32, #tpu.memory_space<vmem>>
      %dma_wait3A_309 = tpu.memref_squeeze %dma_wait3A_308 : memref<1x113x32xf32, #tpu.memory_space<vmem>> -> memref<113x32xf32, #tpu.memory_space<vmem>>
      tpu.wait_dma2 semaphore(%run_scoped3A_285 : memref<!tpu.dma_semaphore, #tpu.memory_space<semaphore_mem>>) src(%dma_wait3A_309 : memref<113x32xf32, #tpu.memory_space<vmem>>) dst(%dma_wait3A_305 : memref<113x32xf32, #tpu.memory_space<vmem_shared>>)
      tpu.yield
    }) : () -> ()
    "tpu.region"() ({
      %run_scoped3A_285 = tpu.sem_alloc : memref<!tpu.dma_semaphore, #tpu.memory_space<semaphore_mem>>
      %dma_start3A_286 = arith.constant 0 : i32
      %dma_start3A_287 = arith.constant 0 : i32
      %dma_start3A_288 = tpu.memref_slice %arg2[%add3A, %dma_start3A_286, %dma_start3A_287] : memref<32x80x128xi32, #tpu.memory_space<hbm>> -> memref<1x80x128xi32, #tpu.memory_space<hbm>>
      %dma_start3A_289 = tpu.memref_squeeze %dma_start3A_288 : memref<1x80x128xi32, #tpu.memory_space<hbm>> -> memref<80x128xi32, #tpu.memory_space<hbm>>
      %dma_start3A_290 = arith.constant 0 : i32
      %dma_start3A_291 = arith.constant 0 : i32
      %dma_start3A_292 = tpu.memref_slice %arg2[%add3A, %dma_start3A_290, %dma_start3A_291] : memref<32x80x128xi32, #tpu.memory_space<hbm>> -> memref<1x80x128xi32, #tpu.memory_space<hbm>>
      %dma_start3A_293 = tpu.memref_squeeze %dma_start3A_292 : memref<1x80x128xi32, #tpu.memory_space<hbm>> -> memref<80x128xi32, #tpu.memory_space<hbm>>
      tpu.enqueue_dma source(%dma_start3A_293 : memref<80x128xi32, #tpu.memory_space<hbm>>) target(%arg6 : memref<80x128xi32, #tpu.memory_space<vmem>>) target_semaphore(%run_scoped3A_285 : memref<!tpu.dma_semaphore, #tpu.memory_space<semaphore_mem>>)
      %dma_wait3A_294 = arith.constant 0 : i32
      %dma_wait3A_295 = arith.constant 0 : i32
      %dma_wait3A_296 = tpu.memref_slice %arg2[%add3A, %dma_wait3A_294, %dma_wait3A_295] : memref<32x80x128xi32, #tpu.memory_space<hbm>> -> memref<1x80x128xi32, #tpu.memory_space<hbm>>
      %dma_wait3A_297 = tpu.memref_squeeze %dma_wait3A_296 : memref<1x80x128xi32, #tpu.memory_space<hbm>> -> memref<80x128xi32, #tpu.memory_space<hbm>>
      %dma_wait3A_298 = arith.constant 0 : i32
      %dma_wait3A_299 = arith.constant 0 : i32
      %dma_wait3A_300 = tpu.memref_slice %arg2[%add3A, %dma_wait3A_298, %dma_wait3A_299] : memref<32x80x128xi32, #tpu.memory_space<hbm>> -> memref<1x80x128xi32, #tpu.memory_space<hbm>>
      %dma_wait3A_301 = tpu.memref_squeeze %dma_wait3A_300 : memref<1x80x128xi32, #tpu.memory_space<hbm>> -> memref<80x128xi32, #tpu.memory_space<hbm>>
      tpu.wait_dma2 semaphore(%run_scoped3A_285 : memref<!tpu.dma_semaphore, #tpu.memory_space<semaphore_mem>>) src(%dma_wait3A_301 : memref<80x128xi32, #tpu.memory_space<hbm>>) dst(%arg6 : memref<80x128xi32, #tpu.memory_space<vmem>>)
      tpu.yield
    }) : () -> ()
    "tpu.region"() ({
      %run_scoped3A_285 = tpu.sem_alloc : memref<!tpu.dma_semaphore, #tpu.memory_space<semaphore_mem>>
      %dma_start3A_286 = arith.constant 0 : i32
      %dma_start3A_287 = arith.constant 0 : i32
      %dma_start3A_288 = tpu.memref_slice %arg3[%add3A, %dma_start3A_286, %dma_start3A_287] : memref<32x80x128xi32, #tpu.memory_space<hbm>> -> memref<1x80x128xi32, #tpu.memory_space<hbm>>
      %dma_start3A_289 = tpu.memref_squeeze %dma_start3A_288 : memref<1x80x128xi32, #tpu.memory_space<hbm>> -> memref<80x128xi32, #tpu.memory_space<hbm>>
      %dma_start3A_290 = arith.constant 0 : i32
      %dma_start3A_291 = arith.constant 0 : i32
      %dma_start3A_292 = tpu.memref_slice %arg3[%add3A, %dma_start3A_290, %dma_start3A_291] : memref<32x80x128xi32, #tpu.memory_space<hbm>> -> memref<1x80x128xi32, #tpu.memory_space<hbm>>
      %dma_start3A_293 = tpu.memref_squeeze %dma_start3A_292 : memref<1x80x128xi32, #tpu.memory_space<hbm>> -> memref<80x128xi32, #tpu.memory_space<hbm>>
      tpu.enqueue_dma source(%dma_start3A_293 : memref<80x128xi32, #tpu.memory_space<hbm>>) target(%arg7 : memref<80x128xi32, #tpu.memory_space<vmem>>) target_semaphore(%run_scoped3A_285 : memref<!tpu.dma_semaphore, #tpu.memory_space<semaphore_mem>>)
      %dma_wait3A_294 = arith.constant 0 : i32
      %dma_wait3A_295 = arith.constant 0 : i32
      %dma_wait3A_296 = tpu.memref_slice %arg3[%add3A, %dma_wait3A_294, %dma_wait3A_295] : memref<32x80x128xi32, #tpu.memory_space<hbm>> -> memref<1x80x128xi32, #tpu.memory_space<hbm>>
      %dma_wait3A_297 = tpu.memref_squeeze %dma_wait3A_296 : memref<1x80x128xi32, #tpu.memory_space<hbm>> -> memref<80x128xi32, #tpu.memory_space<hbm>>
      %dma_wait3A_298 = arith.constant 0 : i32
      %dma_wait3A_299 = arith.constant 0 : i32
      %dma_wait3A_300 = tpu.memref_slice %arg3[%add3A, %dma_wait3A_298, %dma_wait3A_299] : memref<32x80x128xi32, #tpu.memory_space<hbm>> -> memref<1x80x128xi32, #tpu.memory_space<hbm>>
      %dma_wait3A_301 = tpu.memref_squeeze %dma_wait3A_300 : memref<1x80x128xi32, #tpu.memory_space<hbm>> -> memref<80x128xi32, #tpu.memory_space<hbm>>
      tpu.wait_dma2 semaphore(%run_scoped3A_285 : memref<!tpu.dma_semaphore, #tpu.memory_space<semaphore_mem>>) src(%dma_wait3A_301 : memref<80x128xi32, #tpu.memory_space<hbm>>) dst(%arg7 : memref<80x128xi32, #tpu.memory_space<vmem>>)
      tpu.yield
    }) : () -> ()
    %barrier3A = arith.constant 0 : index
    tpu.barrier barrier_id(%barrier3A)
    %dma_start3A = arith.constant 0 : i32
    %dma_start3A_47 = arith.constant 0 : i32
    %dma_start3A_48 = arith.constant 0 : i32
    %dma_start3A_49 = arith.constant 0 : i32
    %dma_start3A_50 = arith.constant 0 : i32
    %dma_start3A_51 = tpu.memref_slice %arg8[%dma_start3A_47, %dma_start3A_49, %dma_start3A_50] : memref<8x128x32xf32, #tpu.memory_space<vmem>> -> memref<1x128x32xf32, #tpu.memory_space<vmem>>
    %dma_start3A_52 = tpu.memref_squeeze %dma_start3A_51 : memref<1x128x32xf32, #tpu.memory_space<vmem>> -> memref<128x32xf32, #tpu.memory_space<vmem>>
    %dma_start3A_53 = arith.constant 0 : i32
    %dma_start3A_54 = tpu.memref_slice %arg6[%dma_start3A, %dma_start3A_53] : memref<80x128xi32, #tpu.memory_space<vmem>> -> memref<1x128xi32, #tpu.memory_space<vmem>>
    %dma_start3A_55 = tpu.memref_squeeze %dma_start3A_54 : memref<1x128xi32, #tpu.memory_space<vmem>> -> memref<128xi32, #tpu.memory_space<vmem>>
    %dma_start3A_56 = arith.constant 0 : i32
    %dma_start3A_57 = arith.constant 0 : i32
    %dma_start3A_58 = tpu.memref_slice %arg12[%dma_start3A_56, %dma_start3A_57] : memref<10000x32xf32, #tpu.memory_space<vmem_shared>> -> memref<10000x32xf32, #tpu.memory_space<vmem_shared>>
    %dma_start3A_59 = tpu.memref_slice %arg9[%dma_start3A_48] : memref<8x!tpu.dma_semaphore, #tpu.memory_space<semaphore_mem>> -> memref<1x!tpu.dma_semaphore, #tpu.memory_space<semaphore_mem>>
    %dma_start3A_60 = tpu.memref_squeeze %dma_start3A_59 : memref<1x!tpu.dma_semaphore, #tpu.memory_space<semaphore_mem>> -> memref<!tpu.dma_semaphore, #tpu.memory_space<semaphore_mem>>
    tpu.enqueue_indirect_dma source(%dma_start3A_58 : memref<10000x32xf32, #tpu.memory_space<vmem_shared>>) target(%dma_start3A_52 : memref<128x32xf32, #tpu.memory_space<vmem>>) offsets(%dma_start3A_55 : memref<128xi32, #tpu.memory_space<vmem>>) semaphore(%dma_start3A_60 : memref<!tpu.dma_semaphore, #tpu.memory_space<semaphore_mem>>)
    %dma_start3A_61 = arith.constant 1 : i32
    %dma_start3A_62 = arith.constant 1 : i32
    %dma_start3A_63 = arith.constant 1 : i32
    %dma_start3A_64 = arith.constant 0 : i32
    %dma_start3A_65 = arith.constant 0 : i32
    %dma_start3A_66 = tpu.memref_slice %arg8[%dma_start3A_62, %dma_start3A_64, %dma_start3A_65] : memref<8x128x32xf32, #tpu.memory_space<vmem>> -> memref<1x128x32xf32, #tpu.memory_space<vmem>>
    %dma_start3A_67 = tpu.memref_squeeze %dma_start3A_66 : memref<1x128x32xf32, #tpu.memory_space<vmem>> -> memref<128x32xf32, #tpu.memory_space<vmem>>
    %dma_start3A_68 = arith.constant 0 : i32
    %dma_start3A_69 = tpu.memref_slice %arg6[%dma_start3A_61, %dma_start3A_68] : memref<80x128xi32, #tpu.memory_space<vmem>> -> memref<1x128xi32, #tpu.memory_space<vmem>>
    %dma_start3A_70 = tpu.memref_squeeze %dma_start3A_69 : memref<1x128xi32, #tpu.memory_space<vmem>> -> memref<128xi32, #tpu.memory_space<vmem>>
    %dma_start3A_71 = arith.constant 0 : i32
    %dma_start3A_72 = arith.constant 0 : i32
    %dma_start3A_73 = tpu.memref_slice %arg12[%dma_start3A_71, %dma_start3A_72] : memref<10000x32xf32, #tpu.memory_space<vmem_shared>> -> memref<10000x32xf32, #tpu.memory_space<vmem_shared>>
    %dma_start3A_74 = tpu.memref_slice %arg9[%dma_start3A_63] : memref<8x!tpu.dma_semaphore, #tpu.memory_space<semaphore_mem>> -> memref<1x!tpu.dma_semaphore, #tpu.memory_space<semaphore_mem>>
    %dma_start3A_75 = tpu.memref_squeeze %dma_start3A_74 : memref<1x!tpu.dma_semaphore, #tpu.memory_space<semaphore_mem>> -> memref<!tpu.dma_semaphore, #tpu.memory_space<semaphore_mem>>
    tpu.enqueue_indirect_dma source(%dma_start3A_73 : memref<10000x32xf32, #tpu.memory_space<vmem_shared>>) target(%dma_start3A_67 : memref<128x32xf32, #tpu.memory_space<vmem>>) offsets(%dma_start3A_70 : memref<128xi32, #tpu.memory_space<vmem>>) semaphore(%dma_start3A_75 : memref<!tpu.dma_semaphore, #tpu.memory_space<semaphore_mem>>)
    %dma_start3A_76 = arith.constant 2 : i32
    %dma_start3A_77 = arith.constant 2 : i32
    %dma_start3A_78 = arith.constant 2 : i32
    %dma_start3A_79 = arith.constant 0 : i32
    %dma_start3A_80 = arith.constant 0 : i32
    %dma_start3A_81 = tpu.memref_slice %arg8[%dma_start3A_77, %dma_start3A_79, %dma_start3A_80] : memref<8x128x32xf32, #tpu.memory_space<vmem>> -> memref<1x128x32xf32, #tpu.memory_space<vmem>>
    %dma_start3A_82 = tpu.memref_squeeze %dma_start3A_81 : memref<1x128x32xf32, #tpu.memory_space<vmem>> -> memref<128x32xf32, #tpu.memory_space<vmem>>
    %dma_start3A_83 = arith.constant 0 : i32
    %dma_start3A_84 = tpu.memref_slice %arg6[%dma_start3A_76, %dma_start3A_83] : memref<80x128xi32, #tpu.memory_space<vmem>> -> memref<1x128xi32, #tpu.memory_space<vmem>>
    %dma_start3A_85 = tpu.memref_squeeze %dma_start3A_84 : memref<1x128xi32, #tpu.memory_space<vmem>> -> memref<128xi32, #tpu.memory_space<vmem>>
    %dma_start3A_86 = arith.constant 0 : i32
    %dma_start3A_87 = arith.constant 0 : i32
    %dma_start3A_88 = tpu.memref_slice %arg12[%dma_start3A_86, %dma_start3A_87] : memref<10000x32xf32, #tpu.memory_space<vmem_shared>> -> memref<10000x32xf32, #tpu.memory_space<vmem_shared>>
    %dma_start3A_89 = tpu.memref_slice %arg9[%dma_start3A_78] : memref<8x!tpu.dma_semaphore, #tpu.memory_space<semaphore_mem>> -> memref<1x!tpu.dma_semaphore, #tpu.memory_space<semaphore_mem>>
    %dma_start3A_90 = tpu.memref_squeeze %dma_start3A_89 : memref<1x!tpu.dma_semaphore, #tpu.memory_space<semaphore_mem>> -> memref<!tpu.dma_semaphore, #tpu.memory_space<semaphore_mem>>
    tpu.enqueue_indirect_dma source(%dma_start3A_88 : memref<10000x32xf32, #tpu.memory_space<vmem_shared>>) target(%dma_start3A_82 : memref<128x32xf32, #tpu.memory_space<vmem>>) offsets(%dma_start3A_85 : memref<128xi32, #tpu.memory_space<vmem>>) semaphore(%dma_start3A_90 : memref<!tpu.dma_semaphore, #tpu.memory_space<semaphore_mem>>)
    %dma_start3A_91 = arith.constant 3 : i32
    %dma_start3A_92 = arith.constant 3 : i32
    %dma_start3A_93 = arith.constant 3 : i32
    %dma_start3A_94 = arith.constant 0 : i32
    %dma_start3A_95 = arith.constant 0 : i32
    %dma_start3A_96 = tpu.memref_slice %arg8[%dma_start3A_92, %dma_start3A_94, %dma_start3A_95] : memref<8x128x32xf32, #tpu.memory_space<vmem>> -> memref<1x128x32xf32, #tpu.memory_space<vmem>>
    %dma_start3A_97 = tpu.memref_squeeze %dma_start3A_96 : memref<1x128x32xf32, #tpu.memory_space<vmem>> -> memref<128x32xf32, #tpu.memory_space<vmem>>
    %dma_start3A_98 = arith.constant 0 : i32
    %dma_start3A_99 = tpu.memref_slice %arg6[%dma_start3A_91, %dma_start3A_98] : memref<80x128xi32, #tpu.memory_space<vmem>> -> memref<1x128xi32, #tpu.memory_space<vmem>>
    %dma_start3A_100 = tpu.memref_squeeze %dma_start3A_99 : memref<1x128xi32, #tpu.memory_space<vmem>> -> memref<128xi32, #tpu.memory_space<vmem>>
    %dma_start3A_101 = arith.constant 0 : i32
    %dma_start3A_102 = arith.constant 0 : i32
    %dma_start3A_103 = tpu.memref_slice %arg12[%dma_start3A_101, %dma_start3A_102] : memref<10000x32xf32, #tpu.memory_space<vmem_shared>> -> memref<10000x32xf32, #tpu.memory_space<vmem_shared>>
    %dma_start3A_104 = tpu.memref_slice %arg9[%dma_start3A_93] : memref<8x!tpu.dma_semaphore, #tpu.memory_space<semaphore_mem>> -> memref<1x!tpu.dma_semaphore, #tpu.memory_space<semaphore_mem>>
    %dma_start3A_105 = tpu.memref_squeeze %dma_start3A_104 : memref<1x!tpu.dma_semaphore, #tpu.memory_space<semaphore_mem>> -> memref<!tpu.dma_semaphore, #tpu.memory_space<semaphore_mem>>
    tpu.enqueue_indirect_dma source(%dma_start3A_103 : memref<10000x32xf32, #tpu.memory_space<vmem_shared>>) target(%dma_start3A_97 : memref<128x32xf32, #tpu.memory_space<vmem>>) offsets(%dma_start3A_100 : memref<128xi32, #tpu.memory_space<vmem>>) semaphore(%dma_start3A_105 : memref<!tpu.dma_semaphore, #tpu.memory_space<semaphore_mem>>)
    %scan3A = arith.constant 0 : i32
    %scan3A_106 = arith.constant 0 : i32
    %scan3A_107 = arith.constant 10 : i32
    %scan3A_108 = arith.addi %scan3A_106, %scan3A_107 : i32
    %scan3A_109 = arith.constant 1 : i32
    scf.for %scan3A_285 = %scan3A_106 to %scan3A_108 step %scan3A_109  : i32 {
      %mul3A_286 = arith.constant 8 : i32
      %mul3A_287 = arith.muli %scan3A_285, %mul3A_286 : i32
      %add3A_288 = arith.constant 0 : i32
      %add3A_289 = arith.addi %mul3A_287, %add3A_288 : i32
      %dma_wait3A_290 = arith.constant 0 : i32
      %dma_wait3A_291 = arith.constant 0 : i32
      %dma_wait3A_292 = arith.constant 0 : i32
      %dma_wait3A_293 = arith.constant 0 : i32
      %dma_wait3A_294 = tpu.memref_slice %arg8[%dma_wait3A_290, %dma_wait3A_292, %dma_wait3A_293] : memref<8x128x32xf32, #tpu.memory_space<vmem>> -> memref<1x128x32xf32, #tpu.memory_space<vmem>>
      %dma_wait3A_295 = tpu.memref_squeeze %dma_wait3A_294 : memref<1x128x32xf32, #tpu.memory_space<vmem>> -> memref<128x32xf32, #tpu.memory_space<vmem>>
      %dma_wait3A_296 = arith.constant 0 : i32
      %dma_wait3A_297 = tpu.memref_slice %arg6[%add3A_289, %dma_wait3A_296] : memref<80x128xi32, #tpu.memory_space<vmem>> -> memref<1x128xi32, #tpu.memory_space<vmem>>
      %dma_wait3A_298 = tpu.memref_squeeze %dma_wait3A_297 : memref<1x128xi32, #tpu.memory_space<vmem>> -> memref<128xi32, #tpu.memory_space<vmem>>
      %dma_wait3A_299 = arith.constant 0 : i32
      %dma_wait3A_300 = arith.constant 0 : i32
      %dma_wait3A_301 = tpu.memref_slice %arg12[%dma_wait3A_299, %dma_wait3A_300] : memref<10000x32xf32, #tpu.memory_space<vmem_shared>> -> memref<10000x32xf32, #tpu.memory_space<vmem_shared>>
      %dma_wait3A_302 = tpu.memref_slice %arg9[%dma_wait3A_291] : memref<8x!tpu.dma_semaphore, #tpu.memory_space<semaphore_mem>> -> memref<1x!tpu.dma_semaphore, #tpu.memory_space<semaphore_mem>>
      %dma_wait3A_303 = tpu.memref_squeeze %dma_wait3A_302 : memref<1x!tpu.dma_semaphore, #tpu.memory_space<semaphore_mem>> -> memref<!tpu.dma_semaphore, #tpu.memory_space<semaphore_mem>>
      tpu.wait_indirect_dma semaphore(%dma_wait3A_303 : memref<!tpu.dma_semaphore, #tpu.memory_space<semaphore_mem>>) src(%dma_wait3A_301 : memref<10000x32xf32, #tpu.memory_space<vmem_shared>>) dst(%dma_wait3A_295 : memref<128x32xf32, #tpu.memory_space<vmem>>)
      %dma_start3A_304 = arith.constant 0 : i32
      %dma_start3A_305 = arith.constant 0 : i32
      %dma_start3A_306 = arith.constant 0 : i32
      %dma_start3A_307 = arith.constant 0 : i32
      %dma_start3A_308 = tpu.memref_slice %arg8[%dma_start3A_304, %dma_start3A_306, %dma_start3A_307] : memref<8x128x32xf32, #tpu.memory_space<vmem>> -> memref<1x128x32xf32, #tpu.memory_space<vmem>>
      %dma_start3A_309 = tpu.memref_squeeze %dma_start3A_308 : memref<1x128x32xf32, #tpu.memory_space<vmem>> -> memref<128x32xf32, #tpu.memory_space<vmem>>
      %dma_start3A_310 = arith.constant 0 : i32
      %dma_start3A_311 = tpu.memref_slice %arg7[%add3A_289, %dma_start3A_310] : memref<80x128xi32, #tpu.memory_space<vmem>> -> memref<1x128xi32, #tpu.memory_space<vmem>>
      %dma_start3A_312 = tpu.memref_squeeze %dma_start3A_311 : memref<1x128xi32, #tpu.memory_space<vmem>> -> memref<128xi32, #tpu.memory_space<vmem>>
      %dma_start3A_313 = arith.constant 0 : i32
      %dma_start3A_314 = arith.constant 0 : i32
      %dma_start3A_315 = tpu.memref_slice %arg11[%dma_start3A_313, %dma_start3A_314] : memref<10240x32xf32, #tpu.memory_space<vmem_shared>> -> memref<10240x32xf32, #tpu.memory_space<vmem_shared>>
      %dma_start3A_316 = tpu.memref_slice %arg10[%dma_start3A_305] : memref<8x!tpu.dma_semaphore, #tpu.memory_space<semaphore_mem>> -> memref<1x!tpu.dma_semaphore, #tpu.memory_space<semaphore_mem>>
      %dma_start3A_317 = tpu.memref_squeeze %dma_start3A_316 : memref<1x!tpu.dma_semaphore, #tpu.memory_space<semaphore_mem>> -> memref<!tpu.dma_semaphore, #tpu.memory_space<semaphore_mem>>
      tpu.enqueue_indirect_dma source(%dma_start3A_309 : memref<128x32xf32, #tpu.memory_space<vmem>>) target(%dma_start3A_315 : memref<10240x32xf32, #tpu.memory_space<vmem_shared>>) offsets(%dma_start3A_312 : memref<128xi32, #tpu.memory_space<vmem>>) semaphore(%dma_start3A_317 : memref<!tpu.dma_semaphore, #tpu.memory_space<semaphore_mem>>) {add = true}
      %add3A_318 = arith.constant 4 : i32
      %add3A_319 = arith.addi %add3A_289, %add3A_318 : i32
      %lt3A = arith.constant 80 : i32
      %lt3A_320 = arith.cmpi slt, %add3A_319, %lt3A : i32
      %convert_element_type3A = arith.extui %lt3A_320 : i1 to i32
      %cond3A = arith.constant 0 : i32
      %cond3A_321 = arith.cmpi ne, %convert_element_type3A, %cond3A : i32
      scf.if %cond3A_321 {
        %ge3A = arith.constant 8 : i32
        %ge3A_595 = arith.cmpi sge, %add3A_319, %ge3A : i32
        %convert_element_type3A_596 = arith.extui %ge3A_595 : i1 to i32
        %cond3A_597 = arith.constant 0 : i32
        %cond3A_598 = arith.cmpi ne, %convert_element_type3A_596, %cond3A_597 : i32
        scf.if %cond3A_598 {
          %dma_wait3A_613 = arith.constant 4 : i32
          %dma_wait3A_614 = arith.constant 4 : i32
          %dma_wait3A_615 = arith.constant 0 : i32
          %dma_wait3A_616 = arith.constant 0 : i32
          %dma_wait3A_617 = tpu.memref_slice %arg8[%dma_wait3A_613, %dma_wait3A_615, %dma_wait3A_616] : memref<8x128x32xf32, #tpu.memory_space<vmem>> -> memref<1x128x32xf32, #tpu.memory_space<vmem>>
          %dma_wait3A_618 = tpu.memref_squeeze %dma_wait3A_617 : memref<1x128x32xf32, #tpu.memory_space<vmem>> -> memref<128x32xf32, #tpu.memory_space<vmem>>
          %dma_wait3A_619 = arith.constant 0 : i32
          %dma_wait3A_620 = arith.constant 0 : i32
          %dma_wait3A_621 = tpu.memref_slice %arg4[%dma_wait3A_619, %dma_wait3A_620] : memref<10000x32xf32, #tpu.memory_space<hbm>> -> memref<128x32xf32, #tpu.memory_space<hbm>>
          %dma_wait3A_622 = tpu.memref_slice %arg10[%dma_wait3A_614] : memref<8x!tpu.dma_semaphore, #tpu.memory_space<semaphore_mem>> -> memref<1x!tpu.dma_semaphore, #tpu.memory_space<semaphore_mem>>
          %dma_wait3A_623 = tpu.memref_squeeze %dma_wait3A_622 : memref<1x!tpu.dma_semaphore, #tpu.memory_space<semaphore_mem>> -> memref<!tpu.dma_semaphore, #tpu.memory_space<semaphore_mem>>
          %dma_wait3A_624 = arith.constant 0 : i32
          %dma_wait3A_625 = arith.constant 0 : i32
          %dma_wait3A_626 = tpu.memref_slice %arg8[%dma_wait3A_613, %dma_wait3A_624, %dma_wait3A_625] : memref<8x128x32xf32, #tpu.memory_space<vmem>> -> memref<1x128x32xf32, #tpu.memory_space<vmem>>
          %dma_wait3A_627 = tpu.memref_squeeze %dma_wait3A_626 : memref<1x128x32xf32, #tpu.memory_space<vmem>> -> memref<128x32xf32, #tpu.memory_space<vmem>>
          %dma_wait3A_628 = arith.constant 0 : i32
          %dma_wait3A_629 = arith.constant 0 : i32
          %dma_wait3A_630 = tpu.memref_slice %arg4[%dma_wait3A_628, %dma_wait3A_629] : memref<10000x32xf32, #tpu.memory_space<hbm>> -> memref<128x32xf32, #tpu.memory_space<hbm>>
          tpu.wait_dma2 semaphore(%dma_wait3A_623 : memref<!tpu.dma_semaphore, #tpu.memory_space<semaphore_mem>>) src(%dma_wait3A_630 : memref<128x32xf32, #tpu.memory_space<hbm>>) dst(%dma_wait3A_627 : memref<128x32xf32, #tpu.memory_space<vmem>>)
        } else {
        }
        %dma_start3A_599 = arith.constant 4 : i32
        %dma_start3A_600 = arith.constant 4 : i32
        %dma_start3A_601 = arith.constant 0 : i32
        %dma_start3A_602 = arith.constant 0 : i32
        %dma_start3A_603 = tpu.memref_slice %arg8[%dma_start3A_599, %dma_start3A_601, %dma_start3A_602] : memref<8x128x32xf32, #tpu.memory_space<vmem>> -> memref<1x128x32xf32, #tpu.memory_space<vmem>>
        %dma_start3A_604 = tpu.memref_squeeze %dma_start3A_603 : memref<1x128x32xf32, #tpu.memory_space<vmem>> -> memref<128x32xf32, #tpu.memory_space<vmem>>
        %dma_start3A_605 = arith.constant 0 : i32
        %dma_start3A_606 = tpu.memref_slice %arg6[%add3A_319, %dma_start3A_605] : memref<80x128xi32, #tpu.memory_space<vmem>> -> memref<1x128xi32, #tpu.memory_space<vmem>>
        %dma_start3A_607 = tpu.memref_squeeze %dma_start3A_606 : memref<1x128xi32, #tpu.memory_space<vmem>> -> memref<128xi32, #tpu.memory_space<vmem>>
        %dma_start3A_608 = arith.constant 0 : i32
        %dma_start3A_609 = arith.constant 0 : i32
        %dma_start3A_610 = tpu.memref_slice %arg12[%dma_start3A_608, %dma_start3A_609] : memref<10000x32xf32, #tpu.memory_space<vmem_shared>> -> memref<10000x32xf32, #tpu.memory_space<vmem_shared>>
        %dma_start3A_611 = tpu.memref_slice %arg9[%dma_start3A_600] : memref<8x!tpu.dma_semaphore, #tpu.memory_space<semaphore_mem>> -> memref<1x!tpu.dma_semaphore, #tpu.memory_space<semaphore_mem>>
        %dma_start3A_612 = tpu.memref_squeeze %dma_start3A_611 : memref<1x!tpu.dma_semaphore, #tpu.memory_space<semaphore_mem>> -> memref<!tpu.dma_semaphore, #tpu.memory_space<semaphore_mem>>
        tpu.enqueue_indirect_dma source(%dma_start3A_610 : memref<10000x32xf32, #tpu.memory_space<vmem_shared>>) target(%dma_start3A_604 : memref<128x32xf32, #tpu.memory_space<vmem>>) offsets(%dma_start3A_607 : memref<128xi32, #tpu.memory_space<vmem>>) semaphore(%dma_start3A_612 : memref<!tpu.dma_semaphore, #tpu.memory_space<semaphore_mem>>)
      } else {
      }
      %mul3A_322 = arith.constant 8 : i32
      %mul3A_323 = arith.muli %scan3A_285, %mul3A_322 : i32
      %add3A_324 = arith.constant 1 : i32
      %add3A_325 = arith.addi %mul3A_323, %add3A_324 : i32
      %dma_wait3A_326 = arith.constant 1 : i32
      %dma_wait3A_327 = arith.constant 1 : i32
      %dma_wait3A_328 = arith.constant 0 : i32
      %dma_wait3A_329 = arith.constant 0 : i32
      %dma_wait3A_330 = tpu.memref_slice %arg8[%dma_wait3A_326, %dma_wait3A_328, %dma_wait3A_329] : memref<8x128x32xf32, #tpu.memory_space<vmem>> -> memref<1x128x32xf32, #tpu.memory_space<vmem>>
      %dma_wait3A_331 = tpu.memref_squeeze %dma_wait3A_330 : memref<1x128x32xf32, #tpu.memory_space<vmem>> -> memref<128x32xf32, #tpu.memory_space<vmem>>
      %dma_wait3A_332 = arith.constant 0 : i32
      %dma_wait3A_333 = tpu.memref_slice %arg6[%add3A_325, %dma_wait3A_332] : memref<80x128xi32, #tpu.memory_space<vmem>> -> memref<1x128xi32, #tpu.memory_space<vmem>>
      %dma_wait3A_334 = tpu.memref_squeeze %dma_wait3A_333 : memref<1x128xi32, #tpu.memory_space<vmem>> -> memref<128xi32, #tpu.memory_space<vmem>>
      %dma_wait3A_335 = arith.constant 0 : i32
      %dma_wait3A_336 = arith.constant 0 : i32
      %dma_wait3A_337 = tpu.memref_slice %arg12[%dma_wait3A_335, %dma_wait3A_336] : memref<10000x32xf32, #tpu.memory_space<vmem_shared>> -> memref<10000x32xf32, #tpu.memory_space<vmem_shared>>
      %dma_wait3A_338 = tpu.memref_slice %arg9[%dma_wait3A_327] : memref<8x!tpu.dma_semaphore, #tpu.memory_space<semaphore_mem>> -> memref<1x!tpu.dma_semaphore, #tpu.memory_space<semaphore_mem>>
      %dma_wait3A_339 = tpu.memref_squeeze %dma_wait3A_338 : memref<1x!tpu.dma_semaphore, #tpu.memory_space<semaphore_mem>> -> memref<!tpu.dma_semaphore, #tpu.memory_space<semaphore_mem>>
      tpu.wait_indirect_dma semaphore(%dma_wait3A_339 : memref<!tpu.dma_semaphore, #tpu.memory_space<semaphore_mem>>) src(%dma_wait3A_337 : memref<10000x32xf32, #tpu.memory_space<vmem_shared>>) dst(%dma_wait3A_331 : memref<128x32xf32, #tpu.memory_space<vmem>>)
      %dma_start3A_340 = arith.constant 1 : i32
      %dma_start3A_341 = arith.constant 1 : i32
      %dma_start3A_342 = arith.constant 0 : i32
      %dma_start3A_343 = arith.constant 0 : i32
      %dma_start3A_344 = tpu.memref_slice %arg8[%dma_start3A_340, %dma_start3A_342, %dma_start3A_343] : memref<8x128x32xf32, #tpu.memory_space<vmem>> -> memref<1x128x32xf32, #tpu.memory_space<vmem>>
      %dma_start3A_345 = tpu.memref_squeeze %dma_start3A_344 : memref<1x128x32xf32, #tpu.memory_space<vmem>> -> memref<128x32xf32, #tpu.memory_space<vmem>>
      %dma_start3A_346 = arith.constant 0 : i32
      %dma_start3A_347 = tpu.memref_slice %arg7[%add3A_325, %dma_start3A_346] : memref<80x128xi32, #tpu.memory_space<vmem>> -> memref<1x128xi32, #tpu.memory_space<vmem>>
      %dma_start3A_348 = tpu.memref_squeeze %dma_start3A_347 : memref<1x128xi32, #tpu.memory_space<vmem>> -> memref<128xi32, #tpu.memory_space<vmem>>
      %dma_start3A_349 = arith.constant 0 : i32
      %dma_start3A_350 = arith.constant 0 : i32
      %dma_start3A_351 = tpu.memref_slice %arg11[%dma_start3A_349, %dma_start3A_350] : memref<10240x32xf32, #tpu.memory_space<vmem_shared>> -> memref<10240x32xf32, #tpu.memory_space<vmem_shared>>
      %dma_start3A_352 = tpu.memref_slice %arg10[%dma_start3A_341] : memref<8x!tpu.dma_semaphore, #tpu.memory_space<semaphore_mem>> -> memref<1x!tpu.dma_semaphore, #tpu.memory_space<semaphore_mem>>
      %dma_start3A_353 = tpu.memref_squeeze %dma_start3A_352 : memref<1x!tpu.dma_semaphore, #tpu.memory_space<semaphore_mem>> -> memref<!tpu.dma_semaphore, #tpu.memory_space<semaphore_mem>>
      tpu.enqueue_indirect_dma source(%dma_start3A_345 : memref<128x32xf32, #tpu.memory_space<vmem>>) target(%dma_start3A_351 : memref<10240x32xf32, #tpu.memory_space<vmem_shared>>) offsets(%dma_start3A_348 : memref<128xi32, #tpu.memory_space<vmem>>) semaphore(%dma_start3A_353 : memref<!tpu.dma_semaphore, #tpu.memory_space<semaphore_mem>>) {add = true}
      %add3A_354 = arith.constant 4 : i32
      %add3A_355 = arith.addi %add3A_325, %add3A_354 : i32
      %lt3A_356 = arith.constant 80 : i32
      %lt3A_357 = arith.cmpi slt, %add3A_355, %lt3A_356 : i32
      %convert_element_type3A_358 = arith.extui %lt3A_357 : i1 to i32
      %cond3A_359 = arith.constant 0 : i32
      %cond3A_360 = arith.cmpi ne, %convert_element_type3A_358, %cond3A_359 : i32
      scf.if %cond3A_360 {
        %ge3A = arith.constant 8 : i32
        %ge3A_595 = arith.cmpi sge, %add3A_355, %ge3A : i32
        %convert_element_type3A_596 = arith.extui %ge3A_595 : i1 to i32
        %cond3A_597 = arith.constant 0 : i32
        %cond3A_598 = arith.cmpi ne, %convert_element_type3A_596, %cond3A_597 : i32
        scf.if %cond3A_598 {
          %dma_wait3A_613 = arith.constant 5 : i32
          %dma_wait3A_614 = arith.constant 5 : i32
          %dma_wait3A_615 = arith.constant 0 : i32
          %dma_wait3A_616 = arith.constant 0 : i32
          %dma_wait3A_617 = tpu.memref_slice %arg8[%dma_wait3A_613, %dma_wait3A_615, %dma_wait3A_616] : memref<8x128x32xf32, #tpu.memory_space<vmem>> -> memref<1x128x32xf32, #tpu.memory_space<vmem>>
          %dma_wait3A_618 = tpu.memref_squeeze %dma_wait3A_617 : memref<1x128x32xf32, #tpu.memory_space<vmem>> -> memref<128x32xf32, #tpu.memory_space<vmem>>
          %dma_wait3A_619 = arith.constant 0 : i32
          %dma_wait3A_620 = arith.constant 0 : i32
          %dma_wait3A_621 = tpu.memref_slice %arg4[%dma_wait3A_619, %dma_wait3A_620] : memref<10000x32xf32, #tpu.memory_space<hbm>> -> memref<128x32xf32, #tpu.memory_space<hbm>>
          %dma_wait3A_622 = tpu.memref_slice %arg10[%dma_wait3A_614] : memref<8x!tpu.dma_semaphore, #tpu.memory_space<semaphore_mem>> -> memref<1x!tpu.dma_semaphore, #tpu.memory_space<semaphore_mem>>
          %dma_wait3A_623 = tpu.memref_squeeze %dma_wait3A_622 : memref<1x!tpu.dma_semaphore, #tpu.memory_space<semaphore_mem>> -> memref<!tpu.dma_semaphore, #tpu.memory_space<semaphore_mem>>
          %dma_wait3A_624 = arith.constant 0 : i32
          %dma_wait3A_625 = arith.constant 0 : i32
          %dma_wait3A_626 = tpu.memref_slice %arg8[%dma_wait3A_613, %dma_wait3A_624, %dma_wait3A_625] : memref<8x128x32xf32, #tpu.memory_space<vmem>> -> memref<1x128x32xf32, #tpu.memory_space<vmem>>
          %dma_wait3A_627 = tpu.memref_squeeze %dma_wait3A_626 : memref<1x128x32xf32, #tpu.memory_space<vmem>> -> memref<128x32xf32, #tpu.memory_space<vmem>>
          %dma_wait3A_628 = arith.constant 0 : i32
          %dma_wait3A_629 = arith.constant 0 : i32
          %dma_wait3A_630 = tpu.memref_slice %arg4[%dma_wait3A_628, %dma_wait3A_629] : memref<10000x32xf32, #tpu.memory_space<hbm>> -> memref<128x32xf32, #tpu.memory_space<hbm>>
          tpu.wait_dma2 semaphore(%dma_wait3A_623 : memref<!tpu.dma_semaphore, #tpu.memory_space<semaphore_mem>>) src(%dma_wait3A_630 : memref<128x32xf32, #tpu.memory_space<hbm>>) dst(%dma_wait3A_627 : memref<128x32xf32, #tpu.memory_space<vmem>>)
        } else {
        }
        %dma_start3A_599 = arith.constant 5 : i32
        %dma_start3A_600 = arith.constant 5 : i32
        %dma_start3A_601 = arith.constant 0 : i32
        %dma_start3A_602 = arith.constant 0 : i32
        %dma_start3A_603 = tpu.memref_slice %arg8[%dma_start3A_599, %dma_start3A_601, %dma_start3A_602] : memref<8x128x32xf32, #tpu.memory_space<vmem>> -> memref<1x128x32xf32, #tpu.memory_space<vmem>>
        %dma_start3A_604 = tpu.memref_squeeze %dma_start3A_603 : memref<1x128x32xf32, #tpu.memory_space<vmem>> -> memref<128x32xf32, #tpu.memory_space<vmem>>
        %dma_start3A_605 = arith.constant 0 : i32
        %dma_start3A_606 = tpu.memref_slice %arg6[%add3A_355, %dma_start3A_605] : memref<80x128xi32, #tpu.memory_space<vmem>> -> memref<1x128xi32, #tpu.memory_space<vmem>>
        %dma_start3A_607 = tpu.memref_squeeze %dma_start3A_606 : memref<1x128xi32, #tpu.memory_space<vmem>> -> memref<128xi32, #tpu.memory_space<vmem>>
        %dma_start3A_608 = arith.constant 0 : i32
        %dma_start3A_609 = arith.constant 0 : i32
        %dma_start3A_610 = tpu.memref_slice %arg12[%dma_start3A_608, %dma_start3A_609] : memref<10000x32xf32, #tpu.memory_space<vmem_shared>> -> memref<10000x32xf32, #tpu.memory_space<vmem_shared>>
        %dma_start3A_611 = tpu.memref_slice %arg9[%dma_start3A_600] : memref<8x!tpu.dma_semaphore, #tpu.memory_space<semaphore_mem>> -> memref<1x!tpu.dma_semaphore, #tpu.memory_space<semaphore_mem>>
        %dma_start3A_612 = tpu.memref_squeeze %dma_start3A_611 : memref<1x!tpu.dma_semaphore, #tpu.memory_space<semaphore_mem>> -> memref<!tpu.dma_semaphore, #tpu.memory_space<semaphore_mem>>
        tpu.enqueue_indirect_dma source(%dma_start3A_610 : memref<10000x32xf32, #tpu.memory_space<vmem_shared>>) target(%dma_start3A_604 : memref<128x32xf32, #tpu.memory_space<vmem>>) offsets(%dma_start3A_607 : memref<128xi32, #tpu.memory_space<vmem>>) semaphore(%dma_start3A_612 : memref<!tpu.dma_semaphore, #tpu.memory_space<semaphore_mem>>)
      } else {
      }
      %mul3A_361 = arith.constant 8 : i32
      %mul3A_362 = arith.muli %scan3A_285, %mul3A_361 : i32
      %add3A_363 = arith.constant 2 : i32
      %add3A_364 = arith.addi %mul3A_362, %add3A_363 : i32
      %dma_wait3A_365 = arith.constant 2 : i32
      %dma_wait3A_366 = arith.constant 2 : i32
      %dma_wait3A_367 = arith.constant 0 : i32
      %dma_wait3A_368 = arith.constant 0 : i32
      %dma_wait3A_369 = tpu.memref_slice %arg8[%dma_wait3A_365, %dma_wait3A_367, %dma_wait3A_368] : memref<8x128x32xf32, #tpu.memory_space<vmem>> -> memref<1x128x32xf32, #tpu.memory_space<vmem>>
      %dma_wait3A_370 = tpu.memref_squeeze %dma_wait3A_369 : memref<1x128x32xf32, #tpu.memory_space<vmem>> -> memref<128x32xf32, #tpu.memory_space<vmem>>
      %dma_wait3A_371 = arith.constant 0 : i32
      %dma_wait3A_372 = tpu.memref_slice %arg6[%add3A_364, %dma_wait3A_371] : memref<80x128xi32, #tpu.memory_space<vmem>> -> memref<1x128xi32, #tpu.memory_space<vmem>>
      %dma_wait3A_373 = tpu.memref_squeeze %dma_wait3A_372 : memref<1x128xi32, #tpu.memory_space<vmem>> -> memref<128xi32, #tpu.memory_space<vmem>>
      %dma_wait3A_374 = arith.constant 0 : i32
      %dma_wait3A_375 = arith.constant 0 : i32
      %dma_wait3A_376 = tpu.memref_slice %arg12[%dma_wait3A_374, %dma_wait3A_375] : memref<10000x32xf32, #tpu.memory_space<vmem_shared>> -> memref<10000x32xf32, #tpu.memory_space<vmem_shared>>
      %dma_wait3A_377 = tpu.memref_slice %arg9[%dma_wait3A_366] : memref<8x!tpu.dma_semaphore, #tpu.memory_space<semaphore_mem>> -> memref<1x!tpu.dma_semaphore, #tpu.memory_space<semaphore_mem>>
      %dma_wait3A_378 = tpu.memref_squeeze %dma_wait3A_377 : memref<1x!tpu.dma_semaphore, #tpu.memory_space<semaphore_mem>> -> memref<!tpu.dma_semaphore, #tpu.memory_space<semaphore_mem>>
      tpu.wait_indirect_dma semaphore(%dma_wait3A_378 : memref<!tpu.dma_semaphore, #tpu.memory_space<semaphore_mem>>) src(%dma_wait3A_376 : memref<10000x32xf32, #tpu.memory_space<vmem_shared>>) dst(%dma_wait3A_370 : memref<128x32xf32, #tpu.memory_space<vmem>>)
      %dma_start3A_379 = arith.constant 2 : i32
      %dma_start3A_380 = arith.constant 2 : i32
      %dma_start3A_381 = arith.constant 0 : i32
      %dma_start3A_382 = arith.constant 0 : i32
      %dma_start3A_383 = tpu.memref_slice %arg8[%dma_start3A_379, %dma_start3A_381, %dma_start3A_382] : memref<8x128x32xf32, #tpu.memory_space<vmem>> -> memref<1x128x32xf32, #tpu.memory_space<vmem>>
      %dma_start3A_384 = tpu.memref_squeeze %dma_start3A_383 : memref<1x128x32xf32, #tpu.memory_space<vmem>> -> memref<128x32xf32, #tpu.memory_space<vmem>>
      %dma_start3A_385 = arith.constant 0 : i32
      %dma_start3A_386 = tpu.memref_slice %arg7[%add3A_364, %dma_start3A_385] : memref<80x128xi32, #tpu.memory_space<vmem>> -> memref<1x128xi32, #tpu.memory_space<vmem>>
      %dma_start3A_387 = tpu.memref_squeeze %dma_start3A_386 : memref<1x128xi32, #tpu.memory_space<vmem>> -> memref<128xi32, #tpu.memory_space<vmem>>
      %dma_start3A_388 = arith.constant 0 : i32
      %dma_start3A_389 = arith.constant 0 : i32
      %dma_start3A_390 = tpu.memref_slice %arg11[%dma_start3A_388, %dma_start3A_389] : memref<10240x32xf32, #tpu.memory_space<vmem_shared>> -> memref<10240x32xf32, #tpu.memory_space<vmem_shared>>
      %dma_start3A_391 = tpu.memref_slice %arg10[%dma_start3A_380] : memref<8x!tpu.dma_semaphore, #tpu.memory_space<semaphore_mem>> -> memref<1x!tpu.dma_semaphore, #tpu.memory_space<semaphore_mem>>
      %dma_start3A_392 = tpu.memref_squeeze %dma_start3A_391 : memref<1x!tpu.dma_semaphore, #tpu.memory_space<semaphore_mem>> -> memref<!tpu.dma_semaphore, #tpu.memory_space<semaphore_mem>>
      tpu.enqueue_indirect_dma source(%dma_start3A_384 : memref<128x32xf32, #tpu.memory_space<vmem>>) target(%dma_start3A_390 : memref<10240x32xf32, #tpu.memory_space<vmem_shared>>) offsets(%dma_start3A_387 : memref<128xi32, #tpu.memory_space<vmem>>) semaphore(%dma_start3A_392 : memref<!tpu.dma_semaphore, #tpu.memory_space<semaphore_mem>>) {add = true}
      %add3A_393 = arith.constant 4 : i32
      %add3A_394 = arith.addi %add3A_364, %add3A_393 : i32
      %lt3A_395 = arith.constant 80 : i32
      %lt3A_396 = arith.cmpi slt, %add3A_394, %lt3A_395 : i32
      %convert_element_type3A_397 = arith.extui %lt3A_396 : i1 to i32
      %cond3A_398 = arith.constant 0 : i32
      %cond3A_399 = arith.cmpi ne, %convert_element_type3A_397, %cond3A_398 : i32
      scf.if %cond3A_399 {
        %ge3A = arith.constant 8 : i32
        %ge3A_595 = arith.cmpi sge, %add3A_394, %ge3A : i32
        %convert_element_type3A_596 = arith.extui %ge3A_595 : i1 to i32
        %cond3A_597 = arith.constant 0 : i32
        %cond3A_598 = arith.cmpi ne, %convert_element_type3A_596, %cond3A_597 : i32
        scf.if %cond3A_598 {
          %dma_wait3A_613 = arith.constant 6 : i32
          %dma_wait3A_614 = arith.constant 6 : i32
          %dma_wait3A_615 = arith.constant 0 : i32
          %dma_wait3A_616 = arith.constant 0 : i32
          %dma_wait3A_617 = tpu.memref_slice %arg8[%dma_wait3A_613, %dma_wait3A_615, %dma_wait3A_616] : memref<8x128x32xf32, #tpu.memory_space<vmem>> -> memref<1x128x32xf32, #tpu.memory_space<vmem>>
          %dma_wait3A_618 = tpu.memref_squeeze %dma_wait3A_617 : memref<1x128x32xf32, #tpu.memory_space<vmem>> -> memref<128x32xf32, #tpu.memory_space<vmem>>
          %dma_wait3A_619 = arith.constant 0 : i32
          %dma_wait3A_620 = arith.constant 0 : i32
          %dma_wait3A_621 = tpu.memref_slice %arg4[%dma_wait3A_619, %dma_wait3A_620] : memref<10000x32xf32, #tpu.memory_space<hbm>> -> memref<128x32xf32, #tpu.memory_space<hbm>>
          %dma_wait3A_622 = tpu.memref_slice %arg10[%dma_wait3A_614] : memref<8x!tpu.dma_semaphore, #tpu.memory_space<semaphore_mem>> -> memref<1x!tpu.dma_semaphore, #tpu.memory_space<semaphore_mem>>
          %dma_wait3A_623 = tpu.memref_squeeze %dma_wait3A_622 : memref<1x!tpu.dma_semaphore, #tpu.memory_space<semaphore_mem>> -> memref<!tpu.dma_semaphore, #tpu.memory_space<semaphore_mem>>
          %dma_wait3A_624 = arith.constant 0 : i32
          %dma_wait3A_625 = arith.constant 0 : i32
          %dma_wait3A_626 = tpu.memref_slice %arg8[%dma_wait3A_613, %dma_wait3A_624, %dma_wait3A_625] : memref<8x128x32xf32, #tpu.memory_space<vmem>> -> memref<1x128x32xf32, #tpu.memory_space<vmem>>
          %dma_wait3A_627 = tpu.memref_squeeze %dma_wait3A_626 : memref<1x128x32xf32, #tpu.memory_space<vmem>> -> memref<128x32xf32, #tpu.memory_space<vmem>>
          %dma_wait3A_628 = arith.constant 0 : i32
          %dma_wait3A_629 = arith.constant 0 : i32
          %dma_wait3A_630 = tpu.memref_slice %arg4[%dma_wait3A_628, %dma_wait3A_629] : memref<10000x32xf32, #tpu.memory_space<hbm>> -> memref<128x32xf32, #tpu.memory_space<hbm>>
          tpu.wait_dma2 semaphore(%dma_wait3A_623 : memref<!tpu.dma_semaphore, #tpu.memory_space<semaphore_mem>>) src(%dma_wait3A_630 : memref<128x32xf32, #tpu.memory_space<hbm>>) dst(%dma_wait3A_627 : memref<128x32xf32, #tpu.memory_space<vmem>>)
        } else {
        }
        %dma_start3A_599 = arith.constant 6 : i32
        %dma_start3A_600 = arith.constant 6 : i32
        %dma_start3A_601 = arith.constant 0 : i32
        %dma_start3A_602 = arith.constant 0 : i32
        %dma_start3A_603 = tpu.memref_slice %arg8[%dma_start3A_599, %dma_start3A_601, %dma_start3A_602] : memref<8x128x32xf32, #tpu.memory_space<vmem>> -> memref<1x128x32xf32, #tpu.memory_space<vmem>>
        %dma_start3A_604 = tpu.memref_squeeze %dma_start3A_603 : memref<1x128x32xf32, #tpu.memory_space<vmem>> -> memref<128x32xf32, #tpu.memory_space<vmem>>
        %dma_start3A_605 = arith.constant 0 : i32
        %dma_start3A_606 = tpu.memref_slice %arg6[%add3A_394, %dma_start3A_605] : memref<80x128xi32, #tpu.memory_space<vmem>> -> memref<1x128xi32, #tpu.memory_space<vmem>>
        %dma_start3A_607 = tpu.memref_squeeze %dma_start3A_606 : memref<1x128xi32, #tpu.memory_space<vmem>> -> memref<128xi32, #tpu.memory_space<vmem>>
        %dma_start3A_608 = arith.constant 0 : i32
        %dma_start3A_609 = arith.constant 0 : i32
        %dma_start3A_610 = tpu.memref_slice %arg12[%dma_start3A_608, %dma_start3A_609] : memref<10000x32xf32, #tpu.memory_space<vmem_shared>> -> memref<10000x32xf32, #tpu.memory_space<vmem_shared>>
        %dma_start3A_611 = tpu.memref_slice %arg9[%dma_start3A_600] : memref<8x!tpu.dma_semaphore, #tpu.memory_space<semaphore_mem>> -> memref<1x!tpu.dma_semaphore, #tpu.memory_space<semaphore_mem>>
        %dma_start3A_612 = tpu.memref_squeeze %dma_start3A_611 : memref<1x!tpu.dma_semaphore, #tpu.memory_space<semaphore_mem>> -> memref<!tpu.dma_semaphore, #tpu.memory_space<semaphore_mem>>
        tpu.enqueue_indirect_dma source(%dma_start3A_610 : memref<10000x32xf32, #tpu.memory_space<vmem_shared>>) target(%dma_start3A_604 : memref<128x32xf32, #tpu.memory_space<vmem>>) offsets(%dma_start3A_607 : memref<128xi32, #tpu.memory_space<vmem>>) semaphore(%dma_start3A_612 : memref<!tpu.dma_semaphore, #tpu.memory_space<semaphore_mem>>)
      } else {
      }
      %mul3A_400 = arith.constant 8 : i32
      %mul3A_401 = arith.muli %scan3A_285, %mul3A_400 : i32
      %add3A_402 = arith.constant 3 : i32
      %add3A_403 = arith.addi %mul3A_401, %add3A_402 : i32
      %dma_wait3A_404 = arith.constant 3 : i32
      %dma_wait3A_405 = arith.constant 3 : i32
      %dma_wait3A_406 = arith.constant 0 : i32
      %dma_wait3A_407 = arith.constant 0 : i32
      %dma_wait3A_408 = tpu.memref_slice %arg8[%dma_wait3A_404, %dma_wait3A_406, %dma_wait3A_407] : memref<8x128x32xf32, #tpu.memory_space<vmem>> -> memref<1x128x32xf32, #tpu.memory_space<vmem>>
      %dma_wait3A_409 = tpu.memref_squeeze %dma_wait3A_408 : memref<1x128x32xf32, #tpu.memory_space<vmem>> -> memref<128x32xf32, #tpu.memory_space<vmem>>
      %dma_wait3A_410 = arith.constant 0 : i32
      %dma_wait3A_411 = tpu.memref_slice %arg6[%add3A_403, %dma_wait3A_410] : memref<80x128xi32, #tpu.memory_space<vmem>> -> memref<1x128xi32, #tpu.memory_space<vmem>>
      %dma_wait3A_412 = tpu.memref_squeeze %dma_wait3A_411 : memref<1x128xi32, #tpu.memory_space<vmem>> -> memref<128xi32, #tpu.memory_space<vmem>>
      %dma_wait3A_413 = arith.constant 0 : i32
      %dma_wait3A_414 = arith.constant 0 : i32
      %dma_wait3A_415 = tpu.memref_slice %arg12[%dma_wait3A_413, %dma_wait3A_414] : memref<10000x32xf32, #tpu.memory_space<vmem_shared>> -> memref<10000x32xf32, #tpu.memory_space<vmem_shared>>
      %dma_wait3A_416 = tpu.memref_slice %arg9[%dma_wait3A_405] : memref<8x!tpu.dma_semaphore, #tpu.memory_space<semaphore_mem>> -> memref<1x!tpu.dma_semaphore, #tpu.memory_space<semaphore_mem>>
      %dma_wait3A_417 = tpu.memref_squeeze %dma_wait3A_416 : memref<1x!tpu.dma_semaphore, #tpu.memory_space<semaphore_mem>> -> memref<!tpu.dma_semaphore, #tpu.memory_space<semaphore_mem>>
      tpu.wait_indirect_dma semaphore(%dma_wait3A_417 : memref<!tpu.dma_semaphore, #tpu.memory_space<semaphore_mem>>) src(%dma_wait3A_415 : memref<10000x32xf32, #tpu.memory_space<vmem_shared>>) dst(%dma_wait3A_409 : memref<128x32xf32, #tpu.memory_space<vmem>>)
      %dma_start3A_418 = arith.constant 3 : i32
      %dma_start3A_419 = arith.constant 3 : i32
      %dma_start3A_420 = arith.constant 0 : i32
      %dma_start3A_421 = arith.constant 0 : i32
      %dma_start3A_422 = tpu.memref_slice %arg8[%dma_start3A_418, %dma_start3A_420, %dma_start3A_421] : memref<8x128x32xf32, #tpu.memory_space<vmem>> -> memref<1x128x32xf32, #tpu.memory_space<vmem>>
      %dma_start3A_423 = tpu.memref_squeeze %dma_start3A_422 : memref<1x128x32xf32, #tpu.memory_space<vmem>> -> memref<128x32xf32, #tpu.memory_space<vmem>>
      %dma_start3A_424 = arith.constant 0 : i32
      %dma_start3A_425 = tpu.memref_slice %arg7[%add3A_403, %dma_start3A_424] : memref<80x128xi32, #tpu.memory_space<vmem>> -> memref<1x128xi32, #tpu.memory_space<vmem>>
      %dma_start3A_426 = tpu.memref_squeeze %dma_start3A_425 : memref<1x128xi32, #tpu.memory_space<vmem>> -> memref<128xi32, #tpu.memory_space<vmem>>
      %dma_start3A_427 = arith.constant 0 : i32
      %dma_start3A_428 = arith.constant 0 : i32
      %dma_start3A_429 = tpu.memref_slice %arg11[%dma_start3A_427, %dma_start3A_428] : memref<10240x32xf32, #tpu.memory_space<vmem_shared>> -> memref<10240x32xf32, #tpu.memory_space<vmem_shared>>
      %dma_start3A_430 = tpu.memref_slice %arg10[%dma_start3A_419] : memref<8x!tpu.dma_semaphore, #tpu.memory_space<semaphore_mem>> -> memref<1x!tpu.dma_semaphore, #tpu.memory_space<semaphore_mem>>
      %dma_start3A_431 = tpu.memref_squeeze %dma_start3A_430 : memref<1x!tpu.dma_semaphore, #tpu.memory_space<semaphore_mem>> -> memref<!tpu.dma_semaphore, #tpu.memory_space<semaphore_mem>>
      tpu.enqueue_indirect_dma source(%dma_start3A_423 : memref<128x32xf32, #tpu.memory_space<vmem>>) target(%dma_start3A_429 : memref<10240x32xf32, #tpu.memory_space<vmem_shared>>) offsets(%dma_start3A_426 : memref<128xi32, #tpu.memory_space<vmem>>) semaphore(%dma_start3A_431 : memref<!tpu.dma_semaphore, #tpu.memory_space<semaphore_mem>>) {add = true}
      %add3A_432 = arith.constant 4 : i32
      %add3A_433 = arith.addi %add3A_403, %add3A_432 : i32
      %lt3A_434 = arith.constant 80 : i32
      %lt3A_435 = arith.cmpi slt, %add3A_433, %lt3A_434 : i32
      %convert_element_type3A_436 = arith.extui %lt3A_435 : i1 to i32
      %cond3A_437 = arith.constant 0 : i32
      %cond3A_438 = arith.cmpi ne, %convert_element_type3A_436, %cond3A_437 : i32
      scf.if %cond3A_438 {
        %ge3A = arith.constant 8 : i32
        %ge3A_595 = arith.cmpi sge, %add3A_433, %ge3A : i32
        %convert_element_type3A_596 = arith.extui %ge3A_595 : i1 to i32
        %cond3A_597 = arith.constant 0 : i32
        %cond3A_598 = arith.cmpi ne, %convert_element_type3A_596, %cond3A_597 : i32
        scf.if %cond3A_598 {
          %dma_wait3A_613 = arith.constant 7 : i32
          %dma_wait3A_614 = arith.constant 7 : i32
          %dma_wait3A_615 = arith.constant 0 : i32
          %dma_wait3A_616 = arith.constant 0 : i32
          %dma_wait3A_617 = tpu.memref_slice %arg8[%dma_wait3A_613, %dma_wait3A_615, %dma_wait3A_616] : memref<8x128x32xf32, #tpu.memory_space<vmem>> -> memref<1x128x32xf32, #tpu.memory_space<vmem>>
          %dma_wait3A_618 = tpu.memref_squeeze %dma_wait3A_617 : memref<1x128x32xf32, #tpu.memory_space<vmem>> -> memref<128x32xf32, #tpu.memory_space<vmem>>
          %dma_wait3A_619 = arith.constant 0 : i32
          %dma_wait3A_620 = arith.constant 0 : i32
          %dma_wait3A_621 = tpu.memref_slice %arg4[%dma_wait3A_619, %dma_wait3A_620] : memref<10000x32xf32, #tpu.memory_space<hbm>> -> memref<128x32xf32, #tpu.memory_space<hbm>>
          %dma_wait3A_622 = tpu.memref_slice %arg10[%dma_wait3A_614] : memref<8x!tpu.dma_semaphore, #tpu.memory_space<semaphore_mem>> -> memref<1x!tpu.dma_semaphore, #tpu.memory_space<semaphore_mem>>
          %dma_wait3A_623 = tpu.memref_squeeze %dma_wait3A_622 : memref<1x!tpu.dma_semaphore, #tpu.memory_space<semaphore_mem>> -> memref<!tpu.dma_semaphore, #tpu.memory_space<semaphore_mem>>
          %dma_wait3A_624 = arith.constant 0 : i32
          %dma_wait3A_625 = arith.constant 0 : i32
          %dma_wait3A_626 = tpu.memref_slice %arg8[%dma_wait3A_613, %dma_wait3A_624, %dma_wait3A_625] : memref<8x128x32xf32, #tpu.memory_space<vmem>> -> memref<1x128x32xf32, #tpu.memory_space<vmem>>
          %dma_wait3A_627 = tpu.memref_squeeze %dma_wait3A_626 : memref<1x128x32xf32, #tpu.memory_space<vmem>> -> memref<128x32xf32, #tpu.memory_space<vmem>>
          %dma_wait3A_628 = arith.constant 0 : i32
          %dma_wait3A_629 = arith.constant 0 : i32
          %dma_wait3A_630 = tpu.memref_slice %arg4[%dma_wait3A_628, %dma_wait3A_629] : memref<10000x32xf32, #tpu.memory_space<hbm>> -> memref<128x32xf32, #tpu.memory_space<hbm>>
          tpu.wait_dma2 semaphore(%dma_wait3A_623 : memref<!tpu.dma_semaphore, #tpu.memory_space<semaphore_mem>>) src(%dma_wait3A_630 : memref<128x32xf32, #tpu.memory_space<hbm>>) dst(%dma_wait3A_627 : memref<128x32xf32, #tpu.memory_space<vmem>>)
        } else {
        }
        %dma_start3A_599 = arith.constant 7 : i32
        %dma_start3A_600 = arith.constant 7 : i32
        %dma_start3A_601 = arith.constant 0 : i32
        %dma_start3A_602 = arith.constant 0 : i32
        %dma_start3A_603 = tpu.memref_slice %arg8[%dma_start3A_599, %dma_start3A_601, %dma_start3A_602] : memref<8x128x32xf32, #tpu.memory_space<vmem>> -> memref<1x128x32xf32, #tpu.memory_space<vmem>>
        %dma_start3A_604 = tpu.memref_squeeze %dma_start3A_603 : memref<1x128x32xf32, #tpu.memory_space<vmem>> -> memref<128x32xf32, #tpu.memory_space<vmem>>
        %dma_start3A_605 = arith.constant 0 : i32
        %dma_start3A_606 = tpu.memref_slice %arg6[%add3A_433, %dma_start3A_605] : memref<80x128xi32, #tpu.memory_space<vmem>> -> memref<1x128xi32, #tpu.memory_space<vmem>>
        %dma_start3A_607 = tpu.memref_squeeze %dma_start3A_606 : memref<1x128xi32, #tpu.memory_space<vmem>> -> memref<128xi32, #tpu.memory_space<vmem>>
        %dma_start3A_608 = arith.constant 0 : i32
        %dma_start3A_609 = arith.constant 0 : i32
        %dma_start3A_610 = tpu.memref_slice %arg12[%dma_start3A_608, %dma_start3A_609] : memref<10000x32xf32, #tpu.memory_space<vmem_shared>> -> memref<10000x32xf32, #tpu.memory_space<vmem_shared>>
        %dma_start3A_611 = tpu.memref_slice %arg9[%dma_start3A_600] : memref<8x!tpu.dma_semaphore, #tpu.memory_space<semaphore_mem>> -> memref<1x!tpu.dma_semaphore, #tpu.memory_space<semaphore_mem>>
        %dma_start3A_612 = tpu.memref_squeeze %dma_start3A_611 : memref<1x!tpu.dma_semaphore, #tpu.memory_space<semaphore_mem>> -> memref<!tpu.dma_semaphore, #tpu.memory_space<semaphore_mem>>
        tpu.enqueue_indirect_dma source(%dma_start3A_610 : memref<10000x32xf32, #tpu.memory_space<vmem_shared>>) target(%dma_start3A_604 : memref<128x32xf32, #tpu.memory_space<vmem>>) offsets(%dma_start3A_607 : memref<128xi32, #tpu.memory_space<vmem>>) semaphore(%dma_start3A_612 : memref<!tpu.dma_semaphore, #tpu.memory_space<semaphore_mem>>)
      } else {
      }
      %mul3A_439 = arith.constant 8 : i32
      %mul3A_440 = arith.muli %scan3A_285, %mul3A_439 : i32
      %add3A_441 = arith.constant 4 : i32
      %add3A_442 = arith.addi %mul3A_440, %add3A_441 : i32
      %dma_wait3A_443 = arith.constant 4 : i32
      %dma_wait3A_444 = arith.constant 4 : i32
      %dma_wait3A_445 = arith.constant 0 : i32
      %dma_wait3A_446 = arith.constant 0 : i32
      %dma_wait3A_447 = tpu.memref_slice %arg8[%dma_wait3A_443, %dma_wait3A_445, %dma_wait3A_446] : memref<8x128x32xf32, #tpu.memory_space<vmem>> -> memref<1x128x32xf32, #tpu.memory_space<vmem>>
      %dma_wait3A_448 = tpu.memref_squeeze %dma_wait3A_447 : memref<1x128x32xf32, #tpu.memory_space<vmem>> -> memref<128x32xf32, #tpu.memory_space<vmem>>
      %dma_wait3A_449 = arith.constant 0 : i32
      %dma_wait3A_450 = tpu.memref_slice %arg6[%add3A_442, %dma_wait3A_449] : memref<80x128xi32, #tpu.memory_space<vmem>> -> memref<1x128xi32, #tpu.memory_space<vmem>>
      %dma_wait3A_451 = tpu.memref_squeeze %dma_wait3A_450 : memref<1x128xi32, #tpu.memory_space<vmem>> -> memref<128xi32, #tpu.memory_space<vmem>>
      %dma_wait3A_452 = arith.constant 0 : i32
      %dma_wait3A_453 = arith.constant 0 : i32
      %dma_wait3A_454 = tpu.memref_slice %arg12[%dma_wait3A_452, %dma_wait3A_453] : memref<10000x32xf32, #tpu.memory_space<vmem_shared>> -> memref<10000x32xf32, #tpu.memory_space<vmem_shared>>
      %dma_wait3A_455 = tpu.memref_slice %arg9[%dma_wait3A_444] : memref<8x!tpu.dma_semaphore, #tpu.memory_space<semaphore_mem>> -> memref<1x!tpu.dma_semaphore, #tpu.memory_space<semaphore_mem>>
      %dma_wait3A_456 = tpu.memref_squeeze %dma_wait3A_455 : memref<1x!tpu.dma_semaphore, #tpu.memory_space<semaphore_mem>> -> memref<!tpu.dma_semaphore, #tpu.memory_space<semaphore_mem>>
      tpu.wait_indirect_dma semaphore(%dma_wait3A_456 : memref<!tpu.dma_semaphore, #tpu.memory_space<semaphore_mem>>) src(%dma_wait3A_454 : memref<10000x32xf32, #tpu.memory_space<vmem_shared>>) dst(%dma_wait3A_448 : memref<128x32xf32, #tpu.memory_space<vmem>>)
      %dma_start3A_457 = arith.constant 4 : i32
      %dma_start3A_458 = arith.constant 4 : i32
      %dma_start3A_459 = arith.constant 0 : i32
      %dma_start3A_460 = arith.constant 0 : i32
      %dma_start3A_461 = tpu.memref_slice %arg8[%dma_start3A_457, %dma_start3A_459, %dma_start3A_460] : memref<8x128x32xf32, #tpu.memory_space<vmem>> -> memref<1x128x32xf32, #tpu.memory_space<vmem>>
      %dma_start3A_462 = tpu.memref_squeeze %dma_start3A_461 : memref<1x128x32xf32, #tpu.memory_space<vmem>> -> memref<128x32xf32, #tpu.memory_space<vmem>>
      %dma_start3A_463 = arith.constant 0 : i32
      %dma_start3A_464 = tpu.memref_slice %arg7[%add3A_442, %dma_start3A_463] : memref<80x128xi32, #tpu.memory_space<vmem>> -> memref<1x128xi32, #tpu.memory_space<vmem>>
      %dma_start3A_465 = tpu.memref_squeeze %dma_start3A_464 : memref<1x128xi32, #tpu.memory_space<vmem>> -> memref<128xi32, #tpu.memory_space<vmem>>
      %dma_start3A_466 = arith.constant 0 : i32
      %dma_start3A_467 = arith.constant 0 : i32
      %dma_start3A_468 = tpu.memref_slice %arg11[%dma_start3A_466, %dma_start3A_467] : memref<10240x32xf32, #tpu.memory_space<vmem_shared>> -> memref<10240x32xf32, #tpu.memory_space<vmem_shared>>
      %dma_start3A_469 = tpu.memref_slice %arg10[%dma_start3A_458] : memref<8x!tpu.dma_semaphore, #tpu.memory_space<semaphore_mem>> -> memref<1x!tpu.dma_semaphore, #tpu.memory_space<semaphore_mem>>
      %dma_start3A_470 = tpu.memref_squeeze %dma_start3A_469 : memref<1x!tpu.dma_semaphore, #tpu.memory_space<semaphore_mem>> -> memref<!tpu.dma_semaphore, #tpu.memory_space<semaphore_mem>>
      tpu.enqueue_indirect_dma source(%dma_start3A_462 : memref<128x32xf32, #tpu.memory_space<vmem>>) target(%dma_start3A_468 : memref<10240x32xf32, #tpu.memory_space<vmem_shared>>) offsets(%dma_start3A_465 : memref<128xi32, #tpu.memory_space<vmem>>) semaphore(%dma_start3A_470 : memref<!tpu.dma_semaphore, #tpu.memory_space<semaphore_mem>>) {add = true}
      %add3A_471 = arith.constant 4 : i32
      %add3A_472 = arith.addi %add3A_442, %add3A_471 : i32
      %lt3A_473 = arith.constant 80 : i32
      %lt3A_474 = arith.cmpi slt, %add3A_472, %lt3A_473 : i32
      %convert_element_type3A_475 = arith.extui %lt3A_474 : i1 to i32
      %cond3A_476 = arith.constant 0 : i32
      %cond3A_477 = arith.cmpi ne, %convert_element_type3A_475, %cond3A_476 : i32
      scf.if %cond3A_477 {
        %ge3A = arith.constant 8 : i32
        %ge3A_595 = arith.cmpi sge, %add3A_472, %ge3A : i32
        %convert_element_type3A_596 = arith.extui %ge3A_595 : i1 to i32
        %cond3A_597 = arith.constant 0 : i32
        %cond3A_598 = arith.cmpi ne, %convert_element_type3A_596, %cond3A_597 : i32
        scf.if %cond3A_598 {
          %dma_wait3A_613 = arith.constant 0 : i32
          %dma_wait3A_614 = arith.constant 0 : i32
          %dma_wait3A_615 = arith.constant 0 : i32
          %dma_wait3A_616 = arith.constant 0 : i32
          %dma_wait3A_617 = tpu.memref_slice %arg8[%dma_wait3A_613, %dma_wait3A_615, %dma_wait3A_616] : memref<8x128x32xf32, #tpu.memory_space<vmem>> -> memref<1x128x32xf32, #tpu.memory_space<vmem>>
          %dma_wait3A_618 = tpu.memref_squeeze %dma_wait3A_617 : memref<1x128x32xf32, #tpu.memory_space<vmem>> -> memref<128x32xf32, #tpu.memory_space<vmem>>
          %dma_wait3A_619 = arith.constant 0 : i32
          %dma_wait3A_620 = arith.constant 0 : i32
          %dma_wait3A_621 = tpu.memref_slice %arg4[%dma_wait3A_619, %dma_wait3A_620] : memref<10000x32xf32, #tpu.memory_space<hbm>> -> memref<128x32xf32, #tpu.memory_space<hbm>>
          %dma_wait3A_622 = tpu.memref_slice %arg10[%dma_wait3A_614] : memref<8x!tpu.dma_semaphore, #tpu.memory_space<semaphore_mem>> -> memref<1x!tpu.dma_semaphore, #tpu.memory_space<semaphore_mem>>
          %dma_wait3A_623 = tpu.memref_squeeze %dma_wait3A_622 : memref<1x!tpu.dma_semaphore, #tpu.memory_space<semaphore_mem>> -> memref<!tpu.dma_semaphore, #tpu.memory_space<semaphore_mem>>
          %dma_wait3A_624 = arith.constant 0 : i32
          %dma_wait3A_625 = arith.constant 0 : i32
          %dma_wait3A_626 = tpu.memref_slice %arg8[%dma_wait3A_613, %dma_wait3A_624, %dma_wait3A_625] : memref<8x128x32xf32, #tpu.memory_space<vmem>> -> memref<1x128x32xf32, #tpu.memory_space<vmem>>
          %dma_wait3A_627 = tpu.memref_squeeze %dma_wait3A_626 : memref<1x128x32xf32, #tpu.memory_space<vmem>> -> memref<128x32xf32, #tpu.memory_space<vmem>>
          %dma_wait3A_628 = arith.constant 0 : i32
          %dma_wait3A_629 = arith.constant 0 : i32
          %dma_wait3A_630 = tpu.memref_slice %arg4[%dma_wait3A_628, %dma_wait3A_629] : memref<10000x32xf32, #tpu.memory_space<hbm>> -> memref<128x32xf32, #tpu.memory_space<hbm>>
          tpu.wait_dma2 semaphore(%dma_wait3A_623 : memref<!tpu.dma_semaphore, #tpu.memory_space<semaphore_mem>>) src(%dma_wait3A_630 : memref<128x32xf32, #tpu.memory_space<hbm>>) dst(%dma_wait3A_627 : memref<128x32xf32, #tpu.memory_space<vmem>>)
        } else {
        }
        %dma_start3A_599 = arith.constant 0 : i32
        %dma_start3A_600 = arith.constant 0 : i32
        %dma_start3A_601 = arith.constant 0 : i32
        %dma_start3A_602 = arith.constant 0 : i32
        %dma_start3A_603 = tpu.memref_slice %arg8[%dma_start3A_599, %dma_start3A_601, %dma_start3A_602] : memref<8x128x32xf32, #tpu.memory_space<vmem>> -> memref<1x128x32xf32, #tpu.memory_space<vmem>>
        %dma_start3A_604 = tpu.memref_squeeze %dma_start3A_603 : memref<1x128x32xf32, #tpu.memory_space<vmem>> -> memref<128x32xf32, #tpu.memory_space<vmem>>
        %dma_start3A_605 = arith.constant 0 : i32
        %dma_start3A_606 = tpu.memref_slice %arg6[%add3A_472, %dma_start3A_605] : memref<80x128xi32, #tpu.memory_space<vmem>> -> memref<1x128xi32, #tpu.memory_space<vmem>>
        %dma_start3A_607 = tpu.memref_squeeze %dma_start3A_606 : memref<1x128xi32, #tpu.memory_space<vmem>> -> memref<128xi32, #tpu.memory_space<vmem>>
        %dma_start3A_608 = arith.constant 0 : i32
        %dma_start3A_609 = arith.constant 0 : i32
        %dma_start3A_610 = tpu.memref_slice %arg12[%dma_start3A_608, %dma_start3A_609] : memref<10000x32xf32, #tpu.memory_space<vmem_shared>> -> memref<10000x32xf32, #tpu.memory_space<vmem_shared>>
        %dma_start3A_611 = tpu.memref_slice %arg9[%dma_start3A_600] : memref<8x!tpu.dma_semaphore, #tpu.memory_space<semaphore_mem>> -> memref<1x!tpu.dma_semaphore, #tpu.memory_space<semaphore_mem>>
        %dma_start3A_612 = tpu.memref_squeeze %dma_start3A_611 : memref<1x!tpu.dma_semaphore, #tpu.memory_space<semaphore_mem>> -> memref<!tpu.dma_semaphore, #tpu.memory_space<semaphore_mem>>
        tpu.enqueue_indirect_dma source(%dma_start3A_610 : memref<10000x32xf32, #tpu.memory_space<vmem_shared>>) target(%dma_start3A_604 : memref<128x32xf32, #tpu.memory_space<vmem>>) offsets(%dma_start3A_607 : memref<128xi32, #tpu.memory_space<vmem>>) semaphore(%dma_start3A_612 : memref<!tpu.dma_semaphore, #tpu.memory_space<semaphore_mem>>)
      } else {
      }
      %mul3A_478 = arith.constant 8 : i32
      %mul3A_479 = arith.muli %scan3A_285, %mul3A_478 : i32
      %add3A_480 = arith.constant 5 : i32
      %add3A_481 = arith.addi %mul3A_479, %add3A_480 : i32
      %dma_wait3A_482 = arith.constant 5 : i32
      %dma_wait3A_483 = arith.constant 5 : i32
      %dma_wait3A_484 = arith.constant 0 : i32
      %dma_wait3A_485 = arith.constant 0 : i32
      %dma_wait3A_486 = tpu.memref_slice %arg8[%dma_wait3A_482, %dma_wait3A_484, %dma_wait3A_485] : memref<8x128x32xf32, #tpu.memory_space<vmem>> -> memref<1x128x32xf32, #tpu.memory_space<vmem>>
      %dma_wait3A_487 = tpu.memref_squeeze %dma_wait3A_486 : memref<1x128x32xf32, #tpu.memory_space<vmem>> -> memref<128x32xf32, #tpu.memory_space<vmem>>
      %dma_wait3A_488 = arith.constant 0 : i32
      %dma_wait3A_489 = tpu.memref_slice %arg6[%add3A_481, %dma_wait3A_488] : memref<80x128xi32, #tpu.memory_space<vmem>> -> memref<1x128xi32, #tpu.memory_space<vmem>>
      %dma_wait3A_490 = tpu.memref_squeeze %dma_wait3A_489 : memref<1x128xi32, #tpu.memory_space<vmem>> -> memref<128xi32, #tpu.memory_space<vmem>>
      %dma_wait3A_491 = arith.constant 0 : i32
      %dma_wait3A_492 = arith.constant 0 : i32
      %dma_wait3A_493 = tpu.memref_slice %arg12[%dma_wait3A_491, %dma_wait3A_492] : memref<10000x32xf32, #tpu.memory_space<vmem_shared>> -> memref<10000x32xf32, #tpu.memory_space<vmem_shared>>
      %dma_wait3A_494 = tpu.memref_slice %arg9[%dma_wait3A_483] : memref<8x!tpu.dma_semaphore, #tpu.memory_space<semaphore_mem>> -> memref<1x!tpu.dma_semaphore, #tpu.memory_space<semaphore_mem>>
      %dma_wait3A_495 = tpu.memref_squeeze %dma_wait3A_494 : memref<1x!tpu.dma_semaphore, #tpu.memory_space<semaphore_mem>> -> memref<!tpu.dma_semaphore, #tpu.memory_space<semaphore_mem>>
      tpu.wait_indirect_dma semaphore(%dma_wait3A_495 : memref<!tpu.dma_semaphore, #tpu.memory_space<semaphore_mem>>) src(%dma_wait3A_493 : memref<10000x32xf32, #tpu.memory_space<vmem_shared>>) dst(%dma_wait3A_487 : memref<128x32xf32, #tpu.memory_space<vmem>>)
      %dma_start3A_496 = arith.constant 5 : i32
      %dma_start3A_497 = arith.constant 5 : i32
      %dma_start3A_498 = arith.constant 0 : i32
      %dma_start3A_499 = arith.constant 0 : i32
      %dma_start3A_500 = tpu.memref_slice %arg8[%dma_start3A_496, %dma_start3A_498, %dma_start3A_499] : memref<8x128x32xf32, #tpu.memory_space<vmem>> -> memref<1x128x32xf32, #tpu.memory_space<vmem>>
      %dma_start3A_501 = tpu.memref_squeeze %dma_start3A_500 : memref<1x128x32xf32, #tpu.memory_space<vmem>> -> memref<128x32xf32, #tpu.memory_space<vmem>>
      %dma_start3A_502 = arith.constant 0 : i32
      %dma_start3A_503 = tpu.memref_slice %arg7[%add3A_481, %dma_start3A_502] : memref<80x128xi32, #tpu.memory_space<vmem>> -> memref<1x128xi32, #tpu.memory_space<vmem>>
      %dma_start3A_504 = tpu.memref_squeeze %dma_start3A_503 : memref<1x128xi32, #tpu.memory_space<vmem>> -> memref<128xi32, #tpu.memory_space<vmem>>
      %dma_start3A_505 = arith.constant 0 : i32
      %dma_start3A_506 = arith.constant 0 : i32
      %dma_start3A_507 = tpu.memref_slice %arg11[%dma_start3A_505, %dma_start3A_506] : memref<10240x32xf32, #tpu.memory_space<vmem_shared>> -> memref<10240x32xf32, #tpu.memory_space<vmem_shared>>
      %dma_start3A_508 = tpu.memref_slice %arg10[%dma_start3A_497] : memref<8x!tpu.dma_semaphore, #tpu.memory_space<semaphore_mem>> -> memref<1x!tpu.dma_semaphore, #tpu.memory_space<semaphore_mem>>
      %dma_start3A_509 = tpu.memref_squeeze %dma_start3A_508 : memref<1x!tpu.dma_semaphore, #tpu.memory_space<semaphore_mem>> -> memref<!tpu.dma_semaphore, #tpu.memory_space<semaphore_mem>>
      tpu.enqueue_indirect_dma source(%dma_start3A_501 : memref<128x32xf32, #tpu.memory_space<vmem>>) target(%dma_start3A_507 : memref<10240x32xf32, #tpu.memory_space<vmem_shared>>) offsets(%dma_start3A_504 : memref<128xi32, #tpu.memory_space<vmem>>) semaphore(%dma_start3A_509 : memref<!tpu.dma_semaphore, #tpu.memory_space<semaphore_mem>>) {add = true}
      %add3A_510 = arith.constant 4 : i32
      %add3A_511 = arith.addi %add3A_481, %add3A_510 : i32
      %lt3A_512 = arith.constant 80 : i32
      %lt3A_513 = arith.cmpi slt, %add3A_511, %lt3A_512 : i32
      %convert_element_type3A_514 = arith.extui %lt3A_513 : i1 to i32
      %cond3A_515 = arith.constant 0 : i32
      %cond3A_516 = arith.cmpi ne, %convert_element_type3A_514, %cond3A_515 : i32
      scf.if %cond3A_516 {
        %ge3A = arith.constant 8 : i32
        %ge3A_595 = arith.cmpi sge, %add3A_511, %ge3A : i32
        %convert_element_type3A_596 = arith.extui %ge3A_595 : i1 to i32
        %cond3A_597 = arith.constant 0 : i32
        %cond3A_598 = arith.cmpi ne, %convert_element_type3A_596, %cond3A_597 : i32
        scf.if %cond3A_598 {
          %dma_wait3A_613 = arith.constant 1 : i32
          %dma_wait3A_614 = arith.constant 1 : i32
          %dma_wait3A_615 = arith.constant 0 : i32
          %dma_wait3A_616 = arith.constant 0 : i32
          %dma_wait3A_617 = tpu.memref_slice %arg8[%dma_wait3A_613, %dma_wait3A_615, %dma_wait3A_616] : memref<8x128x32xf32, #tpu.memory_space<vmem>> -> memref<1x128x32xf32, #tpu.memory_space<vmem>>
          %dma_wait3A_618 = tpu.memref_squeeze %dma_wait3A_617 : memref<1x128x32xf32, #tpu.memory_space<vmem>> -> memref<128x32xf32, #tpu.memory_space<vmem>>
          %dma_wait3A_619 = arith.constant 0 : i32
          %dma_wait3A_620 = arith.constant 0 : i32
          %dma_wait3A_621 = tpu.memref_slice %arg4[%dma_wait3A_619, %dma_wait3A_620] : memref<10000x32xf32, #tpu.memory_space<hbm>> -> memref<128x32xf32, #tpu.memory_space<hbm>>
          %dma_wait3A_622 = tpu.memref_slice %arg10[%dma_wait3A_614] : memref<8x!tpu.dma_semaphore, #tpu.memory_space<semaphore_mem>> -> memref<1x!tpu.dma_semaphore, #tpu.memory_space<semaphore_mem>>
          %dma_wait3A_623 = tpu.memref_squeeze %dma_wait3A_622 : memref<1x!tpu.dma_semaphore, #tpu.memory_space<semaphore_mem>> -> memref<!tpu.dma_semaphore, #tpu.memory_space<semaphore_mem>>
          %dma_wait3A_624 = arith.constant 0 : i32
          %dma_wait3A_625 = arith.constant 0 : i32
          %dma_wait3A_626 = tpu.memref_slice %arg8[%dma_wait3A_613, %dma_wait3A_624, %dma_wait3A_625] : memref<8x128x32xf32, #tpu.memory_space<vmem>> -> memref<1x128x32xf32, #tpu.memory_space<vmem>>
          %dma_wait3A_627 = tpu.memref_squeeze %dma_wait3A_626 : memref<1x128x32xf32, #tpu.memory_space<vmem>> -> memref<128x32xf32, #tpu.memory_space<vmem>>
          %dma_wait3A_628 = arith.constant 0 : i32
          %dma_wait3A_629 = arith.constant 0 : i32
          %dma_wait3A_630 = tpu.memref_slice %arg4[%dma_wait3A_628, %dma_wait3A_629] : memref<10000x32xf32, #tpu.memory_space<hbm>> -> memref<128x32xf32, #tpu.memory_space<hbm>>
          tpu.wait_dma2 semaphore(%dma_wait3A_623 : memref<!tpu.dma_semaphore, #tpu.memory_space<semaphore_mem>>) src(%dma_wait3A_630 : memref<128x32xf32, #tpu.memory_space<hbm>>) dst(%dma_wait3A_627 : memref<128x32xf32, #tpu.memory_space<vmem>>)
        } else {
        }
        %dma_start3A_599 = arith.constant 1 : i32
        %dma_start3A_600 = arith.constant 1 : i32
        %dma_start3A_601 = arith.constant 0 : i32
        %dma_start3A_602 = arith.constant 0 : i32
        %dma_start3A_603 = tpu.memref_slice %arg8[%dma_start3A_599, %dma_start3A_601, %dma_start3A_602] : memref<8x128x32xf32, #tpu.memory_space<vmem>> -> memref<1x128x32xf32, #tpu.memory_space<vmem>>
        %dma_start3A_604 = tpu.memref_squeeze %dma_start3A_603 : memref<1x128x32xf32, #tpu.memory_space<vmem>> -> memref<128x32xf32, #tpu.memory_space<vmem>>
        %dma_start3A_605 = arith.constant 0 : i32
        %dma_start3A_606 = tpu.memref_slice %arg6[%add3A_511, %dma_start3A_605] : memref<80x128xi32, #tpu.memory_space<vmem>> -> memref<1x128xi32, #tpu.memory_space<vmem>>
        %dma_start3A_607 = tpu.memref_squeeze %dma_start3A_606 : memref<1x128xi32, #tpu.memory_space<vmem>> -> memref<128xi32, #tpu.memory_space<vmem>>
        %dma_start3A_608 = arith.constant 0 : i32
        %dma_start3A_609 = arith.constant 0 : i32
        %dma_start3A_610 = tpu.memref_slice %arg12[%dma_start3A_608, %dma_start3A_609] : memref<10000x32xf32, #tpu.memory_space<vmem_shared>> -> memref<10000x32xf32, #tpu.memory_space<vmem_shared>>
        %dma_start3A_611 = tpu.memref_slice %arg9[%dma_start3A_600] : memref<8x!tpu.dma_semaphore, #tpu.memory_space<semaphore_mem>> -> memref<1x!tpu.dma_semaphore, #tpu.memory_space<semaphore_mem>>
        %dma_start3A_612 = tpu.memref_squeeze %dma_start3A_611 : memref<1x!tpu.dma_semaphore, #tpu.memory_space<semaphore_mem>> -> memref<!tpu.dma_semaphore, #tpu.memory_space<semaphore_mem>>
        tpu.enqueue_indirect_dma source(%dma_start3A_610 : memref<10000x32xf32, #tpu.memory_space<vmem_shared>>) target(%dma_start3A_604 : memref<128x32xf32, #tpu.memory_space<vmem>>) offsets(%dma_start3A_607 : memref<128xi32, #tpu.memory_space<vmem>>) semaphore(%dma_start3A_612 : memref<!tpu.dma_semaphore, #tpu.memory_space<semaphore_mem>>)
      } else {
      }
      %mul3A_517 = arith.constant 8 : i32
      %mul3A_518 = arith.muli %scan3A_285, %mul3A_517 : i32
      %add3A_519 = arith.constant 6 : i32
      %add3A_520 = arith.addi %mul3A_518, %add3A_519 : i32
      %dma_wait3A_521 = arith.constant 6 : i32
      %dma_wait3A_522 = arith.constant 6 : i32
      %dma_wait3A_523 = arith.constant 0 : i32
      %dma_wait3A_524 = arith.constant 0 : i32
      %dma_wait3A_525 = tpu.memref_slice %arg8[%dma_wait3A_521, %dma_wait3A_523, %dma_wait3A_524] : memref<8x128x32xf32, #tpu.memory_space<vmem>> -> memref<1x128x32xf32, #tpu.memory_space<vmem>>
      %dma_wait3A_526 = tpu.memref_squeeze %dma_wait3A_525 : memref<1x128x32xf32, #tpu.memory_space<vmem>> -> memref<128x32xf32, #tpu.memory_space<vmem>>
      %dma_wait3A_527 = arith.constant 0 : i32
      %dma_wait3A_528 = tpu.memref_slice %arg6[%add3A_520, %dma_wait3A_527] : memref<80x128xi32, #tpu.memory_space<vmem>> -> memref<1x128xi32, #tpu.memory_space<vmem>>
      %dma_wait3A_529 = tpu.memref_squeeze %dma_wait3A_528 : memref<1x128xi32, #tpu.memory_space<vmem>> -> memref<128xi32, #tpu.memory_space<vmem>>
      %dma_wait3A_530 = arith.constant 0 : i32
      %dma_wait3A_531 = arith.constant 0 : i32
      %dma_wait3A_532 = tpu.memref_slice %arg12[%dma_wait3A_530, %dma_wait3A_531] : memref<10000x32xf32, #tpu.memory_space<vmem_shared>> -> memref<10000x32xf32, #tpu.memory_space<vmem_shared>>
      %dma_wait3A_533 = tpu.memref_slice %arg9[%dma_wait3A_522] : memref<8x!tpu.dma_semaphore, #tpu.memory_space<semaphore_mem>> -> memref<1x!tpu.dma_semaphore, #tpu.memory_space<semaphore_mem>>
      %dma_wait3A_534 = tpu.memref_squeeze %dma_wait3A_533 : memref<1x!tpu.dma_semaphore, #tpu.memory_space<semaphore_mem>> -> memref<!tpu.dma_semaphore, #tpu.memory_space<semaphore_mem>>
      tpu.wait_indirect_dma semaphore(%dma_wait3A_534 : memref<!tpu.dma_semaphore, #tpu.memory_space<semaphore_mem>>) src(%dma_wait3A_532 : memref<10000x32xf32, #tpu.memory_space<vmem_shared>>) dst(%dma_wait3A_526 : memref<128x32xf32, #tpu.memory_space<vmem>>)
      %dma_start3A_535 = arith.constant 6 : i32
      %dma_start3A_536 = arith.constant 6 : i32
      %dma_start3A_537 = arith.constant 0 : i32
      %dma_start3A_538 = arith.constant 0 : i32
      %dma_start3A_539 = tpu.memref_slice %arg8[%dma_start3A_535, %dma_start3A_537, %dma_start3A_538] : memref<8x128x32xf32, #tpu.memory_space<vmem>> -> memref<1x128x32xf32, #tpu.memory_space<vmem>>
      %dma_start3A_540 = tpu.memref_squeeze %dma_start3A_539 : memref<1x128x32xf32, #tpu.memory_space<vmem>> -> memref<128x32xf32, #tpu.memory_space<vmem>>
      %dma_start3A_541 = arith.constant 0 : i32
      %dma_start3A_542 = tpu.memref_slice %arg7[%add3A_520, %dma_start3A_541] : memref<80x128xi32, #tpu.memory_space<vmem>> -> memref<1x128xi32, #tpu.memory_space<vmem>>
      %dma_start3A_543 = tpu.memref_squeeze %dma_start3A_542 : memref<1x128xi32, #tpu.memory_space<vmem>> -> memref<128xi32, #tpu.memory_space<vmem>>
      %dma_start3A_544 = arith.constant 0 : i32
      %dma_start3A_545 = arith.constant 0 : i32
      %dma_start3A_546 = tpu.memref_slice %arg11[%dma_start3A_544, %dma_start3A_545] : memref<10240x32xf32, #tpu.memory_space<vmem_shared>> -> memref<10240x32xf32, #tpu.memory_space<vmem_shared>>
      %dma_start3A_547 = tpu.memref_slice %arg10[%dma_start3A_536] : memref<8x!tpu.dma_semaphore, #tpu.memory_space<semaphore_mem>> -> memref<1x!tpu.dma_semaphore, #tpu.memory_space<semaphore_mem>>
      %dma_start3A_548 = tpu.memref_squeeze %dma_start3A_547 : memref<1x!tpu.dma_semaphore, #tpu.memory_space<semaphore_mem>> -> memref<!tpu.dma_semaphore, #tpu.memory_space<semaphore_mem>>
      tpu.enqueue_indirect_dma source(%dma_start3A_540 : memref<128x32xf32, #tpu.memory_space<vmem>>) target(%dma_start3A_546 : memref<10240x32xf32, #tpu.memory_space<vmem_shared>>) offsets(%dma_start3A_543 : memref<128xi32, #tpu.memory_space<vmem>>) semaphore(%dma_start3A_548 : memref<!tpu.dma_semaphore, #tpu.memory_space<semaphore_mem>>) {add = true}
      %add3A_549 = arith.constant 4 : i32
      %add3A_550 = arith.addi %add3A_520, %add3A_549 : i32
      %lt3A_551 = arith.constant 80 : i32
      %lt3A_552 = arith.cmpi slt, %add3A_550, %lt3A_551 : i32
      %convert_element_type3A_553 = arith.extui %lt3A_552 : i1 to i32
      %cond3A_554 = arith.constant 0 : i32
      %cond3A_555 = arith.cmpi ne, %convert_element_type3A_553, %cond3A_554 : i32
      scf.if %cond3A_555 {
        %ge3A = arith.constant 8 : i32
        %ge3A_595 = arith.cmpi sge, %add3A_550, %ge3A : i32
        %convert_element_type3A_596 = arith.extui %ge3A_595 : i1 to i32
        %cond3A_597 = arith.constant 0 : i32
        %cond3A_598 = arith.cmpi ne, %convert_element_type3A_596, %cond3A_597 : i32
        scf.if %cond3A_598 {
          %dma_wait3A_613 = arith.constant 2 : i32
          %dma_wait3A_614 = arith.constant 2 : i32
          %dma_wait3A_615 = arith.constant 0 : i32
          %dma_wait3A_616 = arith.constant 0 : i32
          %dma_wait3A_617 = tpu.memref_slice %arg8[%dma_wait3A_613, %dma_wait3A_615, %dma_wait3A_616] : memref<8x128x32xf32, #tpu.memory_space<vmem>> -> memref<1x128x32xf32, #tpu.memory_space<vmem>>
          %dma_wait3A_618 = tpu.memref_squeeze %dma_wait3A_617 : memref<1x128x32xf32, #tpu.memory_space<vmem>> -> memref<128x32xf32, #tpu.memory_space<vmem>>
          %dma_wait3A_619 = arith.constant 0 : i32
          %dma_wait3A_620 = arith.constant 0 : i32
          %dma_wait3A_621 = tpu.memref_slice %arg4[%dma_wait3A_619, %dma_wait3A_620] : memref<10000x32xf32, #tpu.memory_space<hbm>> -> memref<128x32xf32, #tpu.memory_space<hbm>>
          %dma_wait3A_622 = tpu.memref_slice %arg10[%dma_wait3A_614] : memref<8x!tpu.dma_semaphore, #tpu.memory_space<semaphore_mem>> -> memref<1x!tpu.dma_semaphore, #tpu.memory_space<semaphore_mem>>
          %dma_wait3A_623 = tpu.memref_squeeze %dma_wait3A_622 : memref<1x!tpu.dma_semaphore, #tpu.memory_space<semaphore_mem>> -> memref<!tpu.dma_semaphore, #tpu.memory_space<semaphore_mem>>
          %dma_wait3A_624 = arith.constant 0 : i32
          %dma_wait3A_625 = arith.constant 0 : i32
          %dma_wait3A_626 = tpu.memref_slice %arg8[%dma_wait3A_613, %dma_wait3A_624, %dma_wait3A_625] : memref<8x128x32xf32, #tpu.memory_space<vmem>> -> memref<1x128x32xf32, #tpu.memory_space<vmem>>
          %dma_wait3A_627 = tpu.memref_squeeze %dma_wait3A_626 : memref<1x128x32xf32, #tpu.memory_space<vmem>> -> memref<128x32xf32, #tpu.memory_space<vmem>>
          %dma_wait3A_628 = arith.constant 0 : i32
          %dma_wait3A_629 = arith.constant 0 : i32
          %dma_wait3A_630 = tpu.memref_slice %arg4[%dma_wait3A_628, %dma_wait3A_629] : memref<10000x32xf32, #tpu.memory_space<hbm>> -> memref<128x32xf32, #tpu.memory_space<hbm>>
          tpu.wait_dma2 semaphore(%dma_wait3A_623 : memref<!tpu.dma_semaphore, #tpu.memory_space<semaphore_mem>>) src(%dma_wait3A_630 : memref<128x32xf32, #tpu.memory_space<hbm>>) dst(%dma_wait3A_627 : memref<128x32xf32, #tpu.memory_space<vmem>>)
        } else {
        }
        %dma_start3A_599 = arith.constant 2 : i32
        %dma_start3A_600 = arith.constant 2 : i32
        %dma_start3A_601 = arith.constant 0 : i32
        %dma_start3A_602 = arith.constant 0 : i32
        %dma_start3A_603 = tpu.memref_slice %arg8[%dma_start3A_599, %dma_start3A_601, %dma_start3A_602] : memref<8x128x32xf32, #tpu.memory_space<vmem>> -> memref<1x128x32xf32, #tpu.memory_space<vmem>>
        %dma_start3A_604 = tpu.memref_squeeze %dma_start3A_603 : memref<1x128x32xf32, #tpu.memory_space<vmem>> -> memref<128x32xf32, #tpu.memory_space<vmem>>
        %dma_start3A_605 = arith.constant 0 : i32
        %dma_start3A_606 = tpu.memref_slice %arg6[%add3A_550, %dma_start3A_605] : memref<80x128xi32, #tpu.memory_space<vmem>> -> memref<1x128xi32, #tpu.memory_space<vmem>>
        %dma_start3A_607 = tpu.memref_squeeze %dma_start3A_606 : memref<1x128xi32, #tpu.memory_space<vmem>> -> memref<128xi32, #tpu.memory_space<vmem>>
        %dma_start3A_608 = arith.constant 0 : i32
        %dma_start3A_609 = arith.constant 0 : i32
        %dma_start3A_610 = tpu.memref_slice %arg12[%dma_start3A_608, %dma_start3A_609] : memref<10000x32xf32, #tpu.memory_space<vmem_shared>> -> memref<10000x32xf32, #tpu.memory_space<vmem_shared>>
        %dma_start3A_611 = tpu.memref_slice %arg9[%dma_start3A_600] : memref<8x!tpu.dma_semaphore, #tpu.memory_space<semaphore_mem>> -> memref<1x!tpu.dma_semaphore, #tpu.memory_space<semaphore_mem>>
        %dma_start3A_612 = tpu.memref_squeeze %dma_start3A_611 : memref<1x!tpu.dma_semaphore, #tpu.memory_space<semaphore_mem>> -> memref<!tpu.dma_semaphore, #tpu.memory_space<semaphore_mem>>
        tpu.enqueue_indirect_dma source(%dma_start3A_610 : memref<10000x32xf32, #tpu.memory_space<vmem_shared>>) target(%dma_start3A_604 : memref<128x32xf32, #tpu.memory_space<vmem>>) offsets(%dma_start3A_607 : memref<128xi32, #tpu.memory_space<vmem>>) semaphore(%dma_start3A_612 : memref<!tpu.dma_semaphore, #tpu.memory_space<semaphore_mem>>)
      } else {
      }
      %mul3A_556 = arith.constant 8 : i32
      %mul3A_557 = arith.muli %scan3A_285, %mul3A_556 : i32
      %add3A_558 = arith.constant 7 : i32
      %add3A_559 = arith.addi %mul3A_557, %add3A_558 : i32
      %dma_wait3A_560 = arith.constant 7 : i32
      %dma_wait3A_561 = arith.constant 7 : i32
      %dma_wait3A_562 = arith.constant 0 : i32
      %dma_wait3A_563 = arith.constant 0 : i32
      %dma_wait3A_564 = tpu.memref_slice %arg8[%dma_wait3A_560, %dma_wait3A_562, %dma_wait3A_563] : memref<8x128x32xf32, #tpu.memory_space<vmem>> -> memref<1x128x32xf32, #tpu.memory_space<vmem>>
      %dma_wait3A_565 = tpu.memref_squeeze %dma_wait3A_564 : memref<1x128x32xf32, #tpu.memory_space<vmem>> -> memref<128x32xf32, #tpu.memory_space<vmem>>
      %dma_wait3A_566 = arith.constant 0 : i32
      %dma_wait3A_567 = tpu.memref_slice %arg6[%add3A_559, %dma_wait3A_566] : memref<80x128xi32, #tpu.memory_space<vmem>> -> memref<1x128xi32, #tpu.memory_space<vmem>>
      %dma_wait3A_568 = tpu.memref_squeeze %dma_wait3A_567 : memref<1x128xi32, #tpu.memory_space<vmem>> -> memref<128xi32, #tpu.memory_space<vmem>>
      %dma_wait3A_569 = arith.constant 0 : i32
      %dma_wait3A_570 = arith.constant 0 : i32
      %dma_wait3A_571 = tpu.memref_slice %arg12[%dma_wait3A_569, %dma_wait3A_570] : memref<10000x32xf32, #tpu.memory_space<vmem_shared>> -> memref<10000x32xf32, #tpu.memory_space<vmem_shared>>
      %dma_wait3A_572 = tpu.memref_slice %arg9[%dma_wait3A_561] : memref<8x!tpu.dma_semaphore, #tpu.memory_space<semaphore_mem>> -> memref<1x!tpu.dma_semaphore, #tpu.memory_space<semaphore_mem>>
      %dma_wait3A_573 = tpu.memref_squeeze %dma_wait3A_572 : memref<1x!tpu.dma_semaphore, #tpu.memory_space<semaphore_mem>> -> memref<!tpu.dma_semaphore, #tpu.memory_space<semaphore_mem>>
      tpu.wait_indirect_dma semaphore(%dma_wait3A_573 : memref<!tpu.dma_semaphore, #tpu.memory_space<semaphore_mem>>) src(%dma_wait3A_571 : memref<10000x32xf32, #tpu.memory_space<vmem_shared>>) dst(%dma_wait3A_565 : memref<128x32xf32, #tpu.memory_space<vmem>>)
      %dma_start3A_574 = arith.constant 7 : i32
      %dma_start3A_575 = arith.constant 7 : i32
      %dma_start3A_576 = arith.constant 0 : i32
      %dma_start3A_577 = arith.constant 0 : i32
      %dma_start3A_578 = tpu.memref_slice %arg8[%dma_start3A_574, %dma_start3A_576, %dma_start3A_577] : memref<8x128x32xf32, #tpu.memory_space<vmem>> -> memref<1x128x32xf32, #tpu.memory_space<vmem>>
      %dma_start3A_579 = tpu.memref_squeeze %dma_start3A_578 : memref<1x128x32xf32, #tpu.memory_space<vmem>> -> memref<128x32xf32, #tpu.memory_space<vmem>>
      %dma_start3A_580 = arith.constant 0 : i32
      %dma_start3A_581 = tpu.memref_slice %arg7[%add3A_559, %dma_start3A_580] : memref<80x128xi32, #tpu.memory_space<vmem>> -> memref<1x128xi32, #tpu.memory_space<vmem>>
      %dma_start3A_582 = tpu.memref_squeeze %dma_start3A_581 : memref<1x128xi32, #tpu.memory_space<vmem>> -> memref<128xi32, #tpu.memory_space<vmem>>
      %dma_start3A_583 = arith.constant 0 : i32
      %dma_start3A_584 = arith.constant 0 : i32
      %dma_start3A_585 = tpu.memref_slice %arg11[%dma_start3A_583, %dma_start3A_584] : memref<10240x32xf32, #tpu.memory_space<vmem_shared>> -> memref<10240x32xf32, #tpu.memory_space<vmem_shared>>
      %dma_start3A_586 = tpu.memref_slice %arg10[%dma_start3A_575] : memref<8x!tpu.dma_semaphore, #tpu.memory_space<semaphore_mem>> -> memref<1x!tpu.dma_semaphore, #tpu.memory_space<semaphore_mem>>
      %dma_start3A_587 = tpu.memref_squeeze %dma_start3A_586 : memref<1x!tpu.dma_semaphore, #tpu.memory_space<semaphore_mem>> -> memref<!tpu.dma_semaphore, #tpu.memory_space<semaphore_mem>>
      tpu.enqueue_indirect_dma source(%dma_start3A_579 : memref<128x32xf32, #tpu.memory_space<vmem>>) target(%dma_start3A_585 : memref<10240x32xf32, #tpu.memory_space<vmem_shared>>) offsets(%dma_start3A_582 : memref<128xi32, #tpu.memory_space<vmem>>) semaphore(%dma_start3A_587 : memref<!tpu.dma_semaphore, #tpu.memory_space<semaphore_mem>>) {add = true}
      %add3A_588 = arith.constant 4 : i32
      %add3A_589 = arith.addi %add3A_559, %add3A_588 : i32
      %lt3A_590 = arith.constant 80 : i32
      %lt3A_591 = arith.cmpi slt, %add3A_589, %lt3A_590 : i32
      %convert_element_type3A_592 = arith.extui %lt3A_591 : i1 to i32
      %cond3A_593 = arith.constant 0 : i32
      %cond3A_594 = arith.cmpi ne, %convert_element_type3A_592, %cond3A_593 : i32
      scf.if %cond3A_594 {
        %ge3A = arith.constant 8 : i32
        %ge3A_595 = arith.cmpi sge, %add3A_589, %ge3A : i32
        %convert_element_type3A_596 = arith.extui %ge3A_595 : i1 to i32
        %cond3A_597 = arith.constant 0 : i32
        %cond3A_598 = arith.cmpi ne, %convert_element_type3A_596, %cond3A_597 : i32
        scf.if %cond3A_598 {
          %dma_wait3A_613 = arith.constant 3 : i32
          %dma_wait3A_614 = arith.constant 3 : i32
          %dma_wait3A_615 = arith.constant 0 : i32
          %dma_wait3A_616 = arith.constant 0 : i32
          %dma_wait3A_617 = tpu.memref_slice %arg8[%dma_wait3A_613, %dma_wait3A_615, %dma_wait3A_616] : memref<8x128x32xf32, #tpu.memory_space<vmem>> -> memref<1x128x32xf32, #tpu.memory_space<vmem>>
          %dma_wait3A_618 = tpu.memref_squeeze %dma_wait3A_617 : memref<1x128x32xf32, #tpu.memory_space<vmem>> -> memref<128x32xf32, #tpu.memory_space<vmem>>
          %dma_wait3A_619 = arith.constant 0 : i32
          %dma_wait3A_620 = arith.constant 0 : i32
          %dma_wait3A_621 = tpu.memref_slice %arg4[%dma_wait3A_619, %dma_wait3A_620] : memref<10000x32xf32, #tpu.memory_space<hbm>> -> memref<128x32xf32, #tpu.memory_space<hbm>>
          %dma_wait3A_622 = tpu.memref_slice %arg10[%dma_wait3A_614] : memref<8x!tpu.dma_semaphore, #tpu.memory_space<semaphore_mem>> -> memref<1x!tpu.dma_semaphore, #tpu.memory_space<semaphore_mem>>
          %dma_wait3A_623 = tpu.memref_squeeze %dma_wait3A_622 : memref<1x!tpu.dma_semaphore, #tpu.memory_space<semaphore_mem>> -> memref<!tpu.dma_semaphore, #tpu.memory_space<semaphore_mem>>
          %dma_wait3A_624 = arith.constant 0 : i32
          %dma_wait3A_625 = arith.constant 0 : i32
          %dma_wait3A_626 = tpu.memref_slice %arg8[%dma_wait3A_613, %dma_wait3A_624, %dma_wait3A_625] : memref<8x128x32xf32, #tpu.memory_space<vmem>> -> memref<1x128x32xf32, #tpu.memory_space<vmem>>
          %dma_wait3A_627 = tpu.memref_squeeze %dma_wait3A_626 : memref<1x128x32xf32, #tpu.memory_space<vmem>> -> memref<128x32xf32, #tpu.memory_space<vmem>>
          %dma_wait3A_628 = arith.constant 0 : i32
          %dma_wait3A_629 = arith.constant 0 : i32
          %dma_wait3A_630 = tpu.memref_slice %arg4[%dma_wait3A_628, %dma_wait3A_629] : memref<10000x32xf32, #tpu.memory_space<hbm>> -> memref<128x32xf32, #tpu.memory_space<hbm>>
          tpu.wait_dma2 semaphore(%dma_wait3A_623 : memref<!tpu.dma_semaphore, #tpu.memory_space<semaphore_mem>>) src(%dma_wait3A_630 : memref<128x32xf32, #tpu.memory_space<hbm>>) dst(%dma_wait3A_627 : memref<128x32xf32, #tpu.memory_space<vmem>>)
        } else {
        }
        %dma_start3A_599 = arith.constant 3 : i32
        %dma_start3A_600 = arith.constant 3 : i32
        %dma_start3A_601 = arith.constant 0 : i32
        %dma_start3A_602 = arith.constant 0 : i32
        %dma_start3A_603 = tpu.memref_slice %arg8[%dma_start3A_599, %dma_start3A_601, %dma_start3A_602] : memref<8x128x32xf32, #tpu.memory_space<vmem>> -> memref<1x128x32xf32, #tpu.memory_space<vmem>>
        %dma_start3A_604 = tpu.memref_squeeze %dma_start3A_603 : memref<1x128x32xf32, #tpu.memory_space<vmem>> -> memref<128x32xf32, #tpu.memory_space<vmem>>
        %dma_start3A_605 = arith.constant 0 : i32
        %dma_start3A_606 = tpu.memref_slice %arg6[%add3A_589, %dma_start3A_605] : memref<80x128xi32, #tpu.memory_space<vmem>> -> memref<1x128xi32, #tpu.memory_space<vmem>>
        %dma_start3A_607 = tpu.memref_squeeze %dma_start3A_606 : memref<1x128xi32, #tpu.memory_space<vmem>> -> memref<128xi32, #tpu.memory_space<vmem>>
        %dma_start3A_608 = arith.constant 0 : i32
        %dma_start3A_609 = arith.constant 0 : i32
        %dma_start3A_610 = tpu.memref_slice %arg12[%dma_start3A_608, %dma_start3A_609] : memref<10000x32xf32, #tpu.memory_space<vmem_shared>> -> memref<10000x32xf32, #tpu.memory_space<vmem_shared>>
        %dma_start3A_611 = tpu.memref_slice %arg9[%dma_start3A_600] : memref<8x!tpu.dma_semaphore, #tpu.memory_space<semaphore_mem>> -> memref<1x!tpu.dma_semaphore, #tpu.memory_space<semaphore_mem>>
        %dma_start3A_612 = tpu.memref_squeeze %dma_start3A_611 : memref<1x!tpu.dma_semaphore, #tpu.memory_space<semaphore_mem>> -> memref<!tpu.dma_semaphore, #tpu.memory_space<semaphore_mem>>
        tpu.enqueue_indirect_dma source(%dma_start3A_610 : memref<10000x32xf32, #tpu.memory_space<vmem_shared>>) target(%dma_start3A_604 : memref<128x32xf32, #tpu.memory_space<vmem>>) offsets(%dma_start3A_607 : memref<128xi32, #tpu.memory_space<vmem>>) semaphore(%dma_start3A_612 : memref<!tpu.dma_semaphore, #tpu.memory_space<semaphore_mem>>)
      } else {
      }
    }
    %scan3A_110 = arith.constant 10 : i32
    %dma_wait3A = arith.constant 0 : i32
    %dma_wait3A_111 = arith.constant 0 : i32
    %dma_wait3A_112 = arith.constant 0 : i32
    %dma_wait3A_113 = arith.constant 0 : i32
    %dma_wait3A_114 = tpu.memref_slice %arg8[%dma_wait3A, %dma_wait3A_112, %dma_wait3A_113] : memref<8x128x32xf32, #tpu.memory_space<vmem>> -> memref<1x128x32xf32, #tpu.memory_space<vmem>>
    %dma_wait3A_115 = tpu.memref_squeeze %dma_wait3A_114 : memref<1x128x32xf32, #tpu.memory_space<vmem>> -> memref<128x32xf32, #tpu.memory_space<vmem>>
    %dma_wait3A_116 = arith.constant 0 : i32
    %dma_wait3A_117 = arith.constant 0 : i32
    %dma_wait3A_118 = tpu.memref_slice %arg4[%dma_wait3A_116, %dma_wait3A_117] : memref<10000x32xf32, #tpu.memory_space<hbm>> -> memref<128x32xf32, #tpu.memory_space<hbm>>
    %dma_wait3A_119 = tpu.memref_slice %arg10[%dma_wait3A_111] : memref<8x!tpu.dma_semaphore, #tpu.memory_space<semaphore_mem>> -> memref<1x!tpu.dma_semaphore, #tpu.memory_space<semaphore_mem>>
    %dma_wait3A_120 = tpu.memref_squeeze %dma_wait3A_119 : memref<1x!tpu.dma_semaphore, #tpu.memory_space<semaphore_mem>> -> memref<!tpu.dma_semaphore, #tpu.memory_space<semaphore_mem>>
    %dma_wait3A_121 = arith.constant 0 : i32
    %dma_wait3A_122 = arith.constant 0 : i32
    %dma_wait3A_123 = tpu.memref_slice %arg8[%dma_wait3A, %dma_wait3A_121, %dma_wait3A_122] : memref<8x128x32xf32, #tpu.memory_space<vmem>> -> memref<1x128x32xf32, #tpu.memory_space<vmem>>
    %dma_wait3A_124 = tpu.memref_squeeze %dma_wait3A_123 : memref<1x128x32xf32, #tpu.memory_space<vmem>> -> memref<128x32xf32, #tpu.memory_space<vmem>>
    %dma_wait3A_125 = arith.constant 0 : i32
    %dma_wait3A_126 = arith.constant 0 : i32
    %dma_wait3A_127 = tpu.memref_slice %arg4[%dma_wait3A_125, %dma_wait3A_126] : memref<10000x32xf32, #tpu.memory_space<hbm>> -> memref<128x32xf32, #tpu.memory_space<hbm>>
    tpu.wait_dma2 semaphore(%dma_wait3A_120 : memref<!tpu.dma_semaphore, #tpu.memory_space<semaphore_mem>>) src(%dma_wait3A_127 : memref<128x32xf32, #tpu.memory_space<hbm>>) dst(%dma_wait3A_124 : memref<128x32xf32, #tpu.memory_space<vmem>>)
    %dma_wait3A_128 = arith.constant 1 : i32
    %dma_wait3A_129 = arith.constant 1 : i32
    %dma_wait3A_130 = arith.constant 0 : i32
    %dma_wait3A_131 = arith.constant 0 : i32
    %dma_wait3A_132 = tpu.memref_slice %arg8[%dma_wait3A_128, %dma_wait3A_130, %dma_wait3A_131] : memref<8x128x32xf32, #tpu.memory_space<vmem>> -> memref<1x128x32xf32, #tpu.memory_space<vmem>>
    %dma_wait3A_133 = tpu.memref_squeeze %dma_wait3A_132 : memref<1x128x32xf32, #tpu.memory_space<vmem>> -> memref<128x32xf32, #tpu.memory_space<vmem>>
    %dma_wait3A_134 = arith.constant 0 : i32
    %dma_wait3A_135 = arith.constant 0 : i32
    %dma_wait3A_136 = tpu.memref_slice %arg4[%dma_wait3A_134, %dma_wait3A_135] : memref<10000x32xf32, #tpu.memory_space<hbm>> -> memref<128x32xf32, #tpu.memory_space<hbm>>
    %dma_wait3A_137 = tpu.memref_slice %arg10[%dma_wait3A_129] : memref<8x!tpu.dma_semaphore, #tpu.memory_space<semaphore_mem>> -> memref<1x!tpu.dma_semaphore, #tpu.memory_space<semaphore_mem>>
    %dma_wait3A_138 = tpu.memref_squeeze %dma_wait3A_137 : memref<1x!tpu.dma_semaphore, #tpu.memory_space<semaphore_mem>> -> memref<!tpu.dma_semaphore, #tpu.memory_space<semaphore_mem>>
    %dma_wait3A_139 = arith.constant 0 : i32
    %dma_wait3A_140 = arith.constant 0 : i32
    %dma_wait3A_141 = tpu.memref_slice %arg8[%dma_wait3A_128, %dma_wait3A_139, %dma_wait3A_140] : memref<8x128x32xf32, #tpu.memory_space<vmem>> -> memref<1x128x32xf32, #tpu.memory_space<vmem>>
    %dma_wait3A_142 = tpu.memref_squeeze %dma_wait3A_141 : memref<1x128x32xf32, #tpu.memory_space<vmem>> -> memref<128x32xf32, #tpu.memory_space<vmem>>
    %dma_wait3A_143 = arith.constant 0 : i32
    %dma_wait3A_144 = arith.constant 0 : i32
    %dma_wait3A_145 = tpu.memref_slice %arg4[%dma_wait3A_143, %dma_wait3A_144] : memref<10000x32xf32, #tpu.memory_space<hbm>> -> memref<128x32xf32, #tpu.memory_space<hbm>>
    tpu.wait_dma2 semaphore(%dma_wait3A_138 : memref<!tpu.dma_semaphore, #tpu.memory_space<semaphore_mem>>) src(%dma_wait3A_145 : memref<128x32xf32, #tpu.memory_space<hbm>>) dst(%dma_wait3A_142 : memref<128x32xf32, #tpu.memory_space<vmem>>)
    %dma_wait3A_146 = arith.constant 2 : i32
    %dma_wait3A_147 = arith.constant 2 : i32
    %dma_wait3A_148 = arith.constant 0 : i32
    %dma_wait3A_149 = arith.constant 0 : i32
    %dma_wait3A_150 = tpu.memref_slice %arg8[%dma_wait3A_146, %dma_wait3A_148, %dma_wait3A_149] : memref<8x128x32xf32, #tpu.memory_space<vmem>> -> memref<1x128x32xf32, #tpu.memory_space<vmem>>
    %dma_wait3A_151 = tpu.memref_squeeze %dma_wait3A_150 : memref<1x128x32xf32, #tpu.memory_space<vmem>> -> memref<128x32xf32, #tpu.memory_space<vmem>>
    %dma_wait3A_152 = arith.constant 0 : i32
    %dma_wait3A_153 = arith.constant 0 : i32
    %dma_wait3A_154 = tpu.memref_slice %arg4[%dma_wait3A_152, %dma_wait3A_153] : memref<10000x32xf32, #tpu.memory_space<hbm>> -> memref<128x32xf32, #tpu.memory_space<hbm>>
    %dma_wait3A_155 = tpu.memref_slice %arg10[%dma_wait3A_147] : memref<8x!tpu.dma_semaphore, #tpu.memory_space<semaphore_mem>> -> memref<1x!tpu.dma_semaphore, #tpu.memory_space<semaphore_mem>>
    %dma_wait3A_156 = tpu.memref_squeeze %dma_wait3A_155 : memref<1x!tpu.dma_semaphore, #tpu.memory_space<semaphore_mem>> -> memref<!tpu.dma_semaphore, #tpu.memory_space<semaphore_mem>>
    %dma_wait3A_157 = arith.constant 0 : i32
    %dma_wait3A_158 = arith.constant 0 : i32
    %dma_wait3A_159 = tpu.memref_slice %arg8[%dma_wait3A_146, %dma_wait3A_157, %dma_wait3A_158] : memref<8x128x32xf32, #tpu.memory_space<vmem>> -> memref<1x128x32xf32, #tpu.memory_space<vmem>>
    %dma_wait3A_160 = tpu.memref_squeeze %dma_wait3A_159 : memref<1x128x32xf32, #tpu.memory_space<vmem>> -> memref<128x32xf32, #tpu.memory_space<vmem>>
    %dma_wait3A_161 = arith.constant 0 : i32
    %dma_wait3A_162 = arith.constant 0 : i32
    %dma_wait3A_163 = tpu.memref_slice %arg4[%dma_wait3A_161, %dma_wait3A_162] : memref<10000x32xf32, #tpu.memory_space<hbm>> -> memref<128x32xf32, #tpu.memory_space<hbm>>
    tpu.wait_dma2 semaphore(%dma_wait3A_156 : memref<!tpu.dma_semaphore, #tpu.memory_space<semaphore_mem>>) src(%dma_wait3A_163 : memref<128x32xf32, #tpu.memory_space<hbm>>) dst(%dma_wait3A_160 : memref<128x32xf32, #tpu.memory_space<vmem>>)
    %dma_wait3A_164 = arith.constant 3 : i32
    %dma_wait3A_165 = arith.constant 3 : i32
    %dma_wait3A_166 = arith.constant 0 : i32
    %dma_wait3A_167 = arith.constant 0 : i32
    %dma_wait3A_168 = tpu.memref_slice %arg8[%dma_wait3A_164, %dma_wait3A_166, %dma_wait3A_167] : memref<8x128x32xf32, #tpu.memory_space<vmem>> -> memref<1x128x32xf32, #tpu.memory_space<vmem>>
    %dma_wait3A_169 = tpu.memref_squeeze %dma_wait3A_168 : memref<1x128x32xf32, #tpu.memory_space<vmem>> -> memref<128x32xf32, #tpu.memory_space<vmem>>
    %dma_wait3A_170 = arith.constant 0 : i32
    %dma_wait3A_171 = arith.constant 0 : i32
    %dma_wait3A_172 = tpu.memref_slice %arg4[%dma_wait3A_170, %dma_wait3A_171] : memref<10000x32xf32, #tpu.memory_space<hbm>> -> memref<128x32xf32, #tpu.memory_space<hbm>>
    %dma_wait3A_173 = tpu.memref_slice %arg10[%dma_wait3A_165] : memref<8x!tpu.dma_semaphore, #tpu.memory_space<semaphore_mem>> -> memref<1x!tpu.dma_semaphore, #tpu.memory_space<semaphore_mem>>
    %dma_wait3A_174 = tpu.memref_squeeze %dma_wait3A_173 : memref<1x!tpu.dma_semaphore, #tpu.memory_space<semaphore_mem>> -> memref<!tpu.dma_semaphore, #tpu.memory_space<semaphore_mem>>
    %dma_wait3A_175 = arith.constant 0 : i32
    %dma_wait3A_176 = arith.constant 0 : i32
    %dma_wait3A_177 = tpu.memref_slice %arg8[%dma_wait3A_164, %dma_wait3A_175, %dma_wait3A_176] : memref<8x128x32xf32, #tpu.memory_space<vmem>> -> memref<1x128x32xf32, #tpu.memory_space<vmem>>
    %dma_wait3A_178 = tpu.memref_squeeze %dma_wait3A_177 : memref<1x128x32xf32, #tpu.memory_space<vmem>> -> memref<128x32xf32, #tpu.memory_space<vmem>>
    %dma_wait3A_179 = arith.constant 0 : i32
    %dma_wait3A_180 = arith.constant 0 : i32
    %dma_wait3A_181 = tpu.memref_slice %arg4[%dma_wait3A_179, %dma_wait3A_180] : memref<10000x32xf32, #tpu.memory_space<hbm>> -> memref<128x32xf32, #tpu.memory_space<hbm>>
    tpu.wait_dma2 semaphore(%dma_wait3A_174 : memref<!tpu.dma_semaphore, #tpu.memory_space<semaphore_mem>>) src(%dma_wait3A_181 : memref<128x32xf32, #tpu.memory_space<hbm>>) dst(%dma_wait3A_178 : memref<128x32xf32, #tpu.memory_space<vmem>>)
    %dma_wait3A_182 = arith.constant 4 : i32
    %dma_wait3A_183 = arith.constant 4 : i32
    %dma_wait3A_184 = arith.constant 0 : i32
    %dma_wait3A_185 = arith.constant 0 : i32
    %dma_wait3A_186 = tpu.memref_slice %arg8[%dma_wait3A_182, %dma_wait3A_184, %dma_wait3A_185] : memref<8x128x32xf32, #tpu.memory_space<vmem>> -> memref<1x128x32xf32, #tpu.memory_space<vmem>>
    %dma_wait3A_187 = tpu.memref_squeeze %dma_wait3A_186 : memref<1x128x32xf32, #tpu.memory_space<vmem>> -> memref<128x32xf32, #tpu.memory_space<vmem>>
    %dma_wait3A_188 = arith.constant 0 : i32
    %dma_wait3A_189 = arith.constant 0 : i32
    %dma_wait3A_190 = tpu.memref_slice %arg4[%dma_wait3A_188, %dma_wait3A_189] : memref<10000x32xf32, #tpu.memory_space<hbm>> -> memref<128x32xf32, #tpu.memory_space<hbm>>
    %dma_wait3A_191 = tpu.memref_slice %arg10[%dma_wait3A_183] : memref<8x!tpu.dma_semaphore, #tpu.memory_space<semaphore_mem>> -> memref<1x!tpu.dma_semaphore, #tpu.memory_space<semaphore_mem>>
    %dma_wait3A_192 = tpu.memref_squeeze %dma_wait3A_191 : memref<1x!tpu.dma_semaphore, #tpu.memory_space<semaphore_mem>> -> memref<!tpu.dma_semaphore, #tpu.memory_space<semaphore_mem>>
    %dma_wait3A_193 = arith.constant 0 : i32
    %dma_wait3A_194 = arith.constant 0 : i32
    %dma_wait3A_195 = tpu.memref_slice %arg8[%dma_wait3A_182, %dma_wait3A_193, %dma_wait3A_194] : memref<8x128x32xf32, #tpu.memory_space<vmem>> -> memref<1x128x32xf32, #tpu.memory_space<vmem>>
    %dma_wait3A_196 = tpu.memref_squeeze %dma_wait3A_195 : memref<1x128x32xf32, #tpu.memory_space<vmem>> -> memref<128x32xf32, #tpu.memory_space<vmem>>
    %dma_wait3A_197 = arith.constant 0 : i32
    %dma_wait3A_198 = arith.constant 0 : i32
    %dma_wait3A_199 = tpu.memref_slice %arg4[%dma_wait3A_197, %dma_wait3A_198] : memref<10000x32xf32, #tpu.memory_space<hbm>> -> memref<128x32xf32, #tpu.memory_space<hbm>>
    tpu.wait_dma2 semaphore(%dma_wait3A_192 : memref<!tpu.dma_semaphore, #tpu.memory_space<semaphore_mem>>) src(%dma_wait3A_199 : memref<128x32xf32, #tpu.memory_space<hbm>>) dst(%dma_wait3A_196 : memref<128x32xf32, #tpu.memory_space<vmem>>)
    %dma_wait3A_200 = arith.constant 5 : i32
    %dma_wait3A_201 = arith.constant 5 : i32
    %dma_wait3A_202 = arith.constant 0 : i32
    %dma_wait3A_203 = arith.constant 0 : i32
    %dma_wait3A_204 = tpu.memref_slice %arg8[%dma_wait3A_200, %dma_wait3A_202, %dma_wait3A_203] : memref<8x128x32xf32, #tpu.memory_space<vmem>> -> memref<1x128x32xf32, #tpu.memory_space<vmem>>
    %dma_wait3A_205 = tpu.memref_squeeze %dma_wait3A_204 : memref<1x128x32xf32, #tpu.memory_space<vmem>> -> memref<128x32xf32, #tpu.memory_space<vmem>>
    %dma_wait3A_206 = arith.constant 0 : i32
    %dma_wait3A_207 = arith.constant 0 : i32
    %dma_wait3A_208 = tpu.memref_slice %arg4[%dma_wait3A_206, %dma_wait3A_207] : memref<10000x32xf32, #tpu.memory_space<hbm>> -> memref<128x32xf32, #tpu.memory_space<hbm>>
    %dma_wait3A_209 = tpu.memref_slice %arg10[%dma_wait3A_201] : memref<8x!tpu.dma_semaphore, #tpu.memory_space<semaphore_mem>> -> memref<1x!tpu.dma_semaphore, #tpu.memory_space<semaphore_mem>>
    %dma_wait3A_210 = tpu.memref_squeeze %dma_wait3A_209 : memref<1x!tpu.dma_semaphore, #tpu.memory_space<semaphore_mem>> -> memref<!tpu.dma_semaphore, #tpu.memory_space<semaphore_mem>>
    %dma_wait3A_211 = arith.constant 0 : i32
    %dma_wait3A_212 = arith.constant 0 : i32
    %dma_wait3A_213 = tpu.memref_slice %arg8[%dma_wait3A_200, %dma_wait3A_211, %dma_wait3A_212] : memref<8x128x32xf32, #tpu.memory_space<vmem>> -> memref<1x128x32xf32, #tpu.memory_space<vmem>>
    %dma_wait3A_214 = tpu.memref_squeeze %dma_wait3A_213 : memref<1x128x32xf32, #tpu.memory_space<vmem>> -> memref<128x32xf32, #tpu.memory_space<vmem>>
    %dma_wait3A_215 = arith.constant 0 : i32
    %dma_wait3A_216 = arith.constant 0 : i32
    %dma_wait3A_217 = tpu.memref_slice %arg4[%dma_wait3A_215, %dma_wait3A_216] : memref<10000x32xf32, #tpu.memory_space<hbm>> -> memref<128x32xf32, #tpu.memory_space<hbm>>
    tpu.wait_dma2 semaphore(%dma_wait3A_210 : memref<!tpu.dma_semaphore, #tpu.memory_space<semaphore_mem>>) src(%dma_wait3A_217 : memref<128x32xf32, #tpu.memory_space<hbm>>) dst(%dma_wait3A_214 : memref<128x32xf32, #tpu.memory_space<vmem>>)
    %dma_wait3A_218 = arith.constant 6 : i32
    %dma_wait3A_219 = arith.constant 6 : i32
    %dma_wait3A_220 = arith.constant 0 : i32
    %dma_wait3A_221 = arith.constant 0 : i32
    %dma_wait3A_222 = tpu.memref_slice %arg8[%dma_wait3A_218, %dma_wait3A_220, %dma_wait3A_221] : memref<8x128x32xf32, #tpu.memory_space<vmem>> -> memref<1x128x32xf32, #tpu.memory_space<vmem>>
    %dma_wait3A_223 = tpu.memref_squeeze %dma_wait3A_222 : memref<1x128x32xf32, #tpu.memory_space<vmem>> -> memref<128x32xf32, #tpu.memory_space<vmem>>
    %dma_wait3A_224 = arith.constant 0 : i32
    %dma_wait3A_225 = arith.constant 0 : i32
    %dma_wait3A_226 = tpu.memref_slice %arg4[%dma_wait3A_224, %dma_wait3A_225] : memref<10000x32xf32, #tpu.memory_space<hbm>> -> memref<128x32xf32, #tpu.memory_space<hbm>>
    %dma_wait3A_227 = tpu.memref_slice %arg10[%dma_wait3A_219] : memref<8x!tpu.dma_semaphore, #tpu.memory_space<semaphore_mem>> -> memref<1x!tpu.dma_semaphore, #tpu.memory_space<semaphore_mem>>
    %dma_wait3A_228 = tpu.memref_squeeze %dma_wait3A_227 : memref<1x!tpu.dma_semaphore, #tpu.memory_space<semaphore_mem>> -> memref<!tpu.dma_semaphore, #tpu.memory_space<semaphore_mem>>
    %dma_wait3A_229 = arith.constant 0 : i32
    %dma_wait3A_230 = arith.constant 0 : i32
    %dma_wait3A_231 = tpu.memref_slice %arg8[%dma_wait3A_218, %dma_wait3A_229, %dma_wait3A_230] : memref<8x128x32xf32, #tpu.memory_space<vmem>> -> memref<1x128x32xf32, #tpu.memory_space<vmem>>
    %dma_wait3A_232 = tpu.memref_squeeze %dma_wait3A_231 : memref<1x128x32xf32, #tpu.memory_space<vmem>> -> memref<128x32xf32, #tpu.memory_space<vmem>>
    %dma_wait3A_233 = arith.constant 0 : i32
    %dma_wait3A_234 = arith.constant 0 : i32
    %dma_wait3A_235 = tpu.memref_slice %arg4[%dma_wait3A_233, %dma_wait3A_234] : memref<10000x32xf32, #tpu.memory_space<hbm>> -> memref<128x32xf32, #tpu.memory_space<hbm>>
    tpu.wait_dma2 semaphore(%dma_wait3A_228 : memref<!tpu.dma_semaphore, #tpu.memory_space<semaphore_mem>>) src(%dma_wait3A_235 : memref<128x32xf32, #tpu.memory_space<hbm>>) dst(%dma_wait3A_232 : memref<128x32xf32, #tpu.memory_space<vmem>>)
    %dma_wait3A_236 = arith.constant 7 : i32
    %dma_wait3A_237 = arith.constant 7 : i32
    %dma_wait3A_238 = arith.constant 0 : i32
    %dma_wait3A_239 = arith.constant 0 : i32
    %dma_wait3A_240 = tpu.memref_slice %arg8[%dma_wait3A_236, %dma_wait3A_238, %dma_wait3A_239] : memref<8x128x32xf32, #tpu.memory_space<vmem>> -> memref<1x128x32xf32, #tpu.memory_space<vmem>>
    %dma_wait3A_241 = tpu.memref_squeeze %dma_wait3A_240 : memref<1x128x32xf32, #tpu.memory_space<vmem>> -> memref<128x32xf32, #tpu.memory_space<vmem>>
    %dma_wait3A_242 = arith.constant 0 : i32
    %dma_wait3A_243 = arith.constant 0 : i32
    %dma_wait3A_244 = tpu.memref_slice %arg4[%dma_wait3A_242, %dma_wait3A_243] : memref<10000x32xf32, #tpu.memory_space<hbm>> -> memref<128x32xf32, #tpu.memory_space<hbm>>
    %dma_wait3A_245 = tpu.memref_slice %arg10[%dma_wait3A_237] : memref<8x!tpu.dma_semaphore, #tpu.memory_space<semaphore_mem>> -> memref<1x!tpu.dma_semaphore, #tpu.memory_space<semaphore_mem>>
    %dma_wait3A_246 = tpu.memref_squeeze %dma_wait3A_245 : memref<1x!tpu.dma_semaphore, #tpu.memory_space<semaphore_mem>> -> memref<!tpu.dma_semaphore, #tpu.memory_space<semaphore_mem>>
    %dma_wait3A_247 = arith.constant 0 : i32
    %dma_wait3A_248 = arith.constant 0 : i32
    %dma_wait3A_249 = tpu.memref_slice %arg8[%dma_wait3A_236, %dma_wait3A_247, %dma_wait3A_248] : memref<8x128x32xf32, #tpu.memory_space<vmem>> -> memref<1x128x32xf32, #tpu.memory_space<vmem>>
    %dma_wait3A_250 = tpu.memref_squeeze %dma_wait3A_249 : memref<1x128x32xf32, #tpu.memory_space<vmem>> -> memref<128x32xf32, #tpu.memory_space<vmem>>
    %dma_wait3A_251 = arith.constant 0 : i32
    %dma_wait3A_252 = arith.constant 0 : i32
    %dma_wait3A_253 = tpu.memref_slice %arg4[%dma_wait3A_251, %dma_wait3A_252] : memref<10000x32xf32, #tpu.memory_space<hbm>> -> memref<128x32xf32, #tpu.memory_space<hbm>>
    tpu.wait_dma2 semaphore(%dma_wait3A_246 : memref<!tpu.dma_semaphore, #tpu.memory_space<semaphore_mem>>) src(%dma_wait3A_253 : memref<128x32xf32, #tpu.memory_space<hbm>>) dst(%dma_wait3A_250 : memref<128x32xf32, #tpu.memory_space<vmem>>)
    %barrier3A_254 = arith.constant 0 : index
    tpu.barrier barrier_id(%barrier3A_254)
    %add3A_255 = arith.constant 0 : i32
    %add3A_256 = arith.addi %mul3A_2, %add3A_255 : i32
    %run_scoped3A_257 = arith.constant 0 : i32
    "tpu.region"() ({
      %run_scoped3A_285 = tpu.sem_alloc : memref<!tpu.dma_semaphore, #tpu.memory_space<semaphore_mem>>
      %dma_start3A_286 = arith.constant 0 : i32
      %dma_start3A_287 = arith.constant 0 : i32
      %dma_start3A_288 = tpu.memref_slice %arg8[%run_scoped3A_257, %dma_start3A_286, %dma_start3A_287] : memref<8x128x32xf32, #tpu.memory_space<vmem>> -> memref<1x128x32xf32, #tpu.memory_space<vmem>>
      %dma_start3A_289 = tpu.memref_squeeze %dma_start3A_288 : memref<1x128x32xf32, #tpu.memory_space<vmem>> -> memref<128x32xf32, #tpu.memory_space<vmem>>
      %dma_start3A_290 = arith.constant 0 : i32
      %dma_start3A_291 = tpu.memref_slice %arg11[%add3A_256, %dma_start3A_290] : memref<10240x32xf32, #tpu.memory_space<vmem_shared>> -> memref<128x32xf32, #tpu.memory_space<vmem_shared>>
      %dma_start3A_292 = arith.constant 0 : i32
      %dma_start3A_293 = arith.constant 0 : i32
      %dma_start3A_294 = tpu.memref_slice %arg8[%run_scoped3A_257, %dma_start3A_292, %dma_start3A_293] : memref<8x128x32xf32, #tpu.memory_space<vmem>> -> memref<1x128x32xf32, #tpu.memory_space<vmem>>
      %dma_start3A_295 = tpu.memref_squeeze %dma_start3A_294 : memref<1x128x32xf32, #tpu.memory_space<vmem>> -> memref<128x32xf32, #tpu.memory_space<vmem>>
      %dma_start3A_296 = arith.constant 0 : i32
      %dma_start3A_297 = tpu.memref_slice %arg11[%add3A_256, %dma_start3A_296] : memref<10240x32xf32, #tpu.memory_space<vmem_shared>> -> memref<128x32xf32, #tpu.memory_space<vmem_shared>>
      tpu.enqueue_dma source(%dma_start3A_297 : memref<128x32xf32, #tpu.memory_space<vmem_shared>>) target(%dma_start3A_295 : memref<128x32xf32, #tpu.memory_space<vmem>>) target_semaphore(%run_scoped3A_285 : memref<!tpu.dma_semaphore, #tpu.memory_space<semaphore_mem>>)
      %dma_wait3A_298 = arith.constant 0 : i32
      %dma_wait3A_299 = arith.constant 0 : i32
      %dma_wait3A_300 = tpu.memref_slice %arg8[%run_scoped3A_257, %dma_wait3A_298, %dma_wait3A_299] : memref<8x128x32xf32, #tpu.memory_space<vmem>> -> memref<1x128x32xf32, #tpu.memory_space<vmem>>
      %dma_wait3A_301 = tpu.memref_squeeze %dma_wait3A_300 : memref<1x128x32xf32, #tpu.memory_space<vmem>> -> memref<128x32xf32, #tpu.memory_space<vmem>>
      %dma_wait3A_302 = arith.constant 0 : i32
      %dma_wait3A_303 = tpu.memref_slice %arg11[%add3A_256, %dma_wait3A_302] : memref<10240x32xf32, #tpu.memory_space<vmem_shared>> -> memref<128x32xf32, #tpu.memory_space<vmem_shared>>
      %dma_wait3A_304 = arith.constant 0 : i32
      %dma_wait3A_305 = arith.constant 0 : i32
      %dma_wait3A_306 = tpu.memref_slice %arg8[%run_scoped3A_257, %dma_wait3A_304, %dma_wait3A_305] : memref<8x128x32xf32, #tpu.memory_space<vmem>> -> memref<1x128x32xf32, #tpu.memory_space<vmem>>
      %dma_wait3A_307 = tpu.memref_squeeze %dma_wait3A_306 : memref<1x128x32xf32, #tpu.memory_space<vmem>> -> memref<128x32xf32, #tpu.memory_space<vmem>>
      %dma_wait3A_308 = arith.constant 0 : i32
      %dma_wait3A_309 = tpu.memref_slice %arg11[%add3A_256, %dma_wait3A_308] : memref<10240x32xf32, #tpu.memory_space<vmem_shared>> -> memref<128x32xf32, #tpu.memory_space<vmem_shared>>
      tpu.wait_dma2 semaphore(%run_scoped3A_285 : memref<!tpu.dma_semaphore, #tpu.memory_space<semaphore_mem>>) src(%dma_wait3A_309 : memref<128x32xf32, #tpu.memory_space<vmem_shared>>) dst(%dma_wait3A_307 : memref<128x32xf32, #tpu.memory_space<vmem>>)
      tpu.yield
    }) : () -> ()
    %add3A_258 = arith.constant 0 : i32
    %add3A_259 = arith.addi %mul3A_2, %add3A_258 : i32
    %run_scoped3A_260 = arith.constant 0 : i32
    "tpu.region"() ({
      %run_scoped3A_285 = tpu.sem_alloc : memref<!tpu.dma_semaphore, #tpu.memory_space<semaphore_mem>>
      %dma_start3A_286 = arith.constant 0 : i32
      %dma_start3A_287 = arith.constant 0 : i32
      %dma_start3A_288 = tpu.memref_slice %arg8[%run_scoped3A_260, %dma_start3A_286, %dma_start3A_287] : memref<8x128x32xf32, #tpu.memory_space<vmem>> -> memref<1x128x32xf32, #tpu.memory_space<vmem>>
      %dma_start3A_289 = tpu.memref_squeeze %dma_start3A_288 : memref<1x128x32xf32, #tpu.memory_space<vmem>> -> memref<128x32xf32, #tpu.memory_space<vmem>>
      %dma_start3A_290 = arith.constant 0 : i32
      %dma_start3A_291 = tpu.memref_slice %arg5[%arg0, %add3A_259, %dma_start3A_290] : memref<2x10000x32xf32, #tpu.memory_space<hbm>> -> memref<1x128x32xf32, #tpu.memory_space<hbm>>
      %dma_start3A_292 = tpu.memref_squeeze %dma_start3A_291 : memref<1x128x32xf32, #tpu.memory_space<hbm>> -> memref<128x32xf32, #tpu.memory_space<hbm>>
      %dma_start3A_293 = arith.constant 0 : i32
      %dma_start3A_294 = tpu.memref_slice %arg5[%arg0, %add3A_259, %dma_start3A_293] : memref<2x10000x32xf32, #tpu.memory_space<hbm>> -> memref<1x128x32xf32, #tpu.memory_space<hbm>>
      %dma_start3A_295 = tpu.memref_squeeze %dma_start3A_294 : memref<1x128x32xf32, #tpu.memory_space<hbm>> -> memref<128x32xf32, #tpu.memory_space<hbm>>
      %dma_start3A_296 = arith.constant 0 : i32
      %dma_start3A_297 = arith.constant 0 : i32
      %dma_start3A_298 = tpu.memref_slice %arg8[%run_scoped3A_260, %dma_start3A_296, %dma_start3A_297] : memref<8x128x32xf32, #tpu.memory_space<vmem>> -> memref<1x128x32xf32, #tpu.memory_space<vmem>>
      %dma_start3A_299 = tpu.memref_squeeze %dma_start3A_298 : memref<1x128x32xf32, #tpu.memory_space<vmem>> -> memref<128x32xf32, #tpu.memory_space<vmem>>
      tpu.enqueue_dma source(%dma_start3A_299 : memref<128x32xf32, #tpu.memory_space<vmem>>) target(%dma_start3A_295 : memref<128x32xf32, #tpu.memory_space<hbm>>) target_semaphore(%run_scoped3A_285 : memref<!tpu.dma_semaphore, #tpu.memory_space<semaphore_mem>>)
      %dma_wait3A_300 = arith.constant 0 : i32
      %dma_wait3A_301 = arith.constant 0 : i32
      %dma_wait3A_302 = tpu.memref_slice %arg8[%run_scoped3A_260, %dma_wait3A_300, %dma_wait3A_301] : memref<8x128x32xf32, #tpu.memory_space<vmem>> -> memref<1x128x32xf32, #tpu.memory_space<vmem>>
      %dma_wait3A_303 = tpu.memref_squeeze %dma_wait3A_302 : memref<1x128x32xf32, #tpu.memory_space<vmem>> -> memref<128x32xf32, #tpu.memory_space<vmem>>
      %dma_wait3A_304 = arith.constant 0 : i32
      %dma_wait3A_305 = tpu.memref_slice %arg5[%arg0, %add3A_259, %dma_wait3A_304] : memref<2x10000x32xf32, #tpu.memory_space<hbm>> -> memref<1x128x32xf32, #tpu.memory_space<hbm>>
      %dma_wait3A_306 = tpu.memref_squeeze %dma_wait3A_305 : memref<1x128x32xf32, #tpu.memory_space<hbm>> -> memref<128x32xf32, #tpu.memory_space<hbm>>
      %dma_wait3A_307 = arith.constant 0 : i32
      %dma_wait3A_308 = tpu.memref_slice %arg5[%arg0, %add3A_259, %dma_wait3A_307] : memref<2x10000x32xf32, #tpu.memory_space<hbm>> -> memref<1x128x32xf32, #tpu.memory_space<hbm>>
      %dma_wait3A_309 = tpu.memref_squeeze %dma_wait3A_308 : memref<1x128x32xf32, #tpu.memory_space<hbm>> -> memref<128x32xf32, #tpu.memory_space<hbm>>
      %dma_wait3A_310 = arith.constant 0 : i32
      %dma_wait3A_311 = arith.constant 0 : i32
      %dma_wait3A_312 = tpu.memref_slice %arg8[%run_scoped3A_260, %dma_wait3A_310, %dma_wait3A_311] : memref<8x128x32xf32, #tpu.memory_space<vmem>> -> memref<1x128x32xf32, #tpu.memory_space<vmem>>
      %dma_wait3A_313 = tpu.memref_squeeze %dma_wait3A_312 : memref<1x128x32xf32, #tpu.memory_space<vmem>> -> memref<128x32xf32, #tpu.memory_space<vmem>>
      tpu.wait_dma2 semaphore(%run_scoped3A_285 : memref<!tpu.dma_semaphore, #tpu.memory_space<semaphore_mem>>) src(%dma_wait3A_313 : memref<128x32xf32, #tpu.memory_space<vmem>>) dst(%dma_wait3A_309 : memref<128x32xf32, #tpu.memory_space<hbm>>)
      tpu.yield
    }) : () -> ()
    %add3A_261 = arith.constant 128 : i32
    %add3A_262 = arith.addi %mul3A_2, %add3A_261 : i32
    %run_scoped3A_263 = arith.constant 0 : i32
    "tpu.region"() ({
      %run_scoped3A_285 = tpu.sem_alloc : memref<!tpu.dma_semaphore, #tpu.memory_space<semaphore_mem>>
      %dma_start3A_286 = arith.constant 0 : i32
      %dma_start3A_287 = arith.constant 0 : i32
      %dma_start3A_288 = tpu.memref_slice %arg8[%run_scoped3A_263, %dma_start3A_286, %dma_start3A_287] : memref<8x128x32xf32, #tpu.memory_space<vmem>> -> memref<1x128x32xf32, #tpu.memory_space<vmem>>
      %dma_start3A_289 = tpu.memref_squeeze %dma_start3A_288 : memref<1x128x32xf32, #tpu.memory_space<vmem>> -> memref<128x32xf32, #tpu.memory_space<vmem>>
      %dma_start3A_290 = arith.constant 0 : i32
      %dma_start3A_291 = tpu.memref_slice %arg11[%add3A_262, %dma_start3A_290] : memref<10240x32xf32, #tpu.memory_space<vmem_shared>> -> memref<128x32xf32, #tpu.memory_space<vmem_shared>>
      %dma_start3A_292 = arith.constant 0 : i32
      %dma_start3A_293 = arith.constant 0 : i32
      %dma_start3A_294 = tpu.memref_slice %arg8[%run_scoped3A_263, %dma_start3A_292, %dma_start3A_293] : memref<8x128x32xf32, #tpu.memory_space<vmem>> -> memref<1x128x32xf32, #tpu.memory_space<vmem>>
      %dma_start3A_295 = tpu.memref_squeeze %dma_start3A_294 : memref<1x128x32xf32, #tpu.memory_space<vmem>> -> memref<128x32xf32, #tpu.memory_space<vmem>>
      %dma_start3A_296 = arith.constant 0 : i32
      %dma_start3A_297 = tpu.memref_slice %arg11[%add3A_262, %dma_start3A_296] : memref<10240x32xf32, #tpu.memory_space<vmem_shared>> -> memref<128x32xf32, #tpu.memory_space<vmem_shared>>
      tpu.enqueue_dma source(%dma_start3A_297 : memref<128x32xf32, #tpu.memory_space<vmem_shared>>) target(%dma_start3A_295 : memref<128x32xf32, #tpu.memory_space<vmem>>) target_semaphore(%run_scoped3A_285 : memref<!tpu.dma_semaphore, #tpu.memory_space<semaphore_mem>>)
      %dma_wait3A_298 = arith.constant 0 : i32
      %dma_wait3A_299 = arith.constant 0 : i32
      %dma_wait3A_300 = tpu.memref_slice %arg8[%run_scoped3A_263, %dma_wait3A_298, %dma_wait3A_299] : memref<8x128x32xf32, #tpu.memory_space<vmem>> -> memref<1x128x32xf32, #tpu.memory_space<vmem>>
      %dma_wait3A_301 = tpu.memref_squeeze %dma_wait3A_300 : memref<1x128x32xf32, #tpu.memory_space<vmem>> -> memref<128x32xf32, #tpu.memory_space<vmem>>
      %dma_wait3A_302 = arith.constant 0 : i32
      %dma_wait3A_303 = tpu.memref_slice %arg11[%add3A_262, %dma_wait3A_302] : memref<10240x32xf32, #tpu.memory_space<vmem_shared>> -> memref<128x32xf32, #tpu.memory_space<vmem_shared>>
      %dma_wait3A_304 = arith.constant 0 : i32
      %dma_wait3A_305 = arith.constant 0 : i32
      %dma_wait3A_306 = tpu.memref_slice %arg8[%run_scoped3A_263, %dma_wait3A_304, %dma_wait3A_305] : memref<8x128x32xf32, #tpu.memory_space<vmem>> -> memref<1x128x32xf32, #tpu.memory_space<vmem>>
      %dma_wait3A_307 = tpu.memref_squeeze %dma_wait3A_306 : memref<1x128x32xf32, #tpu.memory_space<vmem>> -> memref<128x32xf32, #tpu.memory_space<vmem>>
      %dma_wait3A_308 = arith.constant 0 : i32
      %dma_wait3A_309 = tpu.memref_slice %arg11[%add3A_262, %dma_wait3A_308] : memref<10240x32xf32, #tpu.memory_space<vmem_shared>> -> memref<128x32xf32, #tpu.memory_space<vmem_shared>>
      tpu.wait_dma2 semaphore(%run_scoped3A_285 : memref<!tpu.dma_semaphore, #tpu.memory_space<semaphore_mem>>) src(%dma_wait3A_309 : memref<128x32xf32, #tpu.memory_space<vmem_shared>>) dst(%dma_wait3A_307 : memref<128x32xf32, #tpu.memory_space<vmem>>)
      tpu.yield
    }) : () -> ()
    %add3A_264 = arith.constant 128 : i32
    %add3A_265 = arith.addi %mul3A_2, %add3A_264 : i32
    %run_scoped3A_266 = arith.constant 0 : i32
    "tpu.region"() ({
      %run_scoped3A_285 = tpu.sem_alloc : memref<!tpu.dma_semaphore, #tpu.memory_space<semaphore_mem>>
      %dma_start3A_286 = arith.constant 0 : i32
      %dma_start3A_287 = arith.constant 0 : i32
      %dma_start3A_288 = tpu.memref_slice %arg8[%run_scoped3A_266, %dma_start3A_286, %dma_start3A_287] : memref<8x128x32xf32, #tpu.memory_space<vmem>> -> memref<1x128x32xf32, #tpu.memory_space<vmem>>
      %dma_start3A_289 = tpu.memref_squeeze %dma_start3A_288 : memref<1x128x32xf32, #tpu.memory_space<vmem>> -> memref<128x32xf32, #tpu.memory_space<vmem>>
      %dma_start3A_290 = arith.constant 0 : i32
      %dma_start3A_291 = tpu.memref_slice %arg5[%arg0, %add3A_265, %dma_start3A_290] : memref<2x10000x32xf32, #tpu.memory_space<hbm>> -> memref<1x128x32xf32, #tpu.memory_space<hbm>>
      %dma_start3A_292 = tpu.memref_squeeze %dma_start3A_291 : memref<1x128x32xf32, #tpu.memory_space<hbm>> -> memref<128x32xf32, #tpu.memory_space<hbm>>
      %dma_start3A_293 = arith.constant 0 : i32
      %dma_start3A_294 = tpu.memref_slice %arg5[%arg0, %add3A_265, %dma_start3A_293] : memref<2x10000x32xf32, #tpu.memory_space<hbm>> -> memref<1x128x32xf32, #tpu.memory_space<hbm>>
      %dma_start3A_295 = tpu.memref_squeeze %dma_start3A_294 : memref<1x128x32xf32, #tpu.memory_space<hbm>> -> memref<128x32xf32, #tpu.memory_space<hbm>>
      %dma_start3A_296 = arith.constant 0 : i32
      %dma_start3A_297 = arith.constant 0 : i32
      %dma_start3A_298 = tpu.memref_slice %arg8[%run_scoped3A_266, %dma_start3A_296, %dma_start3A_297] : memref<8x128x32xf32, #tpu.memory_space<vmem>> -> memref<1x128x32xf32, #tpu.memory_space<vmem>>
      %dma_start3A_299 = tpu.memref_squeeze %dma_start3A_298 : memref<1x128x32xf32, #tpu.memory_space<vmem>> -> memref<128x32xf32, #tpu.memory_space<vmem>>
      tpu.enqueue_dma source(%dma_start3A_299 : memref<128x32xf32, #tpu.memory_space<vmem>>) target(%dma_start3A_295 : memref<128x32xf32, #tpu.memory_space<hbm>>) target_semaphore(%run_scoped3A_285 : memref<!tpu.dma_semaphore, #tpu.memory_space<semaphore_mem>>)
      %dma_wait3A_300 = arith.constant 0 : i32
      %dma_wait3A_301 = arith.constant 0 : i32
      %dma_wait3A_302 = tpu.memref_slice %arg8[%run_scoped3A_266, %dma_wait3A_300, %dma_wait3A_301] : memref<8x128x32xf32, #tpu.memory_space<vmem>> -> memref<1x128x32xf32, #tpu.memory_space<vmem>>
      %dma_wait3A_303 = tpu.memref_squeeze %dma_wait3A_302 : memref<1x128x32xf32, #tpu.memory_space<vmem>> -> memref<128x32xf32, #tpu.memory_space<vmem>>
      %dma_wait3A_304 = arith.constant 0 : i32
      %dma_wait3A_305 = tpu.memref_slice %arg5[%arg0, %add3A_265, %dma_wait3A_304] : memref<2x10000x32xf32, #tpu.memory_space<hbm>> -> memref<1x128x32xf32, #tpu.memory_space<hbm>>
      %dma_wait3A_306 = tpu.memref_squeeze %dma_wait3A_305 : memref<1x128x32xf32, #tpu.memory_space<hbm>> -> memref<128x32xf32, #tpu.memory_space<hbm>>
      %dma_wait3A_307 = arith.constant 0 : i32
      %dma_wait3A_308 = tpu.memref_slice %arg5[%arg0, %add3A_265, %dma_wait3A_307] : memref<2x10000x32xf32, #tpu.memory_space<hbm>> -> memref<1x128x32xf32, #tpu.memory_space<hbm>>
      %dma_wait3A_309 = tpu.memref_squeeze %dma_wait3A_308 : memref<1x128x32xf32, #tpu.memory_space<hbm>> -> memref<128x32xf32, #tpu.memory_space<hbm>>
      %dma_wait3A_310 = arith.constant 0 : i32
      %dma_wait3A_311 = arith.constant 0 : i32
      %dma_wait3A_312 = tpu.memref_slice %arg8[%run_scoped3A_266, %dma_wait3A_310, %dma_wait3A_311] : memref<8x128x32xf32, #tpu.memory_space<vmem>> -> memref<1x128x32xf32, #tpu.memory_space<vmem>>
      %dma_wait3A_313 = tpu.memref_squeeze %dma_wait3A_312 : memref<1x128x32xf32, #tpu.memory_space<vmem>> -> memref<128x32xf32, #tpu.memory_space<vmem>>
      tpu.wait_dma2 semaphore(%run_scoped3A_285 : memref<!tpu.dma_semaphore, #tpu.memory_space<semaphore_mem>>) src(%dma_wait3A_313 : memref<128x32xf32, #tpu.memory_space<vmem>>) dst(%dma_wait3A_309 : memref<128x32xf32, #tpu.memory_space<hbm>>)
      tpu.yield
    }) : () -> ()
    %add3A_267 = arith.constant 256 : i32
    %add3A_268 = arith.addi %mul3A_2, %add3A_267 : i32
    %run_scoped3A_269 = arith.constant 0 : i32
    "tpu.region"() ({
      %run_scoped3A_285 = tpu.sem_alloc : memref<!tpu.dma_semaphore, #tpu.memory_space<semaphore_mem>>
      %dma_start3A_286 = arith.constant 0 : i32
      %dma_start3A_287 = arith.constant 0 : i32
      %dma_start3A_288 = tpu.memref_slice %arg8[%run_scoped3A_269, %dma_start3A_286, %dma_start3A_287] : memref<8x128x32xf32, #tpu.memory_space<vmem>> -> memref<1x128x32xf32, #tpu.memory_space<vmem>>
      %dma_start3A_289 = tpu.memref_squeeze %dma_start3A_288 : memref<1x128x32xf32, #tpu.memory_space<vmem>> -> memref<128x32xf32, #tpu.memory_space<vmem>>
      %dma_start3A_290 = arith.constant 0 : i32
      %dma_start3A_291 = tpu.memref_slice %arg11[%add3A_268, %dma_start3A_290] : memref<10240x32xf32, #tpu.memory_space<vmem_shared>> -> memref<128x32xf32, #tpu.memory_space<vmem_shared>>
      %dma_start3A_292 = arith.constant 0 : i32
      %dma_start3A_293 = arith.constant 0 : i32
      %dma_start3A_294 = tpu.memref_slice %arg8[%run_scoped3A_269, %dma_start3A_292, %dma_start3A_293] : memref<8x128x32xf32, #tpu.memory_space<vmem>> -> memref<1x128x32xf32, #tpu.memory_space<vmem>>
      %dma_start3A_295 = tpu.memref_squeeze %dma_start3A_294 : memref<1x128x32xf32, #tpu.memory_space<vmem>> -> memref<128x32xf32, #tpu.memory_space<vmem>>
      %dma_start3A_296 = arith.constant 0 : i32
      %dma_start3A_297 = tpu.memref_slice %arg11[%add3A_268, %dma_start3A_296] : memref<10240x32xf32, #tpu.memory_space<vmem_shared>> -> memref<128x32xf32, #tpu.memory_space<vmem_shared>>
      tpu.enqueue_dma source(%dma_start3A_297 : memref<128x32xf32, #tpu.memory_space<vmem_shared>>) target(%dma_start3A_295 : memref<128x32xf32, #tpu.memory_space<vmem>>) target_semaphore(%run_scoped3A_285 : memref<!tpu.dma_semaphore, #tpu.memory_space<semaphore_mem>>)
      %dma_wait3A_298 = arith.constant 0 : i32
      %dma_wait3A_299 = arith.constant 0 : i32
      %dma_wait3A_300 = tpu.memref_slice %arg8[%run_scoped3A_269, %dma_wait3A_298, %dma_wait3A_299] : memref<8x128x32xf32, #tpu.memory_space<vmem>> -> memref<1x128x32xf32, #tpu.memory_space<vmem>>
      %dma_wait3A_301 = tpu.memref_squeeze %dma_wait3A_300 : memref<1x128x32xf32, #tpu.memory_space<vmem>> -> memref<128x32xf32, #tpu.memory_space<vmem>>
      %dma_wait3A_302 = arith.constant 0 : i32
      %dma_wait3A_303 = tpu.memref_slice %arg11[%add3A_268, %dma_wait3A_302] : memref<10240x32xf32, #tpu.memory_space<vmem_shared>> -> memref<128x32xf32, #tpu.memory_space<vmem_shared>>
      %dma_wait3A_304 = arith.constant 0 : i32
      %dma_wait3A_305 = arith.constant 0 : i32
      %dma_wait3A_306 = tpu.memref_slice %arg8[%run_scoped3A_269, %dma_wait3A_304, %dma_wait3A_305] : memref<8x128x32xf32, #tpu.memory_space<vmem>> -> memref<1x128x32xf32, #tpu.memory_space<vmem>>
      %dma_wait3A_307 = tpu.memref_squeeze %dma_wait3A_306 : memref<1x128x32xf32, #tpu.memory_space<vmem>> -> memref<128x32xf32, #tpu.memory_space<vmem>>
      %dma_wait3A_308 = arith.constant 0 : i32
      %dma_wait3A_309 = tpu.memref_slice %arg11[%add3A_268, %dma_wait3A_308] : memref<10240x32xf32, #tpu.memory_space<vmem_shared>> -> memref<128x32xf32, #tpu.memory_space<vmem_shared>>
      tpu.wait_dma2 semaphore(%run_scoped3A_285 : memref<!tpu.dma_semaphore, #tpu.memory_space<semaphore_mem>>) src(%dma_wait3A_309 : memref<128x32xf32, #tpu.memory_space<vmem_shared>>) dst(%dma_wait3A_307 : memref<128x32xf32, #tpu.memory_space<vmem>>)
      tpu.yield
    }) : () -> ()
    %add3A_270 = arith.constant 256 : i32
    %add3A_271 = arith.addi %mul3A_2, %add3A_270 : i32
    %run_scoped3A_272 = arith.constant 0 : i32
    "tpu.region"() ({
      %run_scoped3A_285 = tpu.sem_alloc : memref<!tpu.dma_semaphore, #tpu.memory_space<semaphore_mem>>
      %dma_start3A_286 = arith.constant 0 : i32
      %dma_start3A_287 = arith.constant 0 : i32
      %dma_start3A_288 = tpu.memref_slice %arg8[%run_scoped3A_272, %dma_start3A_286, %dma_start3A_287] : memref<8x128x32xf32, #tpu.memory_space<vmem>> -> memref<1x128x32xf32, #tpu.memory_space<vmem>>
      %dma_start3A_289 = tpu.memref_squeeze %dma_start3A_288 : memref<1x128x32xf32, #tpu.memory_space<vmem>> -> memref<128x32xf32, #tpu.memory_space<vmem>>
      %dma_start3A_290 = arith.constant 0 : i32
      %dma_start3A_291 = tpu.memref_slice %arg5[%arg0, %add3A_271, %dma_start3A_290] : memref<2x10000x32xf32, #tpu.memory_space<hbm>> -> memref<1x128x32xf32, #tpu.memory_space<hbm>>
      %dma_start3A_292 = tpu.memref_squeeze %dma_start3A_291 : memref<1x128x32xf32, #tpu.memory_space<hbm>> -> memref<128x32xf32, #tpu.memory_space<hbm>>
      %dma_start3A_293 = arith.constant 0 : i32
      %dma_start3A_294 = tpu.memref_slice %arg5[%arg0, %add3A_271, %dma_start3A_293] : memref<2x10000x32xf32, #tpu.memory_space<hbm>> -> memref<1x128x32xf32, #tpu.memory_space<hbm>>
      %dma_start3A_295 = tpu.memref_squeeze %dma_start3A_294 : memref<1x128x32xf32, #tpu.memory_space<hbm>> -> memref<128x32xf32, #tpu.memory_space<hbm>>
      %dma_start3A_296 = arith.constant 0 : i32
      %dma_start3A_297 = arith.constant 0 : i32
      %dma_start3A_298 = tpu.memref_slice %arg8[%run_scoped3A_272, %dma_start3A_296, %dma_start3A_297] : memref<8x128x32xf32, #tpu.memory_space<vmem>> -> memref<1x128x32xf32, #tpu.memory_space<vmem>>
      %dma_start3A_299 = tpu.memref_squeeze %dma_start3A_298 : memref<1x128x32xf32, #tpu.memory_space<vmem>> -> memref<128x32xf32, #tpu.memory_space<vmem>>
      tpu.enqueue_dma source(%dma_start3A_299 : memref<128x32xf32, #tpu.memory_space<vmem>>) target(%dma_start3A_295 : memref<128x32xf32, #tpu.memory_space<hbm>>) target_semaphore(%run_scoped3A_285 : memref<!tpu.dma_semaphore, #tpu.memory_space<semaphore_mem>>)
      %dma_wait3A_300 = arith.constant 0 : i32
      %dma_wait3A_301 = arith.constant 0 : i32
      %dma_wait3A_302 = tpu.memref_slice %arg8[%run_scoped3A_272, %dma_wait3A_300, %dma_wait3A_301] : memref<8x128x32xf32, #tpu.memory_space<vmem>> -> memref<1x128x32xf32, #tpu.memory_space<vmem>>
      %dma_wait3A_303 = tpu.memref_squeeze %dma_wait3A_302 : memref<1x128x32xf32, #tpu.memory_space<vmem>> -> memref<128x32xf32, #tpu.memory_space<vmem>>
      %dma_wait3A_304 = arith.constant 0 : i32
      %dma_wait3A_305 = tpu.memref_slice %arg5[%arg0, %add3A_271, %dma_wait3A_304] : memref<2x10000x32xf32, #tpu.memory_space<hbm>> -> memref<1x128x32xf32, #tpu.memory_space<hbm>>
      %dma_wait3A_306 = tpu.memref_squeeze %dma_wait3A_305 : memref<1x128x32xf32, #tpu.memory_space<hbm>> -> memref<128x32xf32, #tpu.memory_space<hbm>>
      %dma_wait3A_307 = arith.constant 0 : i32
      %dma_wait3A_308 = tpu.memref_slice %arg5[%arg0, %add3A_271, %dma_wait3A_307] : memref<2x10000x32xf32, #tpu.memory_space<hbm>> -> memref<1x128x32xf32, #tpu.memory_space<hbm>>
      %dma_wait3A_309 = tpu.memref_squeeze %dma_wait3A_308 : memref<1x128x32xf32, #tpu.memory_space<hbm>> -> memref<128x32xf32, #tpu.memory_space<hbm>>
      %dma_wait3A_310 = arith.constant 0 : i32
      %dma_wait3A_311 = arith.constant 0 : i32
      %dma_wait3A_312 = tpu.memref_slice %arg8[%run_scoped3A_272, %dma_wait3A_310, %dma_wait3A_311] : memref<8x128x32xf32, #tpu.memory_space<vmem>> -> memref<1x128x32xf32, #tpu.memory_space<vmem>>
      %dma_wait3A_313 = tpu.memref_squeeze %dma_wait3A_312 : memref<1x128x32xf32, #tpu.memory_space<vmem>> -> memref<128x32xf32, #tpu.memory_space<vmem>>
      tpu.wait_dma2 semaphore(%run_scoped3A_285 : memref<!tpu.dma_semaphore, #tpu.memory_space<semaphore_mem>>) src(%dma_wait3A_313 : memref<128x32xf32, #tpu.memory_space<vmem>>) dst(%dma_wait3A_309 : memref<128x32xf32, #tpu.memory_space<hbm>>)
      tpu.yield
    }) : () -> ()
    %add3A_273 = arith.constant 384 : i32
    %add3A_274 = arith.addi %mul3A_2, %add3A_273 : i32
    %run_scoped3A_275 = arith.constant 0 : i32
    "tpu.region"() ({
      %run_scoped3A_285 = tpu.sem_alloc : memref<!tpu.dma_semaphore, #tpu.memory_space<semaphore_mem>>
      %dma_start3A_286 = arith.constant 0 : i32
      %dma_start3A_287 = arith.constant 0 : i32
      %dma_start3A_288 = tpu.memref_slice %arg8[%run_scoped3A_275, %dma_start3A_286, %dma_start3A_287] : memref<8x128x32xf32, #tpu.memory_space<vmem>> -> memref<1x128x32xf32, #tpu.memory_space<vmem>>
      %dma_start3A_289 = tpu.memref_squeeze %dma_start3A_288 : memref<1x128x32xf32, #tpu.memory_space<vmem>> -> memref<128x32xf32, #tpu.memory_space<vmem>>
      %dma_start3A_290 = arith.constant 0 : i32
      %dma_start3A_291 = tpu.memref_slice %arg11[%add3A_274, %dma_start3A_290] : memref<10240x32xf32, #tpu.memory_space<vmem_shared>> -> memref<128x32xf32, #tpu.memory_space<vmem_shared>>
      %dma_start3A_292 = arith.constant 0 : i32
      %dma_start3A_293 = arith.constant 0 : i32
      %dma_start3A_294 = tpu.memref_slice %arg8[%run_scoped3A_275, %dma_start3A_292, %dma_start3A_293] : memref<8x128x32xf32, #tpu.memory_space<vmem>> -> memref<1x128x32xf32, #tpu.memory_space<vmem>>
      %dma_start3A_295 = tpu.memref_squeeze %dma_start3A_294 : memref<1x128x32xf32, #tpu.memory_space<vmem>> -> memref<128x32xf32, #tpu.memory_space<vmem>>
      %dma_start3A_296 = arith.constant 0 : i32
      %dma_start3A_297 = tpu.memref_slice %arg11[%add3A_274, %dma_start3A_296] : memref<10240x32xf32, #tpu.memory_space<vmem_shared>> -> memref<128x32xf32, #tpu.memory_space<vmem_shared>>
      tpu.enqueue_dma source(%dma_start3A_297 : memref<128x32xf32, #tpu.memory_space<vmem_shared>>) target(%dma_start3A_295 : memref<128x32xf32, #tpu.memory_space<vmem>>) target_semaphore(%run_scoped3A_285 : memref<!tpu.dma_semaphore, #tpu.memory_space<semaphore_mem>>)
      %dma_wait3A_298 = arith.constant 0 : i32
      %dma_wait3A_299 = arith.constant 0 : i32
      %dma_wait3A_300 = tpu.memref_slice %arg8[%run_scoped3A_275, %dma_wait3A_298, %dma_wait3A_299] : memref<8x128x32xf32, #tpu.memory_space<vmem>> -> memref<1x128x32xf32, #tpu.memory_space<vmem>>
      %dma_wait3A_301 = tpu.memref_squeeze %dma_wait3A_300 : memref<1x128x32xf32, #tpu.memory_space<vmem>> -> memref<128x32xf32, #tpu.memory_space<vmem>>
      %dma_wait3A_302 = arith.constant 0 : i32
      %dma_wait3A_303 = tpu.memref_slice %arg11[%add3A_274, %dma_wait3A_302] : memref<10240x32xf32, #tpu.memory_space<vmem_shared>> -> memref<128x32xf32, #tpu.memory_space<vmem_shared>>
      %dma_wait3A_304 = arith.constant 0 : i32
      %dma_wait3A_305 = arith.constant 0 : i32
      %dma_wait3A_306 = tpu.memref_slice %arg8[%run_scoped3A_275, %dma_wait3A_304, %dma_wait3A_305] : memref<8x128x32xf32, #tpu.memory_space<vmem>> -> memref<1x128x32xf32, #tpu.memory_space<vmem>>
      %dma_wait3A_307 = tpu.memref_squeeze %dma_wait3A_306 : memref<1x128x32xf32, #tpu.memory_space<vmem>> -> memref<128x32xf32, #tpu.memory_space<vmem>>
      %dma_wait3A_308 = arith.constant 0 : i32
      %dma_wait3A_309 = tpu.memref_slice %arg11[%add3A_274, %dma_wait3A_308] : memref<10240x32xf32, #tpu.memory_space<vmem_shared>> -> memref<128x32xf32, #tpu.memory_space<vmem_shared>>
      tpu.wait_dma2 semaphore(%run_scoped3A_285 : memref<!tpu.dma_semaphore, #tpu.memory_space<semaphore_mem>>) src(%dma_wait3A_309 : memref<128x32xf32, #tpu.memory_space<vmem_shared>>) dst(%dma_wait3A_307 : memref<128x32xf32, #tpu.memory_space<vmem>>)
      tpu.yield
    }) : () -> ()
    %add3A_276 = arith.constant 384 : i32
    %add3A_277 = arith.addi %mul3A_2, %add3A_276 : i32
    %run_scoped3A_278 = arith.constant 0 : i32
    "tpu.region"() ({
      %run_scoped3A_285 = tpu.sem_alloc : memref<!tpu.dma_semaphore, #tpu.memory_space<semaphore_mem>>
      %dma_start3A_286 = arith.constant 0 : i32
      %dma_start3A_287 = arith.constant 0 : i32
      %dma_start3A_288 = tpu.memref_slice %arg8[%run_scoped3A_278, %dma_start3A_286, %dma_start3A_287] : memref<8x128x32xf32, #tpu.memory_space<vmem>> -> memref<1x128x32xf32, #tpu.memory_space<vmem>>
      %dma_start3A_289 = tpu.memref_squeeze %dma_start3A_288 : memref<1x128x32xf32, #tpu.memory_space<vmem>> -> memref<128x32xf32, #tpu.memory_space<vmem>>
      %dma_start3A_290 = arith.constant 0 : i32
      %dma_start3A_291 = tpu.memref_slice %arg5[%arg0, %add3A_277, %dma_start3A_290] : memref<2x10000x32xf32, #tpu.memory_space<hbm>> -> memref<1x128x32xf32, #tpu.memory_space<hbm>>
      %dma_start3A_292 = tpu.memref_squeeze %dma_start3A_291 : memref<1x128x32xf32, #tpu.memory_space<hbm>> -> memref<128x32xf32, #tpu.memory_space<hbm>>
      %dma_start3A_293 = arith.constant 0 : i32
      %dma_start3A_294 = tpu.memref_slice %arg5[%arg0, %add3A_277, %dma_start3A_293] : memref<2x10000x32xf32, #tpu.memory_space<hbm>> -> memref<1x128x32xf32, #tpu.memory_space<hbm>>
      %dma_start3A_295 = tpu.memref_squeeze %dma_start3A_294 : memref<1x128x32xf32, #tpu.memory_space<hbm>> -> memref<128x32xf32, #tpu.memory_space<hbm>>
      %dma_start3A_296 = arith.constant 0 : i32
      %dma_start3A_297 = arith.constant 0 : i32
      %dma_start3A_298 = tpu.memref_slice %arg8[%run_scoped3A_278, %dma_start3A_296, %dma_start3A_297] : memref<8x128x32xf32, #tpu.memory_space<vmem>> -> memref<1x128x32xf32, #tpu.memory_space<vmem>>
      %dma_start3A_299 = tpu.memref_squeeze %dma_start3A_298 : memref<1x128x32xf32, #tpu.memory_space<vmem>> -> memref<128x32xf32, #tpu.memory_space<vmem>>
      tpu.enqueue_dma source(%dma_start3A_299 : memref<128x32xf32, #tpu.memory_space<vmem>>) target(%dma_start3A_295 : memref<128x32xf32, #tpu.memory_space<hbm>>) target_semaphore(%run_scoped3A_285 : memref<!tpu.dma_semaphore, #tpu.memory_space<semaphore_mem>>)
      %dma_wait3A_300 = arith.constant 0 : i32
      %dma_wait3A_301 = arith.constant 0 : i32
      %dma_wait3A_302 = tpu.memref_slice %arg8[%run_scoped3A_278, %dma_wait3A_300, %dma_wait3A_301] : memref<8x128x32xf32, #tpu.memory_space<vmem>> -> memref<1x128x32xf32, #tpu.memory_space<vmem>>
      %dma_wait3A_303 = tpu.memref_squeeze %dma_wait3A_302 : memref<1x128x32xf32, #tpu.memory_space<vmem>> -> memref<128x32xf32, #tpu.memory_space<vmem>>
      %dma_wait3A_304 = arith.constant 0 : i32
      %dma_wait3A_305 = tpu.memref_slice %arg5[%arg0, %add3A_277, %dma_wait3A_304] : memref<2x10000x32xf32, #tpu.memory_space<hbm>> -> memref<1x128x32xf32, #tpu.memory_space<hbm>>
      %dma_wait3A_306 = tpu.memref_squeeze %dma_wait3A_305 : memref<1x128x32xf32, #tpu.memory_space<hbm>> -> memref<128x32xf32, #tpu.memory_space<hbm>>
      %dma_wait3A_307 = arith.constant 0 : i32
      %dma_wait3A_308 = tpu.memref_slice %arg5[%arg0, %add3A_277, %dma_wait3A_307] : memref<2x10000x32xf32, #tpu.memory_space<hbm>> -> memref<1x128x32xf32, #tpu.memory_space<hbm>>
      %dma_wait3A_309 = tpu.memref_squeeze %dma_wait3A_308 : memref<1x128x32xf32, #tpu.memory_space<hbm>> -> memref<128x32xf32, #tpu.memory_space<hbm>>
      %dma_wait3A_310 = arith.constant 0 : i32
      %dma_wait3A_311 = arith.constant 0 : i32
      %dma_wait3A_312 = tpu.memref_slice %arg8[%run_scoped3A_278, %dma_wait3A_310, %dma_wait3A_311] : memref<8x128x32xf32, #tpu.memory_space<vmem>> -> memref<1x128x32xf32, #tpu.memory_space<vmem>>
      %dma_wait3A_313 = tpu.memref_squeeze %dma_wait3A_312 : memref<1x128x32xf32, #tpu.memory_space<vmem>> -> memref<128x32xf32, #tpu.memory_space<vmem>>
      tpu.wait_dma2 semaphore(%run_scoped3A_285 : memref<!tpu.dma_semaphore, #tpu.memory_space<semaphore_mem>>) src(%dma_wait3A_313 : memref<128x32xf32, #tpu.memory_space<vmem>>) dst(%dma_wait3A_309 : memref<128x32xf32, #tpu.memory_space<hbm>>)
      tpu.yield
    }) : () -> ()
    %add3A_279 = arith.constant 512 : i32
    %add3A_280 = arith.addi %mul3A_2, %add3A_279 : i32
    %run_scoped3A_281 = arith.constant 0 : i32
    "tpu.region"() ({
      %run_scoped3A_285 = tpu.sem_alloc : memref<!tpu.dma_semaphore, #tpu.memory_space<semaphore_mem>>
      %dma_start3A_286 = arith.constant 0 : i32
      %dma_start3A_287 = arith.constant 0 : i32
      %dma_start3A_288 = tpu.memref_slice %arg8[%run_scoped3A_281, %dma_start3A_286, %dma_start3A_287] : memref<8x128x32xf32, #tpu.memory_space<vmem>> -> memref<1x113x32xf32, #tpu.memory_space<vmem>>
      %dma_start3A_289 = tpu.memref_squeeze %dma_start3A_288 : memref<1x113x32xf32, #tpu.memory_space<vmem>> -> memref<113x32xf32, #tpu.memory_space<vmem>>
      %dma_start3A_290 = arith.constant 0 : i32
      %dma_start3A_291 = tpu.memref_slice %arg11[%add3A_280, %dma_start3A_290] : memref<10240x32xf32, #tpu.memory_space<vmem_shared>> -> memref<113x32xf32, #tpu.memory_space<vmem_shared>>
      %dma_start3A_292 = arith.constant 0 : i32
      %dma_start3A_293 = arith.constant 0 : i32
      %dma_start3A_294 = tpu.memref_slice %arg8[%run_scoped3A_281, %dma_start3A_292, %dma_start3A_293] : memref<8x128x32xf32, #tpu.memory_space<vmem>> -> memref<1x113x32xf32, #tpu.memory_space<vmem>>
      %dma_start3A_295 = tpu.memref_squeeze %dma_start3A_294 : memref<1x113x32xf32, #tpu.memory_space<vmem>> -> memref<113x32xf32, #tpu.memory_space<vmem>>
      %dma_start3A_296 = arith.constant 0 : i32
      %dma_start3A_297 = tpu.memref_slice %arg11[%add3A_280, %dma_start3A_296] : memref<10240x32xf32, #tpu.memory_space<vmem_shared>> -> memref<113x32xf32, #tpu.memory_space<vmem_shared>>
      tpu.enqueue_dma source(%dma_start3A_297 : memref<113x32xf32, #tpu.memory_space<vmem_shared>>) target(%dma_start3A_295 : memref<113x32xf32, #tpu.memory_space<vmem>>) target_semaphore(%run_scoped3A_285 : memref<!tpu.dma_semaphore, #tpu.memory_space<semaphore_mem>>)
      %dma_wait3A_298 = arith.constant 0 : i32
      %dma_wait3A_299 = arith.constant 0 : i32
      %dma_wait3A_300 = tpu.memref_slice %arg8[%run_scoped3A_281, %dma_wait3A_298, %dma_wait3A_299] : memref<8x128x32xf32, #tpu.memory_space<vmem>> -> memref<1x113x32xf32, #tpu.memory_space<vmem>>
      %dma_wait3A_301 = tpu.memref_squeeze %dma_wait3A_300 : memref<1x113x32xf32, #tpu.memory_space<vmem>> -> memref<113x32xf32, #tpu.memory_space<vmem>>
      %dma_wait3A_302 = arith.constant 0 : i32
      %dma_wait3A_303 = tpu.memref_slice %arg11[%add3A_280, %dma_wait3A_302] : memref<10240x32xf32, #tpu.memory_space<vmem_shared>> -> memref<113x32xf32, #tpu.memory_space<vmem_shared>>
      %dma_wait3A_304 = arith.constant 0 : i32
      %dma_wait3A_305 = arith.constant 0 : i32
      %dma_wait3A_306 = tpu.memref_slice %arg8[%run_scoped3A_281, %dma_wait3A_304, %dma_wait3A_305] : memref<8x128x32xf32, #tpu.memory_space<vmem>> -> memref<1x113x32xf32, #tpu.memory_space<vmem>>
      %dma_wait3A_307 = tpu.memref_squeeze %dma_wait3A_306 : memref<1x113x32xf32, #tpu.memory_space<vmem>> -> memref<113x32xf32, #tpu.memory_space<vmem>>
      %dma_wait3A_308 = arith.constant 0 : i32
      %dma_wait3A_309 = tpu.memref_slice %arg11[%add3A_280, %dma_wait3A_308] : memref<10240x32xf32, #tpu.memory_space<vmem_shared>> -> memref<113x32xf32, #tpu.memory_space<vmem_shared>>
      tpu.wait_dma2 semaphore(%run_scoped3A_285 : memref<!tpu.dma_semaphore, #tpu.memory_space<semaphore_mem>>) src(%dma_wait3A_309 : memref<113x32xf32, #tpu.memory_space<vmem_shared>>) dst(%dma_wait3A_307 : memref<113x32xf32, #tpu.memory_space<vmem>>)
      tpu.yield
    }) : () -> ()
    %add3A_282 = arith.constant 512 : i32
    %add3A_283 = arith.addi %mul3A_2, %add3A_282 : i32
    %run_scoped3A_284 = arith.constant 0 : i32
    "tpu.region"() ({
      %run_scoped3A_285 = tpu.sem_alloc : memref<!tpu.dma_semaphore, #tpu.memory_space<semaphore_mem>>
      %dma_start3A_286 = arith.constant 0 : i32
      %dma_start3A_287 = arith.constant 0 : i32
      %dma_start3A_288 = tpu.memref_slice %arg8[%run_scoped3A_284, %dma_start3A_286, %dma_start3A_287] : memref<8x128x32xf32, #tpu.memory_space<vmem>> -> memref<1x113x32xf32, #tpu.memory_space<vmem>>
      %dma_start3A_289 = tpu.memref_squeeze %dma_start3A_288 : memref<1x113x32xf32, #tpu.memory_space<vmem>> -> memref<113x32xf32, #tpu.memory_space<vmem>>
      %dma_start3A_290 = arith.constant 0 : i32
      %dma_start3A_291 = tpu.memref_slice %arg5[%arg0, %add3A_283, %dma_start3A_290] : memref<2x10000x32xf32, #tpu.memory_space<hbm>> -> memref<1x113x32xf32, #tpu.memory_space<hbm>>
      %dma_start3A_292 = tpu.memref_squeeze %dma_start3A_291 : memref<1x113x32xf32, #tpu.memory_space<hbm>> -> memref<113x32xf32, #tpu.memory_space<hbm>>
      %dma_start3A_293 = arith.constant 0 : i32
      %dma_start3A_294 = tpu.memref_slice %arg5[%arg0, %add3A_283, %dma_start3A_293] : memref<2x10000x32xf32, #tpu.memory_space<hbm>> -> memref<1x113x32xf32, #tpu.memory_space<hbm>>
      %dma_start3A_295 = tpu.memref_squeeze %dma_start3A_294 : memref<1x113x32xf32, #tpu.memory_space<hbm>> -> memref<113x32xf32, #tpu.memory_space<hbm>>
      %dma_start3A_296 = arith.constant 0 : i32
      %dma_start3A_297 = arith.constant 0 : i32
      %dma_start3A_298 = tpu.memref_slice %arg8[%run_scoped3A_284, %dma_start3A_296, %dma_start3A_297] : memref<8x128x32xf32, #tpu.memory_space<vmem>> -> memref<1x113x32xf32, #tpu.memory_space<vmem>>
      %dma_start3A_299 = tpu.memref_squeeze %dma_start3A_298 : memref<1x113x32xf32, #tpu.memory_space<vmem>> -> memref<113x32xf32, #tpu.memory_space<vmem>>
      tpu.enqueue_dma source(%dma_start3A_299 : memref<113x32xf32, #tpu.memory_space<vmem>>) target(%dma_start3A_295 : memref<113x32xf32, #tpu.memory_space<hbm>>) target_semaphore(%run_scoped3A_285 : memref<!tpu.dma_semaphore, #tpu.memory_space<semaphore_mem>>)
      %dma_wait3A_300 = arith.constant 0 : i32
      %dma_wait3A_301 = arith.constant 0 : i32
      %dma_wait3A_302 = tpu.memref_slice %arg8[%run_scoped3A_284, %dma_wait3A_300, %dma_wait3A_301] : memref<8x128x32xf32, #tpu.memory_space<vmem>> -> memref<1x113x32xf32, #tpu.memory_space<vmem>>
      %dma_wait3A_303 = tpu.memref_squeeze %dma_wait3A_302 : memref<1x113x32xf32, #tpu.memory_space<vmem>> -> memref<113x32xf32, #tpu.memory_space<vmem>>
      %dma_wait3A_304 = arith.constant 0 : i32
      %dma_wait3A_305 = tpu.memref_slice %arg5[%arg0, %add3A_283, %dma_wait3A_304] : memref<2x10000x32xf32, #tpu.memory_space<hbm>> -> memref<1x113x32xf32, #tpu.memory_space<hbm>>
      %dma_wait3A_306 = tpu.memref_squeeze %dma_wait3A_305 : memref<1x113x32xf32, #tpu.memory_space<hbm>> -> memref<113x32xf32, #tpu.memory_space<hbm>>
      %dma_wait3A_307 = arith.constant 0 : i32
      %dma_wait3A_308 = tpu.memref_slice %arg5[%arg0, %add3A_283, %dma_wait3A_307] : memref<2x10000x32xf32, #tpu.memory_space<hbm>> -> memref<1x113x32xf32, #tpu.memory_space<hbm>>
      %dma_wait3A_309 = tpu.memref_squeeze %dma_wait3A_308 : memref<1x113x32xf32, #tpu.memory_space<hbm>> -> memref<113x32xf32, #tpu.memory_space<hbm>>
      %dma_wait3A_310 = arith.constant 0 : i32
      %dma_wait3A_311 = arith.constant 0 : i32
      %dma_wait3A_312 = tpu.memref_slice %arg8[%run_scoped3A_284, %dma_wait3A_310, %dma_wait3A_311] : memref<8x128x32xf32, #tpu.memory_space<vmem>> -> memref<1x113x32xf32, #tpu.memory_space<vmem>>
      %dma_wait3A_313 = tpu.memref_squeeze %dma_wait3A_312 : memref<1x113x32xf32, #tpu.memory_space<vmem>> -> memref<113x32xf32, #tpu.memory_space<vmem>>
      tpu.wait_dma2 semaphore(%run_scoped3A_285 : memref<!tpu.dma_semaphore, #tpu.memory_space<semaphore_mem>>) src(%dma_wait3A_313 : memref<113x32xf32, #tpu.memory_space<vmem>>) dst(%dma_wait3A_309 : memref<113x32xf32, #tpu.memory_space<hbm>>)
      tpu.yield
    }) : () -> ()
    return
  }
}

#map = affine_map<(d0, d1) -> (0, 0, 0)>
#map1 = affine_map<(d0, d1) -> (0, 0)>
module attributes {stable_mosaic.version = 14 : i64} {
  func.func @agg(%arg0: i32, %arg1: i32, %arg2: memref<32x80x128xi32, #tpu.memory_space<hbm>>, %arg3: memref<32x80x128xi32, #tpu.memory_space<hbm>>, %arg4: memref<10000x64xf32, #tpu.memory_space<hbm>>, %arg5: memref<2x10000x64xf32, #tpu.memory_space<hbm>>, %arg6: memref<80x128xi32, #tpu.memory_space<vmem>>, %arg7: memref<80x128xi32, #tpu.memory_space<vmem>>, %arg8: memref<8x128x64xf32, #tpu.memory_space<vmem>>, %arg9: memref<8x!tpu.dma_semaphore, #tpu.memory_space<semaphore_mem>>, %arg10: memref<8x!tpu.dma_semaphore, #tpu.memory_space<semaphore_mem>>, %arg11: memref<10240x64xf32, #tpu.memory_space<vmem_shared>>) attributes {dimension_semantics = [#tpu.dimension_semantics<core_parallel>, #tpu.dimension_semantics<subcore_parallel>], iteration_bounds = array<i64: 2, 16>, scalar_prefetch = 0 : i64, scratch_operands = 6 : i64, tpu.core_type = #tpu.core_type<sc_vector_subcore>, window_params = [{transform_indices = #map}, {transform_indices = #map}, {transform_indices = #map1}, {transform_indices = #map}]} {
    %mul3A = arith.constant 16 : i32
    %mul3A_0 = arith.muli %arg0, %mul3A : i32
    %add3A = arith.addi %mul3A_0, %arg1 : i32
    %mul3A_1 = arith.constant 625 : i32
    %mul3A_2 = arith.muli %arg1, %mul3A_1 : i32
    %add3A_3 = arith.constant 0 : i32
    %add3A_4 = arith.addi %mul3A_2, %add3A_3 : i32
    %run_scoped3A = arith.constant 0 : i32
    "tpu.region"() ({
      %run_scoped3A_270 = tpu.sem_alloc : memref<!tpu.dma_semaphore, #tpu.memory_space<semaphore_mem>>
      %dma_start3A_271 = arith.constant 0 : i32
      %dma_start3A_272 = arith.constant 0 : i32
      %dma_start3A_273 = tpu.memref_slice %arg8[%run_scoped3A, %dma_start3A_271, %dma_start3A_272] : memref<8x128x64xf32, #tpu.memory_space<vmem>> -> memref<1x128x64xf32, #tpu.memory_space<vmem>>
      %dma_start3A_274 = tpu.memref_squeeze %dma_start3A_273 : memref<1x128x64xf32, #tpu.memory_space<vmem>> -> memref<128x64xf32, #tpu.memory_space<vmem>>
      %dma_start3A_275 = arith.constant 0 : i32
      %dma_start3A_276 = tpu.memref_slice %arg4[%add3A_4, %dma_start3A_275] : memref<10000x64xf32, #tpu.memory_space<hbm>> -> memref<128x64xf32, #tpu.memory_space<hbm>>
      %dma_start3A_277 = arith.constant 0 : i32
      %dma_start3A_278 = arith.constant 0 : i32
      %dma_start3A_279 = tpu.memref_slice %arg8[%run_scoped3A, %dma_start3A_277, %dma_start3A_278] : memref<8x128x64xf32, #tpu.memory_space<vmem>> -> memref<1x128x64xf32, #tpu.memory_space<vmem>>
      %dma_start3A_280 = tpu.memref_squeeze %dma_start3A_279 : memref<1x128x64xf32, #tpu.memory_space<vmem>> -> memref<128x64xf32, #tpu.memory_space<vmem>>
      %dma_start3A_281 = arith.constant 0 : i32
      %dma_start3A_282 = tpu.memref_slice %arg4[%add3A_4, %dma_start3A_281] : memref<10000x64xf32, #tpu.memory_space<hbm>> -> memref<128x64xf32, #tpu.memory_space<hbm>>
      tpu.enqueue_dma source(%dma_start3A_282 : memref<128x64xf32, #tpu.memory_space<hbm>>) target(%dma_start3A_280 : memref<128x64xf32, #tpu.memory_space<vmem>>) target_semaphore(%run_scoped3A_270 : memref<!tpu.dma_semaphore, #tpu.memory_space<semaphore_mem>>)
      %dma_wait3A_283 = arith.constant 0 : i32
      %dma_wait3A_284 = arith.constant 0 : i32
      %dma_wait3A_285 = tpu.memref_slice %arg8[%run_scoped3A, %dma_wait3A_283, %dma_wait3A_284] : memref<8x128x64xf32, #tpu.memory_space<vmem>> -> memref<1x128x64xf32, #tpu.memory_space<vmem>>
      %dma_wait3A_286 = tpu.memref_squeeze %dma_wait3A_285 : memref<1x128x64xf32, #tpu.memory_space<vmem>> -> memref<128x64xf32, #tpu.memory_space<vmem>>
      %dma_wait3A_287 = arith.constant 0 : i32
      %dma_wait3A_288 = tpu.memref_slice %arg4[%add3A_4, %dma_wait3A_287] : memref<10000x64xf32, #tpu.memory_space<hbm>> -> memref<128x64xf32, #tpu.memory_space<hbm>>
      %dma_wait3A_289 = arith.constant 0 : i32
      %dma_wait3A_290 = arith.constant 0 : i32
      %dma_wait3A_291 = tpu.memref_slice %arg8[%run_scoped3A, %dma_wait3A_289, %dma_wait3A_290] : memref<8x128x64xf32, #tpu.memory_space<vmem>> -> memref<1x128x64xf32, #tpu.memory_space<vmem>>
      %dma_wait3A_292 = tpu.memref_squeeze %dma_wait3A_291 : memref<1x128x64xf32, #tpu.memory_space<vmem>> -> memref<128x64xf32, #tpu.memory_space<vmem>>
      %dma_wait3A_293 = arith.constant 0 : i32
      %dma_wait3A_294 = tpu.memref_slice %arg4[%add3A_4, %dma_wait3A_293] : memref<10000x64xf32, #tpu.memory_space<hbm>> -> memref<128x64xf32, #tpu.memory_space<hbm>>
      tpu.wait_dma2 semaphore(%run_scoped3A_270 : memref<!tpu.dma_semaphore, #tpu.memory_space<semaphore_mem>>) src(%dma_wait3A_294 : memref<128x64xf32, #tpu.memory_space<hbm>>) dst(%dma_wait3A_292 : memref<128x64xf32, #tpu.memory_space<vmem>>)
      tpu.yield
    }) : () -> ()
    %add3A_5 = arith.constant 0 : i32
    %add3A_6 = arith.addi %mul3A_2, %add3A_5 : i32
    %run_scoped3A_7 = arith.constant 0 : i32
    "tpu.region"() ({
      %run_scoped3A_270 = tpu.sem_alloc : memref<!tpu.dma_semaphore, #tpu.memory_space<semaphore_mem>>
      %dma_start3A_271 = arith.constant 0 : i32
      %dma_start3A_272 = arith.constant 0 : i32
      %dma_start3A_273 = tpu.memref_slice %arg8[%run_scoped3A_7, %dma_start3A_271, %dma_start3A_272] : memref<8x128x64xf32, #tpu.memory_space<vmem>> -> memref<1x128x64xf32, #tpu.memory_space<vmem>>
      %dma_start3A_274 = tpu.memref_squeeze %dma_start3A_273 : memref<1x128x64xf32, #tpu.memory_space<vmem>> -> memref<128x64xf32, #tpu.memory_space<vmem>>
      %dma_start3A_275 = arith.constant 0 : i32
      %dma_start3A_276 = tpu.memref_slice %arg11[%add3A_6, %dma_start3A_275] : memref<10240x64xf32, #tpu.memory_space<vmem_shared>> -> memref<128x64xf32, #tpu.memory_space<vmem_shared>>
      %dma_start3A_277 = arith.constant 0 : i32
      %dma_start3A_278 = tpu.memref_slice %arg11[%add3A_6, %dma_start3A_277] : memref<10240x64xf32, #tpu.memory_space<vmem_shared>> -> memref<128x64xf32, #tpu.memory_space<vmem_shared>>
      %dma_start3A_279 = arith.constant 0 : i32
      %dma_start3A_280 = arith.constant 0 : i32
      %dma_start3A_281 = tpu.memref_slice %arg8[%run_scoped3A_7, %dma_start3A_279, %dma_start3A_280] : memref<8x128x64xf32, #tpu.memory_space<vmem>> -> memref<1x128x64xf32, #tpu.memory_space<vmem>>
      %dma_start3A_282 = tpu.memref_squeeze %dma_start3A_281 : memref<1x128x64xf32, #tpu.memory_space<vmem>> -> memref<128x64xf32, #tpu.memory_space<vmem>>
      tpu.enqueue_dma source(%dma_start3A_282 : memref<128x64xf32, #tpu.memory_space<vmem>>) target(%dma_start3A_278 : memref<128x64xf32, #tpu.memory_space<vmem_shared>>) target_semaphore(%run_scoped3A_270 : memref<!tpu.dma_semaphore, #tpu.memory_space<semaphore_mem>>)
      %dma_wait3A_283 = arith.constant 0 : i32
      %dma_wait3A_284 = arith.constant 0 : i32
      %dma_wait3A_285 = tpu.memref_slice %arg8[%run_scoped3A_7, %dma_wait3A_283, %dma_wait3A_284] : memref<8x128x64xf32, #tpu.memory_space<vmem>> -> memref<1x128x64xf32, #tpu.memory_space<vmem>>
      %dma_wait3A_286 = tpu.memref_squeeze %dma_wait3A_285 : memref<1x128x64xf32, #tpu.memory_space<vmem>> -> memref<128x64xf32, #tpu.memory_space<vmem>>
      %dma_wait3A_287 = arith.constant 0 : i32
      %dma_wait3A_288 = tpu.memref_slice %arg11[%add3A_6, %dma_wait3A_287] : memref<10240x64xf32, #tpu.memory_space<vmem_shared>> -> memref<128x64xf32, #tpu.memory_space<vmem_shared>>
      %dma_wait3A_289 = arith.constant 0 : i32
      %dma_wait3A_290 = tpu.memref_slice %arg11[%add3A_6, %dma_wait3A_289] : memref<10240x64xf32, #tpu.memory_space<vmem_shared>> -> memref<128x64xf32, #tpu.memory_space<vmem_shared>>
      %dma_wait3A_291 = arith.constant 0 : i32
      %dma_wait3A_292 = arith.constant 0 : i32
      %dma_wait3A_293 = tpu.memref_slice %arg8[%run_scoped3A_7, %dma_wait3A_291, %dma_wait3A_292] : memref<8x128x64xf32, #tpu.memory_space<vmem>> -> memref<1x128x64xf32, #tpu.memory_space<vmem>>
      %dma_wait3A_294 = tpu.memref_squeeze %dma_wait3A_293 : memref<1x128x64xf32, #tpu.memory_space<vmem>> -> memref<128x64xf32, #tpu.memory_space<vmem>>
      tpu.wait_dma2 semaphore(%run_scoped3A_270 : memref<!tpu.dma_semaphore, #tpu.memory_space<semaphore_mem>>) src(%dma_wait3A_294 : memref<128x64xf32, #tpu.memory_space<vmem>>) dst(%dma_wait3A_290 : memref<128x64xf32, #tpu.memory_space<vmem_shared>>)
      tpu.yield
    }) : () -> ()
    %add3A_8 = arith.constant 128 : i32
    %add3A_9 = arith.addi %mul3A_2, %add3A_8 : i32
    %run_scoped3A_10 = arith.constant 0 : i32
    "tpu.region"() ({
      %run_scoped3A_270 = tpu.sem_alloc : memref<!tpu.dma_semaphore, #tpu.memory_space<semaphore_mem>>
      %dma_start3A_271 = arith.constant 0 : i32
      %dma_start3A_272 = arith.constant 0 : i32
      %dma_start3A_273 = tpu.memref_slice %arg8[%run_scoped3A_10, %dma_start3A_271, %dma_start3A_272] : memref<8x128x64xf32, #tpu.memory_space<vmem>> -> memref<1x128x64xf32, #tpu.memory_space<vmem>>
      %dma_start3A_274 = tpu.memref_squeeze %dma_start3A_273 : memref<1x128x64xf32, #tpu.memory_space<vmem>> -> memref<128x64xf32, #tpu.memory_space<vmem>>
      %dma_start3A_275 = arith.constant 0 : i32
      %dma_start3A_276 = tpu.memref_slice %arg4[%add3A_9, %dma_start3A_275] : memref<10000x64xf32, #tpu.memory_space<hbm>> -> memref<128x64xf32, #tpu.memory_space<hbm>>
      %dma_start3A_277 = arith.constant 0 : i32
      %dma_start3A_278 = arith.constant 0 : i32
      %dma_start3A_279 = tpu.memref_slice %arg8[%run_scoped3A_10, %dma_start3A_277, %dma_start3A_278] : memref<8x128x64xf32, #tpu.memory_space<vmem>> -> memref<1x128x64xf32, #tpu.memory_space<vmem>>
      %dma_start3A_280 = tpu.memref_squeeze %dma_start3A_279 : memref<1x128x64xf32, #tpu.memory_space<vmem>> -> memref<128x64xf32, #tpu.memory_space<vmem>>
      %dma_start3A_281 = arith.constant 0 : i32
      %dma_start3A_282 = tpu.memref_slice %arg4[%add3A_9, %dma_start3A_281] : memref<10000x64xf32, #tpu.memory_space<hbm>> -> memref<128x64xf32, #tpu.memory_space<hbm>>
      tpu.enqueue_dma source(%dma_start3A_282 : memref<128x64xf32, #tpu.memory_space<hbm>>) target(%dma_start3A_280 : memref<128x64xf32, #tpu.memory_space<vmem>>) target_semaphore(%run_scoped3A_270 : memref<!tpu.dma_semaphore, #tpu.memory_space<semaphore_mem>>)
      %dma_wait3A_283 = arith.constant 0 : i32
      %dma_wait3A_284 = arith.constant 0 : i32
      %dma_wait3A_285 = tpu.memref_slice %arg8[%run_scoped3A_10, %dma_wait3A_283, %dma_wait3A_284] : memref<8x128x64xf32, #tpu.memory_space<vmem>> -> memref<1x128x64xf32, #tpu.memory_space<vmem>>
      %dma_wait3A_286 = tpu.memref_squeeze %dma_wait3A_285 : memref<1x128x64xf32, #tpu.memory_space<vmem>> -> memref<128x64xf32, #tpu.memory_space<vmem>>
      %dma_wait3A_287 = arith.constant 0 : i32
      %dma_wait3A_288 = tpu.memref_slice %arg4[%add3A_9, %dma_wait3A_287] : memref<10000x64xf32, #tpu.memory_space<hbm>> -> memref<128x64xf32, #tpu.memory_space<hbm>>
      %dma_wait3A_289 = arith.constant 0 : i32
      %dma_wait3A_290 = arith.constant 0 : i32
      %dma_wait3A_291 = tpu.memref_slice %arg8[%run_scoped3A_10, %dma_wait3A_289, %dma_wait3A_290] : memref<8x128x64xf32, #tpu.memory_space<vmem>> -> memref<1x128x64xf32, #tpu.memory_space<vmem>>
      %dma_wait3A_292 = tpu.memref_squeeze %dma_wait3A_291 : memref<1x128x64xf32, #tpu.memory_space<vmem>> -> memref<128x64xf32, #tpu.memory_space<vmem>>
      %dma_wait3A_293 = arith.constant 0 : i32
      %dma_wait3A_294 = tpu.memref_slice %arg4[%add3A_9, %dma_wait3A_293] : memref<10000x64xf32, #tpu.memory_space<hbm>> -> memref<128x64xf32, #tpu.memory_space<hbm>>
      tpu.wait_dma2 semaphore(%run_scoped3A_270 : memref<!tpu.dma_semaphore, #tpu.memory_space<semaphore_mem>>) src(%dma_wait3A_294 : memref<128x64xf32, #tpu.memory_space<hbm>>) dst(%dma_wait3A_292 : memref<128x64xf32, #tpu.memory_space<vmem>>)
      tpu.yield
    }) : () -> ()
    %add3A_11 = arith.constant 128 : i32
    %add3A_12 = arith.addi %mul3A_2, %add3A_11 : i32
    %run_scoped3A_13 = arith.constant 0 : i32
    "tpu.region"() ({
      %run_scoped3A_270 = tpu.sem_alloc : memref<!tpu.dma_semaphore, #tpu.memory_space<semaphore_mem>>
      %dma_start3A_271 = arith.constant 0 : i32
      %dma_start3A_272 = arith.constant 0 : i32
      %dma_start3A_273 = tpu.memref_slice %arg8[%run_scoped3A_13, %dma_start3A_271, %dma_start3A_272] : memref<8x128x64xf32, #tpu.memory_space<vmem>> -> memref<1x128x64xf32, #tpu.memory_space<vmem>>
      %dma_start3A_274 = tpu.memref_squeeze %dma_start3A_273 : memref<1x128x64xf32, #tpu.memory_space<vmem>> -> memref<128x64xf32, #tpu.memory_space<vmem>>
      %dma_start3A_275 = arith.constant 0 : i32
      %dma_start3A_276 = tpu.memref_slice %arg11[%add3A_12, %dma_start3A_275] : memref<10240x64xf32, #tpu.memory_space<vmem_shared>> -> memref<128x64xf32, #tpu.memory_space<vmem_shared>>
      %dma_start3A_277 = arith.constant 0 : i32
      %dma_start3A_278 = tpu.memref_slice %arg11[%add3A_12, %dma_start3A_277] : memref<10240x64xf32, #tpu.memory_space<vmem_shared>> -> memref<128x64xf32, #tpu.memory_space<vmem_shared>>
      %dma_start3A_279 = arith.constant 0 : i32
      %dma_start3A_280 = arith.constant 0 : i32
      %dma_start3A_281 = tpu.memref_slice %arg8[%run_scoped3A_13, %dma_start3A_279, %dma_start3A_280] : memref<8x128x64xf32, #tpu.memory_space<vmem>> -> memref<1x128x64xf32, #tpu.memory_space<vmem>>
      %dma_start3A_282 = tpu.memref_squeeze %dma_start3A_281 : memref<1x128x64xf32, #tpu.memory_space<vmem>> -> memref<128x64xf32, #tpu.memory_space<vmem>>
      tpu.enqueue_dma source(%dma_start3A_282 : memref<128x64xf32, #tpu.memory_space<vmem>>) target(%dma_start3A_278 : memref<128x64xf32, #tpu.memory_space<vmem_shared>>) target_semaphore(%run_scoped3A_270 : memref<!tpu.dma_semaphore, #tpu.memory_space<semaphore_mem>>)
      %dma_wait3A_283 = arith.constant 0 : i32
      %dma_wait3A_284 = arith.constant 0 : i32
      %dma_wait3A_285 = tpu.memref_slice %arg8[%run_scoped3A_13, %dma_wait3A_283, %dma_wait3A_284] : memref<8x128x64xf32, #tpu.memory_space<vmem>> -> memref<1x128x64xf32, #tpu.memory_space<vmem>>
      %dma_wait3A_286 = tpu.memref_squeeze %dma_wait3A_285 : memref<1x128x64xf32, #tpu.memory_space<vmem>> -> memref<128x64xf32, #tpu.memory_space<vmem>>
      %dma_wait3A_287 = arith.constant 0 : i32
      %dma_wait3A_288 = tpu.memref_slice %arg11[%add3A_12, %dma_wait3A_287] : memref<10240x64xf32, #tpu.memory_space<vmem_shared>> -> memref<128x64xf32, #tpu.memory_space<vmem_shared>>
      %dma_wait3A_289 = arith.constant 0 : i32
      %dma_wait3A_290 = tpu.memref_slice %arg11[%add3A_12, %dma_wait3A_289] : memref<10240x64xf32, #tpu.memory_space<vmem_shared>> -> memref<128x64xf32, #tpu.memory_space<vmem_shared>>
      %dma_wait3A_291 = arith.constant 0 : i32
      %dma_wait3A_292 = arith.constant 0 : i32
      %dma_wait3A_293 = tpu.memref_slice %arg8[%run_scoped3A_13, %dma_wait3A_291, %dma_wait3A_292] : memref<8x128x64xf32, #tpu.memory_space<vmem>> -> memref<1x128x64xf32, #tpu.memory_space<vmem>>
      %dma_wait3A_294 = tpu.memref_squeeze %dma_wait3A_293 : memref<1x128x64xf32, #tpu.memory_space<vmem>> -> memref<128x64xf32, #tpu.memory_space<vmem>>
      tpu.wait_dma2 semaphore(%run_scoped3A_270 : memref<!tpu.dma_semaphore, #tpu.memory_space<semaphore_mem>>) src(%dma_wait3A_294 : memref<128x64xf32, #tpu.memory_space<vmem>>) dst(%dma_wait3A_290 : memref<128x64xf32, #tpu.memory_space<vmem_shared>>)
      tpu.yield
    }) : () -> ()
    %add3A_14 = arith.constant 256 : i32
    %add3A_15 = arith.addi %mul3A_2, %add3A_14 : i32
    %run_scoped3A_16 = arith.constant 0 : i32
    "tpu.region"() ({
      %run_scoped3A_270 = tpu.sem_alloc : memref<!tpu.dma_semaphore, #tpu.memory_space<semaphore_mem>>
      %dma_start3A_271 = arith.constant 0 : i32
      %dma_start3A_272 = arith.constant 0 : i32
      %dma_start3A_273 = tpu.memref_slice %arg8[%run_scoped3A_16, %dma_start3A_271, %dma_start3A_272] : memref<8x128x64xf32, #tpu.memory_space<vmem>> -> memref<1x128x64xf32, #tpu.memory_space<vmem>>
      %dma_start3A_274 = tpu.memref_squeeze %dma_start3A_273 : memref<1x128x64xf32, #tpu.memory_space<vmem>> -> memref<128x64xf32, #tpu.memory_space<vmem>>
      %dma_start3A_275 = arith.constant 0 : i32
      %dma_start3A_276 = tpu.memref_slice %arg4[%add3A_15, %dma_start3A_275] : memref<10000x64xf32, #tpu.memory_space<hbm>> -> memref<128x64xf32, #tpu.memory_space<hbm>>
      %dma_start3A_277 = arith.constant 0 : i32
      %dma_start3A_278 = arith.constant 0 : i32
      %dma_start3A_279 = tpu.memref_slice %arg8[%run_scoped3A_16, %dma_start3A_277, %dma_start3A_278] : memref<8x128x64xf32, #tpu.memory_space<vmem>> -> memref<1x128x64xf32, #tpu.memory_space<vmem>>
      %dma_start3A_280 = tpu.memref_squeeze %dma_start3A_279 : memref<1x128x64xf32, #tpu.memory_space<vmem>> -> memref<128x64xf32, #tpu.memory_space<vmem>>
      %dma_start3A_281 = arith.constant 0 : i32
      %dma_start3A_282 = tpu.memref_slice %arg4[%add3A_15, %dma_start3A_281] : memref<10000x64xf32, #tpu.memory_space<hbm>> -> memref<128x64xf32, #tpu.memory_space<hbm>>
      tpu.enqueue_dma source(%dma_start3A_282 : memref<128x64xf32, #tpu.memory_space<hbm>>) target(%dma_start3A_280 : memref<128x64xf32, #tpu.memory_space<vmem>>) target_semaphore(%run_scoped3A_270 : memref<!tpu.dma_semaphore, #tpu.memory_space<semaphore_mem>>)
      %dma_wait3A_283 = arith.constant 0 : i32
      %dma_wait3A_284 = arith.constant 0 : i32
      %dma_wait3A_285 = tpu.memref_slice %arg8[%run_scoped3A_16, %dma_wait3A_283, %dma_wait3A_284] : memref<8x128x64xf32, #tpu.memory_space<vmem>> -> memref<1x128x64xf32, #tpu.memory_space<vmem>>
      %dma_wait3A_286 = tpu.memref_squeeze %dma_wait3A_285 : memref<1x128x64xf32, #tpu.memory_space<vmem>> -> memref<128x64xf32, #tpu.memory_space<vmem>>
      %dma_wait3A_287 = arith.constant 0 : i32
      %dma_wait3A_288 = tpu.memref_slice %arg4[%add3A_15, %dma_wait3A_287] : memref<10000x64xf32, #tpu.memory_space<hbm>> -> memref<128x64xf32, #tpu.memory_space<hbm>>
      %dma_wait3A_289 = arith.constant 0 : i32
      %dma_wait3A_290 = arith.constant 0 : i32
      %dma_wait3A_291 = tpu.memref_slice %arg8[%run_scoped3A_16, %dma_wait3A_289, %dma_wait3A_290] : memref<8x128x64xf32, #tpu.memory_space<vmem>> -> memref<1x128x64xf32, #tpu.memory_space<vmem>>
      %dma_wait3A_292 = tpu.memref_squeeze %dma_wait3A_291 : memref<1x128x64xf32, #tpu.memory_space<vmem>> -> memref<128x64xf32, #tpu.memory_space<vmem>>
      %dma_wait3A_293 = arith.constant 0 : i32
      %dma_wait3A_294 = tpu.memref_slice %arg4[%add3A_15, %dma_wait3A_293] : memref<10000x64xf32, #tpu.memory_space<hbm>> -> memref<128x64xf32, #tpu.memory_space<hbm>>
      tpu.wait_dma2 semaphore(%run_scoped3A_270 : memref<!tpu.dma_semaphore, #tpu.memory_space<semaphore_mem>>) src(%dma_wait3A_294 : memref<128x64xf32, #tpu.memory_space<hbm>>) dst(%dma_wait3A_292 : memref<128x64xf32, #tpu.memory_space<vmem>>)
      tpu.yield
    }) : () -> ()
    %add3A_17 = arith.constant 256 : i32
    %add3A_18 = arith.addi %mul3A_2, %add3A_17 : i32
    %run_scoped3A_19 = arith.constant 0 : i32
    "tpu.region"() ({
      %run_scoped3A_270 = tpu.sem_alloc : memref<!tpu.dma_semaphore, #tpu.memory_space<semaphore_mem>>
      %dma_start3A_271 = arith.constant 0 : i32
      %dma_start3A_272 = arith.constant 0 : i32
      %dma_start3A_273 = tpu.memref_slice %arg8[%run_scoped3A_19, %dma_start3A_271, %dma_start3A_272] : memref<8x128x64xf32, #tpu.memory_space<vmem>> -> memref<1x128x64xf32, #tpu.memory_space<vmem>>
      %dma_start3A_274 = tpu.memref_squeeze %dma_start3A_273 : memref<1x128x64xf32, #tpu.memory_space<vmem>> -> memref<128x64xf32, #tpu.memory_space<vmem>>
      %dma_start3A_275 = arith.constant 0 : i32
      %dma_start3A_276 = tpu.memref_slice %arg11[%add3A_18, %dma_start3A_275] : memref<10240x64xf32, #tpu.memory_space<vmem_shared>> -> memref<128x64xf32, #tpu.memory_space<vmem_shared>>
      %dma_start3A_277 = arith.constant 0 : i32
      %dma_start3A_278 = tpu.memref_slice %arg11[%add3A_18, %dma_start3A_277] : memref<10240x64xf32, #tpu.memory_space<vmem_shared>> -> memref<128x64xf32, #tpu.memory_space<vmem_shared>>
      %dma_start3A_279 = arith.constant 0 : i32
      %dma_start3A_280 = arith.constant 0 : i32
      %dma_start3A_281 = tpu.memref_slice %arg8[%run_scoped3A_19, %dma_start3A_279, %dma_start3A_280] : memref<8x128x64xf32, #tpu.memory_space<vmem>> -> memref<1x128x64xf32, #tpu.memory_space<vmem>>
      %dma_start3A_282 = tpu.memref_squeeze %dma_start3A_281 : memref<1x128x64xf32, #tpu.memory_space<vmem>> -> memref<128x64xf32, #tpu.memory_space<vmem>>
      tpu.enqueue_dma source(%dma_start3A_282 : memref<128x64xf32, #tpu.memory_space<vmem>>) target(%dma_start3A_278 : memref<128x64xf32, #tpu.memory_space<vmem_shared>>) target_semaphore(%run_scoped3A_270 : memref<!tpu.dma_semaphore, #tpu.memory_space<semaphore_mem>>)
      %dma_wait3A_283 = arith.constant 0 : i32
      %dma_wait3A_284 = arith.constant 0 : i32
      %dma_wait3A_285 = tpu.memref_slice %arg8[%run_scoped3A_19, %dma_wait3A_283, %dma_wait3A_284] : memref<8x128x64xf32, #tpu.memory_space<vmem>> -> memref<1x128x64xf32, #tpu.memory_space<vmem>>
      %dma_wait3A_286 = tpu.memref_squeeze %dma_wait3A_285 : memref<1x128x64xf32, #tpu.memory_space<vmem>> -> memref<128x64xf32, #tpu.memory_space<vmem>>
      %dma_wait3A_287 = arith.constant 0 : i32
      %dma_wait3A_288 = tpu.memref_slice %arg11[%add3A_18, %dma_wait3A_287] : memref<10240x64xf32, #tpu.memory_space<vmem_shared>> -> memref<128x64xf32, #tpu.memory_space<vmem_shared>>
      %dma_wait3A_289 = arith.constant 0 : i32
      %dma_wait3A_290 = tpu.memref_slice %arg11[%add3A_18, %dma_wait3A_289] : memref<10240x64xf32, #tpu.memory_space<vmem_shared>> -> memref<128x64xf32, #tpu.memory_space<vmem_shared>>
      %dma_wait3A_291 = arith.constant 0 : i32
      %dma_wait3A_292 = arith.constant 0 : i32
      %dma_wait3A_293 = tpu.memref_slice %arg8[%run_scoped3A_19, %dma_wait3A_291, %dma_wait3A_292] : memref<8x128x64xf32, #tpu.memory_space<vmem>> -> memref<1x128x64xf32, #tpu.memory_space<vmem>>
      %dma_wait3A_294 = tpu.memref_squeeze %dma_wait3A_293 : memref<1x128x64xf32, #tpu.memory_space<vmem>> -> memref<128x64xf32, #tpu.memory_space<vmem>>
      tpu.wait_dma2 semaphore(%run_scoped3A_270 : memref<!tpu.dma_semaphore, #tpu.memory_space<semaphore_mem>>) src(%dma_wait3A_294 : memref<128x64xf32, #tpu.memory_space<vmem>>) dst(%dma_wait3A_290 : memref<128x64xf32, #tpu.memory_space<vmem_shared>>)
      tpu.yield
    }) : () -> ()
    %add3A_20 = arith.constant 384 : i32
    %add3A_21 = arith.addi %mul3A_2, %add3A_20 : i32
    %run_scoped3A_22 = arith.constant 0 : i32
    "tpu.region"() ({
      %run_scoped3A_270 = tpu.sem_alloc : memref<!tpu.dma_semaphore, #tpu.memory_space<semaphore_mem>>
      %dma_start3A_271 = arith.constant 0 : i32
      %dma_start3A_272 = arith.constant 0 : i32
      %dma_start3A_273 = tpu.memref_slice %arg8[%run_scoped3A_22, %dma_start3A_271, %dma_start3A_272] : memref<8x128x64xf32, #tpu.memory_space<vmem>> -> memref<1x128x64xf32, #tpu.memory_space<vmem>>
      %dma_start3A_274 = tpu.memref_squeeze %dma_start3A_273 : memref<1x128x64xf32, #tpu.memory_space<vmem>> -> memref<128x64xf32, #tpu.memory_space<vmem>>
      %dma_start3A_275 = arith.constant 0 : i32
      %dma_start3A_276 = tpu.memref_slice %arg4[%add3A_21, %dma_start3A_275] : memref<10000x64xf32, #tpu.memory_space<hbm>> -> memref<128x64xf32, #tpu.memory_space<hbm>>
      %dma_start3A_277 = arith.constant 0 : i32
      %dma_start3A_278 = arith.constant 0 : i32
      %dma_start3A_279 = tpu.memref_slice %arg8[%run_scoped3A_22, %dma_start3A_277, %dma_start3A_278] : memref<8x128x64xf32, #tpu.memory_space<vmem>> -> memref<1x128x64xf32, #tpu.memory_space<vmem>>
      %dma_start3A_280 = tpu.memref_squeeze %dma_start3A_279 : memref<1x128x64xf32, #tpu.memory_space<vmem>> -> memref<128x64xf32, #tpu.memory_space<vmem>>
      %dma_start3A_281 = arith.constant 0 : i32
      %dma_start3A_282 = tpu.memref_slice %arg4[%add3A_21, %dma_start3A_281] : memref<10000x64xf32, #tpu.memory_space<hbm>> -> memref<128x64xf32, #tpu.memory_space<hbm>>
      tpu.enqueue_dma source(%dma_start3A_282 : memref<128x64xf32, #tpu.memory_space<hbm>>) target(%dma_start3A_280 : memref<128x64xf32, #tpu.memory_space<vmem>>) target_semaphore(%run_scoped3A_270 : memref<!tpu.dma_semaphore, #tpu.memory_space<semaphore_mem>>)
      %dma_wait3A_283 = arith.constant 0 : i32
      %dma_wait3A_284 = arith.constant 0 : i32
      %dma_wait3A_285 = tpu.memref_slice %arg8[%run_scoped3A_22, %dma_wait3A_283, %dma_wait3A_284] : memref<8x128x64xf32, #tpu.memory_space<vmem>> -> memref<1x128x64xf32, #tpu.memory_space<vmem>>
      %dma_wait3A_286 = tpu.memref_squeeze %dma_wait3A_285 : memref<1x128x64xf32, #tpu.memory_space<vmem>> -> memref<128x64xf32, #tpu.memory_space<vmem>>
      %dma_wait3A_287 = arith.constant 0 : i32
      %dma_wait3A_288 = tpu.memref_slice %arg4[%add3A_21, %dma_wait3A_287] : memref<10000x64xf32, #tpu.memory_space<hbm>> -> memref<128x64xf32, #tpu.memory_space<hbm>>
      %dma_wait3A_289 = arith.constant 0 : i32
      %dma_wait3A_290 = arith.constant 0 : i32
      %dma_wait3A_291 = tpu.memref_slice %arg8[%run_scoped3A_22, %dma_wait3A_289, %dma_wait3A_290] : memref<8x128x64xf32, #tpu.memory_space<vmem>> -> memref<1x128x64xf32, #tpu.memory_space<vmem>>
      %dma_wait3A_292 = tpu.memref_squeeze %dma_wait3A_291 : memref<1x128x64xf32, #tpu.memory_space<vmem>> -> memref<128x64xf32, #tpu.memory_space<vmem>>
      %dma_wait3A_293 = arith.constant 0 : i32
      %dma_wait3A_294 = tpu.memref_slice %arg4[%add3A_21, %dma_wait3A_293] : memref<10000x64xf32, #tpu.memory_space<hbm>> -> memref<128x64xf32, #tpu.memory_space<hbm>>
      tpu.wait_dma2 semaphore(%run_scoped3A_270 : memref<!tpu.dma_semaphore, #tpu.memory_space<semaphore_mem>>) src(%dma_wait3A_294 : memref<128x64xf32, #tpu.memory_space<hbm>>) dst(%dma_wait3A_292 : memref<128x64xf32, #tpu.memory_space<vmem>>)
      tpu.yield
    }) : () -> ()
    %add3A_23 = arith.constant 384 : i32
    %add3A_24 = arith.addi %mul3A_2, %add3A_23 : i32
    %run_scoped3A_25 = arith.constant 0 : i32
    "tpu.region"() ({
      %run_scoped3A_270 = tpu.sem_alloc : memref<!tpu.dma_semaphore, #tpu.memory_space<semaphore_mem>>
      %dma_start3A_271 = arith.constant 0 : i32
      %dma_start3A_272 = arith.constant 0 : i32
      %dma_start3A_273 = tpu.memref_slice %arg8[%run_scoped3A_25, %dma_start3A_271, %dma_start3A_272] : memref<8x128x64xf32, #tpu.memory_space<vmem>> -> memref<1x128x64xf32, #tpu.memory_space<vmem>>
      %dma_start3A_274 = tpu.memref_squeeze %dma_start3A_273 : memref<1x128x64xf32, #tpu.memory_space<vmem>> -> memref<128x64xf32, #tpu.memory_space<vmem>>
      %dma_start3A_275 = arith.constant 0 : i32
      %dma_start3A_276 = tpu.memref_slice %arg11[%add3A_24, %dma_start3A_275] : memref<10240x64xf32, #tpu.memory_space<vmem_shared>> -> memref<128x64xf32, #tpu.memory_space<vmem_shared>>
      %dma_start3A_277 = arith.constant 0 : i32
      %dma_start3A_278 = tpu.memref_slice %arg11[%add3A_24, %dma_start3A_277] : memref<10240x64xf32, #tpu.memory_space<vmem_shared>> -> memref<128x64xf32, #tpu.memory_space<vmem_shared>>
      %dma_start3A_279 = arith.constant 0 : i32
      %dma_start3A_280 = arith.constant 0 : i32
      %dma_start3A_281 = tpu.memref_slice %arg8[%run_scoped3A_25, %dma_start3A_279, %dma_start3A_280] : memref<8x128x64xf32, #tpu.memory_space<vmem>> -> memref<1x128x64xf32, #tpu.memory_space<vmem>>
      %dma_start3A_282 = tpu.memref_squeeze %dma_start3A_281 : memref<1x128x64xf32, #tpu.memory_space<vmem>> -> memref<128x64xf32, #tpu.memory_space<vmem>>
      tpu.enqueue_dma source(%dma_start3A_282 : memref<128x64xf32, #tpu.memory_space<vmem>>) target(%dma_start3A_278 : memref<128x64xf32, #tpu.memory_space<vmem_shared>>) target_semaphore(%run_scoped3A_270 : memref<!tpu.dma_semaphore, #tpu.memory_space<semaphore_mem>>)
      %dma_wait3A_283 = arith.constant 0 : i32
      %dma_wait3A_284 = arith.constant 0 : i32
      %dma_wait3A_285 = tpu.memref_slice %arg8[%run_scoped3A_25, %dma_wait3A_283, %dma_wait3A_284] : memref<8x128x64xf32, #tpu.memory_space<vmem>> -> memref<1x128x64xf32, #tpu.memory_space<vmem>>
      %dma_wait3A_286 = tpu.memref_squeeze %dma_wait3A_285 : memref<1x128x64xf32, #tpu.memory_space<vmem>> -> memref<128x64xf32, #tpu.memory_space<vmem>>
      %dma_wait3A_287 = arith.constant 0 : i32
      %dma_wait3A_288 = tpu.memref_slice %arg11[%add3A_24, %dma_wait3A_287] : memref<10240x64xf32, #tpu.memory_space<vmem_shared>> -> memref<128x64xf32, #tpu.memory_space<vmem_shared>>
      %dma_wait3A_289 = arith.constant 0 : i32
      %dma_wait3A_290 = tpu.memref_slice %arg11[%add3A_24, %dma_wait3A_289] : memref<10240x64xf32, #tpu.memory_space<vmem_shared>> -> memref<128x64xf32, #tpu.memory_space<vmem_shared>>
      %dma_wait3A_291 = arith.constant 0 : i32
      %dma_wait3A_292 = arith.constant 0 : i32
      %dma_wait3A_293 = tpu.memref_slice %arg8[%run_scoped3A_25, %dma_wait3A_291, %dma_wait3A_292] : memref<8x128x64xf32, #tpu.memory_space<vmem>> -> memref<1x128x64xf32, #tpu.memory_space<vmem>>
      %dma_wait3A_294 = tpu.memref_squeeze %dma_wait3A_293 : memref<1x128x64xf32, #tpu.memory_space<vmem>> -> memref<128x64xf32, #tpu.memory_space<vmem>>
      tpu.wait_dma2 semaphore(%run_scoped3A_270 : memref<!tpu.dma_semaphore, #tpu.memory_space<semaphore_mem>>) src(%dma_wait3A_294 : memref<128x64xf32, #tpu.memory_space<vmem>>) dst(%dma_wait3A_290 : memref<128x64xf32, #tpu.memory_space<vmem_shared>>)
      tpu.yield
    }) : () -> ()
    %add3A_26 = arith.constant 512 : i32
    %add3A_27 = arith.addi %mul3A_2, %add3A_26 : i32
    %run_scoped3A_28 = arith.constant 0 : i32
    "tpu.region"() ({
      %run_scoped3A_270 = tpu.sem_alloc : memref<!tpu.dma_semaphore, #tpu.memory_space<semaphore_mem>>
      %dma_start3A_271 = arith.constant 0 : i32
      %dma_start3A_272 = arith.constant 0 : i32
      %dma_start3A_273 = tpu.memref_slice %arg8[%run_scoped3A_28, %dma_start3A_271, %dma_start3A_272] : memref<8x128x64xf32, #tpu.memory_space<vmem>> -> memref<1x113x64xf32, #tpu.memory_space<vmem>>
      %dma_start3A_274 = tpu.memref_squeeze %dma_start3A_273 : memref<1x113x64xf32, #tpu.memory_space<vmem>> -> memref<113x64xf32, #tpu.memory_space<vmem>>
      %dma_start3A_275 = arith.constant 0 : i32
      %dma_start3A_276 = tpu.memref_slice %arg4[%add3A_27, %dma_start3A_275] : memref<10000x64xf32, #tpu.memory_space<hbm>> -> memref<113x64xf32, #tpu.memory_space<hbm>>
      %dma_start3A_277 = arith.constant 0 : i32
      %dma_start3A_278 = arith.constant 0 : i32
      %dma_start3A_279 = tpu.memref_slice %arg8[%run_scoped3A_28, %dma_start3A_277, %dma_start3A_278] : memref<8x128x64xf32, #tpu.memory_space<vmem>> -> memref<1x113x64xf32, #tpu.memory_space<vmem>>
      %dma_start3A_280 = tpu.memref_squeeze %dma_start3A_279 : memref<1x113x64xf32, #tpu.memory_space<vmem>> -> memref<113x64xf32, #tpu.memory_space<vmem>>
      %dma_start3A_281 = arith.constant 0 : i32
      %dma_start3A_282 = tpu.memref_slice %arg4[%add3A_27, %dma_start3A_281] : memref<10000x64xf32, #tpu.memory_space<hbm>> -> memref<113x64xf32, #tpu.memory_space<hbm>>
      tpu.enqueue_dma source(%dma_start3A_282 : memref<113x64xf32, #tpu.memory_space<hbm>>) target(%dma_start3A_280 : memref<113x64xf32, #tpu.memory_space<vmem>>) target_semaphore(%run_scoped3A_270 : memref<!tpu.dma_semaphore, #tpu.memory_space<semaphore_mem>>)
      %dma_wait3A_283 = arith.constant 0 : i32
      %dma_wait3A_284 = arith.constant 0 : i32
      %dma_wait3A_285 = tpu.memref_slice %arg8[%run_scoped3A_28, %dma_wait3A_283, %dma_wait3A_284] : memref<8x128x64xf32, #tpu.memory_space<vmem>> -> memref<1x113x64xf32, #tpu.memory_space<vmem>>
      %dma_wait3A_286 = tpu.memref_squeeze %dma_wait3A_285 : memref<1x113x64xf32, #tpu.memory_space<vmem>> -> memref<113x64xf32, #tpu.memory_space<vmem>>
      %dma_wait3A_287 = arith.constant 0 : i32
      %dma_wait3A_288 = tpu.memref_slice %arg4[%add3A_27, %dma_wait3A_287] : memref<10000x64xf32, #tpu.memory_space<hbm>> -> memref<113x64xf32, #tpu.memory_space<hbm>>
      %dma_wait3A_289 = arith.constant 0 : i32
      %dma_wait3A_290 = arith.constant 0 : i32
      %dma_wait3A_291 = tpu.memref_slice %arg8[%run_scoped3A_28, %dma_wait3A_289, %dma_wait3A_290] : memref<8x128x64xf32, #tpu.memory_space<vmem>> -> memref<1x113x64xf32, #tpu.memory_space<vmem>>
      %dma_wait3A_292 = tpu.memref_squeeze %dma_wait3A_291 : memref<1x113x64xf32, #tpu.memory_space<vmem>> -> memref<113x64xf32, #tpu.memory_space<vmem>>
      %dma_wait3A_293 = arith.constant 0 : i32
      %dma_wait3A_294 = tpu.memref_slice %arg4[%add3A_27, %dma_wait3A_293] : memref<10000x64xf32, #tpu.memory_space<hbm>> -> memref<113x64xf32, #tpu.memory_space<hbm>>
      tpu.wait_dma2 semaphore(%run_scoped3A_270 : memref<!tpu.dma_semaphore, #tpu.memory_space<semaphore_mem>>) src(%dma_wait3A_294 : memref<113x64xf32, #tpu.memory_space<hbm>>) dst(%dma_wait3A_292 : memref<113x64xf32, #tpu.memory_space<vmem>>)
      tpu.yield
    }) : () -> ()
    %add3A_29 = arith.constant 512 : i32
    %add3A_30 = arith.addi %mul3A_2, %add3A_29 : i32
    %run_scoped3A_31 = arith.constant 0 : i32
    "tpu.region"() ({
      %run_scoped3A_270 = tpu.sem_alloc : memref<!tpu.dma_semaphore, #tpu.memory_space<semaphore_mem>>
      %dma_start3A_271 = arith.constant 0 : i32
      %dma_start3A_272 = arith.constant 0 : i32
      %dma_start3A_273 = tpu.memref_slice %arg8[%run_scoped3A_31, %dma_start3A_271, %dma_start3A_272] : memref<8x128x64xf32, #tpu.memory_space<vmem>> -> memref<1x113x64xf32, #tpu.memory_space<vmem>>
      %dma_start3A_274 = tpu.memref_squeeze %dma_start3A_273 : memref<1x113x64xf32, #tpu.memory_space<vmem>> -> memref<113x64xf32, #tpu.memory_space<vmem>>
      %dma_start3A_275 = arith.constant 0 : i32
      %dma_start3A_276 = tpu.memref_slice %arg11[%add3A_30, %dma_start3A_275] : memref<10240x64xf32, #tpu.memory_space<vmem_shared>> -> memref<113x64xf32, #tpu.memory_space<vmem_shared>>
      %dma_start3A_277 = arith.constant 0 : i32
      %dma_start3A_278 = tpu.memref_slice %arg11[%add3A_30, %dma_start3A_277] : memref<10240x64xf32, #tpu.memory_space<vmem_shared>> -> memref<113x64xf32, #tpu.memory_space<vmem_shared>>
      %dma_start3A_279 = arith.constant 0 : i32
      %dma_start3A_280 = arith.constant 0 : i32
      %dma_start3A_281 = tpu.memref_slice %arg8[%run_scoped3A_31, %dma_start3A_279, %dma_start3A_280] : memref<8x128x64xf32, #tpu.memory_space<vmem>> -> memref<1x113x64xf32, #tpu.memory_space<vmem>>
      %dma_start3A_282 = tpu.memref_squeeze %dma_start3A_281 : memref<1x113x64xf32, #tpu.memory_space<vmem>> -> memref<113x64xf32, #tpu.memory_space<vmem>>
      tpu.enqueue_dma source(%dma_start3A_282 : memref<113x64xf32, #tpu.memory_space<vmem>>) target(%dma_start3A_278 : memref<113x64xf32, #tpu.memory_space<vmem_shared>>) target_semaphore(%run_scoped3A_270 : memref<!tpu.dma_semaphore, #tpu.memory_space<semaphore_mem>>)
      %dma_wait3A_283 = arith.constant 0 : i32
      %dma_wait3A_284 = arith.constant 0 : i32
      %dma_wait3A_285 = tpu.memref_slice %arg8[%run_scoped3A_31, %dma_wait3A_283, %dma_wait3A_284] : memref<8x128x64xf32, #tpu.memory_space<vmem>> -> memref<1x113x64xf32, #tpu.memory_space<vmem>>
      %dma_wait3A_286 = tpu.memref_squeeze %dma_wait3A_285 : memref<1x113x64xf32, #tpu.memory_space<vmem>> -> memref<113x64xf32, #tpu.memory_space<vmem>>
      %dma_wait3A_287 = arith.constant 0 : i32
      %dma_wait3A_288 = tpu.memref_slice %arg11[%add3A_30, %dma_wait3A_287] : memref<10240x64xf32, #tpu.memory_space<vmem_shared>> -> memref<113x64xf32, #tpu.memory_space<vmem_shared>>
      %dma_wait3A_289 = arith.constant 0 : i32
      %dma_wait3A_290 = tpu.memref_slice %arg11[%add3A_30, %dma_wait3A_289] : memref<10240x64xf32, #tpu.memory_space<vmem_shared>> -> memref<113x64xf32, #tpu.memory_space<vmem_shared>>
      %dma_wait3A_291 = arith.constant 0 : i32
      %dma_wait3A_292 = arith.constant 0 : i32
      %dma_wait3A_293 = tpu.memref_slice %arg8[%run_scoped3A_31, %dma_wait3A_291, %dma_wait3A_292] : memref<8x128x64xf32, #tpu.memory_space<vmem>> -> memref<1x113x64xf32, #tpu.memory_space<vmem>>
      %dma_wait3A_294 = tpu.memref_squeeze %dma_wait3A_293 : memref<1x113x64xf32, #tpu.memory_space<vmem>> -> memref<113x64xf32, #tpu.memory_space<vmem>>
      tpu.wait_dma2 semaphore(%run_scoped3A_270 : memref<!tpu.dma_semaphore, #tpu.memory_space<semaphore_mem>>) src(%dma_wait3A_294 : memref<113x64xf32, #tpu.memory_space<vmem>>) dst(%dma_wait3A_290 : memref<113x64xf32, #tpu.memory_space<vmem_shared>>)
      tpu.yield
    }) : () -> ()
    "tpu.region"() ({
      %run_scoped3A_270 = tpu.sem_alloc : memref<!tpu.dma_semaphore, #tpu.memory_space<semaphore_mem>>
      %dma_start3A_271 = arith.constant 0 : i32
      %dma_start3A_272 = arith.constant 0 : i32
      %dma_start3A_273 = tpu.memref_slice %arg2[%add3A, %dma_start3A_271, %dma_start3A_272] : memref<32x80x128xi32, #tpu.memory_space<hbm>> -> memref<1x80x128xi32, #tpu.memory_space<hbm>>
      %dma_start3A_274 = tpu.memref_squeeze %dma_start3A_273 : memref<1x80x128xi32, #tpu.memory_space<hbm>> -> memref<80x128xi32, #tpu.memory_space<hbm>>
      %dma_start3A_275 = arith.constant 0 : i32
      %dma_start3A_276 = arith.constant 0 : i32
      %dma_start3A_277 = tpu.memref_slice %arg2[%add3A, %dma_start3A_275, %dma_start3A_276] : memref<32x80x128xi32, #tpu.memory_space<hbm>> -> memref<1x80x128xi32, #tpu.memory_space<hbm>>
      %dma_start3A_278 = tpu.memref_squeeze %dma_start3A_277 : memref<1x80x128xi32, #tpu.memory_space<hbm>> -> memref<80x128xi32, #tpu.memory_space<hbm>>
      tpu.enqueue_dma source(%dma_start3A_278 : memref<80x128xi32, #tpu.memory_space<hbm>>) target(%arg6 : memref<80x128xi32, #tpu.memory_space<vmem>>) target_semaphore(%run_scoped3A_270 : memref<!tpu.dma_semaphore, #tpu.memory_space<semaphore_mem>>)
      %dma_wait3A_279 = arith.constant 0 : i32
      %dma_wait3A_280 = arith.constant 0 : i32
      %dma_wait3A_281 = tpu.memref_slice %arg2[%add3A, %dma_wait3A_279, %dma_wait3A_280] : memref<32x80x128xi32, #tpu.memory_space<hbm>> -> memref<1x80x128xi32, #tpu.memory_space<hbm>>
      %dma_wait3A_282 = tpu.memref_squeeze %dma_wait3A_281 : memref<1x80x128xi32, #tpu.memory_space<hbm>> -> memref<80x128xi32, #tpu.memory_space<hbm>>
      %dma_wait3A_283 = arith.constant 0 : i32
      %dma_wait3A_284 = arith.constant 0 : i32
      %dma_wait3A_285 = tpu.memref_slice %arg2[%add3A, %dma_wait3A_283, %dma_wait3A_284] : memref<32x80x128xi32, #tpu.memory_space<hbm>> -> memref<1x80x128xi32, #tpu.memory_space<hbm>>
      %dma_wait3A_286 = tpu.memref_squeeze %dma_wait3A_285 : memref<1x80x128xi32, #tpu.memory_space<hbm>> -> memref<80x128xi32, #tpu.memory_space<hbm>>
      tpu.wait_dma2 semaphore(%run_scoped3A_270 : memref<!tpu.dma_semaphore, #tpu.memory_space<semaphore_mem>>) src(%dma_wait3A_286 : memref<80x128xi32, #tpu.memory_space<hbm>>) dst(%arg6 : memref<80x128xi32, #tpu.memory_space<vmem>>)
      tpu.yield
    }) : () -> ()
    "tpu.region"() ({
      %run_scoped3A_270 = tpu.sem_alloc : memref<!tpu.dma_semaphore, #tpu.memory_space<semaphore_mem>>
      %dma_start3A_271 = arith.constant 0 : i32
      %dma_start3A_272 = arith.constant 0 : i32
      %dma_start3A_273 = tpu.memref_slice %arg3[%add3A, %dma_start3A_271, %dma_start3A_272] : memref<32x80x128xi32, #tpu.memory_space<hbm>> -> memref<1x80x128xi32, #tpu.memory_space<hbm>>
      %dma_start3A_274 = tpu.memref_squeeze %dma_start3A_273 : memref<1x80x128xi32, #tpu.memory_space<hbm>> -> memref<80x128xi32, #tpu.memory_space<hbm>>
      %dma_start3A_275 = arith.constant 0 : i32
      %dma_start3A_276 = arith.constant 0 : i32
      %dma_start3A_277 = tpu.memref_slice %arg3[%add3A, %dma_start3A_275, %dma_start3A_276] : memref<32x80x128xi32, #tpu.memory_space<hbm>> -> memref<1x80x128xi32, #tpu.memory_space<hbm>>
      %dma_start3A_278 = tpu.memref_squeeze %dma_start3A_277 : memref<1x80x128xi32, #tpu.memory_space<hbm>> -> memref<80x128xi32, #tpu.memory_space<hbm>>
      tpu.enqueue_dma source(%dma_start3A_278 : memref<80x128xi32, #tpu.memory_space<hbm>>) target(%arg7 : memref<80x128xi32, #tpu.memory_space<vmem>>) target_semaphore(%run_scoped3A_270 : memref<!tpu.dma_semaphore, #tpu.memory_space<semaphore_mem>>)
      %dma_wait3A_279 = arith.constant 0 : i32
      %dma_wait3A_280 = arith.constant 0 : i32
      %dma_wait3A_281 = tpu.memref_slice %arg3[%add3A, %dma_wait3A_279, %dma_wait3A_280] : memref<32x80x128xi32, #tpu.memory_space<hbm>> -> memref<1x80x128xi32, #tpu.memory_space<hbm>>
      %dma_wait3A_282 = tpu.memref_squeeze %dma_wait3A_281 : memref<1x80x128xi32, #tpu.memory_space<hbm>> -> memref<80x128xi32, #tpu.memory_space<hbm>>
      %dma_wait3A_283 = arith.constant 0 : i32
      %dma_wait3A_284 = arith.constant 0 : i32
      %dma_wait3A_285 = tpu.memref_slice %arg3[%add3A, %dma_wait3A_283, %dma_wait3A_284] : memref<32x80x128xi32, #tpu.memory_space<hbm>> -> memref<1x80x128xi32, #tpu.memory_space<hbm>>
      %dma_wait3A_286 = tpu.memref_squeeze %dma_wait3A_285 : memref<1x80x128xi32, #tpu.memory_space<hbm>> -> memref<80x128xi32, #tpu.memory_space<hbm>>
      tpu.wait_dma2 semaphore(%run_scoped3A_270 : memref<!tpu.dma_semaphore, #tpu.memory_space<semaphore_mem>>) src(%dma_wait3A_286 : memref<80x128xi32, #tpu.memory_space<hbm>>) dst(%arg7 : memref<80x128xi32, #tpu.memory_space<vmem>>)
      tpu.yield
    }) : () -> ()
    %barrier3A = arith.constant 0 : index
    tpu.barrier barrier_id(%barrier3A)
    %dma_start3A = arith.constant 0 : i32
    %dma_start3A_32 = arith.constant 0 : i32
    %dma_start3A_33 = arith.constant 0 : i32
    %dma_start3A_34 = arith.constant 0 : i32
    %dma_start3A_35 = arith.constant 0 : i32
    %dma_start3A_36 = tpu.memref_slice %arg8[%dma_start3A_32, %dma_start3A_34, %dma_start3A_35] : memref<8x128x64xf32, #tpu.memory_space<vmem>> -> memref<1x128x64xf32, #tpu.memory_space<vmem>>
    %dma_start3A_37 = tpu.memref_squeeze %dma_start3A_36 : memref<1x128x64xf32, #tpu.memory_space<vmem>> -> memref<128x64xf32, #tpu.memory_space<vmem>>
    %dma_start3A_38 = arith.constant 0 : i32
    %dma_start3A_39 = tpu.memref_slice %arg6[%dma_start3A, %dma_start3A_38] : memref<80x128xi32, #tpu.memory_space<vmem>> -> memref<1x128xi32, #tpu.memory_space<vmem>>
    %dma_start3A_40 = tpu.memref_squeeze %dma_start3A_39 : memref<1x128xi32, #tpu.memory_space<vmem>> -> memref<128xi32, #tpu.memory_space<vmem>>
    %dma_start3A_41 = arith.constant 0 : i32
    %dma_start3A_42 = arith.constant 0 : i32
    %dma_start3A_43 = tpu.memref_slice %arg4[%dma_start3A_41, %dma_start3A_42] : memref<10000x64xf32, #tpu.memory_space<hbm>> -> memref<10000x64xf32, #tpu.memory_space<hbm>>
    %dma_start3A_44 = tpu.memref_slice %arg9[%dma_start3A_33] : memref<8x!tpu.dma_semaphore, #tpu.memory_space<semaphore_mem>> -> memref<1x!tpu.dma_semaphore, #tpu.memory_space<semaphore_mem>>
    %dma_start3A_45 = tpu.memref_squeeze %dma_start3A_44 : memref<1x!tpu.dma_semaphore, #tpu.memory_space<semaphore_mem>> -> memref<!tpu.dma_semaphore, #tpu.memory_space<semaphore_mem>>
    tpu.enqueue_indirect_dma source(%dma_start3A_43 : memref<10000x64xf32, #tpu.memory_space<hbm>>) target(%dma_start3A_37 : memref<128x64xf32, #tpu.memory_space<vmem>>) offsets(%dma_start3A_40 : memref<128xi32, #tpu.memory_space<vmem>>) semaphore(%dma_start3A_45 : memref<!tpu.dma_semaphore, #tpu.memory_space<semaphore_mem>>)
    %dma_start3A_46 = arith.constant 1 : i32
    %dma_start3A_47 = arith.constant 1 : i32
    %dma_start3A_48 = arith.constant 1 : i32
    %dma_start3A_49 = arith.constant 0 : i32
    %dma_start3A_50 = arith.constant 0 : i32
    %dma_start3A_51 = tpu.memref_slice %arg8[%dma_start3A_47, %dma_start3A_49, %dma_start3A_50] : memref<8x128x64xf32, #tpu.memory_space<vmem>> -> memref<1x128x64xf32, #tpu.memory_space<vmem>>
    %dma_start3A_52 = tpu.memref_squeeze %dma_start3A_51 : memref<1x128x64xf32, #tpu.memory_space<vmem>> -> memref<128x64xf32, #tpu.memory_space<vmem>>
    %dma_start3A_53 = arith.constant 0 : i32
    %dma_start3A_54 = tpu.memref_slice %arg6[%dma_start3A_46, %dma_start3A_53] : memref<80x128xi32, #tpu.memory_space<vmem>> -> memref<1x128xi32, #tpu.memory_space<vmem>>
    %dma_start3A_55 = tpu.memref_squeeze %dma_start3A_54 : memref<1x128xi32, #tpu.memory_space<vmem>> -> memref<128xi32, #tpu.memory_space<vmem>>
    %dma_start3A_56 = arith.constant 0 : i32
    %dma_start3A_57 = arith.constant 0 : i32
    %dma_start3A_58 = tpu.memref_slice %arg4[%dma_start3A_56, %dma_start3A_57] : memref<10000x64xf32, #tpu.memory_space<hbm>> -> memref<10000x64xf32, #tpu.memory_space<hbm>>
    %dma_start3A_59 = tpu.memref_slice %arg9[%dma_start3A_48] : memref<8x!tpu.dma_semaphore, #tpu.memory_space<semaphore_mem>> -> memref<1x!tpu.dma_semaphore, #tpu.memory_space<semaphore_mem>>
    %dma_start3A_60 = tpu.memref_squeeze %dma_start3A_59 : memref<1x!tpu.dma_semaphore, #tpu.memory_space<semaphore_mem>> -> memref<!tpu.dma_semaphore, #tpu.memory_space<semaphore_mem>>
    tpu.enqueue_indirect_dma source(%dma_start3A_58 : memref<10000x64xf32, #tpu.memory_space<hbm>>) target(%dma_start3A_52 : memref<128x64xf32, #tpu.memory_space<vmem>>) offsets(%dma_start3A_55 : memref<128xi32, #tpu.memory_space<vmem>>) semaphore(%dma_start3A_60 : memref<!tpu.dma_semaphore, #tpu.memory_space<semaphore_mem>>)
    %dma_start3A_61 = arith.constant 2 : i32
    %dma_start3A_62 = arith.constant 2 : i32
    %dma_start3A_63 = arith.constant 2 : i32
    %dma_start3A_64 = arith.constant 0 : i32
    %dma_start3A_65 = arith.constant 0 : i32
    %dma_start3A_66 = tpu.memref_slice %arg8[%dma_start3A_62, %dma_start3A_64, %dma_start3A_65] : memref<8x128x64xf32, #tpu.memory_space<vmem>> -> memref<1x128x64xf32, #tpu.memory_space<vmem>>
    %dma_start3A_67 = tpu.memref_squeeze %dma_start3A_66 : memref<1x128x64xf32, #tpu.memory_space<vmem>> -> memref<128x64xf32, #tpu.memory_space<vmem>>
    %dma_start3A_68 = arith.constant 0 : i32
    %dma_start3A_69 = tpu.memref_slice %arg6[%dma_start3A_61, %dma_start3A_68] : memref<80x128xi32, #tpu.memory_space<vmem>> -> memref<1x128xi32, #tpu.memory_space<vmem>>
    %dma_start3A_70 = tpu.memref_squeeze %dma_start3A_69 : memref<1x128xi32, #tpu.memory_space<vmem>> -> memref<128xi32, #tpu.memory_space<vmem>>
    %dma_start3A_71 = arith.constant 0 : i32
    %dma_start3A_72 = arith.constant 0 : i32
    %dma_start3A_73 = tpu.memref_slice %arg4[%dma_start3A_71, %dma_start3A_72] : memref<10000x64xf32, #tpu.memory_space<hbm>> -> memref<10000x64xf32, #tpu.memory_space<hbm>>
    %dma_start3A_74 = tpu.memref_slice %arg9[%dma_start3A_63] : memref<8x!tpu.dma_semaphore, #tpu.memory_space<semaphore_mem>> -> memref<1x!tpu.dma_semaphore, #tpu.memory_space<semaphore_mem>>
    %dma_start3A_75 = tpu.memref_squeeze %dma_start3A_74 : memref<1x!tpu.dma_semaphore, #tpu.memory_space<semaphore_mem>> -> memref<!tpu.dma_semaphore, #tpu.memory_space<semaphore_mem>>
    tpu.enqueue_indirect_dma source(%dma_start3A_73 : memref<10000x64xf32, #tpu.memory_space<hbm>>) target(%dma_start3A_67 : memref<128x64xf32, #tpu.memory_space<vmem>>) offsets(%dma_start3A_70 : memref<128xi32, #tpu.memory_space<vmem>>) semaphore(%dma_start3A_75 : memref<!tpu.dma_semaphore, #tpu.memory_space<semaphore_mem>>)
    %dma_start3A_76 = arith.constant 3 : i32
    %dma_start3A_77 = arith.constant 3 : i32
    %dma_start3A_78 = arith.constant 3 : i32
    %dma_start3A_79 = arith.constant 0 : i32
    %dma_start3A_80 = arith.constant 0 : i32
    %dma_start3A_81 = tpu.memref_slice %arg8[%dma_start3A_77, %dma_start3A_79, %dma_start3A_80] : memref<8x128x64xf32, #tpu.memory_space<vmem>> -> memref<1x128x64xf32, #tpu.memory_space<vmem>>
    %dma_start3A_82 = tpu.memref_squeeze %dma_start3A_81 : memref<1x128x64xf32, #tpu.memory_space<vmem>> -> memref<128x64xf32, #tpu.memory_space<vmem>>
    %dma_start3A_83 = arith.constant 0 : i32
    %dma_start3A_84 = tpu.memref_slice %arg6[%dma_start3A_76, %dma_start3A_83] : memref<80x128xi32, #tpu.memory_space<vmem>> -> memref<1x128xi32, #tpu.memory_space<vmem>>
    %dma_start3A_85 = tpu.memref_squeeze %dma_start3A_84 : memref<1x128xi32, #tpu.memory_space<vmem>> -> memref<128xi32, #tpu.memory_space<vmem>>
    %dma_start3A_86 = arith.constant 0 : i32
    %dma_start3A_87 = arith.constant 0 : i32
    %dma_start3A_88 = tpu.memref_slice %arg4[%dma_start3A_86, %dma_start3A_87] : memref<10000x64xf32, #tpu.memory_space<hbm>> -> memref<10000x64xf32, #tpu.memory_space<hbm>>
    %dma_start3A_89 = tpu.memref_slice %arg9[%dma_start3A_78] : memref<8x!tpu.dma_semaphore, #tpu.memory_space<semaphore_mem>> -> memref<1x!tpu.dma_semaphore, #tpu.memory_space<semaphore_mem>>
    %dma_start3A_90 = tpu.memref_squeeze %dma_start3A_89 : memref<1x!tpu.dma_semaphore, #tpu.memory_space<semaphore_mem>> -> memref<!tpu.dma_semaphore, #tpu.memory_space<semaphore_mem>>
    tpu.enqueue_indirect_dma source(%dma_start3A_88 : memref<10000x64xf32, #tpu.memory_space<hbm>>) target(%dma_start3A_82 : memref<128x64xf32, #tpu.memory_space<vmem>>) offsets(%dma_start3A_85 : memref<128xi32, #tpu.memory_space<vmem>>) semaphore(%dma_start3A_90 : memref<!tpu.dma_semaphore, #tpu.memory_space<semaphore_mem>>)
    %scan3A = arith.constant 0 : i32
    %scan3A_91 = arith.constant 0 : i32
    %scan3A_92 = arith.constant 10 : i32
    %scan3A_93 = arith.addi %scan3A_91, %scan3A_92 : i32
    %scan3A_94 = arith.constant 1 : i32
    scf.for %scan3A_270 = %scan3A_91 to %scan3A_93 step %scan3A_94  : i32 {
      %mul3A_271 = arith.constant 8 : i32
      %mul3A_272 = arith.muli %scan3A_270, %mul3A_271 : i32
      %add3A_273 = arith.constant 0 : i32
      %add3A_274 = arith.addi %mul3A_272, %add3A_273 : i32
      %dma_wait3A_275 = arith.constant 0 : i32
      %dma_wait3A_276 = arith.constant 0 : i32
      %dma_wait3A_277 = arith.constant 0 : i32
      %dma_wait3A_278 = arith.constant 0 : i32
      %dma_wait3A_279 = tpu.memref_slice %arg8[%dma_wait3A_275, %dma_wait3A_277, %dma_wait3A_278] : memref<8x128x64xf32, #tpu.memory_space<vmem>> -> memref<1x128x64xf32, #tpu.memory_space<vmem>>
      %dma_wait3A_280 = tpu.memref_squeeze %dma_wait3A_279 : memref<1x128x64xf32, #tpu.memory_space<vmem>> -> memref<128x64xf32, #tpu.memory_space<vmem>>
      %dma_wait3A_281 = arith.constant 0 : i32
      %dma_wait3A_282 = tpu.memref_slice %arg6[%add3A_274, %dma_wait3A_281] : memref<80x128xi32, #tpu.memory_space<vmem>> -> memref<1x128xi32, #tpu.memory_space<vmem>>
      %dma_wait3A_283 = tpu.memref_squeeze %dma_wait3A_282 : memref<1x128xi32, #tpu.memory_space<vmem>> -> memref<128xi32, #tpu.memory_space<vmem>>
      %dma_wait3A_284 = arith.constant 0 : i32
      %dma_wait3A_285 = arith.constant 0 : i32
      %dma_wait3A_286 = tpu.memref_slice %arg4[%dma_wait3A_284, %dma_wait3A_285] : memref<10000x64xf32, #tpu.memory_space<hbm>> -> memref<10000x64xf32, #tpu.memory_space<hbm>>
      %dma_wait3A_287 = tpu.memref_slice %arg9[%dma_wait3A_276] : memref<8x!tpu.dma_semaphore, #tpu.memory_space<semaphore_mem>> -> memref<1x!tpu.dma_semaphore, #tpu.memory_space<semaphore_mem>>
      %dma_wait3A_288 = tpu.memref_squeeze %dma_wait3A_287 : memref<1x!tpu.dma_semaphore, #tpu.memory_space<semaphore_mem>> -> memref<!tpu.dma_semaphore, #tpu.memory_space<semaphore_mem>>
      tpu.wait_indirect_dma semaphore(%dma_wait3A_288 : memref<!tpu.dma_semaphore, #tpu.memory_space<semaphore_mem>>) src(%dma_wait3A_286 : memref<10000x64xf32, #tpu.memory_space<hbm>>) dst(%dma_wait3A_280 : memref<128x64xf32, #tpu.memory_space<vmem>>)
      %dma_start3A_289 = arith.constant 0 : i32
      %dma_start3A_290 = arith.constant 0 : i32
      %dma_start3A_291 = arith.constant 0 : i32
      %dma_start3A_292 = arith.constant 0 : i32
      %dma_start3A_293 = tpu.memref_slice %arg8[%dma_start3A_289, %dma_start3A_291, %dma_start3A_292] : memref<8x128x64xf32, #tpu.memory_space<vmem>> -> memref<1x128x64xf32, #tpu.memory_space<vmem>>
      %dma_start3A_294 = tpu.memref_squeeze %dma_start3A_293 : memref<1x128x64xf32, #tpu.memory_space<vmem>> -> memref<128x64xf32, #tpu.memory_space<vmem>>
      %dma_start3A_295 = arith.constant 0 : i32
      %dma_start3A_296 = tpu.memref_slice %arg7[%add3A_274, %dma_start3A_295] : memref<80x128xi32, #tpu.memory_space<vmem>> -> memref<1x128xi32, #tpu.memory_space<vmem>>
      %dma_start3A_297 = tpu.memref_squeeze %dma_start3A_296 : memref<1x128xi32, #tpu.memory_space<vmem>> -> memref<128xi32, #tpu.memory_space<vmem>>
      %dma_start3A_298 = arith.constant 0 : i32
      %dma_start3A_299 = arith.constant 0 : i32
      %dma_start3A_300 = tpu.memref_slice %arg11[%dma_start3A_298, %dma_start3A_299] : memref<10240x64xf32, #tpu.memory_space<vmem_shared>> -> memref<10240x64xf32, #tpu.memory_space<vmem_shared>>
      %dma_start3A_301 = tpu.memref_slice %arg10[%dma_start3A_290] : memref<8x!tpu.dma_semaphore, #tpu.memory_space<semaphore_mem>> -> memref<1x!tpu.dma_semaphore, #tpu.memory_space<semaphore_mem>>
      %dma_start3A_302 = tpu.memref_squeeze %dma_start3A_301 : memref<1x!tpu.dma_semaphore, #tpu.memory_space<semaphore_mem>> -> memref<!tpu.dma_semaphore, #tpu.memory_space<semaphore_mem>>
      tpu.enqueue_indirect_dma source(%dma_start3A_294 : memref<128x64xf32, #tpu.memory_space<vmem>>) target(%dma_start3A_300 : memref<10240x64xf32, #tpu.memory_space<vmem_shared>>) offsets(%dma_start3A_297 : memref<128xi32, #tpu.memory_space<vmem>>) semaphore(%dma_start3A_302 : memref<!tpu.dma_semaphore, #tpu.memory_space<semaphore_mem>>) {add = true}
      %add3A_303 = arith.constant 4 : i32
      %add3A_304 = arith.addi %add3A_274, %add3A_303 : i32
      %lt3A = arith.constant 80 : i32
      %lt3A_305 = arith.cmpi slt, %add3A_304, %lt3A : i32
      %convert_element_type3A = arith.extui %lt3A_305 : i1 to i32
      %cond3A = arith.constant 0 : i32
      %cond3A_306 = arith.cmpi ne, %convert_element_type3A, %cond3A : i32
      scf.if %cond3A_306 {
        %ge3A = arith.constant 8 : i32
        %ge3A_580 = arith.cmpi sge, %add3A_304, %ge3A : i32
        %convert_element_type3A_581 = arith.extui %ge3A_580 : i1 to i32
        %cond3A_582 = arith.constant 0 : i32
        %cond3A_583 = arith.cmpi ne, %convert_element_type3A_581, %cond3A_582 : i32
        scf.if %cond3A_583 {
          %dma_wait3A_598 = arith.constant 4 : i32
          %dma_wait3A_599 = arith.constant 4 : i32
          %dma_wait3A_600 = arith.constant 0 : i32
          %dma_wait3A_601 = arith.constant 0 : i32
          %dma_wait3A_602 = tpu.memref_slice %arg8[%dma_wait3A_598, %dma_wait3A_600, %dma_wait3A_601] : memref<8x128x64xf32, #tpu.memory_space<vmem>> -> memref<1x128x64xf32, #tpu.memory_space<vmem>>
          %dma_wait3A_603 = tpu.memref_squeeze %dma_wait3A_602 : memref<1x128x64xf32, #tpu.memory_space<vmem>> -> memref<128x64xf32, #tpu.memory_space<vmem>>
          %dma_wait3A_604 = arith.constant 0 : i32
          %dma_wait3A_605 = arith.constant 0 : i32
          %dma_wait3A_606 = tpu.memref_slice %arg4[%dma_wait3A_604, %dma_wait3A_605] : memref<10000x64xf32, #tpu.memory_space<hbm>> -> memref<128x64xf32, #tpu.memory_space<hbm>>
          %dma_wait3A_607 = tpu.memref_slice %arg10[%dma_wait3A_599] : memref<8x!tpu.dma_semaphore, #tpu.memory_space<semaphore_mem>> -> memref<1x!tpu.dma_semaphore, #tpu.memory_space<semaphore_mem>>
          %dma_wait3A_608 = tpu.memref_squeeze %dma_wait3A_607 : memref<1x!tpu.dma_semaphore, #tpu.memory_space<semaphore_mem>> -> memref<!tpu.dma_semaphore, #tpu.memory_space<semaphore_mem>>
          %dma_wait3A_609 = arith.constant 0 : i32
          %dma_wait3A_610 = arith.constant 0 : i32
          %dma_wait3A_611 = tpu.memref_slice %arg8[%dma_wait3A_598, %dma_wait3A_609, %dma_wait3A_610] : memref<8x128x64xf32, #tpu.memory_space<vmem>> -> memref<1x128x64xf32, #tpu.memory_space<vmem>>
          %dma_wait3A_612 = tpu.memref_squeeze %dma_wait3A_611 : memref<1x128x64xf32, #tpu.memory_space<vmem>> -> memref<128x64xf32, #tpu.memory_space<vmem>>
          %dma_wait3A_613 = arith.constant 0 : i32
          %dma_wait3A_614 = arith.constant 0 : i32
          %dma_wait3A_615 = tpu.memref_slice %arg4[%dma_wait3A_613, %dma_wait3A_614] : memref<10000x64xf32, #tpu.memory_space<hbm>> -> memref<128x64xf32, #tpu.memory_space<hbm>>
          tpu.wait_dma2 semaphore(%dma_wait3A_608 : memref<!tpu.dma_semaphore, #tpu.memory_space<semaphore_mem>>) src(%dma_wait3A_615 : memref<128x64xf32, #tpu.memory_space<hbm>>) dst(%dma_wait3A_612 : memref<128x64xf32, #tpu.memory_space<vmem>>)
        } else {
        }
        %dma_start3A_584 = arith.constant 4 : i32
        %dma_start3A_585 = arith.constant 4 : i32
        %dma_start3A_586 = arith.constant 0 : i32
        %dma_start3A_587 = arith.constant 0 : i32
        %dma_start3A_588 = tpu.memref_slice %arg8[%dma_start3A_584, %dma_start3A_586, %dma_start3A_587] : memref<8x128x64xf32, #tpu.memory_space<vmem>> -> memref<1x128x64xf32, #tpu.memory_space<vmem>>
        %dma_start3A_589 = tpu.memref_squeeze %dma_start3A_588 : memref<1x128x64xf32, #tpu.memory_space<vmem>> -> memref<128x64xf32, #tpu.memory_space<vmem>>
        %dma_start3A_590 = arith.constant 0 : i32
        %dma_start3A_591 = tpu.memref_slice %arg6[%add3A_304, %dma_start3A_590] : memref<80x128xi32, #tpu.memory_space<vmem>> -> memref<1x128xi32, #tpu.memory_space<vmem>>
        %dma_start3A_592 = tpu.memref_squeeze %dma_start3A_591 : memref<1x128xi32, #tpu.memory_space<vmem>> -> memref<128xi32, #tpu.memory_space<vmem>>
        %dma_start3A_593 = arith.constant 0 : i32
        %dma_start3A_594 = arith.constant 0 : i32
        %dma_start3A_595 = tpu.memref_slice %arg4[%dma_start3A_593, %dma_start3A_594] : memref<10000x64xf32, #tpu.memory_space<hbm>> -> memref<10000x64xf32, #tpu.memory_space<hbm>>
        %dma_start3A_596 = tpu.memref_slice %arg9[%dma_start3A_585] : memref<8x!tpu.dma_semaphore, #tpu.memory_space<semaphore_mem>> -> memref<1x!tpu.dma_semaphore, #tpu.memory_space<semaphore_mem>>
        %dma_start3A_597 = tpu.memref_squeeze %dma_start3A_596 : memref<1x!tpu.dma_semaphore, #tpu.memory_space<semaphore_mem>> -> memref<!tpu.dma_semaphore, #tpu.memory_space<semaphore_mem>>
        tpu.enqueue_indirect_dma source(%dma_start3A_595 : memref<10000x64xf32, #tpu.memory_space<hbm>>) target(%dma_start3A_589 : memref<128x64xf32, #tpu.memory_space<vmem>>) offsets(%dma_start3A_592 : memref<128xi32, #tpu.memory_space<vmem>>) semaphore(%dma_start3A_597 : memref<!tpu.dma_semaphore, #tpu.memory_space<semaphore_mem>>)
      } else {
      }
      %mul3A_307 = arith.constant 8 : i32
      %mul3A_308 = arith.muli %scan3A_270, %mul3A_307 : i32
      %add3A_309 = arith.constant 1 : i32
      %add3A_310 = arith.addi %mul3A_308, %add3A_309 : i32
      %dma_wait3A_311 = arith.constant 1 : i32
      %dma_wait3A_312 = arith.constant 1 : i32
      %dma_wait3A_313 = arith.constant 0 : i32
      %dma_wait3A_314 = arith.constant 0 : i32
      %dma_wait3A_315 = tpu.memref_slice %arg8[%dma_wait3A_311, %dma_wait3A_313, %dma_wait3A_314] : memref<8x128x64xf32, #tpu.memory_space<vmem>> -> memref<1x128x64xf32, #tpu.memory_space<vmem>>
      %dma_wait3A_316 = tpu.memref_squeeze %dma_wait3A_315 : memref<1x128x64xf32, #tpu.memory_space<vmem>> -> memref<128x64xf32, #tpu.memory_space<vmem>>
      %dma_wait3A_317 = arith.constant 0 : i32
      %dma_wait3A_318 = tpu.memref_slice %arg6[%add3A_310, %dma_wait3A_317] : memref<80x128xi32, #tpu.memory_space<vmem>> -> memref<1x128xi32, #tpu.memory_space<vmem>>
      %dma_wait3A_319 = tpu.memref_squeeze %dma_wait3A_318 : memref<1x128xi32, #tpu.memory_space<vmem>> -> memref<128xi32, #tpu.memory_space<vmem>>
      %dma_wait3A_320 = arith.constant 0 : i32
      %dma_wait3A_321 = arith.constant 0 : i32
      %dma_wait3A_322 = tpu.memref_slice %arg4[%dma_wait3A_320, %dma_wait3A_321] : memref<10000x64xf32, #tpu.memory_space<hbm>> -> memref<10000x64xf32, #tpu.memory_space<hbm>>
      %dma_wait3A_323 = tpu.memref_slice %arg9[%dma_wait3A_312] : memref<8x!tpu.dma_semaphore, #tpu.memory_space<semaphore_mem>> -> memref<1x!tpu.dma_semaphore, #tpu.memory_space<semaphore_mem>>
      %dma_wait3A_324 = tpu.memref_squeeze %dma_wait3A_323 : memref<1x!tpu.dma_semaphore, #tpu.memory_space<semaphore_mem>> -> memref<!tpu.dma_semaphore, #tpu.memory_space<semaphore_mem>>
      tpu.wait_indirect_dma semaphore(%dma_wait3A_324 : memref<!tpu.dma_semaphore, #tpu.memory_space<semaphore_mem>>) src(%dma_wait3A_322 : memref<10000x64xf32, #tpu.memory_space<hbm>>) dst(%dma_wait3A_316 : memref<128x64xf32, #tpu.memory_space<vmem>>)
      %dma_start3A_325 = arith.constant 1 : i32
      %dma_start3A_326 = arith.constant 1 : i32
      %dma_start3A_327 = arith.constant 0 : i32
      %dma_start3A_328 = arith.constant 0 : i32
      %dma_start3A_329 = tpu.memref_slice %arg8[%dma_start3A_325, %dma_start3A_327, %dma_start3A_328] : memref<8x128x64xf32, #tpu.memory_space<vmem>> -> memref<1x128x64xf32, #tpu.memory_space<vmem>>
      %dma_start3A_330 = tpu.memref_squeeze %dma_start3A_329 : memref<1x128x64xf32, #tpu.memory_space<vmem>> -> memref<128x64xf32, #tpu.memory_space<vmem>>
      %dma_start3A_331 = arith.constant 0 : i32
      %dma_start3A_332 = tpu.memref_slice %arg7[%add3A_310, %dma_start3A_331] : memref<80x128xi32, #tpu.memory_space<vmem>> -> memref<1x128xi32, #tpu.memory_space<vmem>>
      %dma_start3A_333 = tpu.memref_squeeze %dma_start3A_332 : memref<1x128xi32, #tpu.memory_space<vmem>> -> memref<128xi32, #tpu.memory_space<vmem>>
      %dma_start3A_334 = arith.constant 0 : i32
      %dma_start3A_335 = arith.constant 0 : i32
      %dma_start3A_336 = tpu.memref_slice %arg11[%dma_start3A_334, %dma_start3A_335] : memref<10240x64xf32, #tpu.memory_space<vmem_shared>> -> memref<10240x64xf32, #tpu.memory_space<vmem_shared>>
      %dma_start3A_337 = tpu.memref_slice %arg10[%dma_start3A_326] : memref<8x!tpu.dma_semaphore, #tpu.memory_space<semaphore_mem>> -> memref<1x!tpu.dma_semaphore, #tpu.memory_space<semaphore_mem>>
      %dma_start3A_338 = tpu.memref_squeeze %dma_start3A_337 : memref<1x!tpu.dma_semaphore, #tpu.memory_space<semaphore_mem>> -> memref<!tpu.dma_semaphore, #tpu.memory_space<semaphore_mem>>
      tpu.enqueue_indirect_dma source(%dma_start3A_330 : memref<128x64xf32, #tpu.memory_space<vmem>>) target(%dma_start3A_336 : memref<10240x64xf32, #tpu.memory_space<vmem_shared>>) offsets(%dma_start3A_333 : memref<128xi32, #tpu.memory_space<vmem>>) semaphore(%dma_start3A_338 : memref<!tpu.dma_semaphore, #tpu.memory_space<semaphore_mem>>) {add = true}
      %add3A_339 = arith.constant 4 : i32
      %add3A_340 = arith.addi %add3A_310, %add3A_339 : i32
      %lt3A_341 = arith.constant 80 : i32
      %lt3A_342 = arith.cmpi slt, %add3A_340, %lt3A_341 : i32
      %convert_element_type3A_343 = arith.extui %lt3A_342 : i1 to i32
      %cond3A_344 = arith.constant 0 : i32
      %cond3A_345 = arith.cmpi ne, %convert_element_type3A_343, %cond3A_344 : i32
      scf.if %cond3A_345 {
        %ge3A = arith.constant 8 : i32
        %ge3A_580 = arith.cmpi sge, %add3A_340, %ge3A : i32
        %convert_element_type3A_581 = arith.extui %ge3A_580 : i1 to i32
        %cond3A_582 = arith.constant 0 : i32
        %cond3A_583 = arith.cmpi ne, %convert_element_type3A_581, %cond3A_582 : i32
        scf.if %cond3A_583 {
          %dma_wait3A_598 = arith.constant 5 : i32
          %dma_wait3A_599 = arith.constant 5 : i32
          %dma_wait3A_600 = arith.constant 0 : i32
          %dma_wait3A_601 = arith.constant 0 : i32
          %dma_wait3A_602 = tpu.memref_slice %arg8[%dma_wait3A_598, %dma_wait3A_600, %dma_wait3A_601] : memref<8x128x64xf32, #tpu.memory_space<vmem>> -> memref<1x128x64xf32, #tpu.memory_space<vmem>>
          %dma_wait3A_603 = tpu.memref_squeeze %dma_wait3A_602 : memref<1x128x64xf32, #tpu.memory_space<vmem>> -> memref<128x64xf32, #tpu.memory_space<vmem>>
          %dma_wait3A_604 = arith.constant 0 : i32
          %dma_wait3A_605 = arith.constant 0 : i32
          %dma_wait3A_606 = tpu.memref_slice %arg4[%dma_wait3A_604, %dma_wait3A_605] : memref<10000x64xf32, #tpu.memory_space<hbm>> -> memref<128x64xf32, #tpu.memory_space<hbm>>
          %dma_wait3A_607 = tpu.memref_slice %arg10[%dma_wait3A_599] : memref<8x!tpu.dma_semaphore, #tpu.memory_space<semaphore_mem>> -> memref<1x!tpu.dma_semaphore, #tpu.memory_space<semaphore_mem>>
          %dma_wait3A_608 = tpu.memref_squeeze %dma_wait3A_607 : memref<1x!tpu.dma_semaphore, #tpu.memory_space<semaphore_mem>> -> memref<!tpu.dma_semaphore, #tpu.memory_space<semaphore_mem>>
          %dma_wait3A_609 = arith.constant 0 : i32
          %dma_wait3A_610 = arith.constant 0 : i32
          %dma_wait3A_611 = tpu.memref_slice %arg8[%dma_wait3A_598, %dma_wait3A_609, %dma_wait3A_610] : memref<8x128x64xf32, #tpu.memory_space<vmem>> -> memref<1x128x64xf32, #tpu.memory_space<vmem>>
          %dma_wait3A_612 = tpu.memref_squeeze %dma_wait3A_611 : memref<1x128x64xf32, #tpu.memory_space<vmem>> -> memref<128x64xf32, #tpu.memory_space<vmem>>
          %dma_wait3A_613 = arith.constant 0 : i32
          %dma_wait3A_614 = arith.constant 0 : i32
          %dma_wait3A_615 = tpu.memref_slice %arg4[%dma_wait3A_613, %dma_wait3A_614] : memref<10000x64xf32, #tpu.memory_space<hbm>> -> memref<128x64xf32, #tpu.memory_space<hbm>>
          tpu.wait_dma2 semaphore(%dma_wait3A_608 : memref<!tpu.dma_semaphore, #tpu.memory_space<semaphore_mem>>) src(%dma_wait3A_615 : memref<128x64xf32, #tpu.memory_space<hbm>>) dst(%dma_wait3A_612 : memref<128x64xf32, #tpu.memory_space<vmem>>)
        } else {
        }
        %dma_start3A_584 = arith.constant 5 : i32
        %dma_start3A_585 = arith.constant 5 : i32
        %dma_start3A_586 = arith.constant 0 : i32
        %dma_start3A_587 = arith.constant 0 : i32
        %dma_start3A_588 = tpu.memref_slice %arg8[%dma_start3A_584, %dma_start3A_586, %dma_start3A_587] : memref<8x128x64xf32, #tpu.memory_space<vmem>> -> memref<1x128x64xf32, #tpu.memory_space<vmem>>
        %dma_start3A_589 = tpu.memref_squeeze %dma_start3A_588 : memref<1x128x64xf32, #tpu.memory_space<vmem>> -> memref<128x64xf32, #tpu.memory_space<vmem>>
        %dma_start3A_590 = arith.constant 0 : i32
        %dma_start3A_591 = tpu.memref_slice %arg6[%add3A_340, %dma_start3A_590] : memref<80x128xi32, #tpu.memory_space<vmem>> -> memref<1x128xi32, #tpu.memory_space<vmem>>
        %dma_start3A_592 = tpu.memref_squeeze %dma_start3A_591 : memref<1x128xi32, #tpu.memory_space<vmem>> -> memref<128xi32, #tpu.memory_space<vmem>>
        %dma_start3A_593 = arith.constant 0 : i32
        %dma_start3A_594 = arith.constant 0 : i32
        %dma_start3A_595 = tpu.memref_slice %arg4[%dma_start3A_593, %dma_start3A_594] : memref<10000x64xf32, #tpu.memory_space<hbm>> -> memref<10000x64xf32, #tpu.memory_space<hbm>>
        %dma_start3A_596 = tpu.memref_slice %arg9[%dma_start3A_585] : memref<8x!tpu.dma_semaphore, #tpu.memory_space<semaphore_mem>> -> memref<1x!tpu.dma_semaphore, #tpu.memory_space<semaphore_mem>>
        %dma_start3A_597 = tpu.memref_squeeze %dma_start3A_596 : memref<1x!tpu.dma_semaphore, #tpu.memory_space<semaphore_mem>> -> memref<!tpu.dma_semaphore, #tpu.memory_space<semaphore_mem>>
        tpu.enqueue_indirect_dma source(%dma_start3A_595 : memref<10000x64xf32, #tpu.memory_space<hbm>>) target(%dma_start3A_589 : memref<128x64xf32, #tpu.memory_space<vmem>>) offsets(%dma_start3A_592 : memref<128xi32, #tpu.memory_space<vmem>>) semaphore(%dma_start3A_597 : memref<!tpu.dma_semaphore, #tpu.memory_space<semaphore_mem>>)
      } else {
      }
      %mul3A_346 = arith.constant 8 : i32
      %mul3A_347 = arith.muli %scan3A_270, %mul3A_346 : i32
      %add3A_348 = arith.constant 2 : i32
      %add3A_349 = arith.addi %mul3A_347, %add3A_348 : i32
      %dma_wait3A_350 = arith.constant 2 : i32
      %dma_wait3A_351 = arith.constant 2 : i32
      %dma_wait3A_352 = arith.constant 0 : i32
      %dma_wait3A_353 = arith.constant 0 : i32
      %dma_wait3A_354 = tpu.memref_slice %arg8[%dma_wait3A_350, %dma_wait3A_352, %dma_wait3A_353] : memref<8x128x64xf32, #tpu.memory_space<vmem>> -> memref<1x128x64xf32, #tpu.memory_space<vmem>>
      %dma_wait3A_355 = tpu.memref_squeeze %dma_wait3A_354 : memref<1x128x64xf32, #tpu.memory_space<vmem>> -> memref<128x64xf32, #tpu.memory_space<vmem>>
      %dma_wait3A_356 = arith.constant 0 : i32
      %dma_wait3A_357 = tpu.memref_slice %arg6[%add3A_349, %dma_wait3A_356] : memref<80x128xi32, #tpu.memory_space<vmem>> -> memref<1x128xi32, #tpu.memory_space<vmem>>
      %dma_wait3A_358 = tpu.memref_squeeze %dma_wait3A_357 : memref<1x128xi32, #tpu.memory_space<vmem>> -> memref<128xi32, #tpu.memory_space<vmem>>
      %dma_wait3A_359 = arith.constant 0 : i32
      %dma_wait3A_360 = arith.constant 0 : i32
      %dma_wait3A_361 = tpu.memref_slice %arg4[%dma_wait3A_359, %dma_wait3A_360] : memref<10000x64xf32, #tpu.memory_space<hbm>> -> memref<10000x64xf32, #tpu.memory_space<hbm>>
      %dma_wait3A_362 = tpu.memref_slice %arg9[%dma_wait3A_351] : memref<8x!tpu.dma_semaphore, #tpu.memory_space<semaphore_mem>> -> memref<1x!tpu.dma_semaphore, #tpu.memory_space<semaphore_mem>>
      %dma_wait3A_363 = tpu.memref_squeeze %dma_wait3A_362 : memref<1x!tpu.dma_semaphore, #tpu.memory_space<semaphore_mem>> -> memref<!tpu.dma_semaphore, #tpu.memory_space<semaphore_mem>>
      tpu.wait_indirect_dma semaphore(%dma_wait3A_363 : memref<!tpu.dma_semaphore, #tpu.memory_space<semaphore_mem>>) src(%dma_wait3A_361 : memref<10000x64xf32, #tpu.memory_space<hbm>>) dst(%dma_wait3A_355 : memref<128x64xf32, #tpu.memory_space<vmem>>)
      %dma_start3A_364 = arith.constant 2 : i32
      %dma_start3A_365 = arith.constant 2 : i32
      %dma_start3A_366 = arith.constant 0 : i32
      %dma_start3A_367 = arith.constant 0 : i32
      %dma_start3A_368 = tpu.memref_slice %arg8[%dma_start3A_364, %dma_start3A_366, %dma_start3A_367] : memref<8x128x64xf32, #tpu.memory_space<vmem>> -> memref<1x128x64xf32, #tpu.memory_space<vmem>>
      %dma_start3A_369 = tpu.memref_squeeze %dma_start3A_368 : memref<1x128x64xf32, #tpu.memory_space<vmem>> -> memref<128x64xf32, #tpu.memory_space<vmem>>
      %dma_start3A_370 = arith.constant 0 : i32
      %dma_start3A_371 = tpu.memref_slice %arg7[%add3A_349, %dma_start3A_370] : memref<80x128xi32, #tpu.memory_space<vmem>> -> memref<1x128xi32, #tpu.memory_space<vmem>>
      %dma_start3A_372 = tpu.memref_squeeze %dma_start3A_371 : memref<1x128xi32, #tpu.memory_space<vmem>> -> memref<128xi32, #tpu.memory_space<vmem>>
      %dma_start3A_373 = arith.constant 0 : i32
      %dma_start3A_374 = arith.constant 0 : i32
      %dma_start3A_375 = tpu.memref_slice %arg11[%dma_start3A_373, %dma_start3A_374] : memref<10240x64xf32, #tpu.memory_space<vmem_shared>> -> memref<10240x64xf32, #tpu.memory_space<vmem_shared>>
      %dma_start3A_376 = tpu.memref_slice %arg10[%dma_start3A_365] : memref<8x!tpu.dma_semaphore, #tpu.memory_space<semaphore_mem>> -> memref<1x!tpu.dma_semaphore, #tpu.memory_space<semaphore_mem>>
      %dma_start3A_377 = tpu.memref_squeeze %dma_start3A_376 : memref<1x!tpu.dma_semaphore, #tpu.memory_space<semaphore_mem>> -> memref<!tpu.dma_semaphore, #tpu.memory_space<semaphore_mem>>
      tpu.enqueue_indirect_dma source(%dma_start3A_369 : memref<128x64xf32, #tpu.memory_space<vmem>>) target(%dma_start3A_375 : memref<10240x64xf32, #tpu.memory_space<vmem_shared>>) offsets(%dma_start3A_372 : memref<128xi32, #tpu.memory_space<vmem>>) semaphore(%dma_start3A_377 : memref<!tpu.dma_semaphore, #tpu.memory_space<semaphore_mem>>) {add = true}
      %add3A_378 = arith.constant 4 : i32
      %add3A_379 = arith.addi %add3A_349, %add3A_378 : i32
      %lt3A_380 = arith.constant 80 : i32
      %lt3A_381 = arith.cmpi slt, %add3A_379, %lt3A_380 : i32
      %convert_element_type3A_382 = arith.extui %lt3A_381 : i1 to i32
      %cond3A_383 = arith.constant 0 : i32
      %cond3A_384 = arith.cmpi ne, %convert_element_type3A_382, %cond3A_383 : i32
      scf.if %cond3A_384 {
        %ge3A = arith.constant 8 : i32
        %ge3A_580 = arith.cmpi sge, %add3A_379, %ge3A : i32
        %convert_element_type3A_581 = arith.extui %ge3A_580 : i1 to i32
        %cond3A_582 = arith.constant 0 : i32
        %cond3A_583 = arith.cmpi ne, %convert_element_type3A_581, %cond3A_582 : i32
        scf.if %cond3A_583 {
          %dma_wait3A_598 = arith.constant 6 : i32
          %dma_wait3A_599 = arith.constant 6 : i32
          %dma_wait3A_600 = arith.constant 0 : i32
          %dma_wait3A_601 = arith.constant 0 : i32
          %dma_wait3A_602 = tpu.memref_slice %arg8[%dma_wait3A_598, %dma_wait3A_600, %dma_wait3A_601] : memref<8x128x64xf32, #tpu.memory_space<vmem>> -> memref<1x128x64xf32, #tpu.memory_space<vmem>>
          %dma_wait3A_603 = tpu.memref_squeeze %dma_wait3A_602 : memref<1x128x64xf32, #tpu.memory_space<vmem>> -> memref<128x64xf32, #tpu.memory_space<vmem>>
          %dma_wait3A_604 = arith.constant 0 : i32
          %dma_wait3A_605 = arith.constant 0 : i32
          %dma_wait3A_606 = tpu.memref_slice %arg4[%dma_wait3A_604, %dma_wait3A_605] : memref<10000x64xf32, #tpu.memory_space<hbm>> -> memref<128x64xf32, #tpu.memory_space<hbm>>
          %dma_wait3A_607 = tpu.memref_slice %arg10[%dma_wait3A_599] : memref<8x!tpu.dma_semaphore, #tpu.memory_space<semaphore_mem>> -> memref<1x!tpu.dma_semaphore, #tpu.memory_space<semaphore_mem>>
          %dma_wait3A_608 = tpu.memref_squeeze %dma_wait3A_607 : memref<1x!tpu.dma_semaphore, #tpu.memory_space<semaphore_mem>> -> memref<!tpu.dma_semaphore, #tpu.memory_space<semaphore_mem>>
          %dma_wait3A_609 = arith.constant 0 : i32
          %dma_wait3A_610 = arith.constant 0 : i32
          %dma_wait3A_611 = tpu.memref_slice %arg8[%dma_wait3A_598, %dma_wait3A_609, %dma_wait3A_610] : memref<8x128x64xf32, #tpu.memory_space<vmem>> -> memref<1x128x64xf32, #tpu.memory_space<vmem>>
          %dma_wait3A_612 = tpu.memref_squeeze %dma_wait3A_611 : memref<1x128x64xf32, #tpu.memory_space<vmem>> -> memref<128x64xf32, #tpu.memory_space<vmem>>
          %dma_wait3A_613 = arith.constant 0 : i32
          %dma_wait3A_614 = arith.constant 0 : i32
          %dma_wait3A_615 = tpu.memref_slice %arg4[%dma_wait3A_613, %dma_wait3A_614] : memref<10000x64xf32, #tpu.memory_space<hbm>> -> memref<128x64xf32, #tpu.memory_space<hbm>>
          tpu.wait_dma2 semaphore(%dma_wait3A_608 : memref<!tpu.dma_semaphore, #tpu.memory_space<semaphore_mem>>) src(%dma_wait3A_615 : memref<128x64xf32, #tpu.memory_space<hbm>>) dst(%dma_wait3A_612 : memref<128x64xf32, #tpu.memory_space<vmem>>)
        } else {
        }
        %dma_start3A_584 = arith.constant 6 : i32
        %dma_start3A_585 = arith.constant 6 : i32
        %dma_start3A_586 = arith.constant 0 : i32
        %dma_start3A_587 = arith.constant 0 : i32
        %dma_start3A_588 = tpu.memref_slice %arg8[%dma_start3A_584, %dma_start3A_586, %dma_start3A_587] : memref<8x128x64xf32, #tpu.memory_space<vmem>> -> memref<1x128x64xf32, #tpu.memory_space<vmem>>
        %dma_start3A_589 = tpu.memref_squeeze %dma_start3A_588 : memref<1x128x64xf32, #tpu.memory_space<vmem>> -> memref<128x64xf32, #tpu.memory_space<vmem>>
        %dma_start3A_590 = arith.constant 0 : i32
        %dma_start3A_591 = tpu.memref_slice %arg6[%add3A_379, %dma_start3A_590] : memref<80x128xi32, #tpu.memory_space<vmem>> -> memref<1x128xi32, #tpu.memory_space<vmem>>
        %dma_start3A_592 = tpu.memref_squeeze %dma_start3A_591 : memref<1x128xi32, #tpu.memory_space<vmem>> -> memref<128xi32, #tpu.memory_space<vmem>>
        %dma_start3A_593 = arith.constant 0 : i32
        %dma_start3A_594 = arith.constant 0 : i32
        %dma_start3A_595 = tpu.memref_slice %arg4[%dma_start3A_593, %dma_start3A_594] : memref<10000x64xf32, #tpu.memory_space<hbm>> -> memref<10000x64xf32, #tpu.memory_space<hbm>>
        %dma_start3A_596 = tpu.memref_slice %arg9[%dma_start3A_585] : memref<8x!tpu.dma_semaphore, #tpu.memory_space<semaphore_mem>> -> memref<1x!tpu.dma_semaphore, #tpu.memory_space<semaphore_mem>>
        %dma_start3A_597 = tpu.memref_squeeze %dma_start3A_596 : memref<1x!tpu.dma_semaphore, #tpu.memory_space<semaphore_mem>> -> memref<!tpu.dma_semaphore, #tpu.memory_space<semaphore_mem>>
        tpu.enqueue_indirect_dma source(%dma_start3A_595 : memref<10000x64xf32, #tpu.memory_space<hbm>>) target(%dma_start3A_589 : memref<128x64xf32, #tpu.memory_space<vmem>>) offsets(%dma_start3A_592 : memref<128xi32, #tpu.memory_space<vmem>>) semaphore(%dma_start3A_597 : memref<!tpu.dma_semaphore, #tpu.memory_space<semaphore_mem>>)
      } else {
      }
      %mul3A_385 = arith.constant 8 : i32
      %mul3A_386 = arith.muli %scan3A_270, %mul3A_385 : i32
      %add3A_387 = arith.constant 3 : i32
      %add3A_388 = arith.addi %mul3A_386, %add3A_387 : i32
      %dma_wait3A_389 = arith.constant 3 : i32
      %dma_wait3A_390 = arith.constant 3 : i32
      %dma_wait3A_391 = arith.constant 0 : i32
      %dma_wait3A_392 = arith.constant 0 : i32
      %dma_wait3A_393 = tpu.memref_slice %arg8[%dma_wait3A_389, %dma_wait3A_391, %dma_wait3A_392] : memref<8x128x64xf32, #tpu.memory_space<vmem>> -> memref<1x128x64xf32, #tpu.memory_space<vmem>>
      %dma_wait3A_394 = tpu.memref_squeeze %dma_wait3A_393 : memref<1x128x64xf32, #tpu.memory_space<vmem>> -> memref<128x64xf32, #tpu.memory_space<vmem>>
      %dma_wait3A_395 = arith.constant 0 : i32
      %dma_wait3A_396 = tpu.memref_slice %arg6[%add3A_388, %dma_wait3A_395] : memref<80x128xi32, #tpu.memory_space<vmem>> -> memref<1x128xi32, #tpu.memory_space<vmem>>
      %dma_wait3A_397 = tpu.memref_squeeze %dma_wait3A_396 : memref<1x128xi32, #tpu.memory_space<vmem>> -> memref<128xi32, #tpu.memory_space<vmem>>
      %dma_wait3A_398 = arith.constant 0 : i32
      %dma_wait3A_399 = arith.constant 0 : i32
      %dma_wait3A_400 = tpu.memref_slice %arg4[%dma_wait3A_398, %dma_wait3A_399] : memref<10000x64xf32, #tpu.memory_space<hbm>> -> memref<10000x64xf32, #tpu.memory_space<hbm>>
      %dma_wait3A_401 = tpu.memref_slice %arg9[%dma_wait3A_390] : memref<8x!tpu.dma_semaphore, #tpu.memory_space<semaphore_mem>> -> memref<1x!tpu.dma_semaphore, #tpu.memory_space<semaphore_mem>>
      %dma_wait3A_402 = tpu.memref_squeeze %dma_wait3A_401 : memref<1x!tpu.dma_semaphore, #tpu.memory_space<semaphore_mem>> -> memref<!tpu.dma_semaphore, #tpu.memory_space<semaphore_mem>>
      tpu.wait_indirect_dma semaphore(%dma_wait3A_402 : memref<!tpu.dma_semaphore, #tpu.memory_space<semaphore_mem>>) src(%dma_wait3A_400 : memref<10000x64xf32, #tpu.memory_space<hbm>>) dst(%dma_wait3A_394 : memref<128x64xf32, #tpu.memory_space<vmem>>)
      %dma_start3A_403 = arith.constant 3 : i32
      %dma_start3A_404 = arith.constant 3 : i32
      %dma_start3A_405 = arith.constant 0 : i32
      %dma_start3A_406 = arith.constant 0 : i32
      %dma_start3A_407 = tpu.memref_slice %arg8[%dma_start3A_403, %dma_start3A_405, %dma_start3A_406] : memref<8x128x64xf32, #tpu.memory_space<vmem>> -> memref<1x128x64xf32, #tpu.memory_space<vmem>>
      %dma_start3A_408 = tpu.memref_squeeze %dma_start3A_407 : memref<1x128x64xf32, #tpu.memory_space<vmem>> -> memref<128x64xf32, #tpu.memory_space<vmem>>
      %dma_start3A_409 = arith.constant 0 : i32
      %dma_start3A_410 = tpu.memref_slice %arg7[%add3A_388, %dma_start3A_409] : memref<80x128xi32, #tpu.memory_space<vmem>> -> memref<1x128xi32, #tpu.memory_space<vmem>>
      %dma_start3A_411 = tpu.memref_squeeze %dma_start3A_410 : memref<1x128xi32, #tpu.memory_space<vmem>> -> memref<128xi32, #tpu.memory_space<vmem>>
      %dma_start3A_412 = arith.constant 0 : i32
      %dma_start3A_413 = arith.constant 0 : i32
      %dma_start3A_414 = tpu.memref_slice %arg11[%dma_start3A_412, %dma_start3A_413] : memref<10240x64xf32, #tpu.memory_space<vmem_shared>> -> memref<10240x64xf32, #tpu.memory_space<vmem_shared>>
      %dma_start3A_415 = tpu.memref_slice %arg10[%dma_start3A_404] : memref<8x!tpu.dma_semaphore, #tpu.memory_space<semaphore_mem>> -> memref<1x!tpu.dma_semaphore, #tpu.memory_space<semaphore_mem>>
      %dma_start3A_416 = tpu.memref_squeeze %dma_start3A_415 : memref<1x!tpu.dma_semaphore, #tpu.memory_space<semaphore_mem>> -> memref<!tpu.dma_semaphore, #tpu.memory_space<semaphore_mem>>
      tpu.enqueue_indirect_dma source(%dma_start3A_408 : memref<128x64xf32, #tpu.memory_space<vmem>>) target(%dma_start3A_414 : memref<10240x64xf32, #tpu.memory_space<vmem_shared>>) offsets(%dma_start3A_411 : memref<128xi32, #tpu.memory_space<vmem>>) semaphore(%dma_start3A_416 : memref<!tpu.dma_semaphore, #tpu.memory_space<semaphore_mem>>) {add = true}
      %add3A_417 = arith.constant 4 : i32
      %add3A_418 = arith.addi %add3A_388, %add3A_417 : i32
      %lt3A_419 = arith.constant 80 : i32
      %lt3A_420 = arith.cmpi slt, %add3A_418, %lt3A_419 : i32
      %convert_element_type3A_421 = arith.extui %lt3A_420 : i1 to i32
      %cond3A_422 = arith.constant 0 : i32
      %cond3A_423 = arith.cmpi ne, %convert_element_type3A_421, %cond3A_422 : i32
      scf.if %cond3A_423 {
        %ge3A = arith.constant 8 : i32
        %ge3A_580 = arith.cmpi sge, %add3A_418, %ge3A : i32
        %convert_element_type3A_581 = arith.extui %ge3A_580 : i1 to i32
        %cond3A_582 = arith.constant 0 : i32
        %cond3A_583 = arith.cmpi ne, %convert_element_type3A_581, %cond3A_582 : i32
        scf.if %cond3A_583 {
          %dma_wait3A_598 = arith.constant 7 : i32
          %dma_wait3A_599 = arith.constant 7 : i32
          %dma_wait3A_600 = arith.constant 0 : i32
          %dma_wait3A_601 = arith.constant 0 : i32
          %dma_wait3A_602 = tpu.memref_slice %arg8[%dma_wait3A_598, %dma_wait3A_600, %dma_wait3A_601] : memref<8x128x64xf32, #tpu.memory_space<vmem>> -> memref<1x128x64xf32, #tpu.memory_space<vmem>>
          %dma_wait3A_603 = tpu.memref_squeeze %dma_wait3A_602 : memref<1x128x64xf32, #tpu.memory_space<vmem>> -> memref<128x64xf32, #tpu.memory_space<vmem>>
          %dma_wait3A_604 = arith.constant 0 : i32
          %dma_wait3A_605 = arith.constant 0 : i32
          %dma_wait3A_606 = tpu.memref_slice %arg4[%dma_wait3A_604, %dma_wait3A_605] : memref<10000x64xf32, #tpu.memory_space<hbm>> -> memref<128x64xf32, #tpu.memory_space<hbm>>
          %dma_wait3A_607 = tpu.memref_slice %arg10[%dma_wait3A_599] : memref<8x!tpu.dma_semaphore, #tpu.memory_space<semaphore_mem>> -> memref<1x!tpu.dma_semaphore, #tpu.memory_space<semaphore_mem>>
          %dma_wait3A_608 = tpu.memref_squeeze %dma_wait3A_607 : memref<1x!tpu.dma_semaphore, #tpu.memory_space<semaphore_mem>> -> memref<!tpu.dma_semaphore, #tpu.memory_space<semaphore_mem>>
          %dma_wait3A_609 = arith.constant 0 : i32
          %dma_wait3A_610 = arith.constant 0 : i32
          %dma_wait3A_611 = tpu.memref_slice %arg8[%dma_wait3A_598, %dma_wait3A_609, %dma_wait3A_610] : memref<8x128x64xf32, #tpu.memory_space<vmem>> -> memref<1x128x64xf32, #tpu.memory_space<vmem>>
          %dma_wait3A_612 = tpu.memref_squeeze %dma_wait3A_611 : memref<1x128x64xf32, #tpu.memory_space<vmem>> -> memref<128x64xf32, #tpu.memory_space<vmem>>
          %dma_wait3A_613 = arith.constant 0 : i32
          %dma_wait3A_614 = arith.constant 0 : i32
          %dma_wait3A_615 = tpu.memref_slice %arg4[%dma_wait3A_613, %dma_wait3A_614] : memref<10000x64xf32, #tpu.memory_space<hbm>> -> memref<128x64xf32, #tpu.memory_space<hbm>>
          tpu.wait_dma2 semaphore(%dma_wait3A_608 : memref<!tpu.dma_semaphore, #tpu.memory_space<semaphore_mem>>) src(%dma_wait3A_615 : memref<128x64xf32, #tpu.memory_space<hbm>>) dst(%dma_wait3A_612 : memref<128x64xf32, #tpu.memory_space<vmem>>)
        } else {
        }
        %dma_start3A_584 = arith.constant 7 : i32
        %dma_start3A_585 = arith.constant 7 : i32
        %dma_start3A_586 = arith.constant 0 : i32
        %dma_start3A_587 = arith.constant 0 : i32
        %dma_start3A_588 = tpu.memref_slice %arg8[%dma_start3A_584, %dma_start3A_586, %dma_start3A_587] : memref<8x128x64xf32, #tpu.memory_space<vmem>> -> memref<1x128x64xf32, #tpu.memory_space<vmem>>
        %dma_start3A_589 = tpu.memref_squeeze %dma_start3A_588 : memref<1x128x64xf32, #tpu.memory_space<vmem>> -> memref<128x64xf32, #tpu.memory_space<vmem>>
        %dma_start3A_590 = arith.constant 0 : i32
        %dma_start3A_591 = tpu.memref_slice %arg6[%add3A_418, %dma_start3A_590] : memref<80x128xi32, #tpu.memory_space<vmem>> -> memref<1x128xi32, #tpu.memory_space<vmem>>
        %dma_start3A_592 = tpu.memref_squeeze %dma_start3A_591 : memref<1x128xi32, #tpu.memory_space<vmem>> -> memref<128xi32, #tpu.memory_space<vmem>>
        %dma_start3A_593 = arith.constant 0 : i32
        %dma_start3A_594 = arith.constant 0 : i32
        %dma_start3A_595 = tpu.memref_slice %arg4[%dma_start3A_593, %dma_start3A_594] : memref<10000x64xf32, #tpu.memory_space<hbm>> -> memref<10000x64xf32, #tpu.memory_space<hbm>>
        %dma_start3A_596 = tpu.memref_slice %arg9[%dma_start3A_585] : memref<8x!tpu.dma_semaphore, #tpu.memory_space<semaphore_mem>> -> memref<1x!tpu.dma_semaphore, #tpu.memory_space<semaphore_mem>>
        %dma_start3A_597 = tpu.memref_squeeze %dma_start3A_596 : memref<1x!tpu.dma_semaphore, #tpu.memory_space<semaphore_mem>> -> memref<!tpu.dma_semaphore, #tpu.memory_space<semaphore_mem>>
        tpu.enqueue_indirect_dma source(%dma_start3A_595 : memref<10000x64xf32, #tpu.memory_space<hbm>>) target(%dma_start3A_589 : memref<128x64xf32, #tpu.memory_space<vmem>>) offsets(%dma_start3A_592 : memref<128xi32, #tpu.memory_space<vmem>>) semaphore(%dma_start3A_597 : memref<!tpu.dma_semaphore, #tpu.memory_space<semaphore_mem>>)
      } else {
      }
      %mul3A_424 = arith.constant 8 : i32
      %mul3A_425 = arith.muli %scan3A_270, %mul3A_424 : i32
      %add3A_426 = arith.constant 4 : i32
      %add3A_427 = arith.addi %mul3A_425, %add3A_426 : i32
      %dma_wait3A_428 = arith.constant 4 : i32
      %dma_wait3A_429 = arith.constant 4 : i32
      %dma_wait3A_430 = arith.constant 0 : i32
      %dma_wait3A_431 = arith.constant 0 : i32
      %dma_wait3A_432 = tpu.memref_slice %arg8[%dma_wait3A_428, %dma_wait3A_430, %dma_wait3A_431] : memref<8x128x64xf32, #tpu.memory_space<vmem>> -> memref<1x128x64xf32, #tpu.memory_space<vmem>>
      %dma_wait3A_433 = tpu.memref_squeeze %dma_wait3A_432 : memref<1x128x64xf32, #tpu.memory_space<vmem>> -> memref<128x64xf32, #tpu.memory_space<vmem>>
      %dma_wait3A_434 = arith.constant 0 : i32
      %dma_wait3A_435 = tpu.memref_slice %arg6[%add3A_427, %dma_wait3A_434] : memref<80x128xi32, #tpu.memory_space<vmem>> -> memref<1x128xi32, #tpu.memory_space<vmem>>
      %dma_wait3A_436 = tpu.memref_squeeze %dma_wait3A_435 : memref<1x128xi32, #tpu.memory_space<vmem>> -> memref<128xi32, #tpu.memory_space<vmem>>
      %dma_wait3A_437 = arith.constant 0 : i32
      %dma_wait3A_438 = arith.constant 0 : i32
      %dma_wait3A_439 = tpu.memref_slice %arg4[%dma_wait3A_437, %dma_wait3A_438] : memref<10000x64xf32, #tpu.memory_space<hbm>> -> memref<10000x64xf32, #tpu.memory_space<hbm>>
      %dma_wait3A_440 = tpu.memref_slice %arg9[%dma_wait3A_429] : memref<8x!tpu.dma_semaphore, #tpu.memory_space<semaphore_mem>> -> memref<1x!tpu.dma_semaphore, #tpu.memory_space<semaphore_mem>>
      %dma_wait3A_441 = tpu.memref_squeeze %dma_wait3A_440 : memref<1x!tpu.dma_semaphore, #tpu.memory_space<semaphore_mem>> -> memref<!tpu.dma_semaphore, #tpu.memory_space<semaphore_mem>>
      tpu.wait_indirect_dma semaphore(%dma_wait3A_441 : memref<!tpu.dma_semaphore, #tpu.memory_space<semaphore_mem>>) src(%dma_wait3A_439 : memref<10000x64xf32, #tpu.memory_space<hbm>>) dst(%dma_wait3A_433 : memref<128x64xf32, #tpu.memory_space<vmem>>)
      %dma_start3A_442 = arith.constant 4 : i32
      %dma_start3A_443 = arith.constant 4 : i32
      %dma_start3A_444 = arith.constant 0 : i32
      %dma_start3A_445 = arith.constant 0 : i32
      %dma_start3A_446 = tpu.memref_slice %arg8[%dma_start3A_442, %dma_start3A_444, %dma_start3A_445] : memref<8x128x64xf32, #tpu.memory_space<vmem>> -> memref<1x128x64xf32, #tpu.memory_space<vmem>>
      %dma_start3A_447 = tpu.memref_squeeze %dma_start3A_446 : memref<1x128x64xf32, #tpu.memory_space<vmem>> -> memref<128x64xf32, #tpu.memory_space<vmem>>
      %dma_start3A_448 = arith.constant 0 : i32
      %dma_start3A_449 = tpu.memref_slice %arg7[%add3A_427, %dma_start3A_448] : memref<80x128xi32, #tpu.memory_space<vmem>> -> memref<1x128xi32, #tpu.memory_space<vmem>>
      %dma_start3A_450 = tpu.memref_squeeze %dma_start3A_449 : memref<1x128xi32, #tpu.memory_space<vmem>> -> memref<128xi32, #tpu.memory_space<vmem>>
      %dma_start3A_451 = arith.constant 0 : i32
      %dma_start3A_452 = arith.constant 0 : i32
      %dma_start3A_453 = tpu.memref_slice %arg11[%dma_start3A_451, %dma_start3A_452] : memref<10240x64xf32, #tpu.memory_space<vmem_shared>> -> memref<10240x64xf32, #tpu.memory_space<vmem_shared>>
      %dma_start3A_454 = tpu.memref_slice %arg10[%dma_start3A_443] : memref<8x!tpu.dma_semaphore, #tpu.memory_space<semaphore_mem>> -> memref<1x!tpu.dma_semaphore, #tpu.memory_space<semaphore_mem>>
      %dma_start3A_455 = tpu.memref_squeeze %dma_start3A_454 : memref<1x!tpu.dma_semaphore, #tpu.memory_space<semaphore_mem>> -> memref<!tpu.dma_semaphore, #tpu.memory_space<semaphore_mem>>
      tpu.enqueue_indirect_dma source(%dma_start3A_447 : memref<128x64xf32, #tpu.memory_space<vmem>>) target(%dma_start3A_453 : memref<10240x64xf32, #tpu.memory_space<vmem_shared>>) offsets(%dma_start3A_450 : memref<128xi32, #tpu.memory_space<vmem>>) semaphore(%dma_start3A_455 : memref<!tpu.dma_semaphore, #tpu.memory_space<semaphore_mem>>) {add = true}
      %add3A_456 = arith.constant 4 : i32
      %add3A_457 = arith.addi %add3A_427, %add3A_456 : i32
      %lt3A_458 = arith.constant 80 : i32
      %lt3A_459 = arith.cmpi slt, %add3A_457, %lt3A_458 : i32
      %convert_element_type3A_460 = arith.extui %lt3A_459 : i1 to i32
      %cond3A_461 = arith.constant 0 : i32
      %cond3A_462 = arith.cmpi ne, %convert_element_type3A_460, %cond3A_461 : i32
      scf.if %cond3A_462 {
        %ge3A = arith.constant 8 : i32
        %ge3A_580 = arith.cmpi sge, %add3A_457, %ge3A : i32
        %convert_element_type3A_581 = arith.extui %ge3A_580 : i1 to i32
        %cond3A_582 = arith.constant 0 : i32
        %cond3A_583 = arith.cmpi ne, %convert_element_type3A_581, %cond3A_582 : i32
        scf.if %cond3A_583 {
          %dma_wait3A_598 = arith.constant 0 : i32
          %dma_wait3A_599 = arith.constant 0 : i32
          %dma_wait3A_600 = arith.constant 0 : i32
          %dma_wait3A_601 = arith.constant 0 : i32
          %dma_wait3A_602 = tpu.memref_slice %arg8[%dma_wait3A_598, %dma_wait3A_600, %dma_wait3A_601] : memref<8x128x64xf32, #tpu.memory_space<vmem>> -> memref<1x128x64xf32, #tpu.memory_space<vmem>>
          %dma_wait3A_603 = tpu.memref_squeeze %dma_wait3A_602 : memref<1x128x64xf32, #tpu.memory_space<vmem>> -> memref<128x64xf32, #tpu.memory_space<vmem>>
          %dma_wait3A_604 = arith.constant 0 : i32
          %dma_wait3A_605 = arith.constant 0 : i32
          %dma_wait3A_606 = tpu.memref_slice %arg4[%dma_wait3A_604, %dma_wait3A_605] : memref<10000x64xf32, #tpu.memory_space<hbm>> -> memref<128x64xf32, #tpu.memory_space<hbm>>
          %dma_wait3A_607 = tpu.memref_slice %arg10[%dma_wait3A_599] : memref<8x!tpu.dma_semaphore, #tpu.memory_space<semaphore_mem>> -> memref<1x!tpu.dma_semaphore, #tpu.memory_space<semaphore_mem>>
          %dma_wait3A_608 = tpu.memref_squeeze %dma_wait3A_607 : memref<1x!tpu.dma_semaphore, #tpu.memory_space<semaphore_mem>> -> memref<!tpu.dma_semaphore, #tpu.memory_space<semaphore_mem>>
          %dma_wait3A_609 = arith.constant 0 : i32
          %dma_wait3A_610 = arith.constant 0 : i32
          %dma_wait3A_611 = tpu.memref_slice %arg8[%dma_wait3A_598, %dma_wait3A_609, %dma_wait3A_610] : memref<8x128x64xf32, #tpu.memory_space<vmem>> -> memref<1x128x64xf32, #tpu.memory_space<vmem>>
          %dma_wait3A_612 = tpu.memref_squeeze %dma_wait3A_611 : memref<1x128x64xf32, #tpu.memory_space<vmem>> -> memref<128x64xf32, #tpu.memory_space<vmem>>
          %dma_wait3A_613 = arith.constant 0 : i32
          %dma_wait3A_614 = arith.constant 0 : i32
          %dma_wait3A_615 = tpu.memref_slice %arg4[%dma_wait3A_613, %dma_wait3A_614] : memref<10000x64xf32, #tpu.memory_space<hbm>> -> memref<128x64xf32, #tpu.memory_space<hbm>>
          tpu.wait_dma2 semaphore(%dma_wait3A_608 : memref<!tpu.dma_semaphore, #tpu.memory_space<semaphore_mem>>) src(%dma_wait3A_615 : memref<128x64xf32, #tpu.memory_space<hbm>>) dst(%dma_wait3A_612 : memref<128x64xf32, #tpu.memory_space<vmem>>)
        } else {
        }
        %dma_start3A_584 = arith.constant 0 : i32
        %dma_start3A_585 = arith.constant 0 : i32
        %dma_start3A_586 = arith.constant 0 : i32
        %dma_start3A_587 = arith.constant 0 : i32
        %dma_start3A_588 = tpu.memref_slice %arg8[%dma_start3A_584, %dma_start3A_586, %dma_start3A_587] : memref<8x128x64xf32, #tpu.memory_space<vmem>> -> memref<1x128x64xf32, #tpu.memory_space<vmem>>
        %dma_start3A_589 = tpu.memref_squeeze %dma_start3A_588 : memref<1x128x64xf32, #tpu.memory_space<vmem>> -> memref<128x64xf32, #tpu.memory_space<vmem>>
        %dma_start3A_590 = arith.constant 0 : i32
        %dma_start3A_591 = tpu.memref_slice %arg6[%add3A_457, %dma_start3A_590] : memref<80x128xi32, #tpu.memory_space<vmem>> -> memref<1x128xi32, #tpu.memory_space<vmem>>
        %dma_start3A_592 = tpu.memref_squeeze %dma_start3A_591 : memref<1x128xi32, #tpu.memory_space<vmem>> -> memref<128xi32, #tpu.memory_space<vmem>>
        %dma_start3A_593 = arith.constant 0 : i32
        %dma_start3A_594 = arith.constant 0 : i32
        %dma_start3A_595 = tpu.memref_slice %arg4[%dma_start3A_593, %dma_start3A_594] : memref<10000x64xf32, #tpu.memory_space<hbm>> -> memref<10000x64xf32, #tpu.memory_space<hbm>>
        %dma_start3A_596 = tpu.memref_slice %arg9[%dma_start3A_585] : memref<8x!tpu.dma_semaphore, #tpu.memory_space<semaphore_mem>> -> memref<1x!tpu.dma_semaphore, #tpu.memory_space<semaphore_mem>>
        %dma_start3A_597 = tpu.memref_squeeze %dma_start3A_596 : memref<1x!tpu.dma_semaphore, #tpu.memory_space<semaphore_mem>> -> memref<!tpu.dma_semaphore, #tpu.memory_space<semaphore_mem>>
        tpu.enqueue_indirect_dma source(%dma_start3A_595 : memref<10000x64xf32, #tpu.memory_space<hbm>>) target(%dma_start3A_589 : memref<128x64xf32, #tpu.memory_space<vmem>>) offsets(%dma_start3A_592 : memref<128xi32, #tpu.memory_space<vmem>>) semaphore(%dma_start3A_597 : memref<!tpu.dma_semaphore, #tpu.memory_space<semaphore_mem>>)
      } else {
      }
      %mul3A_463 = arith.constant 8 : i32
      %mul3A_464 = arith.muli %scan3A_270, %mul3A_463 : i32
      %add3A_465 = arith.constant 5 : i32
      %add3A_466 = arith.addi %mul3A_464, %add3A_465 : i32
      %dma_wait3A_467 = arith.constant 5 : i32
      %dma_wait3A_468 = arith.constant 5 : i32
      %dma_wait3A_469 = arith.constant 0 : i32
      %dma_wait3A_470 = arith.constant 0 : i32
      %dma_wait3A_471 = tpu.memref_slice %arg8[%dma_wait3A_467, %dma_wait3A_469, %dma_wait3A_470] : memref<8x128x64xf32, #tpu.memory_space<vmem>> -> memref<1x128x64xf32, #tpu.memory_space<vmem>>
      %dma_wait3A_472 = tpu.memref_squeeze %dma_wait3A_471 : memref<1x128x64xf32, #tpu.memory_space<vmem>> -> memref<128x64xf32, #tpu.memory_space<vmem>>
      %dma_wait3A_473 = arith.constant 0 : i32
      %dma_wait3A_474 = tpu.memref_slice %arg6[%add3A_466, %dma_wait3A_473] : memref<80x128xi32, #tpu.memory_space<vmem>> -> memref<1x128xi32, #tpu.memory_space<vmem>>
      %dma_wait3A_475 = tpu.memref_squeeze %dma_wait3A_474 : memref<1x128xi32, #tpu.memory_space<vmem>> -> memref<128xi32, #tpu.memory_space<vmem>>
      %dma_wait3A_476 = arith.constant 0 : i32
      %dma_wait3A_477 = arith.constant 0 : i32
      %dma_wait3A_478 = tpu.memref_slice %arg4[%dma_wait3A_476, %dma_wait3A_477] : memref<10000x64xf32, #tpu.memory_space<hbm>> -> memref<10000x64xf32, #tpu.memory_space<hbm>>
      %dma_wait3A_479 = tpu.memref_slice %arg9[%dma_wait3A_468] : memref<8x!tpu.dma_semaphore, #tpu.memory_space<semaphore_mem>> -> memref<1x!tpu.dma_semaphore, #tpu.memory_space<semaphore_mem>>
      %dma_wait3A_480 = tpu.memref_squeeze %dma_wait3A_479 : memref<1x!tpu.dma_semaphore, #tpu.memory_space<semaphore_mem>> -> memref<!tpu.dma_semaphore, #tpu.memory_space<semaphore_mem>>
      tpu.wait_indirect_dma semaphore(%dma_wait3A_480 : memref<!tpu.dma_semaphore, #tpu.memory_space<semaphore_mem>>) src(%dma_wait3A_478 : memref<10000x64xf32, #tpu.memory_space<hbm>>) dst(%dma_wait3A_472 : memref<128x64xf32, #tpu.memory_space<vmem>>)
      %dma_start3A_481 = arith.constant 5 : i32
      %dma_start3A_482 = arith.constant 5 : i32
      %dma_start3A_483 = arith.constant 0 : i32
      %dma_start3A_484 = arith.constant 0 : i32
      %dma_start3A_485 = tpu.memref_slice %arg8[%dma_start3A_481, %dma_start3A_483, %dma_start3A_484] : memref<8x128x64xf32, #tpu.memory_space<vmem>> -> memref<1x128x64xf32, #tpu.memory_space<vmem>>
      %dma_start3A_486 = tpu.memref_squeeze %dma_start3A_485 : memref<1x128x64xf32, #tpu.memory_space<vmem>> -> memref<128x64xf32, #tpu.memory_space<vmem>>
      %dma_start3A_487 = arith.constant 0 : i32
      %dma_start3A_488 = tpu.memref_slice %arg7[%add3A_466, %dma_start3A_487] : memref<80x128xi32, #tpu.memory_space<vmem>> -> memref<1x128xi32, #tpu.memory_space<vmem>>
      %dma_start3A_489 = tpu.memref_squeeze %dma_start3A_488 : memref<1x128xi32, #tpu.memory_space<vmem>> -> memref<128xi32, #tpu.memory_space<vmem>>
      %dma_start3A_490 = arith.constant 0 : i32
      %dma_start3A_491 = arith.constant 0 : i32
      %dma_start3A_492 = tpu.memref_slice %arg11[%dma_start3A_490, %dma_start3A_491] : memref<10240x64xf32, #tpu.memory_space<vmem_shared>> -> memref<10240x64xf32, #tpu.memory_space<vmem_shared>>
      %dma_start3A_493 = tpu.memref_slice %arg10[%dma_start3A_482] : memref<8x!tpu.dma_semaphore, #tpu.memory_space<semaphore_mem>> -> memref<1x!tpu.dma_semaphore, #tpu.memory_space<semaphore_mem>>
      %dma_start3A_494 = tpu.memref_squeeze %dma_start3A_493 : memref<1x!tpu.dma_semaphore, #tpu.memory_space<semaphore_mem>> -> memref<!tpu.dma_semaphore, #tpu.memory_space<semaphore_mem>>
      tpu.enqueue_indirect_dma source(%dma_start3A_486 : memref<128x64xf32, #tpu.memory_space<vmem>>) target(%dma_start3A_492 : memref<10240x64xf32, #tpu.memory_space<vmem_shared>>) offsets(%dma_start3A_489 : memref<128xi32, #tpu.memory_space<vmem>>) semaphore(%dma_start3A_494 : memref<!tpu.dma_semaphore, #tpu.memory_space<semaphore_mem>>) {add = true}
      %add3A_495 = arith.constant 4 : i32
      %add3A_496 = arith.addi %add3A_466, %add3A_495 : i32
      %lt3A_497 = arith.constant 80 : i32
      %lt3A_498 = arith.cmpi slt, %add3A_496, %lt3A_497 : i32
      %convert_element_type3A_499 = arith.extui %lt3A_498 : i1 to i32
      %cond3A_500 = arith.constant 0 : i32
      %cond3A_501 = arith.cmpi ne, %convert_element_type3A_499, %cond3A_500 : i32
      scf.if %cond3A_501 {
        %ge3A = arith.constant 8 : i32
        %ge3A_580 = arith.cmpi sge, %add3A_496, %ge3A : i32
        %convert_element_type3A_581 = arith.extui %ge3A_580 : i1 to i32
        %cond3A_582 = arith.constant 0 : i32
        %cond3A_583 = arith.cmpi ne, %convert_element_type3A_581, %cond3A_582 : i32
        scf.if %cond3A_583 {
          %dma_wait3A_598 = arith.constant 1 : i32
          %dma_wait3A_599 = arith.constant 1 : i32
          %dma_wait3A_600 = arith.constant 0 : i32
          %dma_wait3A_601 = arith.constant 0 : i32
          %dma_wait3A_602 = tpu.memref_slice %arg8[%dma_wait3A_598, %dma_wait3A_600, %dma_wait3A_601] : memref<8x128x64xf32, #tpu.memory_space<vmem>> -> memref<1x128x64xf32, #tpu.memory_space<vmem>>
          %dma_wait3A_603 = tpu.memref_squeeze %dma_wait3A_602 : memref<1x128x64xf32, #tpu.memory_space<vmem>> -> memref<128x64xf32, #tpu.memory_space<vmem>>
          %dma_wait3A_604 = arith.constant 0 : i32
          %dma_wait3A_605 = arith.constant 0 : i32
          %dma_wait3A_606 = tpu.memref_slice %arg4[%dma_wait3A_604, %dma_wait3A_605] : memref<10000x64xf32, #tpu.memory_space<hbm>> -> memref<128x64xf32, #tpu.memory_space<hbm>>
          %dma_wait3A_607 = tpu.memref_slice %arg10[%dma_wait3A_599] : memref<8x!tpu.dma_semaphore, #tpu.memory_space<semaphore_mem>> -> memref<1x!tpu.dma_semaphore, #tpu.memory_space<semaphore_mem>>
          %dma_wait3A_608 = tpu.memref_squeeze %dma_wait3A_607 : memref<1x!tpu.dma_semaphore, #tpu.memory_space<semaphore_mem>> -> memref<!tpu.dma_semaphore, #tpu.memory_space<semaphore_mem>>
          %dma_wait3A_609 = arith.constant 0 : i32
          %dma_wait3A_610 = arith.constant 0 : i32
          %dma_wait3A_611 = tpu.memref_slice %arg8[%dma_wait3A_598, %dma_wait3A_609, %dma_wait3A_610] : memref<8x128x64xf32, #tpu.memory_space<vmem>> -> memref<1x128x64xf32, #tpu.memory_space<vmem>>
          %dma_wait3A_612 = tpu.memref_squeeze %dma_wait3A_611 : memref<1x128x64xf32, #tpu.memory_space<vmem>> -> memref<128x64xf32, #tpu.memory_space<vmem>>
          %dma_wait3A_613 = arith.constant 0 : i32
          %dma_wait3A_614 = arith.constant 0 : i32
          %dma_wait3A_615 = tpu.memref_slice %arg4[%dma_wait3A_613, %dma_wait3A_614] : memref<10000x64xf32, #tpu.memory_space<hbm>> -> memref<128x64xf32, #tpu.memory_space<hbm>>
          tpu.wait_dma2 semaphore(%dma_wait3A_608 : memref<!tpu.dma_semaphore, #tpu.memory_space<semaphore_mem>>) src(%dma_wait3A_615 : memref<128x64xf32, #tpu.memory_space<hbm>>) dst(%dma_wait3A_612 : memref<128x64xf32, #tpu.memory_space<vmem>>)
        } else {
        }
        %dma_start3A_584 = arith.constant 1 : i32
        %dma_start3A_585 = arith.constant 1 : i32
        %dma_start3A_586 = arith.constant 0 : i32
        %dma_start3A_587 = arith.constant 0 : i32
        %dma_start3A_588 = tpu.memref_slice %arg8[%dma_start3A_584, %dma_start3A_586, %dma_start3A_587] : memref<8x128x64xf32, #tpu.memory_space<vmem>> -> memref<1x128x64xf32, #tpu.memory_space<vmem>>
        %dma_start3A_589 = tpu.memref_squeeze %dma_start3A_588 : memref<1x128x64xf32, #tpu.memory_space<vmem>> -> memref<128x64xf32, #tpu.memory_space<vmem>>
        %dma_start3A_590 = arith.constant 0 : i32
        %dma_start3A_591 = tpu.memref_slice %arg6[%add3A_496, %dma_start3A_590] : memref<80x128xi32, #tpu.memory_space<vmem>> -> memref<1x128xi32, #tpu.memory_space<vmem>>
        %dma_start3A_592 = tpu.memref_squeeze %dma_start3A_591 : memref<1x128xi32, #tpu.memory_space<vmem>> -> memref<128xi32, #tpu.memory_space<vmem>>
        %dma_start3A_593 = arith.constant 0 : i32
        %dma_start3A_594 = arith.constant 0 : i32
        %dma_start3A_595 = tpu.memref_slice %arg4[%dma_start3A_593, %dma_start3A_594] : memref<10000x64xf32, #tpu.memory_space<hbm>> -> memref<10000x64xf32, #tpu.memory_space<hbm>>
        %dma_start3A_596 = tpu.memref_slice %arg9[%dma_start3A_585] : memref<8x!tpu.dma_semaphore, #tpu.memory_space<semaphore_mem>> -> memref<1x!tpu.dma_semaphore, #tpu.memory_space<semaphore_mem>>
        %dma_start3A_597 = tpu.memref_squeeze %dma_start3A_596 : memref<1x!tpu.dma_semaphore, #tpu.memory_space<semaphore_mem>> -> memref<!tpu.dma_semaphore, #tpu.memory_space<semaphore_mem>>
        tpu.enqueue_indirect_dma source(%dma_start3A_595 : memref<10000x64xf32, #tpu.memory_space<hbm>>) target(%dma_start3A_589 : memref<128x64xf32, #tpu.memory_space<vmem>>) offsets(%dma_start3A_592 : memref<128xi32, #tpu.memory_space<vmem>>) semaphore(%dma_start3A_597 : memref<!tpu.dma_semaphore, #tpu.memory_space<semaphore_mem>>)
      } else {
      }
      %mul3A_502 = arith.constant 8 : i32
      %mul3A_503 = arith.muli %scan3A_270, %mul3A_502 : i32
      %add3A_504 = arith.constant 6 : i32
      %add3A_505 = arith.addi %mul3A_503, %add3A_504 : i32
      %dma_wait3A_506 = arith.constant 6 : i32
      %dma_wait3A_507 = arith.constant 6 : i32
      %dma_wait3A_508 = arith.constant 0 : i32
      %dma_wait3A_509 = arith.constant 0 : i32
      %dma_wait3A_510 = tpu.memref_slice %arg8[%dma_wait3A_506, %dma_wait3A_508, %dma_wait3A_509] : memref<8x128x64xf32, #tpu.memory_space<vmem>> -> memref<1x128x64xf32, #tpu.memory_space<vmem>>
      %dma_wait3A_511 = tpu.memref_squeeze %dma_wait3A_510 : memref<1x128x64xf32, #tpu.memory_space<vmem>> -> memref<128x64xf32, #tpu.memory_space<vmem>>
      %dma_wait3A_512 = arith.constant 0 : i32
      %dma_wait3A_513 = tpu.memref_slice %arg6[%add3A_505, %dma_wait3A_512] : memref<80x128xi32, #tpu.memory_space<vmem>> -> memref<1x128xi32, #tpu.memory_space<vmem>>
      %dma_wait3A_514 = tpu.memref_squeeze %dma_wait3A_513 : memref<1x128xi32, #tpu.memory_space<vmem>> -> memref<128xi32, #tpu.memory_space<vmem>>
      %dma_wait3A_515 = arith.constant 0 : i32
      %dma_wait3A_516 = arith.constant 0 : i32
      %dma_wait3A_517 = tpu.memref_slice %arg4[%dma_wait3A_515, %dma_wait3A_516] : memref<10000x64xf32, #tpu.memory_space<hbm>> -> memref<10000x64xf32, #tpu.memory_space<hbm>>
      %dma_wait3A_518 = tpu.memref_slice %arg9[%dma_wait3A_507] : memref<8x!tpu.dma_semaphore, #tpu.memory_space<semaphore_mem>> -> memref<1x!tpu.dma_semaphore, #tpu.memory_space<semaphore_mem>>
      %dma_wait3A_519 = tpu.memref_squeeze %dma_wait3A_518 : memref<1x!tpu.dma_semaphore, #tpu.memory_space<semaphore_mem>> -> memref<!tpu.dma_semaphore, #tpu.memory_space<semaphore_mem>>
      tpu.wait_indirect_dma semaphore(%dma_wait3A_519 : memref<!tpu.dma_semaphore, #tpu.memory_space<semaphore_mem>>) src(%dma_wait3A_517 : memref<10000x64xf32, #tpu.memory_space<hbm>>) dst(%dma_wait3A_511 : memref<128x64xf32, #tpu.memory_space<vmem>>)
      %dma_start3A_520 = arith.constant 6 : i32
      %dma_start3A_521 = arith.constant 6 : i32
      %dma_start3A_522 = arith.constant 0 : i32
      %dma_start3A_523 = arith.constant 0 : i32
      %dma_start3A_524 = tpu.memref_slice %arg8[%dma_start3A_520, %dma_start3A_522, %dma_start3A_523] : memref<8x128x64xf32, #tpu.memory_space<vmem>> -> memref<1x128x64xf32, #tpu.memory_space<vmem>>
      %dma_start3A_525 = tpu.memref_squeeze %dma_start3A_524 : memref<1x128x64xf32, #tpu.memory_space<vmem>> -> memref<128x64xf32, #tpu.memory_space<vmem>>
      %dma_start3A_526 = arith.constant 0 : i32
      %dma_start3A_527 = tpu.memref_slice %arg7[%add3A_505, %dma_start3A_526] : memref<80x128xi32, #tpu.memory_space<vmem>> -> memref<1x128xi32, #tpu.memory_space<vmem>>
      %dma_start3A_528 = tpu.memref_squeeze %dma_start3A_527 : memref<1x128xi32, #tpu.memory_space<vmem>> -> memref<128xi32, #tpu.memory_space<vmem>>
      %dma_start3A_529 = arith.constant 0 : i32
      %dma_start3A_530 = arith.constant 0 : i32
      %dma_start3A_531 = tpu.memref_slice %arg11[%dma_start3A_529, %dma_start3A_530] : memref<10240x64xf32, #tpu.memory_space<vmem_shared>> -> memref<10240x64xf32, #tpu.memory_space<vmem_shared>>
      %dma_start3A_532 = tpu.memref_slice %arg10[%dma_start3A_521] : memref<8x!tpu.dma_semaphore, #tpu.memory_space<semaphore_mem>> -> memref<1x!tpu.dma_semaphore, #tpu.memory_space<semaphore_mem>>
      %dma_start3A_533 = tpu.memref_squeeze %dma_start3A_532 : memref<1x!tpu.dma_semaphore, #tpu.memory_space<semaphore_mem>> -> memref<!tpu.dma_semaphore, #tpu.memory_space<semaphore_mem>>
      tpu.enqueue_indirect_dma source(%dma_start3A_525 : memref<128x64xf32, #tpu.memory_space<vmem>>) target(%dma_start3A_531 : memref<10240x64xf32, #tpu.memory_space<vmem_shared>>) offsets(%dma_start3A_528 : memref<128xi32, #tpu.memory_space<vmem>>) semaphore(%dma_start3A_533 : memref<!tpu.dma_semaphore, #tpu.memory_space<semaphore_mem>>) {add = true}
      %add3A_534 = arith.constant 4 : i32
      %add3A_535 = arith.addi %add3A_505, %add3A_534 : i32
      %lt3A_536 = arith.constant 80 : i32
      %lt3A_537 = arith.cmpi slt, %add3A_535, %lt3A_536 : i32
      %convert_element_type3A_538 = arith.extui %lt3A_537 : i1 to i32
      %cond3A_539 = arith.constant 0 : i32
      %cond3A_540 = arith.cmpi ne, %convert_element_type3A_538, %cond3A_539 : i32
      scf.if %cond3A_540 {
        %ge3A = arith.constant 8 : i32
        %ge3A_580 = arith.cmpi sge, %add3A_535, %ge3A : i32
        %convert_element_type3A_581 = arith.extui %ge3A_580 : i1 to i32
        %cond3A_582 = arith.constant 0 : i32
        %cond3A_583 = arith.cmpi ne, %convert_element_type3A_581, %cond3A_582 : i32
        scf.if %cond3A_583 {
          %dma_wait3A_598 = arith.constant 2 : i32
          %dma_wait3A_599 = arith.constant 2 : i32
          %dma_wait3A_600 = arith.constant 0 : i32
          %dma_wait3A_601 = arith.constant 0 : i32
          %dma_wait3A_602 = tpu.memref_slice %arg8[%dma_wait3A_598, %dma_wait3A_600, %dma_wait3A_601] : memref<8x128x64xf32, #tpu.memory_space<vmem>> -> memref<1x128x64xf32, #tpu.memory_space<vmem>>
          %dma_wait3A_603 = tpu.memref_squeeze %dma_wait3A_602 : memref<1x128x64xf32, #tpu.memory_space<vmem>> -> memref<128x64xf32, #tpu.memory_space<vmem>>
          %dma_wait3A_604 = arith.constant 0 : i32
          %dma_wait3A_605 = arith.constant 0 : i32
          %dma_wait3A_606 = tpu.memref_slice %arg4[%dma_wait3A_604, %dma_wait3A_605] : memref<10000x64xf32, #tpu.memory_space<hbm>> -> memref<128x64xf32, #tpu.memory_space<hbm>>
          %dma_wait3A_607 = tpu.memref_slice %arg10[%dma_wait3A_599] : memref<8x!tpu.dma_semaphore, #tpu.memory_space<semaphore_mem>> -> memref<1x!tpu.dma_semaphore, #tpu.memory_space<semaphore_mem>>
          %dma_wait3A_608 = tpu.memref_squeeze %dma_wait3A_607 : memref<1x!tpu.dma_semaphore, #tpu.memory_space<semaphore_mem>> -> memref<!tpu.dma_semaphore, #tpu.memory_space<semaphore_mem>>
          %dma_wait3A_609 = arith.constant 0 : i32
          %dma_wait3A_610 = arith.constant 0 : i32
          %dma_wait3A_611 = tpu.memref_slice %arg8[%dma_wait3A_598, %dma_wait3A_609, %dma_wait3A_610] : memref<8x128x64xf32, #tpu.memory_space<vmem>> -> memref<1x128x64xf32, #tpu.memory_space<vmem>>
          %dma_wait3A_612 = tpu.memref_squeeze %dma_wait3A_611 : memref<1x128x64xf32, #tpu.memory_space<vmem>> -> memref<128x64xf32, #tpu.memory_space<vmem>>
          %dma_wait3A_613 = arith.constant 0 : i32
          %dma_wait3A_614 = arith.constant 0 : i32
          %dma_wait3A_615 = tpu.memref_slice %arg4[%dma_wait3A_613, %dma_wait3A_614] : memref<10000x64xf32, #tpu.memory_space<hbm>> -> memref<128x64xf32, #tpu.memory_space<hbm>>
          tpu.wait_dma2 semaphore(%dma_wait3A_608 : memref<!tpu.dma_semaphore, #tpu.memory_space<semaphore_mem>>) src(%dma_wait3A_615 : memref<128x64xf32, #tpu.memory_space<hbm>>) dst(%dma_wait3A_612 : memref<128x64xf32, #tpu.memory_space<vmem>>)
        } else {
        }
        %dma_start3A_584 = arith.constant 2 : i32
        %dma_start3A_585 = arith.constant 2 : i32
        %dma_start3A_586 = arith.constant 0 : i32
        %dma_start3A_587 = arith.constant 0 : i32
        %dma_start3A_588 = tpu.memref_slice %arg8[%dma_start3A_584, %dma_start3A_586, %dma_start3A_587] : memref<8x128x64xf32, #tpu.memory_space<vmem>> -> memref<1x128x64xf32, #tpu.memory_space<vmem>>
        %dma_start3A_589 = tpu.memref_squeeze %dma_start3A_588 : memref<1x128x64xf32, #tpu.memory_space<vmem>> -> memref<128x64xf32, #tpu.memory_space<vmem>>
        %dma_start3A_590 = arith.constant 0 : i32
        %dma_start3A_591 = tpu.memref_slice %arg6[%add3A_535, %dma_start3A_590] : memref<80x128xi32, #tpu.memory_space<vmem>> -> memref<1x128xi32, #tpu.memory_space<vmem>>
        %dma_start3A_592 = tpu.memref_squeeze %dma_start3A_591 : memref<1x128xi32, #tpu.memory_space<vmem>> -> memref<128xi32, #tpu.memory_space<vmem>>
        %dma_start3A_593 = arith.constant 0 : i32
        %dma_start3A_594 = arith.constant 0 : i32
        %dma_start3A_595 = tpu.memref_slice %arg4[%dma_start3A_593, %dma_start3A_594] : memref<10000x64xf32, #tpu.memory_space<hbm>> -> memref<10000x64xf32, #tpu.memory_space<hbm>>
        %dma_start3A_596 = tpu.memref_slice %arg9[%dma_start3A_585] : memref<8x!tpu.dma_semaphore, #tpu.memory_space<semaphore_mem>> -> memref<1x!tpu.dma_semaphore, #tpu.memory_space<semaphore_mem>>
        %dma_start3A_597 = tpu.memref_squeeze %dma_start3A_596 : memref<1x!tpu.dma_semaphore, #tpu.memory_space<semaphore_mem>> -> memref<!tpu.dma_semaphore, #tpu.memory_space<semaphore_mem>>
        tpu.enqueue_indirect_dma source(%dma_start3A_595 : memref<10000x64xf32, #tpu.memory_space<hbm>>) target(%dma_start3A_589 : memref<128x64xf32, #tpu.memory_space<vmem>>) offsets(%dma_start3A_592 : memref<128xi32, #tpu.memory_space<vmem>>) semaphore(%dma_start3A_597 : memref<!tpu.dma_semaphore, #tpu.memory_space<semaphore_mem>>)
      } else {
      }
      %mul3A_541 = arith.constant 8 : i32
      %mul3A_542 = arith.muli %scan3A_270, %mul3A_541 : i32
      %add3A_543 = arith.constant 7 : i32
      %add3A_544 = arith.addi %mul3A_542, %add3A_543 : i32
      %dma_wait3A_545 = arith.constant 7 : i32
      %dma_wait3A_546 = arith.constant 7 : i32
      %dma_wait3A_547 = arith.constant 0 : i32
      %dma_wait3A_548 = arith.constant 0 : i32
      %dma_wait3A_549 = tpu.memref_slice %arg8[%dma_wait3A_545, %dma_wait3A_547, %dma_wait3A_548] : memref<8x128x64xf32, #tpu.memory_space<vmem>> -> memref<1x128x64xf32, #tpu.memory_space<vmem>>
      %dma_wait3A_550 = tpu.memref_squeeze %dma_wait3A_549 : memref<1x128x64xf32, #tpu.memory_space<vmem>> -> memref<128x64xf32, #tpu.memory_space<vmem>>
      %dma_wait3A_551 = arith.constant 0 : i32
      %dma_wait3A_552 = tpu.memref_slice %arg6[%add3A_544, %dma_wait3A_551] : memref<80x128xi32, #tpu.memory_space<vmem>> -> memref<1x128xi32, #tpu.memory_space<vmem>>
      %dma_wait3A_553 = tpu.memref_squeeze %dma_wait3A_552 : memref<1x128xi32, #tpu.memory_space<vmem>> -> memref<128xi32, #tpu.memory_space<vmem>>
      %dma_wait3A_554 = arith.constant 0 : i32
      %dma_wait3A_555 = arith.constant 0 : i32
      %dma_wait3A_556 = tpu.memref_slice %arg4[%dma_wait3A_554, %dma_wait3A_555] : memref<10000x64xf32, #tpu.memory_space<hbm>> -> memref<10000x64xf32, #tpu.memory_space<hbm>>
      %dma_wait3A_557 = tpu.memref_slice %arg9[%dma_wait3A_546] : memref<8x!tpu.dma_semaphore, #tpu.memory_space<semaphore_mem>> -> memref<1x!tpu.dma_semaphore, #tpu.memory_space<semaphore_mem>>
      %dma_wait3A_558 = tpu.memref_squeeze %dma_wait3A_557 : memref<1x!tpu.dma_semaphore, #tpu.memory_space<semaphore_mem>> -> memref<!tpu.dma_semaphore, #tpu.memory_space<semaphore_mem>>
      tpu.wait_indirect_dma semaphore(%dma_wait3A_558 : memref<!tpu.dma_semaphore, #tpu.memory_space<semaphore_mem>>) src(%dma_wait3A_556 : memref<10000x64xf32, #tpu.memory_space<hbm>>) dst(%dma_wait3A_550 : memref<128x64xf32, #tpu.memory_space<vmem>>)
      %dma_start3A_559 = arith.constant 7 : i32
      %dma_start3A_560 = arith.constant 7 : i32
      %dma_start3A_561 = arith.constant 0 : i32
      %dma_start3A_562 = arith.constant 0 : i32
      %dma_start3A_563 = tpu.memref_slice %arg8[%dma_start3A_559, %dma_start3A_561, %dma_start3A_562] : memref<8x128x64xf32, #tpu.memory_space<vmem>> -> memref<1x128x64xf32, #tpu.memory_space<vmem>>
      %dma_start3A_564 = tpu.memref_squeeze %dma_start3A_563 : memref<1x128x64xf32, #tpu.memory_space<vmem>> -> memref<128x64xf32, #tpu.memory_space<vmem>>
      %dma_start3A_565 = arith.constant 0 : i32
      %dma_start3A_566 = tpu.memref_slice %arg7[%add3A_544, %dma_start3A_565] : memref<80x128xi32, #tpu.memory_space<vmem>> -> memref<1x128xi32, #tpu.memory_space<vmem>>
      %dma_start3A_567 = tpu.memref_squeeze %dma_start3A_566 : memref<1x128xi32, #tpu.memory_space<vmem>> -> memref<128xi32, #tpu.memory_space<vmem>>
      %dma_start3A_568 = arith.constant 0 : i32
      %dma_start3A_569 = arith.constant 0 : i32
      %dma_start3A_570 = tpu.memref_slice %arg11[%dma_start3A_568, %dma_start3A_569] : memref<10240x64xf32, #tpu.memory_space<vmem_shared>> -> memref<10240x64xf32, #tpu.memory_space<vmem_shared>>
      %dma_start3A_571 = tpu.memref_slice %arg10[%dma_start3A_560] : memref<8x!tpu.dma_semaphore, #tpu.memory_space<semaphore_mem>> -> memref<1x!tpu.dma_semaphore, #tpu.memory_space<semaphore_mem>>
      %dma_start3A_572 = tpu.memref_squeeze %dma_start3A_571 : memref<1x!tpu.dma_semaphore, #tpu.memory_space<semaphore_mem>> -> memref<!tpu.dma_semaphore, #tpu.memory_space<semaphore_mem>>
      tpu.enqueue_indirect_dma source(%dma_start3A_564 : memref<128x64xf32, #tpu.memory_space<vmem>>) target(%dma_start3A_570 : memref<10240x64xf32, #tpu.memory_space<vmem_shared>>) offsets(%dma_start3A_567 : memref<128xi32, #tpu.memory_space<vmem>>) semaphore(%dma_start3A_572 : memref<!tpu.dma_semaphore, #tpu.memory_space<semaphore_mem>>) {add = true}
      %add3A_573 = arith.constant 4 : i32
      %add3A_574 = arith.addi %add3A_544, %add3A_573 : i32
      %lt3A_575 = arith.constant 80 : i32
      %lt3A_576 = arith.cmpi slt, %add3A_574, %lt3A_575 : i32
      %convert_element_type3A_577 = arith.extui %lt3A_576 : i1 to i32
      %cond3A_578 = arith.constant 0 : i32
      %cond3A_579 = arith.cmpi ne, %convert_element_type3A_577, %cond3A_578 : i32
      scf.if %cond3A_579 {
        %ge3A = arith.constant 8 : i32
        %ge3A_580 = arith.cmpi sge, %add3A_574, %ge3A : i32
        %convert_element_type3A_581 = arith.extui %ge3A_580 : i1 to i32
        %cond3A_582 = arith.constant 0 : i32
        %cond3A_583 = arith.cmpi ne, %convert_element_type3A_581, %cond3A_582 : i32
        scf.if %cond3A_583 {
          %dma_wait3A_598 = arith.constant 3 : i32
          %dma_wait3A_599 = arith.constant 3 : i32
          %dma_wait3A_600 = arith.constant 0 : i32
          %dma_wait3A_601 = arith.constant 0 : i32
          %dma_wait3A_602 = tpu.memref_slice %arg8[%dma_wait3A_598, %dma_wait3A_600, %dma_wait3A_601] : memref<8x128x64xf32, #tpu.memory_space<vmem>> -> memref<1x128x64xf32, #tpu.memory_space<vmem>>
          %dma_wait3A_603 = tpu.memref_squeeze %dma_wait3A_602 : memref<1x128x64xf32, #tpu.memory_space<vmem>> -> memref<128x64xf32, #tpu.memory_space<vmem>>
          %dma_wait3A_604 = arith.constant 0 : i32
          %dma_wait3A_605 = arith.constant 0 : i32
          %dma_wait3A_606 = tpu.memref_slice %arg4[%dma_wait3A_604, %dma_wait3A_605] : memref<10000x64xf32, #tpu.memory_space<hbm>> -> memref<128x64xf32, #tpu.memory_space<hbm>>
          %dma_wait3A_607 = tpu.memref_slice %arg10[%dma_wait3A_599] : memref<8x!tpu.dma_semaphore, #tpu.memory_space<semaphore_mem>> -> memref<1x!tpu.dma_semaphore, #tpu.memory_space<semaphore_mem>>
          %dma_wait3A_608 = tpu.memref_squeeze %dma_wait3A_607 : memref<1x!tpu.dma_semaphore, #tpu.memory_space<semaphore_mem>> -> memref<!tpu.dma_semaphore, #tpu.memory_space<semaphore_mem>>
          %dma_wait3A_609 = arith.constant 0 : i32
          %dma_wait3A_610 = arith.constant 0 : i32
          %dma_wait3A_611 = tpu.memref_slice %arg8[%dma_wait3A_598, %dma_wait3A_609, %dma_wait3A_610] : memref<8x128x64xf32, #tpu.memory_space<vmem>> -> memref<1x128x64xf32, #tpu.memory_space<vmem>>
          %dma_wait3A_612 = tpu.memref_squeeze %dma_wait3A_611 : memref<1x128x64xf32, #tpu.memory_space<vmem>> -> memref<128x64xf32, #tpu.memory_space<vmem>>
          %dma_wait3A_613 = arith.constant 0 : i32
          %dma_wait3A_614 = arith.constant 0 : i32
          %dma_wait3A_615 = tpu.memref_slice %arg4[%dma_wait3A_613, %dma_wait3A_614] : memref<10000x64xf32, #tpu.memory_space<hbm>> -> memref<128x64xf32, #tpu.memory_space<hbm>>
          tpu.wait_dma2 semaphore(%dma_wait3A_608 : memref<!tpu.dma_semaphore, #tpu.memory_space<semaphore_mem>>) src(%dma_wait3A_615 : memref<128x64xf32, #tpu.memory_space<hbm>>) dst(%dma_wait3A_612 : memref<128x64xf32, #tpu.memory_space<vmem>>)
        } else {
        }
        %dma_start3A_584 = arith.constant 3 : i32
        %dma_start3A_585 = arith.constant 3 : i32
        %dma_start3A_586 = arith.constant 0 : i32
        %dma_start3A_587 = arith.constant 0 : i32
        %dma_start3A_588 = tpu.memref_slice %arg8[%dma_start3A_584, %dma_start3A_586, %dma_start3A_587] : memref<8x128x64xf32, #tpu.memory_space<vmem>> -> memref<1x128x64xf32, #tpu.memory_space<vmem>>
        %dma_start3A_589 = tpu.memref_squeeze %dma_start3A_588 : memref<1x128x64xf32, #tpu.memory_space<vmem>> -> memref<128x64xf32, #tpu.memory_space<vmem>>
        %dma_start3A_590 = arith.constant 0 : i32
        %dma_start3A_591 = tpu.memref_slice %arg6[%add3A_574, %dma_start3A_590] : memref<80x128xi32, #tpu.memory_space<vmem>> -> memref<1x128xi32, #tpu.memory_space<vmem>>
        %dma_start3A_592 = tpu.memref_squeeze %dma_start3A_591 : memref<1x128xi32, #tpu.memory_space<vmem>> -> memref<128xi32, #tpu.memory_space<vmem>>
        %dma_start3A_593 = arith.constant 0 : i32
        %dma_start3A_594 = arith.constant 0 : i32
        %dma_start3A_595 = tpu.memref_slice %arg4[%dma_start3A_593, %dma_start3A_594] : memref<10000x64xf32, #tpu.memory_space<hbm>> -> memref<10000x64xf32, #tpu.memory_space<hbm>>
        %dma_start3A_596 = tpu.memref_slice %arg9[%dma_start3A_585] : memref<8x!tpu.dma_semaphore, #tpu.memory_space<semaphore_mem>> -> memref<1x!tpu.dma_semaphore, #tpu.memory_space<semaphore_mem>>
        %dma_start3A_597 = tpu.memref_squeeze %dma_start3A_596 : memref<1x!tpu.dma_semaphore, #tpu.memory_space<semaphore_mem>> -> memref<!tpu.dma_semaphore, #tpu.memory_space<semaphore_mem>>
        tpu.enqueue_indirect_dma source(%dma_start3A_595 : memref<10000x64xf32, #tpu.memory_space<hbm>>) target(%dma_start3A_589 : memref<128x64xf32, #tpu.memory_space<vmem>>) offsets(%dma_start3A_592 : memref<128xi32, #tpu.memory_space<vmem>>) semaphore(%dma_start3A_597 : memref<!tpu.dma_semaphore, #tpu.memory_space<semaphore_mem>>)
      } else {
      }
    }
    %scan3A_95 = arith.constant 10 : i32
    %dma_wait3A = arith.constant 0 : i32
    %dma_wait3A_96 = arith.constant 0 : i32
    %dma_wait3A_97 = arith.constant 0 : i32
    %dma_wait3A_98 = arith.constant 0 : i32
    %dma_wait3A_99 = tpu.memref_slice %arg8[%dma_wait3A, %dma_wait3A_97, %dma_wait3A_98] : memref<8x128x64xf32, #tpu.memory_space<vmem>> -> memref<1x128x64xf32, #tpu.memory_space<vmem>>
    %dma_wait3A_100 = tpu.memref_squeeze %dma_wait3A_99 : memref<1x128x64xf32, #tpu.memory_space<vmem>> -> memref<128x64xf32, #tpu.memory_space<vmem>>
    %dma_wait3A_101 = arith.constant 0 : i32
    %dma_wait3A_102 = arith.constant 0 : i32
    %dma_wait3A_103 = tpu.memref_slice %arg4[%dma_wait3A_101, %dma_wait3A_102] : memref<10000x64xf32, #tpu.memory_space<hbm>> -> memref<128x64xf32, #tpu.memory_space<hbm>>
    %dma_wait3A_104 = tpu.memref_slice %arg10[%dma_wait3A_96] : memref<8x!tpu.dma_semaphore, #tpu.memory_space<semaphore_mem>> -> memref<1x!tpu.dma_semaphore, #tpu.memory_space<semaphore_mem>>
    %dma_wait3A_105 = tpu.memref_squeeze %dma_wait3A_104 : memref<1x!tpu.dma_semaphore, #tpu.memory_space<semaphore_mem>> -> memref<!tpu.dma_semaphore, #tpu.memory_space<semaphore_mem>>
    %dma_wait3A_106 = arith.constant 0 : i32
    %dma_wait3A_107 = arith.constant 0 : i32
    %dma_wait3A_108 = tpu.memref_slice %arg8[%dma_wait3A, %dma_wait3A_106, %dma_wait3A_107] : memref<8x128x64xf32, #tpu.memory_space<vmem>> -> memref<1x128x64xf32, #tpu.memory_space<vmem>>
    %dma_wait3A_109 = tpu.memref_squeeze %dma_wait3A_108 : memref<1x128x64xf32, #tpu.memory_space<vmem>> -> memref<128x64xf32, #tpu.memory_space<vmem>>
    %dma_wait3A_110 = arith.constant 0 : i32
    %dma_wait3A_111 = arith.constant 0 : i32
    %dma_wait3A_112 = tpu.memref_slice %arg4[%dma_wait3A_110, %dma_wait3A_111] : memref<10000x64xf32, #tpu.memory_space<hbm>> -> memref<128x64xf32, #tpu.memory_space<hbm>>
    tpu.wait_dma2 semaphore(%dma_wait3A_105 : memref<!tpu.dma_semaphore, #tpu.memory_space<semaphore_mem>>) src(%dma_wait3A_112 : memref<128x64xf32, #tpu.memory_space<hbm>>) dst(%dma_wait3A_109 : memref<128x64xf32, #tpu.memory_space<vmem>>)
    %dma_wait3A_113 = arith.constant 1 : i32
    %dma_wait3A_114 = arith.constant 1 : i32
    %dma_wait3A_115 = arith.constant 0 : i32
    %dma_wait3A_116 = arith.constant 0 : i32
    %dma_wait3A_117 = tpu.memref_slice %arg8[%dma_wait3A_113, %dma_wait3A_115, %dma_wait3A_116] : memref<8x128x64xf32, #tpu.memory_space<vmem>> -> memref<1x128x64xf32, #tpu.memory_space<vmem>>
    %dma_wait3A_118 = tpu.memref_squeeze %dma_wait3A_117 : memref<1x128x64xf32, #tpu.memory_space<vmem>> -> memref<128x64xf32, #tpu.memory_space<vmem>>
    %dma_wait3A_119 = arith.constant 0 : i32
    %dma_wait3A_120 = arith.constant 0 : i32
    %dma_wait3A_121 = tpu.memref_slice %arg4[%dma_wait3A_119, %dma_wait3A_120] : memref<10000x64xf32, #tpu.memory_space<hbm>> -> memref<128x64xf32, #tpu.memory_space<hbm>>
    %dma_wait3A_122 = tpu.memref_slice %arg10[%dma_wait3A_114] : memref<8x!tpu.dma_semaphore, #tpu.memory_space<semaphore_mem>> -> memref<1x!tpu.dma_semaphore, #tpu.memory_space<semaphore_mem>>
    %dma_wait3A_123 = tpu.memref_squeeze %dma_wait3A_122 : memref<1x!tpu.dma_semaphore, #tpu.memory_space<semaphore_mem>> -> memref<!tpu.dma_semaphore, #tpu.memory_space<semaphore_mem>>
    %dma_wait3A_124 = arith.constant 0 : i32
    %dma_wait3A_125 = arith.constant 0 : i32
    %dma_wait3A_126 = tpu.memref_slice %arg8[%dma_wait3A_113, %dma_wait3A_124, %dma_wait3A_125] : memref<8x128x64xf32, #tpu.memory_space<vmem>> -> memref<1x128x64xf32, #tpu.memory_space<vmem>>
    %dma_wait3A_127 = tpu.memref_squeeze %dma_wait3A_126 : memref<1x128x64xf32, #tpu.memory_space<vmem>> -> memref<128x64xf32, #tpu.memory_space<vmem>>
    %dma_wait3A_128 = arith.constant 0 : i32
    %dma_wait3A_129 = arith.constant 0 : i32
    %dma_wait3A_130 = tpu.memref_slice %arg4[%dma_wait3A_128, %dma_wait3A_129] : memref<10000x64xf32, #tpu.memory_space<hbm>> -> memref<128x64xf32, #tpu.memory_space<hbm>>
    tpu.wait_dma2 semaphore(%dma_wait3A_123 : memref<!tpu.dma_semaphore, #tpu.memory_space<semaphore_mem>>) src(%dma_wait3A_130 : memref<128x64xf32, #tpu.memory_space<hbm>>) dst(%dma_wait3A_127 : memref<128x64xf32, #tpu.memory_space<vmem>>)
    %dma_wait3A_131 = arith.constant 2 : i32
    %dma_wait3A_132 = arith.constant 2 : i32
    %dma_wait3A_133 = arith.constant 0 : i32
    %dma_wait3A_134 = arith.constant 0 : i32
    %dma_wait3A_135 = tpu.memref_slice %arg8[%dma_wait3A_131, %dma_wait3A_133, %dma_wait3A_134] : memref<8x128x64xf32, #tpu.memory_space<vmem>> -> memref<1x128x64xf32, #tpu.memory_space<vmem>>
    %dma_wait3A_136 = tpu.memref_squeeze %dma_wait3A_135 : memref<1x128x64xf32, #tpu.memory_space<vmem>> -> memref<128x64xf32, #tpu.memory_space<vmem>>
    %dma_wait3A_137 = arith.constant 0 : i32
    %dma_wait3A_138 = arith.constant 0 : i32
    %dma_wait3A_139 = tpu.memref_slice %arg4[%dma_wait3A_137, %dma_wait3A_138] : memref<10000x64xf32, #tpu.memory_space<hbm>> -> memref<128x64xf32, #tpu.memory_space<hbm>>
    %dma_wait3A_140 = tpu.memref_slice %arg10[%dma_wait3A_132] : memref<8x!tpu.dma_semaphore, #tpu.memory_space<semaphore_mem>> -> memref<1x!tpu.dma_semaphore, #tpu.memory_space<semaphore_mem>>
    %dma_wait3A_141 = tpu.memref_squeeze %dma_wait3A_140 : memref<1x!tpu.dma_semaphore, #tpu.memory_space<semaphore_mem>> -> memref<!tpu.dma_semaphore, #tpu.memory_space<semaphore_mem>>
    %dma_wait3A_142 = arith.constant 0 : i32
    %dma_wait3A_143 = arith.constant 0 : i32
    %dma_wait3A_144 = tpu.memref_slice %arg8[%dma_wait3A_131, %dma_wait3A_142, %dma_wait3A_143] : memref<8x128x64xf32, #tpu.memory_space<vmem>> -> memref<1x128x64xf32, #tpu.memory_space<vmem>>
    %dma_wait3A_145 = tpu.memref_squeeze %dma_wait3A_144 : memref<1x128x64xf32, #tpu.memory_space<vmem>> -> memref<128x64xf32, #tpu.memory_space<vmem>>
    %dma_wait3A_146 = arith.constant 0 : i32
    %dma_wait3A_147 = arith.constant 0 : i32
    %dma_wait3A_148 = tpu.memref_slice %arg4[%dma_wait3A_146, %dma_wait3A_147] : memref<10000x64xf32, #tpu.memory_space<hbm>> -> memref<128x64xf32, #tpu.memory_space<hbm>>
    tpu.wait_dma2 semaphore(%dma_wait3A_141 : memref<!tpu.dma_semaphore, #tpu.memory_space<semaphore_mem>>) src(%dma_wait3A_148 : memref<128x64xf32, #tpu.memory_space<hbm>>) dst(%dma_wait3A_145 : memref<128x64xf32, #tpu.memory_space<vmem>>)
    %dma_wait3A_149 = arith.constant 3 : i32
    %dma_wait3A_150 = arith.constant 3 : i32
    %dma_wait3A_151 = arith.constant 0 : i32
    %dma_wait3A_152 = arith.constant 0 : i32
    %dma_wait3A_153 = tpu.memref_slice %arg8[%dma_wait3A_149, %dma_wait3A_151, %dma_wait3A_152] : memref<8x128x64xf32, #tpu.memory_space<vmem>> -> memref<1x128x64xf32, #tpu.memory_space<vmem>>
    %dma_wait3A_154 = tpu.memref_squeeze %dma_wait3A_153 : memref<1x128x64xf32, #tpu.memory_space<vmem>> -> memref<128x64xf32, #tpu.memory_space<vmem>>
    %dma_wait3A_155 = arith.constant 0 : i32
    %dma_wait3A_156 = arith.constant 0 : i32
    %dma_wait3A_157 = tpu.memref_slice %arg4[%dma_wait3A_155, %dma_wait3A_156] : memref<10000x64xf32, #tpu.memory_space<hbm>> -> memref<128x64xf32, #tpu.memory_space<hbm>>
    %dma_wait3A_158 = tpu.memref_slice %arg10[%dma_wait3A_150] : memref<8x!tpu.dma_semaphore, #tpu.memory_space<semaphore_mem>> -> memref<1x!tpu.dma_semaphore, #tpu.memory_space<semaphore_mem>>
    %dma_wait3A_159 = tpu.memref_squeeze %dma_wait3A_158 : memref<1x!tpu.dma_semaphore, #tpu.memory_space<semaphore_mem>> -> memref<!tpu.dma_semaphore, #tpu.memory_space<semaphore_mem>>
    %dma_wait3A_160 = arith.constant 0 : i32
    %dma_wait3A_161 = arith.constant 0 : i32
    %dma_wait3A_162 = tpu.memref_slice %arg8[%dma_wait3A_149, %dma_wait3A_160, %dma_wait3A_161] : memref<8x128x64xf32, #tpu.memory_space<vmem>> -> memref<1x128x64xf32, #tpu.memory_space<vmem>>
    %dma_wait3A_163 = tpu.memref_squeeze %dma_wait3A_162 : memref<1x128x64xf32, #tpu.memory_space<vmem>> -> memref<128x64xf32, #tpu.memory_space<vmem>>
    %dma_wait3A_164 = arith.constant 0 : i32
    %dma_wait3A_165 = arith.constant 0 : i32
    %dma_wait3A_166 = tpu.memref_slice %arg4[%dma_wait3A_164, %dma_wait3A_165] : memref<10000x64xf32, #tpu.memory_space<hbm>> -> memref<128x64xf32, #tpu.memory_space<hbm>>
    tpu.wait_dma2 semaphore(%dma_wait3A_159 : memref<!tpu.dma_semaphore, #tpu.memory_space<semaphore_mem>>) src(%dma_wait3A_166 : memref<128x64xf32, #tpu.memory_space<hbm>>) dst(%dma_wait3A_163 : memref<128x64xf32, #tpu.memory_space<vmem>>)
    %dma_wait3A_167 = arith.constant 4 : i32
    %dma_wait3A_168 = arith.constant 4 : i32
    %dma_wait3A_169 = arith.constant 0 : i32
    %dma_wait3A_170 = arith.constant 0 : i32
    %dma_wait3A_171 = tpu.memref_slice %arg8[%dma_wait3A_167, %dma_wait3A_169, %dma_wait3A_170] : memref<8x128x64xf32, #tpu.memory_space<vmem>> -> memref<1x128x64xf32, #tpu.memory_space<vmem>>
    %dma_wait3A_172 = tpu.memref_squeeze %dma_wait3A_171 : memref<1x128x64xf32, #tpu.memory_space<vmem>> -> memref<128x64xf32, #tpu.memory_space<vmem>>
    %dma_wait3A_173 = arith.constant 0 : i32
    %dma_wait3A_174 = arith.constant 0 : i32
    %dma_wait3A_175 = tpu.memref_slice %arg4[%dma_wait3A_173, %dma_wait3A_174] : memref<10000x64xf32, #tpu.memory_space<hbm>> -> memref<128x64xf32, #tpu.memory_space<hbm>>
    %dma_wait3A_176 = tpu.memref_slice %arg10[%dma_wait3A_168] : memref<8x!tpu.dma_semaphore, #tpu.memory_space<semaphore_mem>> -> memref<1x!tpu.dma_semaphore, #tpu.memory_space<semaphore_mem>>
    %dma_wait3A_177 = tpu.memref_squeeze %dma_wait3A_176 : memref<1x!tpu.dma_semaphore, #tpu.memory_space<semaphore_mem>> -> memref<!tpu.dma_semaphore, #tpu.memory_space<semaphore_mem>>
    %dma_wait3A_178 = arith.constant 0 : i32
    %dma_wait3A_179 = arith.constant 0 : i32
    %dma_wait3A_180 = tpu.memref_slice %arg8[%dma_wait3A_167, %dma_wait3A_178, %dma_wait3A_179] : memref<8x128x64xf32, #tpu.memory_space<vmem>> -> memref<1x128x64xf32, #tpu.memory_space<vmem>>
    %dma_wait3A_181 = tpu.memref_squeeze %dma_wait3A_180 : memref<1x128x64xf32, #tpu.memory_space<vmem>> -> memref<128x64xf32, #tpu.memory_space<vmem>>
    %dma_wait3A_182 = arith.constant 0 : i32
    %dma_wait3A_183 = arith.constant 0 : i32
    %dma_wait3A_184 = tpu.memref_slice %arg4[%dma_wait3A_182, %dma_wait3A_183] : memref<10000x64xf32, #tpu.memory_space<hbm>> -> memref<128x64xf32, #tpu.memory_space<hbm>>
    tpu.wait_dma2 semaphore(%dma_wait3A_177 : memref<!tpu.dma_semaphore, #tpu.memory_space<semaphore_mem>>) src(%dma_wait3A_184 : memref<128x64xf32, #tpu.memory_space<hbm>>) dst(%dma_wait3A_181 : memref<128x64xf32, #tpu.memory_space<vmem>>)
    %dma_wait3A_185 = arith.constant 5 : i32
    %dma_wait3A_186 = arith.constant 5 : i32
    %dma_wait3A_187 = arith.constant 0 : i32
    %dma_wait3A_188 = arith.constant 0 : i32
    %dma_wait3A_189 = tpu.memref_slice %arg8[%dma_wait3A_185, %dma_wait3A_187, %dma_wait3A_188] : memref<8x128x64xf32, #tpu.memory_space<vmem>> -> memref<1x128x64xf32, #tpu.memory_space<vmem>>
    %dma_wait3A_190 = tpu.memref_squeeze %dma_wait3A_189 : memref<1x128x64xf32, #tpu.memory_space<vmem>> -> memref<128x64xf32, #tpu.memory_space<vmem>>
    %dma_wait3A_191 = arith.constant 0 : i32
    %dma_wait3A_192 = arith.constant 0 : i32
    %dma_wait3A_193 = tpu.memref_slice %arg4[%dma_wait3A_191, %dma_wait3A_192] : memref<10000x64xf32, #tpu.memory_space<hbm>> -> memref<128x64xf32, #tpu.memory_space<hbm>>
    %dma_wait3A_194 = tpu.memref_slice %arg10[%dma_wait3A_186] : memref<8x!tpu.dma_semaphore, #tpu.memory_space<semaphore_mem>> -> memref<1x!tpu.dma_semaphore, #tpu.memory_space<semaphore_mem>>
    %dma_wait3A_195 = tpu.memref_squeeze %dma_wait3A_194 : memref<1x!tpu.dma_semaphore, #tpu.memory_space<semaphore_mem>> -> memref<!tpu.dma_semaphore, #tpu.memory_space<semaphore_mem>>
    %dma_wait3A_196 = arith.constant 0 : i32
    %dma_wait3A_197 = arith.constant 0 : i32
    %dma_wait3A_198 = tpu.memref_slice %arg8[%dma_wait3A_185, %dma_wait3A_196, %dma_wait3A_197] : memref<8x128x64xf32, #tpu.memory_space<vmem>> -> memref<1x128x64xf32, #tpu.memory_space<vmem>>
    %dma_wait3A_199 = tpu.memref_squeeze %dma_wait3A_198 : memref<1x128x64xf32, #tpu.memory_space<vmem>> -> memref<128x64xf32, #tpu.memory_space<vmem>>
    %dma_wait3A_200 = arith.constant 0 : i32
    %dma_wait3A_201 = arith.constant 0 : i32
    %dma_wait3A_202 = tpu.memref_slice %arg4[%dma_wait3A_200, %dma_wait3A_201] : memref<10000x64xf32, #tpu.memory_space<hbm>> -> memref<128x64xf32, #tpu.memory_space<hbm>>
    tpu.wait_dma2 semaphore(%dma_wait3A_195 : memref<!tpu.dma_semaphore, #tpu.memory_space<semaphore_mem>>) src(%dma_wait3A_202 : memref<128x64xf32, #tpu.memory_space<hbm>>) dst(%dma_wait3A_199 : memref<128x64xf32, #tpu.memory_space<vmem>>)
    %dma_wait3A_203 = arith.constant 6 : i32
    %dma_wait3A_204 = arith.constant 6 : i32
    %dma_wait3A_205 = arith.constant 0 : i32
    %dma_wait3A_206 = arith.constant 0 : i32
    %dma_wait3A_207 = tpu.memref_slice %arg8[%dma_wait3A_203, %dma_wait3A_205, %dma_wait3A_206] : memref<8x128x64xf32, #tpu.memory_space<vmem>> -> memref<1x128x64xf32, #tpu.memory_space<vmem>>
    %dma_wait3A_208 = tpu.memref_squeeze %dma_wait3A_207 : memref<1x128x64xf32, #tpu.memory_space<vmem>> -> memref<128x64xf32, #tpu.memory_space<vmem>>
    %dma_wait3A_209 = arith.constant 0 : i32
    %dma_wait3A_210 = arith.constant 0 : i32
    %dma_wait3A_211 = tpu.memref_slice %arg4[%dma_wait3A_209, %dma_wait3A_210] : memref<10000x64xf32, #tpu.memory_space<hbm>> -> memref<128x64xf32, #tpu.memory_space<hbm>>
    %dma_wait3A_212 = tpu.memref_slice %arg10[%dma_wait3A_204] : memref<8x!tpu.dma_semaphore, #tpu.memory_space<semaphore_mem>> -> memref<1x!tpu.dma_semaphore, #tpu.memory_space<semaphore_mem>>
    %dma_wait3A_213 = tpu.memref_squeeze %dma_wait3A_212 : memref<1x!tpu.dma_semaphore, #tpu.memory_space<semaphore_mem>> -> memref<!tpu.dma_semaphore, #tpu.memory_space<semaphore_mem>>
    %dma_wait3A_214 = arith.constant 0 : i32
    %dma_wait3A_215 = arith.constant 0 : i32
    %dma_wait3A_216 = tpu.memref_slice %arg8[%dma_wait3A_203, %dma_wait3A_214, %dma_wait3A_215] : memref<8x128x64xf32, #tpu.memory_space<vmem>> -> memref<1x128x64xf32, #tpu.memory_space<vmem>>
    %dma_wait3A_217 = tpu.memref_squeeze %dma_wait3A_216 : memref<1x128x64xf32, #tpu.memory_space<vmem>> -> memref<128x64xf32, #tpu.memory_space<vmem>>
    %dma_wait3A_218 = arith.constant 0 : i32
    %dma_wait3A_219 = arith.constant 0 : i32
    %dma_wait3A_220 = tpu.memref_slice %arg4[%dma_wait3A_218, %dma_wait3A_219] : memref<10000x64xf32, #tpu.memory_space<hbm>> -> memref<128x64xf32, #tpu.memory_space<hbm>>
    tpu.wait_dma2 semaphore(%dma_wait3A_213 : memref<!tpu.dma_semaphore, #tpu.memory_space<semaphore_mem>>) src(%dma_wait3A_220 : memref<128x64xf32, #tpu.memory_space<hbm>>) dst(%dma_wait3A_217 : memref<128x64xf32, #tpu.memory_space<vmem>>)
    %dma_wait3A_221 = arith.constant 7 : i32
    %dma_wait3A_222 = arith.constant 7 : i32
    %dma_wait3A_223 = arith.constant 0 : i32
    %dma_wait3A_224 = arith.constant 0 : i32
    %dma_wait3A_225 = tpu.memref_slice %arg8[%dma_wait3A_221, %dma_wait3A_223, %dma_wait3A_224] : memref<8x128x64xf32, #tpu.memory_space<vmem>> -> memref<1x128x64xf32, #tpu.memory_space<vmem>>
    %dma_wait3A_226 = tpu.memref_squeeze %dma_wait3A_225 : memref<1x128x64xf32, #tpu.memory_space<vmem>> -> memref<128x64xf32, #tpu.memory_space<vmem>>
    %dma_wait3A_227 = arith.constant 0 : i32
    %dma_wait3A_228 = arith.constant 0 : i32
    %dma_wait3A_229 = tpu.memref_slice %arg4[%dma_wait3A_227, %dma_wait3A_228] : memref<10000x64xf32, #tpu.memory_space<hbm>> -> memref<128x64xf32, #tpu.memory_space<hbm>>
    %dma_wait3A_230 = tpu.memref_slice %arg10[%dma_wait3A_222] : memref<8x!tpu.dma_semaphore, #tpu.memory_space<semaphore_mem>> -> memref<1x!tpu.dma_semaphore, #tpu.memory_space<semaphore_mem>>
    %dma_wait3A_231 = tpu.memref_squeeze %dma_wait3A_230 : memref<1x!tpu.dma_semaphore, #tpu.memory_space<semaphore_mem>> -> memref<!tpu.dma_semaphore, #tpu.memory_space<semaphore_mem>>
    %dma_wait3A_232 = arith.constant 0 : i32
    %dma_wait3A_233 = arith.constant 0 : i32
    %dma_wait3A_234 = tpu.memref_slice %arg8[%dma_wait3A_221, %dma_wait3A_232, %dma_wait3A_233] : memref<8x128x64xf32, #tpu.memory_space<vmem>> -> memref<1x128x64xf32, #tpu.memory_space<vmem>>
    %dma_wait3A_235 = tpu.memref_squeeze %dma_wait3A_234 : memref<1x128x64xf32, #tpu.memory_space<vmem>> -> memref<128x64xf32, #tpu.memory_space<vmem>>
    %dma_wait3A_236 = arith.constant 0 : i32
    %dma_wait3A_237 = arith.constant 0 : i32
    %dma_wait3A_238 = tpu.memref_slice %arg4[%dma_wait3A_236, %dma_wait3A_237] : memref<10000x64xf32, #tpu.memory_space<hbm>> -> memref<128x64xf32, #tpu.memory_space<hbm>>
    tpu.wait_dma2 semaphore(%dma_wait3A_231 : memref<!tpu.dma_semaphore, #tpu.memory_space<semaphore_mem>>) src(%dma_wait3A_238 : memref<128x64xf32, #tpu.memory_space<hbm>>) dst(%dma_wait3A_235 : memref<128x64xf32, #tpu.memory_space<vmem>>)
    %barrier3A_239 = arith.constant 0 : index
    tpu.barrier barrier_id(%barrier3A_239)
    %add3A_240 = arith.constant 0 : i32
    %add3A_241 = arith.addi %mul3A_2, %add3A_240 : i32
    %run_scoped3A_242 = arith.constant 0 : i32
    "tpu.region"() ({
      %run_scoped3A_270 = tpu.sem_alloc : memref<!tpu.dma_semaphore, #tpu.memory_space<semaphore_mem>>
      %dma_start3A_271 = arith.constant 0 : i32
      %dma_start3A_272 = arith.constant 0 : i32
      %dma_start3A_273 = tpu.memref_slice %arg8[%run_scoped3A_242, %dma_start3A_271, %dma_start3A_272] : memref<8x128x64xf32, #tpu.memory_space<vmem>> -> memref<1x128x64xf32, #tpu.memory_space<vmem>>
      %dma_start3A_274 = tpu.memref_squeeze %dma_start3A_273 : memref<1x128x64xf32, #tpu.memory_space<vmem>> -> memref<128x64xf32, #tpu.memory_space<vmem>>
      %dma_start3A_275 = arith.constant 0 : i32
      %dma_start3A_276 = tpu.memref_slice %arg11[%add3A_241, %dma_start3A_275] : memref<10240x64xf32, #tpu.memory_space<vmem_shared>> -> memref<128x64xf32, #tpu.memory_space<vmem_shared>>
      %dma_start3A_277 = arith.constant 0 : i32
      %dma_start3A_278 = arith.constant 0 : i32
      %dma_start3A_279 = tpu.memref_slice %arg8[%run_scoped3A_242, %dma_start3A_277, %dma_start3A_278] : memref<8x128x64xf32, #tpu.memory_space<vmem>> -> memref<1x128x64xf32, #tpu.memory_space<vmem>>
      %dma_start3A_280 = tpu.memref_squeeze %dma_start3A_279 : memref<1x128x64xf32, #tpu.memory_space<vmem>> -> memref<128x64xf32, #tpu.memory_space<vmem>>
      %dma_start3A_281 = arith.constant 0 : i32
      %dma_start3A_282 = tpu.memref_slice %arg11[%add3A_241, %dma_start3A_281] : memref<10240x64xf32, #tpu.memory_space<vmem_shared>> -> memref<128x64xf32, #tpu.memory_space<vmem_shared>>
      tpu.enqueue_dma source(%dma_start3A_282 : memref<128x64xf32, #tpu.memory_space<vmem_shared>>) target(%dma_start3A_280 : memref<128x64xf32, #tpu.memory_space<vmem>>) target_semaphore(%run_scoped3A_270 : memref<!tpu.dma_semaphore, #tpu.memory_space<semaphore_mem>>)
      %dma_wait3A_283 = arith.constant 0 : i32
      %dma_wait3A_284 = arith.constant 0 : i32
      %dma_wait3A_285 = tpu.memref_slice %arg8[%run_scoped3A_242, %dma_wait3A_283, %dma_wait3A_284] : memref<8x128x64xf32, #tpu.memory_space<vmem>> -> memref<1x128x64xf32, #tpu.memory_space<vmem>>
      %dma_wait3A_286 = tpu.memref_squeeze %dma_wait3A_285 : memref<1x128x64xf32, #tpu.memory_space<vmem>> -> memref<128x64xf32, #tpu.memory_space<vmem>>
      %dma_wait3A_287 = arith.constant 0 : i32
      %dma_wait3A_288 = tpu.memref_slice %arg11[%add3A_241, %dma_wait3A_287] : memref<10240x64xf32, #tpu.memory_space<vmem_shared>> -> memref<128x64xf32, #tpu.memory_space<vmem_shared>>
      %dma_wait3A_289 = arith.constant 0 : i32
      %dma_wait3A_290 = arith.constant 0 : i32
      %dma_wait3A_291 = tpu.memref_slice %arg8[%run_scoped3A_242, %dma_wait3A_289, %dma_wait3A_290] : memref<8x128x64xf32, #tpu.memory_space<vmem>> -> memref<1x128x64xf32, #tpu.memory_space<vmem>>
      %dma_wait3A_292 = tpu.memref_squeeze %dma_wait3A_291 : memref<1x128x64xf32, #tpu.memory_space<vmem>> -> memref<128x64xf32, #tpu.memory_space<vmem>>
      %dma_wait3A_293 = arith.constant 0 : i32
      %dma_wait3A_294 = tpu.memref_slice %arg11[%add3A_241, %dma_wait3A_293] : memref<10240x64xf32, #tpu.memory_space<vmem_shared>> -> memref<128x64xf32, #tpu.memory_space<vmem_shared>>
      tpu.wait_dma2 semaphore(%run_scoped3A_270 : memref<!tpu.dma_semaphore, #tpu.memory_space<semaphore_mem>>) src(%dma_wait3A_294 : memref<128x64xf32, #tpu.memory_space<vmem_shared>>) dst(%dma_wait3A_292 : memref<128x64xf32, #tpu.memory_space<vmem>>)
      tpu.yield
    }) : () -> ()
    %add3A_243 = arith.constant 0 : i32
    %add3A_244 = arith.addi %mul3A_2, %add3A_243 : i32
    %run_scoped3A_245 = arith.constant 0 : i32
    "tpu.region"() ({
      %run_scoped3A_270 = tpu.sem_alloc : memref<!tpu.dma_semaphore, #tpu.memory_space<semaphore_mem>>
      %dma_start3A_271 = arith.constant 0 : i32
      %dma_start3A_272 = arith.constant 0 : i32
      %dma_start3A_273 = tpu.memref_slice %arg8[%run_scoped3A_245, %dma_start3A_271, %dma_start3A_272] : memref<8x128x64xf32, #tpu.memory_space<vmem>> -> memref<1x128x64xf32, #tpu.memory_space<vmem>>
      %dma_start3A_274 = tpu.memref_squeeze %dma_start3A_273 : memref<1x128x64xf32, #tpu.memory_space<vmem>> -> memref<128x64xf32, #tpu.memory_space<vmem>>
      %dma_start3A_275 = arith.constant 0 : i32
      %dma_start3A_276 = tpu.memref_slice %arg5[%arg0, %add3A_244, %dma_start3A_275] : memref<2x10000x64xf32, #tpu.memory_space<hbm>> -> memref<1x128x64xf32, #tpu.memory_space<hbm>>
      %dma_start3A_277 = tpu.memref_squeeze %dma_start3A_276 : memref<1x128x64xf32, #tpu.memory_space<hbm>> -> memref<128x64xf32, #tpu.memory_space<hbm>>
      %dma_start3A_278 = arith.constant 0 : i32
      %dma_start3A_279 = tpu.memref_slice %arg5[%arg0, %add3A_244, %dma_start3A_278] : memref<2x10000x64xf32, #tpu.memory_space<hbm>> -> memref<1x128x64xf32, #tpu.memory_space<hbm>>
      %dma_start3A_280 = tpu.memref_squeeze %dma_start3A_279 : memref<1x128x64xf32, #tpu.memory_space<hbm>> -> memref<128x64xf32, #tpu.memory_space<hbm>>
      %dma_start3A_281 = arith.constant 0 : i32
      %dma_start3A_282 = arith.constant 0 : i32
      %dma_start3A_283 = tpu.memref_slice %arg8[%run_scoped3A_245, %dma_start3A_281, %dma_start3A_282] : memref<8x128x64xf32, #tpu.memory_space<vmem>> -> memref<1x128x64xf32, #tpu.memory_space<vmem>>
      %dma_start3A_284 = tpu.memref_squeeze %dma_start3A_283 : memref<1x128x64xf32, #tpu.memory_space<vmem>> -> memref<128x64xf32, #tpu.memory_space<vmem>>
      tpu.enqueue_dma source(%dma_start3A_284 : memref<128x64xf32, #tpu.memory_space<vmem>>) target(%dma_start3A_280 : memref<128x64xf32, #tpu.memory_space<hbm>>) target_semaphore(%run_scoped3A_270 : memref<!tpu.dma_semaphore, #tpu.memory_space<semaphore_mem>>)
      %dma_wait3A_285 = arith.constant 0 : i32
      %dma_wait3A_286 = arith.constant 0 : i32
      %dma_wait3A_287 = tpu.memref_slice %arg8[%run_scoped3A_245, %dma_wait3A_285, %dma_wait3A_286] : memref<8x128x64xf32, #tpu.memory_space<vmem>> -> memref<1x128x64xf32, #tpu.memory_space<vmem>>
      %dma_wait3A_288 = tpu.memref_squeeze %dma_wait3A_287 : memref<1x128x64xf32, #tpu.memory_space<vmem>> -> memref<128x64xf32, #tpu.memory_space<vmem>>
      %dma_wait3A_289 = arith.constant 0 : i32
      %dma_wait3A_290 = tpu.memref_slice %arg5[%arg0, %add3A_244, %dma_wait3A_289] : memref<2x10000x64xf32, #tpu.memory_space<hbm>> -> memref<1x128x64xf32, #tpu.memory_space<hbm>>
      %dma_wait3A_291 = tpu.memref_squeeze %dma_wait3A_290 : memref<1x128x64xf32, #tpu.memory_space<hbm>> -> memref<128x64xf32, #tpu.memory_space<hbm>>
      %dma_wait3A_292 = arith.constant 0 : i32
      %dma_wait3A_293 = tpu.memref_slice %arg5[%arg0, %add3A_244, %dma_wait3A_292] : memref<2x10000x64xf32, #tpu.memory_space<hbm>> -> memref<1x128x64xf32, #tpu.memory_space<hbm>>
      %dma_wait3A_294 = tpu.memref_squeeze %dma_wait3A_293 : memref<1x128x64xf32, #tpu.memory_space<hbm>> -> memref<128x64xf32, #tpu.memory_space<hbm>>
      %dma_wait3A_295 = arith.constant 0 : i32
      %dma_wait3A_296 = arith.constant 0 : i32
      %dma_wait3A_297 = tpu.memref_slice %arg8[%run_scoped3A_245, %dma_wait3A_295, %dma_wait3A_296] : memref<8x128x64xf32, #tpu.memory_space<vmem>> -> memref<1x128x64xf32, #tpu.memory_space<vmem>>
      %dma_wait3A_298 = tpu.memref_squeeze %dma_wait3A_297 : memref<1x128x64xf32, #tpu.memory_space<vmem>> -> memref<128x64xf32, #tpu.memory_space<vmem>>
      tpu.wait_dma2 semaphore(%run_scoped3A_270 : memref<!tpu.dma_semaphore, #tpu.memory_space<semaphore_mem>>) src(%dma_wait3A_298 : memref<128x64xf32, #tpu.memory_space<vmem>>) dst(%dma_wait3A_294 : memref<128x64xf32, #tpu.memory_space<hbm>>)
      tpu.yield
    }) : () -> ()
    %add3A_246 = arith.constant 128 : i32
    %add3A_247 = arith.addi %mul3A_2, %add3A_246 : i32
    %run_scoped3A_248 = arith.constant 0 : i32
    "tpu.region"() ({
      %run_scoped3A_270 = tpu.sem_alloc : memref<!tpu.dma_semaphore, #tpu.memory_space<semaphore_mem>>
      %dma_start3A_271 = arith.constant 0 : i32
      %dma_start3A_272 = arith.constant 0 : i32
      %dma_start3A_273 = tpu.memref_slice %arg8[%run_scoped3A_248, %dma_start3A_271, %dma_start3A_272] : memref<8x128x64xf32, #tpu.memory_space<vmem>> -> memref<1x128x64xf32, #tpu.memory_space<vmem>>
      %dma_start3A_274 = tpu.memref_squeeze %dma_start3A_273 : memref<1x128x64xf32, #tpu.memory_space<vmem>> -> memref<128x64xf32, #tpu.memory_space<vmem>>
      %dma_start3A_275 = arith.constant 0 : i32
      %dma_start3A_276 = tpu.memref_slice %arg11[%add3A_247, %dma_start3A_275] : memref<10240x64xf32, #tpu.memory_space<vmem_shared>> -> memref<128x64xf32, #tpu.memory_space<vmem_shared>>
      %dma_start3A_277 = arith.constant 0 : i32
      %dma_start3A_278 = arith.constant 0 : i32
      %dma_start3A_279 = tpu.memref_slice %arg8[%run_scoped3A_248, %dma_start3A_277, %dma_start3A_278] : memref<8x128x64xf32, #tpu.memory_space<vmem>> -> memref<1x128x64xf32, #tpu.memory_space<vmem>>
      %dma_start3A_280 = tpu.memref_squeeze %dma_start3A_279 : memref<1x128x64xf32, #tpu.memory_space<vmem>> -> memref<128x64xf32, #tpu.memory_space<vmem>>
      %dma_start3A_281 = arith.constant 0 : i32
      %dma_start3A_282 = tpu.memref_slice %arg11[%add3A_247, %dma_start3A_281] : memref<10240x64xf32, #tpu.memory_space<vmem_shared>> -> memref<128x64xf32, #tpu.memory_space<vmem_shared>>
      tpu.enqueue_dma source(%dma_start3A_282 : memref<128x64xf32, #tpu.memory_space<vmem_shared>>) target(%dma_start3A_280 : memref<128x64xf32, #tpu.memory_space<vmem>>) target_semaphore(%run_scoped3A_270 : memref<!tpu.dma_semaphore, #tpu.memory_space<semaphore_mem>>)
      %dma_wait3A_283 = arith.constant 0 : i32
      %dma_wait3A_284 = arith.constant 0 : i32
      %dma_wait3A_285 = tpu.memref_slice %arg8[%run_scoped3A_248, %dma_wait3A_283, %dma_wait3A_284] : memref<8x128x64xf32, #tpu.memory_space<vmem>> -> memref<1x128x64xf32, #tpu.memory_space<vmem>>
      %dma_wait3A_286 = tpu.memref_squeeze %dma_wait3A_285 : memref<1x128x64xf32, #tpu.memory_space<vmem>> -> memref<128x64xf32, #tpu.memory_space<vmem>>
      %dma_wait3A_287 = arith.constant 0 : i32
      %dma_wait3A_288 = tpu.memref_slice %arg11[%add3A_247, %dma_wait3A_287] : memref<10240x64xf32, #tpu.memory_space<vmem_shared>> -> memref<128x64xf32, #tpu.memory_space<vmem_shared>>
      %dma_wait3A_289 = arith.constant 0 : i32
      %dma_wait3A_290 = arith.constant 0 : i32
      %dma_wait3A_291 = tpu.memref_slice %arg8[%run_scoped3A_248, %dma_wait3A_289, %dma_wait3A_290] : memref<8x128x64xf32, #tpu.memory_space<vmem>> -> memref<1x128x64xf32, #tpu.memory_space<vmem>>
      %dma_wait3A_292 = tpu.memref_squeeze %dma_wait3A_291 : memref<1x128x64xf32, #tpu.memory_space<vmem>> -> memref<128x64xf32, #tpu.memory_space<vmem>>
      %dma_wait3A_293 = arith.constant 0 : i32
      %dma_wait3A_294 = tpu.memref_slice %arg11[%add3A_247, %dma_wait3A_293] : memref<10240x64xf32, #tpu.memory_space<vmem_shared>> -> memref<128x64xf32, #tpu.memory_space<vmem_shared>>
      tpu.wait_dma2 semaphore(%run_scoped3A_270 : memref<!tpu.dma_semaphore, #tpu.memory_space<semaphore_mem>>) src(%dma_wait3A_294 : memref<128x64xf32, #tpu.memory_space<vmem_shared>>) dst(%dma_wait3A_292 : memref<128x64xf32, #tpu.memory_space<vmem>>)
      tpu.yield
    }) : () -> ()
    %add3A_249 = arith.constant 128 : i32
    %add3A_250 = arith.addi %mul3A_2, %add3A_249 : i32
    %run_scoped3A_251 = arith.constant 0 : i32
    "tpu.region"() ({
      %run_scoped3A_270 = tpu.sem_alloc : memref<!tpu.dma_semaphore, #tpu.memory_space<semaphore_mem>>
      %dma_start3A_271 = arith.constant 0 : i32
      %dma_start3A_272 = arith.constant 0 : i32
      %dma_start3A_273 = tpu.memref_slice %arg8[%run_scoped3A_251, %dma_start3A_271, %dma_start3A_272] : memref<8x128x64xf32, #tpu.memory_space<vmem>> -> memref<1x128x64xf32, #tpu.memory_space<vmem>>
      %dma_start3A_274 = tpu.memref_squeeze %dma_start3A_273 : memref<1x128x64xf32, #tpu.memory_space<vmem>> -> memref<128x64xf32, #tpu.memory_space<vmem>>
      %dma_start3A_275 = arith.constant 0 : i32
      %dma_start3A_276 = tpu.memref_slice %arg5[%arg0, %add3A_250, %dma_start3A_275] : memref<2x10000x64xf32, #tpu.memory_space<hbm>> -> memref<1x128x64xf32, #tpu.memory_space<hbm>>
      %dma_start3A_277 = tpu.memref_squeeze %dma_start3A_276 : memref<1x128x64xf32, #tpu.memory_space<hbm>> -> memref<128x64xf32, #tpu.memory_space<hbm>>
      %dma_start3A_278 = arith.constant 0 : i32
      %dma_start3A_279 = tpu.memref_slice %arg5[%arg0, %add3A_250, %dma_start3A_278] : memref<2x10000x64xf32, #tpu.memory_space<hbm>> -> memref<1x128x64xf32, #tpu.memory_space<hbm>>
      %dma_start3A_280 = tpu.memref_squeeze %dma_start3A_279 : memref<1x128x64xf32, #tpu.memory_space<hbm>> -> memref<128x64xf32, #tpu.memory_space<hbm>>
      %dma_start3A_281 = arith.constant 0 : i32
      %dma_start3A_282 = arith.constant 0 : i32
      %dma_start3A_283 = tpu.memref_slice %arg8[%run_scoped3A_251, %dma_start3A_281, %dma_start3A_282] : memref<8x128x64xf32, #tpu.memory_space<vmem>> -> memref<1x128x64xf32, #tpu.memory_space<vmem>>
      %dma_start3A_284 = tpu.memref_squeeze %dma_start3A_283 : memref<1x128x64xf32, #tpu.memory_space<vmem>> -> memref<128x64xf32, #tpu.memory_space<vmem>>
      tpu.enqueue_dma source(%dma_start3A_284 : memref<128x64xf32, #tpu.memory_space<vmem>>) target(%dma_start3A_280 : memref<128x64xf32, #tpu.memory_space<hbm>>) target_semaphore(%run_scoped3A_270 : memref<!tpu.dma_semaphore, #tpu.memory_space<semaphore_mem>>)
      %dma_wait3A_285 = arith.constant 0 : i32
      %dma_wait3A_286 = arith.constant 0 : i32
      %dma_wait3A_287 = tpu.memref_slice %arg8[%run_scoped3A_251, %dma_wait3A_285, %dma_wait3A_286] : memref<8x128x64xf32, #tpu.memory_space<vmem>> -> memref<1x128x64xf32, #tpu.memory_space<vmem>>
      %dma_wait3A_288 = tpu.memref_squeeze %dma_wait3A_287 : memref<1x128x64xf32, #tpu.memory_space<vmem>> -> memref<128x64xf32, #tpu.memory_space<vmem>>
      %dma_wait3A_289 = arith.constant 0 : i32
      %dma_wait3A_290 = tpu.memref_slice %arg5[%arg0, %add3A_250, %dma_wait3A_289] : memref<2x10000x64xf32, #tpu.memory_space<hbm>> -> memref<1x128x64xf32, #tpu.memory_space<hbm>>
      %dma_wait3A_291 = tpu.memref_squeeze %dma_wait3A_290 : memref<1x128x64xf32, #tpu.memory_space<hbm>> -> memref<128x64xf32, #tpu.memory_space<hbm>>
      %dma_wait3A_292 = arith.constant 0 : i32
      %dma_wait3A_293 = tpu.memref_slice %arg5[%arg0, %add3A_250, %dma_wait3A_292] : memref<2x10000x64xf32, #tpu.memory_space<hbm>> -> memref<1x128x64xf32, #tpu.memory_space<hbm>>
      %dma_wait3A_294 = tpu.memref_squeeze %dma_wait3A_293 : memref<1x128x64xf32, #tpu.memory_space<hbm>> -> memref<128x64xf32, #tpu.memory_space<hbm>>
      %dma_wait3A_295 = arith.constant 0 : i32
      %dma_wait3A_296 = arith.constant 0 : i32
      %dma_wait3A_297 = tpu.memref_slice %arg8[%run_scoped3A_251, %dma_wait3A_295, %dma_wait3A_296] : memref<8x128x64xf32, #tpu.memory_space<vmem>> -> memref<1x128x64xf32, #tpu.memory_space<vmem>>
      %dma_wait3A_298 = tpu.memref_squeeze %dma_wait3A_297 : memref<1x128x64xf32, #tpu.memory_space<vmem>> -> memref<128x64xf32, #tpu.memory_space<vmem>>
      tpu.wait_dma2 semaphore(%run_scoped3A_270 : memref<!tpu.dma_semaphore, #tpu.memory_space<semaphore_mem>>) src(%dma_wait3A_298 : memref<128x64xf32, #tpu.memory_space<vmem>>) dst(%dma_wait3A_294 : memref<128x64xf32, #tpu.memory_space<hbm>>)
      tpu.yield
    }) : () -> ()
    %add3A_252 = arith.constant 256 : i32
    %add3A_253 = arith.addi %mul3A_2, %add3A_252 : i32
    %run_scoped3A_254 = arith.constant 0 : i32
    "tpu.region"() ({
      %run_scoped3A_270 = tpu.sem_alloc : memref<!tpu.dma_semaphore, #tpu.memory_space<semaphore_mem>>
      %dma_start3A_271 = arith.constant 0 : i32
      %dma_start3A_272 = arith.constant 0 : i32
      %dma_start3A_273 = tpu.memref_slice %arg8[%run_scoped3A_254, %dma_start3A_271, %dma_start3A_272] : memref<8x128x64xf32, #tpu.memory_space<vmem>> -> memref<1x128x64xf32, #tpu.memory_space<vmem>>
      %dma_start3A_274 = tpu.memref_squeeze %dma_start3A_273 : memref<1x128x64xf32, #tpu.memory_space<vmem>> -> memref<128x64xf32, #tpu.memory_space<vmem>>
      %dma_start3A_275 = arith.constant 0 : i32
      %dma_start3A_276 = tpu.memref_slice %arg11[%add3A_253, %dma_start3A_275] : memref<10240x64xf32, #tpu.memory_space<vmem_shared>> -> memref<128x64xf32, #tpu.memory_space<vmem_shared>>
      %dma_start3A_277 = arith.constant 0 : i32
      %dma_start3A_278 = arith.constant 0 : i32
      %dma_start3A_279 = tpu.memref_slice %arg8[%run_scoped3A_254, %dma_start3A_277, %dma_start3A_278] : memref<8x128x64xf32, #tpu.memory_space<vmem>> -> memref<1x128x64xf32, #tpu.memory_space<vmem>>
      %dma_start3A_280 = tpu.memref_squeeze %dma_start3A_279 : memref<1x128x64xf32, #tpu.memory_space<vmem>> -> memref<128x64xf32, #tpu.memory_space<vmem>>
      %dma_start3A_281 = arith.constant 0 : i32
      %dma_start3A_282 = tpu.memref_slice %arg11[%add3A_253, %dma_start3A_281] : memref<10240x64xf32, #tpu.memory_space<vmem_shared>> -> memref<128x64xf32, #tpu.memory_space<vmem_shared>>
      tpu.enqueue_dma source(%dma_start3A_282 : memref<128x64xf32, #tpu.memory_space<vmem_shared>>) target(%dma_start3A_280 : memref<128x64xf32, #tpu.memory_space<vmem>>) target_semaphore(%run_scoped3A_270 : memref<!tpu.dma_semaphore, #tpu.memory_space<semaphore_mem>>)
      %dma_wait3A_283 = arith.constant 0 : i32
      %dma_wait3A_284 = arith.constant 0 : i32
      %dma_wait3A_285 = tpu.memref_slice %arg8[%run_scoped3A_254, %dma_wait3A_283, %dma_wait3A_284] : memref<8x128x64xf32, #tpu.memory_space<vmem>> -> memref<1x128x64xf32, #tpu.memory_space<vmem>>
      %dma_wait3A_286 = tpu.memref_squeeze %dma_wait3A_285 : memref<1x128x64xf32, #tpu.memory_space<vmem>> -> memref<128x64xf32, #tpu.memory_space<vmem>>
      %dma_wait3A_287 = arith.constant 0 : i32
      %dma_wait3A_288 = tpu.memref_slice %arg11[%add3A_253, %dma_wait3A_287] : memref<10240x64xf32, #tpu.memory_space<vmem_shared>> -> memref<128x64xf32, #tpu.memory_space<vmem_shared>>
      %dma_wait3A_289 = arith.constant 0 : i32
      %dma_wait3A_290 = arith.constant 0 : i32
      %dma_wait3A_291 = tpu.memref_slice %arg8[%run_scoped3A_254, %dma_wait3A_289, %dma_wait3A_290] : memref<8x128x64xf32, #tpu.memory_space<vmem>> -> memref<1x128x64xf32, #tpu.memory_space<vmem>>
      %dma_wait3A_292 = tpu.memref_squeeze %dma_wait3A_291 : memref<1x128x64xf32, #tpu.memory_space<vmem>> -> memref<128x64xf32, #tpu.memory_space<vmem>>
      %dma_wait3A_293 = arith.constant 0 : i32
      %dma_wait3A_294 = tpu.memref_slice %arg11[%add3A_253, %dma_wait3A_293] : memref<10240x64xf32, #tpu.memory_space<vmem_shared>> -> memref<128x64xf32, #tpu.memory_space<vmem_shared>>
      tpu.wait_dma2 semaphore(%run_scoped3A_270 : memref<!tpu.dma_semaphore, #tpu.memory_space<semaphore_mem>>) src(%dma_wait3A_294 : memref<128x64xf32, #tpu.memory_space<vmem_shared>>) dst(%dma_wait3A_292 : memref<128x64xf32, #tpu.memory_space<vmem>>)
      tpu.yield
    }) : () -> ()
    %add3A_255 = arith.constant 256 : i32
    %add3A_256 = arith.addi %mul3A_2, %add3A_255 : i32
    %run_scoped3A_257 = arith.constant 0 : i32
    "tpu.region"() ({
      %run_scoped3A_270 = tpu.sem_alloc : memref<!tpu.dma_semaphore, #tpu.memory_space<semaphore_mem>>
      %dma_start3A_271 = arith.constant 0 : i32
      %dma_start3A_272 = arith.constant 0 : i32
      %dma_start3A_273 = tpu.memref_slice %arg8[%run_scoped3A_257, %dma_start3A_271, %dma_start3A_272] : memref<8x128x64xf32, #tpu.memory_space<vmem>> -> memref<1x128x64xf32, #tpu.memory_space<vmem>>
      %dma_start3A_274 = tpu.memref_squeeze %dma_start3A_273 : memref<1x128x64xf32, #tpu.memory_space<vmem>> -> memref<128x64xf32, #tpu.memory_space<vmem>>
      %dma_start3A_275 = arith.constant 0 : i32
      %dma_start3A_276 = tpu.memref_slice %arg5[%arg0, %add3A_256, %dma_start3A_275] : memref<2x10000x64xf32, #tpu.memory_space<hbm>> -> memref<1x128x64xf32, #tpu.memory_space<hbm>>
      %dma_start3A_277 = tpu.memref_squeeze %dma_start3A_276 : memref<1x128x64xf32, #tpu.memory_space<hbm>> -> memref<128x64xf32, #tpu.memory_space<hbm>>
      %dma_start3A_278 = arith.constant 0 : i32
      %dma_start3A_279 = tpu.memref_slice %arg5[%arg0, %add3A_256, %dma_start3A_278] : memref<2x10000x64xf32, #tpu.memory_space<hbm>> -> memref<1x128x64xf32, #tpu.memory_space<hbm>>
      %dma_start3A_280 = tpu.memref_squeeze %dma_start3A_279 : memref<1x128x64xf32, #tpu.memory_space<hbm>> -> memref<128x64xf32, #tpu.memory_space<hbm>>
      %dma_start3A_281 = arith.constant 0 : i32
      %dma_start3A_282 = arith.constant 0 : i32
      %dma_start3A_283 = tpu.memref_slice %arg8[%run_scoped3A_257, %dma_start3A_281, %dma_start3A_282] : memref<8x128x64xf32, #tpu.memory_space<vmem>> -> memref<1x128x64xf32, #tpu.memory_space<vmem>>
      %dma_start3A_284 = tpu.memref_squeeze %dma_start3A_283 : memref<1x128x64xf32, #tpu.memory_space<vmem>> -> memref<128x64xf32, #tpu.memory_space<vmem>>
      tpu.enqueue_dma source(%dma_start3A_284 : memref<128x64xf32, #tpu.memory_space<vmem>>) target(%dma_start3A_280 : memref<128x64xf32, #tpu.memory_space<hbm>>) target_semaphore(%run_scoped3A_270 : memref<!tpu.dma_semaphore, #tpu.memory_space<semaphore_mem>>)
      %dma_wait3A_285 = arith.constant 0 : i32
      %dma_wait3A_286 = arith.constant 0 : i32
      %dma_wait3A_287 = tpu.memref_slice %arg8[%run_scoped3A_257, %dma_wait3A_285, %dma_wait3A_286] : memref<8x128x64xf32, #tpu.memory_space<vmem>> -> memref<1x128x64xf32, #tpu.memory_space<vmem>>
      %dma_wait3A_288 = tpu.memref_squeeze %dma_wait3A_287 : memref<1x128x64xf32, #tpu.memory_space<vmem>> -> memref<128x64xf32, #tpu.memory_space<vmem>>
      %dma_wait3A_289 = arith.constant 0 : i32
      %dma_wait3A_290 = tpu.memref_slice %arg5[%arg0, %add3A_256, %dma_wait3A_289] : memref<2x10000x64xf32, #tpu.memory_space<hbm>> -> memref<1x128x64xf32, #tpu.memory_space<hbm>>
      %dma_wait3A_291 = tpu.memref_squeeze %dma_wait3A_290 : memref<1x128x64xf32, #tpu.memory_space<hbm>> -> memref<128x64xf32, #tpu.memory_space<hbm>>
      %dma_wait3A_292 = arith.constant 0 : i32
      %dma_wait3A_293 = tpu.memref_slice %arg5[%arg0, %add3A_256, %dma_wait3A_292] : memref<2x10000x64xf32, #tpu.memory_space<hbm>> -> memref<1x128x64xf32, #tpu.memory_space<hbm>>
      %dma_wait3A_294 = tpu.memref_squeeze %dma_wait3A_293 : memref<1x128x64xf32, #tpu.memory_space<hbm>> -> memref<128x64xf32, #tpu.memory_space<hbm>>
      %dma_wait3A_295 = arith.constant 0 : i32
      %dma_wait3A_296 = arith.constant 0 : i32
      %dma_wait3A_297 = tpu.memref_slice %arg8[%run_scoped3A_257, %dma_wait3A_295, %dma_wait3A_296] : memref<8x128x64xf32, #tpu.memory_space<vmem>> -> memref<1x128x64xf32, #tpu.memory_space<vmem>>
      %dma_wait3A_298 = tpu.memref_squeeze %dma_wait3A_297 : memref<1x128x64xf32, #tpu.memory_space<vmem>> -> memref<128x64xf32, #tpu.memory_space<vmem>>
      tpu.wait_dma2 semaphore(%run_scoped3A_270 : memref<!tpu.dma_semaphore, #tpu.memory_space<semaphore_mem>>) src(%dma_wait3A_298 : memref<128x64xf32, #tpu.memory_space<vmem>>) dst(%dma_wait3A_294 : memref<128x64xf32, #tpu.memory_space<hbm>>)
      tpu.yield
    }) : () -> ()
    %add3A_258 = arith.constant 384 : i32
    %add3A_259 = arith.addi %mul3A_2, %add3A_258 : i32
    %run_scoped3A_260 = arith.constant 0 : i32
    "tpu.region"() ({
      %run_scoped3A_270 = tpu.sem_alloc : memref<!tpu.dma_semaphore, #tpu.memory_space<semaphore_mem>>
      %dma_start3A_271 = arith.constant 0 : i32
      %dma_start3A_272 = arith.constant 0 : i32
      %dma_start3A_273 = tpu.memref_slice %arg8[%run_scoped3A_260, %dma_start3A_271, %dma_start3A_272] : memref<8x128x64xf32, #tpu.memory_space<vmem>> -> memref<1x128x64xf32, #tpu.memory_space<vmem>>
      %dma_start3A_274 = tpu.memref_squeeze %dma_start3A_273 : memref<1x128x64xf32, #tpu.memory_space<vmem>> -> memref<128x64xf32, #tpu.memory_space<vmem>>
      %dma_start3A_275 = arith.constant 0 : i32
      %dma_start3A_276 = tpu.memref_slice %arg11[%add3A_259, %dma_start3A_275] : memref<10240x64xf32, #tpu.memory_space<vmem_shared>> -> memref<128x64xf32, #tpu.memory_space<vmem_shared>>
      %dma_start3A_277 = arith.constant 0 : i32
      %dma_start3A_278 = arith.constant 0 : i32
      %dma_start3A_279 = tpu.memref_slice %arg8[%run_scoped3A_260, %dma_start3A_277, %dma_start3A_278] : memref<8x128x64xf32, #tpu.memory_space<vmem>> -> memref<1x128x64xf32, #tpu.memory_space<vmem>>
      %dma_start3A_280 = tpu.memref_squeeze %dma_start3A_279 : memref<1x128x64xf32, #tpu.memory_space<vmem>> -> memref<128x64xf32, #tpu.memory_space<vmem>>
      %dma_start3A_281 = arith.constant 0 : i32
      %dma_start3A_282 = tpu.memref_slice %arg11[%add3A_259, %dma_start3A_281] : memref<10240x64xf32, #tpu.memory_space<vmem_shared>> -> memref<128x64xf32, #tpu.memory_space<vmem_shared>>
      tpu.enqueue_dma source(%dma_start3A_282 : memref<128x64xf32, #tpu.memory_space<vmem_shared>>) target(%dma_start3A_280 : memref<128x64xf32, #tpu.memory_space<vmem>>) target_semaphore(%run_scoped3A_270 : memref<!tpu.dma_semaphore, #tpu.memory_space<semaphore_mem>>)
      %dma_wait3A_283 = arith.constant 0 : i32
      %dma_wait3A_284 = arith.constant 0 : i32
      %dma_wait3A_285 = tpu.memref_slice %arg8[%run_scoped3A_260, %dma_wait3A_283, %dma_wait3A_284] : memref<8x128x64xf32, #tpu.memory_space<vmem>> -> memref<1x128x64xf32, #tpu.memory_space<vmem>>
      %dma_wait3A_286 = tpu.memref_squeeze %dma_wait3A_285 : memref<1x128x64xf32, #tpu.memory_space<vmem>> -> memref<128x64xf32, #tpu.memory_space<vmem>>
      %dma_wait3A_287 = arith.constant 0 : i32
      %dma_wait3A_288 = tpu.memref_slice %arg11[%add3A_259, %dma_wait3A_287] : memref<10240x64xf32, #tpu.memory_space<vmem_shared>> -> memref<128x64xf32, #tpu.memory_space<vmem_shared>>
      %dma_wait3A_289 = arith.constant 0 : i32
      %dma_wait3A_290 = arith.constant 0 : i32
      %dma_wait3A_291 = tpu.memref_slice %arg8[%run_scoped3A_260, %dma_wait3A_289, %dma_wait3A_290] : memref<8x128x64xf32, #tpu.memory_space<vmem>> -> memref<1x128x64xf32, #tpu.memory_space<vmem>>
      %dma_wait3A_292 = tpu.memref_squeeze %dma_wait3A_291 : memref<1x128x64xf32, #tpu.memory_space<vmem>> -> memref<128x64xf32, #tpu.memory_space<vmem>>
      %dma_wait3A_293 = arith.constant 0 : i32
      %dma_wait3A_294 = tpu.memref_slice %arg11[%add3A_259, %dma_wait3A_293] : memref<10240x64xf32, #tpu.memory_space<vmem_shared>> -> memref<128x64xf32, #tpu.memory_space<vmem_shared>>
      tpu.wait_dma2 semaphore(%run_scoped3A_270 : memref<!tpu.dma_semaphore, #tpu.memory_space<semaphore_mem>>) src(%dma_wait3A_294 : memref<128x64xf32, #tpu.memory_space<vmem_shared>>) dst(%dma_wait3A_292 : memref<128x64xf32, #tpu.memory_space<vmem>>)
      tpu.yield
    }) : () -> ()
    %add3A_261 = arith.constant 384 : i32
    %add3A_262 = arith.addi %mul3A_2, %add3A_261 : i32
    %run_scoped3A_263 = arith.constant 0 : i32
    "tpu.region"() ({
      %run_scoped3A_270 = tpu.sem_alloc : memref<!tpu.dma_semaphore, #tpu.memory_space<semaphore_mem>>
      %dma_start3A_271 = arith.constant 0 : i32
      %dma_start3A_272 = arith.constant 0 : i32
      %dma_start3A_273 = tpu.memref_slice %arg8[%run_scoped3A_263, %dma_start3A_271, %dma_start3A_272] : memref<8x128x64xf32, #tpu.memory_space<vmem>> -> memref<1x128x64xf32, #tpu.memory_space<vmem>>
      %dma_start3A_274 = tpu.memref_squeeze %dma_start3A_273 : memref<1x128x64xf32, #tpu.memory_space<vmem>> -> memref<128x64xf32, #tpu.memory_space<vmem>>
      %dma_start3A_275 = arith.constant 0 : i32
      %dma_start3A_276 = tpu.memref_slice %arg5[%arg0, %add3A_262, %dma_start3A_275] : memref<2x10000x64xf32, #tpu.memory_space<hbm>> -> memref<1x128x64xf32, #tpu.memory_space<hbm>>
      %dma_start3A_277 = tpu.memref_squeeze %dma_start3A_276 : memref<1x128x64xf32, #tpu.memory_space<hbm>> -> memref<128x64xf32, #tpu.memory_space<hbm>>
      %dma_start3A_278 = arith.constant 0 : i32
      %dma_start3A_279 = tpu.memref_slice %arg5[%arg0, %add3A_262, %dma_start3A_278] : memref<2x10000x64xf32, #tpu.memory_space<hbm>> -> memref<1x128x64xf32, #tpu.memory_space<hbm>>
      %dma_start3A_280 = tpu.memref_squeeze %dma_start3A_279 : memref<1x128x64xf32, #tpu.memory_space<hbm>> -> memref<128x64xf32, #tpu.memory_space<hbm>>
      %dma_start3A_281 = arith.constant 0 : i32
      %dma_start3A_282 = arith.constant 0 : i32
      %dma_start3A_283 = tpu.memref_slice %arg8[%run_scoped3A_263, %dma_start3A_281, %dma_start3A_282] : memref<8x128x64xf32, #tpu.memory_space<vmem>> -> memref<1x128x64xf32, #tpu.memory_space<vmem>>
      %dma_start3A_284 = tpu.memref_squeeze %dma_start3A_283 : memref<1x128x64xf32, #tpu.memory_space<vmem>> -> memref<128x64xf32, #tpu.memory_space<vmem>>
      tpu.enqueue_dma source(%dma_start3A_284 : memref<128x64xf32, #tpu.memory_space<vmem>>) target(%dma_start3A_280 : memref<128x64xf32, #tpu.memory_space<hbm>>) target_semaphore(%run_scoped3A_270 : memref<!tpu.dma_semaphore, #tpu.memory_space<semaphore_mem>>)
      %dma_wait3A_285 = arith.constant 0 : i32
      %dma_wait3A_286 = arith.constant 0 : i32
      %dma_wait3A_287 = tpu.memref_slice %arg8[%run_scoped3A_263, %dma_wait3A_285, %dma_wait3A_286] : memref<8x128x64xf32, #tpu.memory_space<vmem>> -> memref<1x128x64xf32, #tpu.memory_space<vmem>>
      %dma_wait3A_288 = tpu.memref_squeeze %dma_wait3A_287 : memref<1x128x64xf32, #tpu.memory_space<vmem>> -> memref<128x64xf32, #tpu.memory_space<vmem>>
      %dma_wait3A_289 = arith.constant 0 : i32
      %dma_wait3A_290 = tpu.memref_slice %arg5[%arg0, %add3A_262, %dma_wait3A_289] : memref<2x10000x64xf32, #tpu.memory_space<hbm>> -> memref<1x128x64xf32, #tpu.memory_space<hbm>>
      %dma_wait3A_291 = tpu.memref_squeeze %dma_wait3A_290 : memref<1x128x64xf32, #tpu.memory_space<hbm>> -> memref<128x64xf32, #tpu.memory_space<hbm>>
      %dma_wait3A_292 = arith.constant 0 : i32
      %dma_wait3A_293 = tpu.memref_slice %arg5[%arg0, %add3A_262, %dma_wait3A_292] : memref<2x10000x64xf32, #tpu.memory_space<hbm>> -> memref<1x128x64xf32, #tpu.memory_space<hbm>>
      %dma_wait3A_294 = tpu.memref_squeeze %dma_wait3A_293 : memref<1x128x64xf32, #tpu.memory_space<hbm>> -> memref<128x64xf32, #tpu.memory_space<hbm>>
      %dma_wait3A_295 = arith.constant 0 : i32
      %dma_wait3A_296 = arith.constant 0 : i32
      %dma_wait3A_297 = tpu.memref_slice %arg8[%run_scoped3A_263, %dma_wait3A_295, %dma_wait3A_296] : memref<8x128x64xf32, #tpu.memory_space<vmem>> -> memref<1x128x64xf32, #tpu.memory_space<vmem>>
      %dma_wait3A_298 = tpu.memref_squeeze %dma_wait3A_297 : memref<1x128x64xf32, #tpu.memory_space<vmem>> -> memref<128x64xf32, #tpu.memory_space<vmem>>
      tpu.wait_dma2 semaphore(%run_scoped3A_270 : memref<!tpu.dma_semaphore, #tpu.memory_space<semaphore_mem>>) src(%dma_wait3A_298 : memref<128x64xf32, #tpu.memory_space<vmem>>) dst(%dma_wait3A_294 : memref<128x64xf32, #tpu.memory_space<hbm>>)
      tpu.yield
    }) : () -> ()
    %add3A_264 = arith.constant 512 : i32
    %add3A_265 = arith.addi %mul3A_2, %add3A_264 : i32
    %run_scoped3A_266 = arith.constant 0 : i32
    "tpu.region"() ({
      %run_scoped3A_270 = tpu.sem_alloc : memref<!tpu.dma_semaphore, #tpu.memory_space<semaphore_mem>>
      %dma_start3A_271 = arith.constant 0 : i32
      %dma_start3A_272 = arith.constant 0 : i32
      %dma_start3A_273 = tpu.memref_slice %arg8[%run_scoped3A_266, %dma_start3A_271, %dma_start3A_272] : memref<8x128x64xf32, #tpu.memory_space<vmem>> -> memref<1x113x64xf32, #tpu.memory_space<vmem>>
      %dma_start3A_274 = tpu.memref_squeeze %dma_start3A_273 : memref<1x113x64xf32, #tpu.memory_space<vmem>> -> memref<113x64xf32, #tpu.memory_space<vmem>>
      %dma_start3A_275 = arith.constant 0 : i32
      %dma_start3A_276 = tpu.memref_slice %arg11[%add3A_265, %dma_start3A_275] : memref<10240x64xf32, #tpu.memory_space<vmem_shared>> -> memref<113x64xf32, #tpu.memory_space<vmem_shared>>
      %dma_start3A_277 = arith.constant 0 : i32
      %dma_start3A_278 = arith.constant 0 : i32
      %dma_start3A_279 = tpu.memref_slice %arg8[%run_scoped3A_266, %dma_start3A_277, %dma_start3A_278] : memref<8x128x64xf32, #tpu.memory_space<vmem>> -> memref<1x113x64xf32, #tpu.memory_space<vmem>>
      %dma_start3A_280 = tpu.memref_squeeze %dma_start3A_279 : memref<1x113x64xf32, #tpu.memory_space<vmem>> -> memref<113x64xf32, #tpu.memory_space<vmem>>
      %dma_start3A_281 = arith.constant 0 : i32
      %dma_start3A_282 = tpu.memref_slice %arg11[%add3A_265, %dma_start3A_281] : memref<10240x64xf32, #tpu.memory_space<vmem_shared>> -> memref<113x64xf32, #tpu.memory_space<vmem_shared>>
      tpu.enqueue_dma source(%dma_start3A_282 : memref<113x64xf32, #tpu.memory_space<vmem_shared>>) target(%dma_start3A_280 : memref<113x64xf32, #tpu.memory_space<vmem>>) target_semaphore(%run_scoped3A_270 : memref<!tpu.dma_semaphore, #tpu.memory_space<semaphore_mem>>)
      %dma_wait3A_283 = arith.constant 0 : i32
      %dma_wait3A_284 = arith.constant 0 : i32
      %dma_wait3A_285 = tpu.memref_slice %arg8[%run_scoped3A_266, %dma_wait3A_283, %dma_wait3A_284] : memref<8x128x64xf32, #tpu.memory_space<vmem>> -> memref<1x113x64xf32, #tpu.memory_space<vmem>>
      %dma_wait3A_286 = tpu.memref_squeeze %dma_wait3A_285 : memref<1x113x64xf32, #tpu.memory_space<vmem>> -> memref<113x64xf32, #tpu.memory_space<vmem>>
      %dma_wait3A_287 = arith.constant 0 : i32
      %dma_wait3A_288 = tpu.memref_slice %arg11[%add3A_265, %dma_wait3A_287] : memref<10240x64xf32, #tpu.memory_space<vmem_shared>> -> memref<113x64xf32, #tpu.memory_space<vmem_shared>>
      %dma_wait3A_289 = arith.constant 0 : i32
      %dma_wait3A_290 = arith.constant 0 : i32
      %dma_wait3A_291 = tpu.memref_slice %arg8[%run_scoped3A_266, %dma_wait3A_289, %dma_wait3A_290] : memref<8x128x64xf32, #tpu.memory_space<vmem>> -> memref<1x113x64xf32, #tpu.memory_space<vmem>>
      %dma_wait3A_292 = tpu.memref_squeeze %dma_wait3A_291 : memref<1x113x64xf32, #tpu.memory_space<vmem>> -> memref<113x64xf32, #tpu.memory_space<vmem>>
      %dma_wait3A_293 = arith.constant 0 : i32
      %dma_wait3A_294 = tpu.memref_slice %arg11[%add3A_265, %dma_wait3A_293] : memref<10240x64xf32, #tpu.memory_space<vmem_shared>> -> memref<113x64xf32, #tpu.memory_space<vmem_shared>>
      tpu.wait_dma2 semaphore(%run_scoped3A_270 : memref<!tpu.dma_semaphore, #tpu.memory_space<semaphore_mem>>) src(%dma_wait3A_294 : memref<113x64xf32, #tpu.memory_space<vmem_shared>>) dst(%dma_wait3A_292 : memref<113x64xf32, #tpu.memory_space<vmem>>)
      tpu.yield
    }) : () -> ()
    %add3A_267 = arith.constant 512 : i32
    %add3A_268 = arith.addi %mul3A_2, %add3A_267 : i32
    %run_scoped3A_269 = arith.constant 0 : i32
    "tpu.region"() ({
      %run_scoped3A_270 = tpu.sem_alloc : memref<!tpu.dma_semaphore, #tpu.memory_space<semaphore_mem>>
      %dma_start3A_271 = arith.constant 0 : i32
      %dma_start3A_272 = arith.constant 0 : i32
      %dma_start3A_273 = tpu.memref_slice %arg8[%run_scoped3A_269, %dma_start3A_271, %dma_start3A_272] : memref<8x128x64xf32, #tpu.memory_space<vmem>> -> memref<1x113x64xf32, #tpu.memory_space<vmem>>
      %dma_start3A_274 = tpu.memref_squeeze %dma_start3A_273 : memref<1x113x64xf32, #tpu.memory_space<vmem>> -> memref<113x64xf32, #tpu.memory_space<vmem>>
      %dma_start3A_275 = arith.constant 0 : i32
      %dma_start3A_276 = tpu.memref_slice %arg5[%arg0, %add3A_268, %dma_start3A_275] : memref<2x10000x64xf32, #tpu.memory_space<hbm>> -> memref<1x113x64xf32, #tpu.memory_space<hbm>>
      %dma_start3A_277 = tpu.memref_squeeze %dma_start3A_276 : memref<1x113x64xf32, #tpu.memory_space<hbm>> -> memref<113x64xf32, #tpu.memory_space<hbm>>
      %dma_start3A_278 = arith.constant 0 : i32
      %dma_start3A_279 = tpu.memref_slice %arg5[%arg0, %add3A_268, %dma_start3A_278] : memref<2x10000x64xf32, #tpu.memory_space<hbm>> -> memref<1x113x64xf32, #tpu.memory_space<hbm>>
      %dma_start3A_280 = tpu.memref_squeeze %dma_start3A_279 : memref<1x113x64xf32, #tpu.memory_space<hbm>> -> memref<113x64xf32, #tpu.memory_space<hbm>>
      %dma_start3A_281 = arith.constant 0 : i32
      %dma_start3A_282 = arith.constant 0 : i32
      %dma_start3A_283 = tpu.memref_slice %arg8[%run_scoped3A_269, %dma_start3A_281, %dma_start3A_282] : memref<8x128x64xf32, #tpu.memory_space<vmem>> -> memref<1x113x64xf32, #tpu.memory_space<vmem>>
      %dma_start3A_284 = tpu.memref_squeeze %dma_start3A_283 : memref<1x113x64xf32, #tpu.memory_space<vmem>> -> memref<113x64xf32, #tpu.memory_space<vmem>>
      tpu.enqueue_dma source(%dma_start3A_284 : memref<113x64xf32, #tpu.memory_space<vmem>>) target(%dma_start3A_280 : memref<113x64xf32, #tpu.memory_space<hbm>>) target_semaphore(%run_scoped3A_270 : memref<!tpu.dma_semaphore, #tpu.memory_space<semaphore_mem>>)
      %dma_wait3A_285 = arith.constant 0 : i32
      %dma_wait3A_286 = arith.constant 0 : i32
      %dma_wait3A_287 = tpu.memref_slice %arg8[%run_scoped3A_269, %dma_wait3A_285, %dma_wait3A_286] : memref<8x128x64xf32, #tpu.memory_space<vmem>> -> memref<1x113x64xf32, #tpu.memory_space<vmem>>
      %dma_wait3A_288 = tpu.memref_squeeze %dma_wait3A_287 : memref<1x113x64xf32, #tpu.memory_space<vmem>> -> memref<113x64xf32, #tpu.memory_space<vmem>>
      %dma_wait3A_289 = arith.constant 0 : i32
      %dma_wait3A_290 = tpu.memref_slice %arg5[%arg0, %add3A_268, %dma_wait3A_289] : memref<2x10000x64xf32, #tpu.memory_space<hbm>> -> memref<1x113x64xf32, #tpu.memory_space<hbm>>
      %dma_wait3A_291 = tpu.memref_squeeze %dma_wait3A_290 : memref<1x113x64xf32, #tpu.memory_space<hbm>> -> memref<113x64xf32, #tpu.memory_space<hbm>>
      %dma_wait3A_292 = arith.constant 0 : i32
      %dma_wait3A_293 = tpu.memref_slice %arg5[%arg0, %add3A_268, %dma_wait3A_292] : memref<2x10000x64xf32, #tpu.memory_space<hbm>> -> memref<1x113x64xf32, #tpu.memory_space<hbm>>
      %dma_wait3A_294 = tpu.memref_squeeze %dma_wait3A_293 : memref<1x113x64xf32, #tpu.memory_space<hbm>> -> memref<113x64xf32, #tpu.memory_space<hbm>>
      %dma_wait3A_295 = arith.constant 0 : i32
      %dma_wait3A_296 = arith.constant 0 : i32
      %dma_wait3A_297 = tpu.memref_slice %arg8[%run_scoped3A_269, %dma_wait3A_295, %dma_wait3A_296] : memref<8x128x64xf32, #tpu.memory_space<vmem>> -> memref<1x113x64xf32, #tpu.memory_space<vmem>>
      %dma_wait3A_298 = tpu.memref_squeeze %dma_wait3A_297 : memref<1x113x64xf32, #tpu.memory_space<vmem>> -> memref<113x64xf32, #tpu.memory_space<vmem>>
      tpu.wait_dma2 semaphore(%run_scoped3A_270 : memref<!tpu.dma_semaphore, #tpu.memory_space<semaphore_mem>>) src(%dma_wait3A_298 : memref<113x64xf32, #tpu.memory_space<vmem>>) dst(%dma_wait3A_294 : memref<113x64xf32, #tpu.memory_space<hbm>>)
      tpu.yield
    }) : () -> ()
    return
  }
}

module attributes {stable_mosaic.version = 14 : i64} {
  func.func @body(%arg0: i32, %arg1: memref<2000x128xf32, #tpu.memory_space<vmem>>, %arg2: memref<128x64xf32, #tpu.memory_space<vmem>>, %arg3: memref<2000x2xf32, #tpu.memory_space<vmem>>, %arg4: memref<2000x64xf32, #tpu.memory_space<vmem>>) attributes {dimension_semantics = [#tpu.dimension_semantics<arbitrary>], iteration_bounds = array<i64: 5>, scalar_prefetch = 0 : i64, scratch_operands = 0 : i64, tpu.core_type = #tpu.core_type<tc>, window_params = [{transform_indices = @transform_0, window_bounds = array<i64: 2000, 128>}, {pipeline_mode = #tpu.pipeline_mode<synchronous>, transform_indices = @transform_1, window_bounds = array<i64: 128, 64>}, {transform_indices = @transform_2, window_bounds = array<i64: 2000, 2>}, {transform_indices = @transform_3, window_bounds = array<i64: 2000, 64>}]} {
    %get3A = arith.constant 0 : index
    %get3A_0 = arith.constant 0 : index
    %get3A_1 = vector.load %arg3[%get3A, %get3A_0] : memref<2000x2xf32, #tpu.memory_space<vmem>>, vector<2000x1xf32>
    %get3A_2 = arith.constant 0 : index
    %get3A_3 = arith.constant 1 : index
    %get3A_4 = vector.load %arg3[%get3A_2, %get3A_3] : memref<2000x2xf32, #tpu.memory_space<vmem>>, vector<2000x1xf32>
    %add3A = arith.addf %get3A_1, %get3A_4 : vector<2000x1xf32>
    %add3A_5 = arith.constant 1.000000e+00 : f32
    %add3A_6 = vector.broadcast %add3A_5 : f32 to vector<2000x1xf32>
    %add3A_7 = arith.addf %add3A, %add3A_6 : vector<2000x1xf32>
    %rsqrt3A = math.rsqrt %add3A_7 : vector<2000x1xf32>
    %get3A_8 = arith.constant 0 : index
    %get3A_9 = arith.constant 0 : index
    %get3A_10 = vector.load %arg1[%get3A_8, %get3A_9] : memref<2000x128xf32, #tpu.memory_space<vmem>>, vector<2000x128xf32>
    %get3A_11 = arith.constant 0 : index
    %get3A_12 = arith.constant 0 : index
    %get3A_13 = vector.load %arg2[%get3A_11, %get3A_12] : memref<128x64xf32, #tpu.memory_space<vmem>>, vector<128x64xf32>
    %dot_general3A = arith.constant dense<0.000000e+00> : vector<2000x64xf32>
    %dot_general3A_14 = tpu.matmul %get3A_10, %get3A_13, %dot_general3A {dimension_numbers = #tpu.dot_dimension_numbers<[1], [0], [0], [1], [0, 0, 1, 1], [], []>, transpose_lhs_hint = false} : vector<2000x128xf32>, vector<128x64xf32>, vector<2000x64xf32> -> vector<2000x64xf32>
    %mul3A = vector.broadcast %rsqrt3A : vector<2000x1xf32> to vector<2000x64xf32>
    %mul3A_15 = arith.mulf %dot_general3A_14, %mul3A : vector<2000x64xf32>
    %swap3A = arith.constant 0 : index
    %swap3A_16 = arith.constant 0 : index
    %swap3A_17 = vector.load %arg4[%swap3A, %swap3A_16] : memref<2000x64xf32, #tpu.memory_space<vmem>>, vector<2000x64xf32>
    tpu.vector_store %arg4[%swap3A, %swap3A_16], %mul3A_15 {strides = array<i32>} : memref<2000x64xf32, #tpu.memory_space<vmem>>, vector<2000x64xf32>,
    return
  }
  func.func @transform_0(%arg0: i32) -> (i32, i32) {
    %c0_i32 = arith.constant 0 : i32
    %c0_i32_0 = arith.constant 0 : i32
    return %arg0, %c0_i32 : i32, i32
  }
  func.func @transform_1(%arg0: i32) -> (i32, i32) {
    %c0_i32 = arith.constant 0 : i32
    %c0_i32_0 = arith.constant 0 : i32
    %c0_i32_1 = arith.constant 0 : i32
    return %c0_i32, %c0_i32_0 : i32, i32
  }
  func.func @transform_2(%arg0: i32) -> (i32, i32) {
    %c0_i32 = arith.constant 0 : i32
    %c0_i32_0 = arith.constant 0 : i32
    return %arg0, %c0_i32 : i32, i32
  }
  func.func @transform_3(%arg0: i32) -> (i32, i32) {
    %c0_i32 = arith.constant 0 : i32
    %c0_i32_0 = arith.constant 0 : i32
    return %arg0, %c0_i32 : i32, i32
  }
}

module attributes {stable_mosaic.version = 14 : i64} {
  func.func @body(%arg0: i32, %arg1: memref<2x2000x64xf32, #tpu.memory_space<vmem>>, %arg2: memref<2000x64xf32, #tpu.memory_space<vmem>>, %arg3: memref<2000x2xf32, #tpu.memory_space<vmem>>, %arg4: memref<1x64xf32, #tpu.memory_space<vmem>>, %arg5: memref<64x32xf32, #tpu.memory_space<vmem>>, %arg6: memref<2000x32xf32, #tpu.memory_space<vmem>>) attributes {dimension_semantics = [#tpu.dimension_semantics<arbitrary>], iteration_bounds = array<i64: 5>, scalar_prefetch = 0 : i64, scratch_operands = 0 : i64, tpu.core_type = #tpu.core_type<tc>, window_params = [{transform_indices = @transform_0, window_bounds = array<i64: 2, 2000, 64>}, {transform_indices = @transform_1, window_bounds = array<i64: 2000, 64>}, {transform_indices = @transform_2, window_bounds = array<i64: 2000, 2>}, {pipeline_mode = #tpu.pipeline_mode<synchronous>, transform_indices = @transform_3, window_bounds = array<i64: 1, 64>}, {pipeline_mode = #tpu.pipeline_mode<synchronous>, transform_indices = @transform_4, window_bounds = array<i64: 64, 32>}, {transform_indices = @transform_5, window_bounds = array<i64: 2000, 32>}]} {
    %get3A = arith.constant 0 : index
    %get3A_0 = arith.constant 0 : index
    %get3A_1 = vector.load %arg3[%get3A, %get3A_0] : memref<2000x2xf32, #tpu.memory_space<vmem>>, vector<2000x1xf32>
    %get3A_2 = arith.constant 0 : index
    %get3A_3 = arith.constant 1 : index
    %get3A_4 = vector.load %arg3[%get3A_2, %get3A_3] : memref<2000x2xf32, #tpu.memory_space<vmem>>, vector<2000x1xf32>
    %add3A = arith.addf %get3A_1, %get3A_4 : vector<2000x1xf32>
    %add3A_5 = arith.constant 1.000000e+00 : f32
    %add3A_6 = vector.broadcast %add3A_5 : f32 to vector<2000x1xf32>
    %add3A_7 = arith.addf %add3A, %add3A_6 : vector<2000x1xf32>
    %rsqrt3A = math.rsqrt %add3A_7 : vector<2000x1xf32>
    %get3A_8 = arith.constant 0 : index
    %get3A_9 = arith.constant 0 : index
    %get3A_10 = arith.constant 0 : index
    %get3A_11 = vector.load %arg1[%get3A_8, %get3A_9, %get3A_10] : memref<2x2000x64xf32, #tpu.memory_space<vmem>>, vector<1x2000x64xf32>
    %get3A_12 = vector.shape_cast %get3A_11 : vector<1x2000x64xf32> to vector<2000x64xf32>
    %get3A_13 = arith.constant 1 : index
    %get3A_14 = arith.constant 0 : index
    %get3A_15 = arith.constant 0 : index
    %get3A_16 = vector.load %arg1[%get3A_13, %get3A_14, %get3A_15] : memref<2x2000x64xf32, #tpu.memory_space<vmem>>, vector<1x2000x64xf32>
    %get3A_17 = vector.shape_cast %get3A_16 : vector<1x2000x64xf32> to vector<2000x64xf32>
    %add3A_18 = arith.addf %get3A_12, %get3A_17 : vector<2000x64xf32>
    %get3A_19 = arith.constant 0 : index
    %get3A_20 = arith.constant 0 : index
    %get3A_21 = vector.load %arg2[%get3A_19, %get3A_20] : memref<2000x64xf32, #tpu.memory_space<vmem>>, vector<2000x64xf32>
    %sub3A = arith.subf %add3A_18, %get3A_21 : vector<2000x64xf32>
    %mul3A = vector.broadcast %rsqrt3A : vector<2000x1xf32> to vector<2000x64xf32>
    %mul3A_22 = arith.mulf %sub3A, %mul3A : vector<2000x64xf32>
    %get3A_23 = arith.constant 0 : index
    %get3A_24 = arith.constant 0 : index
    %get3A_25 = vector.load %arg4[%get3A_23, %get3A_24] : memref<1x64xf32, #tpu.memory_space<vmem>>, vector<1x64xf32>
    %add3A_26 = vector.broadcast %get3A_25 : vector<1x64xf32> to vector<2000x64xf32>
    %add3A_27 = arith.addf %mul3A_22, %add3A_26 : vector<2000x64xf32>
    %max3A = arith.constant 0.000000e+00 : f32
    %max3A_28 = vector.broadcast %max3A : f32 to vector<2000x64xf32>
    %max3A_29 = arith.maximumf %add3A_27, %max3A_28 : vector<2000x64xf32>
    %get3A_30 = arith.constant 0 : index
    %get3A_31 = arith.constant 0 : index
    %get3A_32 = vector.load %arg5[%get3A_30, %get3A_31] : memref<64x32xf32, #tpu.memory_space<vmem>>, vector<64x32xf32>
    %dot_general3A = arith.constant dense<0.000000e+00> : vector<2000x32xf32>
    %dot_general3A_33 = tpu.matmul %max3A_29, %get3A_32, %dot_general3A {dimension_numbers = #tpu.dot_dimension_numbers<[1], [0], [0], [1], [0, 0, 1, 1], [], []>, transpose_lhs_hint = false} : vector<2000x64xf32>, vector<64x32xf32>, vector<2000x32xf32> -> vector<2000x32xf32>
    %mul3A_34 = vector.broadcast %rsqrt3A : vector<2000x1xf32> to vector<2000x32xf32>
    %mul3A_35 = arith.mulf %dot_general3A_33, %mul3A_34 : vector<2000x32xf32>
    %swap3A = arith.constant 0 : index
    %swap3A_36 = arith.constant 0 : index
    %swap3A_37 = vector.load %arg6[%swap3A, %swap3A_36] : memref<2000x32xf32, #tpu.memory_space<vmem>>, vector<2000x32xf32>
    tpu.vector_store %arg6[%swap3A, %swap3A_36], %mul3A_35 {strides = array<i32>} : memref<2000x32xf32, #tpu.memory_space<vmem>>, vector<2000x32xf32>,
    return
  }
  func.func @transform_0(%arg0: i32) -> (i32, i32, i32) {
    %c0_i32 = arith.constant 0 : i32
    %c0_i32_0 = arith.constant 0 : i32
    %c0_i32_1 = arith.constant 0 : i32
    return %c0_i32, %arg0, %c0_i32_0 : i32, i32, i32
  }
  func.func @transform_1(%arg0: i32) -> (i32, i32) {
    %c0_i32 = arith.constant 0 : i32
    %c0_i32_0 = arith.constant 0 : i32
    return %arg0, %c0_i32 : i32, i32
  }
  func.func @transform_2(%arg0: i32) -> (i32, i32) {
    %c0_i32 = arith.constant 0 : i32
    %c0_i32_0 = arith.constant 0 : i32
    return %arg0, %c0_i32 : i32, i32
  }
  func.func @transform_3(%arg0: i32) -> (i32, i32) {
    %c0_i32 = arith.constant 0 : i32
    %c0_i32_0 = arith.constant 0 : i32
    %c0_i32_1 = arith.constant 0 : i32
    return %c0_i32, %c0_i32_0 : i32, i32
  }
  func.func @transform_4(%arg0: i32) -> (i32, i32) {
    %c0_i32 = arith.constant 0 : i32
    %c0_i32_0 = arith.constant 0 : i32
    %c0_i32_1 = arith.constant 0 : i32
    return %c0_i32, %c0_i32_0 : i32, i32
  }
  func.func @transform_5(%arg0: i32) -> (i32, i32) {
    %c0_i32 = arith.constant 0 : i32
    %c0_i32_0 = arith.constant 0 : i32
    return %arg0, %c0_i32 : i32, i32
  }
}

module attributes {stable_mosaic.version = 14 : i64} {
  func.func @body(%arg0: i32, %arg1: memref<2x2000x32xf32, #tpu.memory_space<vmem>>, %arg2: memref<2000x32xf32, #tpu.memory_space<vmem>>, %arg3: memref<2000x2xf32, #tpu.memory_space<vmem>>, %arg4: memref<1x32xf32, #tpu.memory_space<vmem>>, %arg5: memref<2000x32xf32, #tpu.memory_space<vmem>>) attributes {dimension_semantics = [#tpu.dimension_semantics<arbitrary>], iteration_bounds = array<i64: 5>, scalar_prefetch = 0 : i64, scratch_operands = 0 : i64, tpu.core_type = #tpu.core_type<tc>, window_params = [{transform_indices = @transform_0, window_bounds = array<i64: 2, 2000, 32>}, {transform_indices = @transform_1, window_bounds = array<i64: 2000, 32>}, {transform_indices = @transform_2, window_bounds = array<i64: 2000, 2>}, {pipeline_mode = #tpu.pipeline_mode<synchronous>, transform_indices = @transform_3, window_bounds = array<i64: 1, 32>}, {transform_indices = @transform_4, window_bounds = array<i64: 2000, 32>}]} {
    %get3A = arith.constant 0 : index
    %get3A_0 = arith.constant 0 : index
    %get3A_1 = vector.load %arg3[%get3A, %get3A_0] : memref<2000x2xf32, #tpu.memory_space<vmem>>, vector<2000x1xf32>
    %get3A_2 = arith.constant 0 : index
    %get3A_3 = arith.constant 1 : index
    %get3A_4 = vector.load %arg3[%get3A_2, %get3A_3] : memref<2000x2xf32, #tpu.memory_space<vmem>>, vector<2000x1xf32>
    %add3A = arith.addf %get3A_1, %get3A_4 : vector<2000x1xf32>
    %add3A_5 = arith.constant 1.000000e+00 : f32
    %add3A_6 = vector.broadcast %add3A_5 : f32 to vector<2000x1xf32>
    %add3A_7 = arith.addf %add3A, %add3A_6 : vector<2000x1xf32>
    %rsqrt3A = math.rsqrt %add3A_7 : vector<2000x1xf32>
    %get3A_8 = arith.constant 0 : index
    %get3A_9 = arith.constant 0 : index
    %get3A_10 = arith.constant 0 : index
    %get3A_11 = vector.load %arg1[%get3A_8, %get3A_9, %get3A_10] : memref<2x2000x32xf32, #tpu.memory_space<vmem>>, vector<1x2000x32xf32>
    %get3A_12 = vector.shape_cast %get3A_11 : vector<1x2000x32xf32> to vector<2000x32xf32>
    %get3A_13 = arith.constant 1 : index
    %get3A_14 = arith.constant 0 : index
    %get3A_15 = arith.constant 0 : index
    %get3A_16 = vector.load %arg1[%get3A_13, %get3A_14, %get3A_15] : memref<2x2000x32xf32, #tpu.memory_space<vmem>>, vector<1x2000x32xf32>
    %get3A_17 = vector.shape_cast %get3A_16 : vector<1x2000x32xf32> to vector<2000x32xf32>
    %add3A_18 = arith.addf %get3A_12, %get3A_17 : vector<2000x32xf32>
    %get3A_19 = arith.constant 0 : index
    %get3A_20 = arith.constant 0 : index
    %get3A_21 = vector.load %arg2[%get3A_19, %get3A_20] : memref<2000x32xf32, #tpu.memory_space<vmem>>, vector<2000x32xf32>
    %sub3A = arith.subf %add3A_18, %get3A_21 : vector<2000x32xf32>
    %mul3A = vector.broadcast %rsqrt3A : vector<2000x1xf32> to vector<2000x32xf32>
    %mul3A_22 = arith.mulf %sub3A, %mul3A : vector<2000x32xf32>
    %get3A_23 = arith.constant 0 : index
    %get3A_24 = arith.constant 0 : index
    %get3A_25 = vector.load %arg4[%get3A_23, %get3A_24] : memref<1x32xf32, #tpu.memory_space<vmem>>, vector<1x32xf32>
    %add3A_26 = vector.broadcast %get3A_25 : vector<1x32xf32> to vector<2000x32xf32>
    %add3A_27 = arith.addf %mul3A_22, %add3A_26 : vector<2000x32xf32>
    %swap3A = arith.constant 0 : index
    %swap3A_28 = arith.constant 0 : index
    %swap3A_29 = vector.load %arg5[%swap3A, %swap3A_28] : memref<2000x32xf32, #tpu.memory_space<vmem>>, vector<2000x32xf32>
    tpu.vector_store %arg5[%swap3A, %swap3A_28], %add3A_27 {strides = array<i32>} : memref<2000x32xf32, #tpu.memory_space<vmem>>, vector<2000x32xf32>,
    return
  }
  func.func @transform_0(%arg0: i32) -> (i32, i32, i32) {
    %c0_i32 = arith.constant 0 : i32
    %c0_i32_0 = arith.constant 0 : i32
    %c0_i32_1 = arith.constant 0 : i32
    return %c0_i32, %arg0, %c0_i32_0 : i32, i32, i32
  }
  func.func @transform_1(%arg0: i32) -> (i32, i32) {
    %c0_i32 = arith.constant 0 : i32
    %c0_i32_0 = arith.constant 0 : i32
    return %arg0, %c0_i32 : i32, i32
  }
  func.func @transform_2(%arg0: i32) -> (i32, i32) {
    %c0_i32 = arith.constant 0 : i32
    %c0_i32_0 = arith.constant 0 : i32
    return %arg0, %c0_i32 : i32, i32
  }
  func.func @transform_3(%arg0: i32) -> (i32, i32) {
    %c0_i32 = arith.constant 0 : i32
    %c0_i32_0 = arith.constant 0 : i32
    %c0_i32_1 = arith.constant 0 : i32
    return %c0_i32, %c0_i32_0 : i32, i32
  }
  func.func @transform_4(%arg0: i32) -> (i32, i32) {
    %c0_i32 = arith.constant 0 : i32
    %c0_i32_0 = arith.constant 0 : i32
    return %arg0, %c0_i32 : i32, i32
  }
}

</mosaic_0001>

<sc_bundles>
// kernel: kernel.11.cloned.1.call-start
scs
__scs_entry_jumppad:
0x0: {  	(pc) =	sbr.rel $0x88, $3  }
0x1: {  	(tag) =	ssettag $0x0;
	lr =	simm.s32 $0x1  }
0x2: {  	[smem:$0x3F9B] =	sst lr;
	_ =	strace $0xD0000000  }
0x3: {  	_ = 	snop  }
0x4: {  	_ = 	snop  }
0x5: {  	_ = 	snop  }
0x6: {  	_ = 	snop  }
0x7: {  	_ = 	snop  }
__scs_overlays_trampoline_lowered:
0x8: {  	[smem:$0x3FAA] =	sst s0  }
0x9: {  	[smem:$0x3FAB] =	sst s1  }
0xa: {  	[smem:$0x3FAC] =	sst s2  }
0xb: {  	[smem:$0x3FAD] =	sst s3  }
0xc: {  	[smem:$0x3FAE] =	sst s4  }
0xd: {  	[smem:$0x3FAF] =	sst s5  }
0xe: {  	[smem:$0x3FB0] =	sst s6  }
0xf: {  	[smem:$0x3FB1] =	sst s7  }
0x10: {  	[smem:$0x3FB2] =	sst s8  }
0x11: {  	[smem:$0x3FB3] =	sst s9;
	s0 =	simm.s32 @!p0 $0x0  }
0x12: {  	s1 =	sld [smem:$0x3F99];
	s0 =	simm.s32 @p0 $0x1  }
0x13: {  	[smem:$0x3FB4] =	sst s0;
	s0 =	simm.s32 @!p1 $0x0  }
0x14: {  	s2 =	sld [smem:$0x3F98];
	s0 =	simm.s32 @p1 $0x1  }
0x15: {  	[smem:$0x3FB5] =	sst s0;
	s0 =	simm.s32 @!p2 $0x0  }
0x16: {  	s3 =	sld [smem:$0x3FDB];
	s0 =	simm.s32 @p2 $0x1  }
0x17: {  	s4 =	simm.s32 $0x1BF5;
	[smem:$0x3FB7] =	sst s0  }
0x18: {  	s0 =	sld [smem:$0x3F9A];
	_ =	swait.ge [sflag:s4], $0x0  }
0x19: {  	s7 =	sld [smem:$0x3F9B]  }
0x1a: {  	s8 =	sadd.s32 $0xFFFFE003, lr  }
0x1b: {  	s9 =	sadd.s32 $0xFFFFFEF7, lr;
	s5 =	simm.s32 $0xFFFFFFFF;
	p2 =	slt.u32 s8, $0xFFFFF086  }
0x1c: {  	p1 =	slt.u32 s9, $0xF7A;
	s5 =	simm.s32 @!p2 $0x0  }
0x1d: {  	s5 =	simm.s32 @p1 $0x1;
	p0 =	seq.s32 s7, s2  }
0x1e: {  	s7 =	smul.u32 @!p0 $0xF7A, s2;
	p2 =	seq.s32 @!p0 s5, $0x0  }
0x1f: {  	s9 =	smul.u32 $0xF7A, s1;
	s8 =	simm.s32 @!p0 $0x1BF5;
	p2 =	por !p2, p0  }
0x20: {  	[sflag:s8] =	ssyncset.s32 @!p0 $0xFFFFF086;
	s6 =	sadd.s32 @!p0 s3, s7;
	s7 =	simm.s32 @!p0 $0x108  }
0x21: {  	s3 =	sadd.s32 s3, s9;
	s6 =	sadd.s32 @!p0 $0x88, s6;
	s7 =	simm.s32 @p2 $0x1082  }
0x22: {  	[simem:s7], [sflag:s8] =	dma.local @!p0 [hbm:s6], $0xF7A  }
0x23: {  	s9 =	sor.u32 $0xD0000000, s2;
	s6 =	simm.s32 $0x108;
	_ =	swait.ge @!p0 [sflag:s8], $0x0  }
0x24: {  	s3 =	sadd.s32 $0x88, s3;
	s6 =	simm.s32 @!p1 $0x1082;
	[sflag:s4] =	ssyncset.s32 $0xFFFFF086  }
0x25: {  	[simem:s6], [sflag:s4] =	dma.local [hbm:s3], $0xF7A  }
0x26: {  	[smem:$0x3F9B] =	sst s1;
	(tag) =	ssettag s2;
	_ =	strace s9  }
0x27: {  	s1 =	sld [smem:$0x3FAB]  }
0x28: {  	s2 =	sld [smem:$0x3FAC]  }
0x29: {  	s4 =	sld [smem:$0x3FAE]  }
0x2a: {  	p0 =	seq.s32 s5, $0x0;
	s5 =	sld [smem:$0x3FAF]  }
0x2b: {  	s6 =	sld [smem:$0x3FB0]  }
0x2c: {  	s7 =	sld [smem:$0x3FB1]  }
0x2d: {  	s3 =	simm.s32 $0x108;
	s8 =	sld [smem:$0x3FB2]  }
0x2e: {  	s3 =	simm.s32 @!p0 $0x1082;
	s9 =	sld [smem:$0x3FB3]  }
0x2f: {  	lr =	sadd.s32 s0, s3;
	s0 =	sld [smem:$0x3FAA]  }
0x30: {  	s3 =	sld [smem:$0x3FAD]  }
0x31: {  	[smem:$0x3FB6] =	sst s10  }
0x32: {  	s10 =	sld [smem:$0x3FB4];
	_ =	sdelay $0x3  }
0x33: {  	p0 =	seq.s32 s10, $0x1;
	s10 =	sld [smem:$0x3FB6];
	_ =	sdelay $0x3  }
0x34: {  	[smem:$0x3FB6] =	sst s10  }
0x35: {  	s10 =	sld [smem:$0x3FB5];
	_ =	sdelay $0x3  }
0x36: {  	p1 =	seq.s32 s10, $0x1;
	s10 =	sld [smem:$0x3FB6];
	_ =	sdelay $0x3  }
0x37: {  	[smem:$0x3FB6] =	sst s10  }
0x38: {  	s10 =	sld [smem:$0x3FB7]  }
0x39: {  	_ = 	snop;
	(pc) =	sbr.ind lr, $3  }
0x3a: {  	_ = 	snop  }
0x3b: {  	_ = 	snop  }
0x3c: {  	p2 =	seq.s32 s10, $0x1;
	s10 =	sld [smem:$0x3FB6]  }
0x3d: {  	_ =	shalt  }
0x3e: {  	_ =	shalt  }
0x3f: {  	_ =	shalt  }
0x40: {  	_ =	shalt  }
0x41: {  	_ =	shalt  }
0x42: {  	_ =	shalt  }
0x43: {  	_ =	shalt  }
0x44: {  	_ =	shalt  }
0x45: {  	_ =	shalt  }
0x46: {  	_ =	shalt  }
0x47: {  	_ =	shalt  }
0x48: {  	_ =	shalt  }
0x49: {  	_ =	shalt  }
0x4a: {  	_ =	shalt  }
0x4b: {  	_ =	shalt  }
0x4c: {  	_ =	shalt  }
0x4d: {  	_ =	shalt  }
0x4e: {  	_ =	shalt  }
0x4f: {  	_ =	shalt  }
0x50: {  	_ =	shalt  }
0x51: {  	_ =	shalt  }
0x52: {  	_ =	shalt  }
0x53: {  	_ =	shalt  }
0x54: {  	_ =	shalt  }
0x55: {  	_ =	shalt  }
0x56: {  	_ =	shalt  }
0x57: {  	_ =	shalt  }
0x58: {  	_ =	shalt  }
0x59: {  	_ =	shalt  }
0x5a: {  	_ =	shalt  }
0x5b: {  	_ =	shalt  }
0x5c: {  	_ =	shalt  }
0x5d: {  	_ =	shalt  }
0x5e: {  	_ =	shalt  }
0x5f: {  	_ =	shalt  }
0x60: {  	_ =	shalt  }
0x61: {  	_ =	shalt  }
0x62: {  	_ =	shalt  }
0x63: {  	_ =	shalt  }
0x64: {  	_ =	shalt  }
0x65: {  	_ =	shalt  }
0x66: {  	_ =	shalt  }
0x67: {  	_ =	shalt  }
0x68: {  	_ =	shalt  }
0x69: {  	_ =	shalt  }
0x6a: {  	_ =	shalt  }
0x6b: {  	_ =	shalt  }
0x6c: {  	_ =	shalt  }
0x6d: {  	_ =	shalt  }
0x6e: {  	_ =	shalt  }
0x6f: {  	_ =	shalt  }
0x70: {  	_ =	shalt  }
0x71: {  	_ =	shalt  }
0x72: {  	_ =	shalt  }
0x73: {  	_ =	shalt  }
0x74: {  	_ =	shalt  }
0x75: {  	_ =	shalt  }
0x76: {  	_ =	shalt  }
0x77: {  	_ =	shalt  }
0x78: {  	_ =	shalt  }
0x79: {  	_ =	shalt  }
0x7a: {  	_ =	shalt  }
0x7b: {  	_ =	shalt  }
0x7c: {  	_ =	shalt  }
0x7d: {  	_ =	shalt  }
0x7e: {  	_ =	shalt  }
0x7f: {  	_ =	shalt  }
0x80: {  	_ =	shalt  }
0x81: {  	_ =	shalt  }
0x82: {  	_ =	shalt  }
0x83: {  	_ =	shalt  }
0x84: {  	_ =	shalt  }
0x85: {  	_ =	shalt  }
0x86: {  	_ =	shalt  }
0x87: {  	_ =	shalt  }
.Lfunc_end0:
.L_simem_size_0:
called_computation.1_lowered:
.L_overlay_start_0:
0x88: {  	s2 =	sld [smem:$0x3FD9]  }
0x89: {  	s3 =	sld [smem:$0x3FFE];
	_ =	sdelay $0x1  }
0x8a: {  	s1 =	srdreg.scid  }
0x8b: {  	s0 =	sand.u32 $0x1, s1  }
0x8c: {  	s16 =	sshll.u32 s0, $0xA;
	s2 =	sadd.s32 s3, s2  }
0x8d: {  	s2 =	sadd.s32 s2, s16  }
0x8e: {  	[smem:$0x3FC2] =	sst s2  }
0x8f: {  	_ = 	snop  }
0x90: {  	(tm) =	ssettm $0x1  }
0x91: {  	s17 =	sld [smem:$0x3FFB];
	_ =	sdelay $0x3  }
0x92: {  	_ =	strace s17  }
0x93: {  	s2 =	sld [smem:$0x3FFC];
	_ =	sdelay $0x3  }
0x94: {  	_ =	strace s2  }
0x95: {  	s2 =	sld [smem:$0x3FFD];
	_ =	sdelay $0x3  }
0x96: {  	_ =	strace s2  }
0x97: {  	_ =	strace $0x8FFFFFFF  }
0x98: {  	s18 =	sld [smem:$0x3FDB];
	_ =	sdelay $0x1  }
0x99: {  	s19 =	simm.s32 $_scs_section_size  }
0x9a: {  	s4 =	simm.s32 $_size__tile_overlayer_lowered;
	s5 =	simm.s32 $_tile_overlayer_lowered  }
0x9b: {  	s22 =	simm.s32 $0x1BFF;
	s21 =	sshll.u32 s5, $0x1;
	s2 =	sadd.s32 s19, s18  }
0x9c: {  	s6 =	simm.s32 $0x0;
	s20 =	sshll.u32 s4, $0x1;
	s4 =	sadd.s32 s21, s2  }
0x9d: {  	[timem:s6], [sflag:s22] =	dma.local [hbm:s4], s20  }
0x9e: {  	_ =	swait.ge [sflag:s22], s20  }
0x9f: {  	s3 =	ssub.s32 $0x0, s20;
	[sflag:s22] =	ssyncset.done $0x0  }
0xa0: {  	[sflag:s22] =	ssyncadd.s32 s3;
	_ =	sdelay $0x1  }
0xa1: {  	s23 =	simm.s32 $0x1B8B  }
0xa2: {  	_ =	swait.ge [sflag:s23], $0x1  }
0xa3: {  	[sflag:s23] =	ssyncset.done $0x0  }
0xa4: {  	s25 =	simm.s32 $0x1B8E;
	s24 =	sld [smem:$0x3FFE];
	[sflag:s23] =	ssyncadd.s32 $0xFFFFFFFF  }
0xa5: {  	s26 =	simm.s32 $execute0_lowered;
	[smem:$0x3FD2] =	sst s25  }
0xa6: {  	s4 =	sshll.u32 s26, $0x1;
	_ =	strace $0x80000049;
	[dreg:$0x1] =	wrdreg $0xFFFFFFFF  }
0xa7: {  	s28 =	simm.s32 $_size_execute0_lowered;
	s2 =	sadd.s32 s2, s4;
	[dreg:$0x0] =	wrdreg $0x0  }
0xa8: {  	s4 =	sshll.u32 s28, $0x1;
	[dreg:$0x2] =	wrdreg s2  }
0xa9: {  	[dreg:$0x3] =	wrdreg s4  }
0xaa: {  	[dreg:$0x4] =	wrdreg $0xC0  }
0xab: {  	_ =	task [dreg:s6], $0x5FFFF  }
0xac: {  	[dreg:$0x1] =	wrdreg $0xFFFFFFFF  }
0xad: {  	[dreg:$0x0] =	wrdreg $0x60  }
0xae: {  	[dreg:$0x2] =	wrdreg s24  }
0xaf: {  	[dreg:$0x3] =	wrdreg $0x150000  }
0xb0: {  	[dreg:$0x4] =	wrdreg $0x9  }
0xb1: {  	_ =	task.clear_ibuf [dreg:s6], $0x5FFFF;
	_ =	strace $0x90000049  }
0xb2: {  	s29 =	simm.s32 $0x9;
	_ =	strace $0x8000004B  }
0xb3: {  	_ =	swait.ge [sflag:s29], $0x1  }
0xb4: {  	[sflag:s29] =	ssyncadd.s32 $0xFFFFFFFF  }
0xb5: {  	_ =	strace $0x9000004B  }
0xb6: {  	_ =	sfence  }
0xb7: {  	s30 =	sld [smem:$0x0];
	_ =	sdelay $0x2  }
0xb8: {  	s31 =	sshll.u32 s1, $0xD;
	s1 =	sshrl.u32 s1, $0x2  }
0xb9: {  	s3 =	sand.u32 $0x4000, s31;
	s1 =	sadd.s32 s1, s30  }
0xba: {  	s0 =	sor.u32 s3, s0;
	s1 =	sshll.u32 s1, $0x11  }
0xbb: {  	s0 =	sor.u32 s1, s0  }
0xbc: {  	s0 =	sadd.s32 $0x8F2B, s0  }
0xbd: {  	[sflag:s0] =	ssyncadd.remote.s32 $0x1  }
0xbe: {  	_ =	sfence.sel $0xFFFF  }
0xbf: {  	[dreg:$0x0] =	wrdreg $0xFFFFFFFF;
	(pc) =	sbr.abs _section_cstart, $3  }
0xc0: {  	[dreg:$0x1] =	wrdreg $0xFFFFFFFF  }
0xc1: {  	_ =	task.clear_ibuf [dreg:s6], $0x2FFFF;
	_ =	strace $0x9FFFFFFF  }
0xc2: {  	(tm) =	ssettm $0x7FFFFFFF  }
0xc3: {  	_ =	shalt  }
tec
execute0_lowered:
.L_overlay_start_1:
0x0: {  	(tag) =	ssettag $0x1  }
0x1: {  	s1 =	rddreg [dreg:$0x0]  }
0x2: {  	s0 =	srdreg.scid;
	s2 =	rddreg [dreg:$0x1]  }
0x3: {  	s6 =	stileid.u32;
	s3 =	simm.s32 $0x0;
	s28 =	simm.s32 $0x7000  }
0x4: {  	s30 =	simm.s32 $0x9000;
	s29 =	simm.s32 $0x2;
	s31 =	simm.s32 $0xF000  }
0x5: {  	s0 =	sand.u32 $0x1, s0;
	[smem:$0x7FF] =	sst s3;
	s7 =	smul.u32 $0x9C40, s6  }
0x6: {  	s4 =	sshll.u32 s0, $0x4;
	_ =	strace $0x8000004A;
	s5 =	ssub.s32 $0x2, s0  }
0x7: {  	s0 =	smul.u32 $0x9C400, s0;
	s4 =	sor.u32 s6, s4;
	s21 =	sshrl.u32 s5, $0x1  }
0x8: {  	s22 =	sshrl.u32 s7, $0x3;
	s11 =	sadd.s32 $0x2000, s7;
	s13 =	sadd.s32 $0x4000, s7  }
0x9: {  	s17 =	sadd.s32 s7, s2;
	s15 =	sadd.s32 $0x6000, s7;
	s16 =	sadd.s32 $0x8000, s7  }
0xa: {  	s4 =	smul.u32 $0x500, s4;
	s5 =	ssub.s32 s5, s21;
	s8 =	sshrl.u32 s11, $0x3  }
0xb: {  	s10 =	sshrl.u32 s13, $0x3;
	s12 =	sshrl.u32 s15, $0x3;
	s14 =	sshrl.u32 s16, $0x3  }
0xc: {  	s18 =	sadd.s32 s15, s2;
	s7 =	sadd.s32 s7, s0;
	s21 =	sadd.s32 s0, s13  }
0xd: {  	s7 =	sshrl.u32 s7, $0x3;
	s9 =	sadd.s32 s4, s1;
	s4 =	sadd.s32 $0x16200, s1  }
0xe: {  	[dreg:$0x8] =	wrdreg s18;
	s1 =	sadd.s32 $0x29C00, s1;
	s6 =	sadd.s32 s4, s22  }
0xf: {  	s23 =	sadd.s32 s4, s8;
	s8 =	sadd.s32 s11, s2;
	[dreg:$0x3] =	wrdreg s6  }
0x10: {  	s24 =	sadd.s32 s4, s10;
	s10 =	sadd.s32 s13, s2;
	[dreg:$0x4] =	wrdreg s23  }
0x11: {  	s25 =	sadd.s32 s4, s12;
	s26 =	sadd.s32 s4, s14;
	[dreg:$0x5] =	wrdreg s24  }
0x12: {  	s22 =	sadd.s32 s16, s2;
	s11 =	sadd.s32 s0, s11;
	[dreg:$0x7] =	wrdreg s25  }
0x13: {  	s12 =	sadd.s32 $0x2200, s9;
	s14 =	sadd.s32 $0xC200, s9;
	[dreg:$0x9] =	wrdreg s26  }
0x14: {  	s19 =	sadd.s32 s1, s7;
	s7 =	sshrl.u32 s21, $0x3;
	[dreg:$0xb] =	wrdreg s12  }
0x15: {  	s13 =	simm.s32 $0x5;
	s21 =	simm.s32 $0x0;
	[dreg:$0xc] =	wrdreg s14  }
0x16: {  	s11 =	sshrl.u32 s11, $0x3;
	[dreg:$0xd] =	wrdreg s19;
	s23 =	sadd.s32 s0, s15  }
0x17: {  	s0 =	sadd.s32 s0, s16;
	s24 =	sadd.s32 s1, s7;
	s26 =	smax.u32 s5, $0x1  }
0x18: {  	s5 =	simm.s32 $0x3;
	s7 =	simm.s32 $0x11000;
	[dreg:$0x6] =	wrdreg s10  }
0x19: {  	s15 =	simm.s32 $0x7;
	s16 =	simm.s32 $0x8;
	[dreg:$0xa] =	wrdreg s22  }
0x1a: {  	s19 =	simm.s32 $0xB;
	s20 =	sadd.s32 s1, s11;
	[dreg:$0xf] =	wrdreg s24  }
0x1b: {  	s9 =	sshrl.u32 s23, $0x3;
	s0 =	sshrl.u32 s0, $0x3;
	[dreg:$0x12] =	wrdreg s26  }
.Ltmp0:
0x1c: {  	s23 =	simm.s32 $0x5000;
	s24 =	simm.s32 $0x11;
	(pc) =	sbr.rel .LBB2_1-.Ltmp0, $4  }
0x1d: {  	s26 =	simm.s32 $0x80;
	s11 =	simm.s32 $0x13000;
	[dreg:$0xe] =	wrdreg s20  }
0x1e: {  	s25 =	sadd.s32 s1, s9;
	s0 =	sadd.s32 s1, s0;
	s1 =	simm.s32 $0x1  }
0x1f: {  	s9 =	simm.s32 $0x4;
	s20 =	simm.s32 $0xC;
	[dreg:$0x10] =	wrdreg s25  }
0x20: {  	[dreg:$0x11] =	wrdreg s0;
	s0 =	simm.s32 $0xB000;
	s25 =	simm.s32 $0xD000  }
.LBB2_4:
0x21: {  	_ =	swait.ge [sflag:s16], $0x2000  }
0x22: {  	[sflag:s16] =	ssyncset.done $0x0  }
0x23: {  	s6 =	simm.s32 $0x9;
	[sflag:s16] =	ssyncadd.s32 $0xFFFFE000  }
0x24: {  	[spmem:s2] =	stream.indirect.scatter.add.f32 [tilespmem:s11], [sflag:$0x10], $0x40, s18, s26, $0xb8;
	[tilespmem:$0x1F000] =	vst v63  }
0x25: {  	_ =	swait.ge [sflag:s6], $0x2000  }
0x26: {  	[sflag:s6] =	ssyncset.done $0x0  }
0x27: {  	s17 =	simm.s32 $0xA;
	[sflag:s6] =	ssyncadd.s32 $0xFFFFE000  }
0x28: {  	_ =	swait.ge [sflag:s17], $0x2000  }
0x29: {  	[sflag:s17] =	ssyncset.done $0x0  }
0x2a: {  	[sflag:s17] =	ssyncadd.s32 $0xFFFFE000  }
0x2b: {  	_ =	swait.ge [sflag:s19], $0x2000  }
0x2c: {  	[sflag:s19] =	ssyncset.done $0x0  }
0x2d: {  	[sflag:s19] =	ssyncadd.s32 $0xFFFFE000  }
0x2e: {  	_ =	swait.ge [sflag:s20], $0x2000  }
0x2f: {  	[sflag:s20] =	ssyncset.done $0x0  }
0x30: {  	s18 =	simm.s32 $0xD;
	[sflag:s20] =	ssyncadd.s32 $0xFFFFE000  }
0x31: {  	_ =	swait.ge [sflag:s18], $0x2000  }
0x32: {  	[sflag:s18] =	ssyncset.done $0x0  }
0x33: {  	s22 =	simm.s32 $0xE;
	[sflag:s18] =	ssyncadd.s32 $0xFFFFE000  }
0x34: {  	_ =	swait.ge [sflag:s22], $0x2000  }
0x35: {  	[sflag:s22] =	ssyncset.done $0x0  }
0x36: {  	s8 =	simm.s32 $0xF;
	[sflag:s22] =	ssyncadd.s32 $0xFFFFE000  }
0x37: {  	_ =	swait.ge [sflag:s8], $0x2000  }
0x38: {  	[sflag:s8] =	ssyncset.done $0x0  }
0x39: {  	s10 =	simm.s32 $0x10;
	[sflag:s8] =	ssyncadd.s32 $0xFFFFE000  }
0x3a: {  	_ =	swait.ge [sflag:s10], $0x2000  }
0x3b: {  	[sflag:s10] =	ssyncset.done $0x0  }
0x3c: {  	[sflag:s10] =	ssyncadd.s32 $0xFFFFE000  }
0x3d: {  	[bflag:$0x0] =	sbarrier.arrive $0xFFFF  }
0x3e: {  	[tilespmem:s23], [sflag:$0x11] =	stream.linear.gather [spmem:s12], $0x2000, $0x38;
	[tilespmem:$0x1F000] =	vst v63  }
0x3f: {  	_ =	swait.ge [sflag:s24], $0x2000  }
0x40: {  	[sflag:s24] =	ssyncset.done $0x0  }
0x41: {  	s17 =	smov.u32 s12;
	s12 =	rddreg [dreg:$0xd];
	[sflag:s24] =	ssyncadd.s32 $0xFFFFE000  }
0x42: {  	[hbm4b:s12+s3] =	stream.linear.scatter [tilespmem:s23], [sflag:$0x11], $0x2000, $0x38;
	[tilespmem:$0x1F000] =	vst v63  }
0x43: {  	_ =	swait.ge [sflag:s24], $0x2000  }
0x44: {  	[sflag:s24] =	ssyncset.done $0x0  }
0x45: {  	[sflag:s24] =	ssyncadd.s32 $0xFFFFE000  }
0x46: {  	[tilespmem:s23], [sflag:$0x11] =	stream.linear.gather [spmem:s14], $0x2000, $0x38;
	[tilespmem:$0x1F000] =	vst v63  }
0x47: {  	_ =	swait.ge [sflag:s24], $0x2000  }
0x48: {  	[sflag:s24] =	ssyncset.done $0x0  }
0x49: {  	s8 =	smov.u32 s14;
	s14 =	rddreg [dreg:$0xe];
	[sflag:s24] =	ssyncadd.s32 $0xFFFFE000  }
0x4a: {  	[hbm4b:s14+s3] =	stream.linear.scatter [tilespmem:s23], [sflag:$0x11], $0x2000, $0x38;
	[tilespmem:$0x1F000] =	vst v63  }
0x4b: {  	_ =	swait.ge [sflag:s24], $0x2000  }
0x4c: {  	[sflag:s24] =	ssyncset.done $0x0  }
0x4d: {  	s10 =	rddreg [dreg:$0x6];
	[sflag:s24] =	ssyncadd.s32 $0xFFFFE000  }
0x4e: {  	[tilespmem:s23], [sflag:$0x11] =	stream.linear.gather [spmem:s10], $0x2000, $0x38;
	[tilespmem:$0x1F000] =	vst v63  }
0x4f: {  	_ =	swait.ge [sflag:s24], $0x2000  }
0x50: {  	[sflag:s24] =	ssyncset.done $0x0  }
0x51: {  	s18 =	rddreg [dreg:$0xf];
	[sflag:s24] =	ssyncadd.s32 $0xFFFFE000  }
0x52: {  	[hbm4b:s18+s3] =	stream.linear.scatter [tilespmem:s23], [sflag:$0x11], $0x2000, $0x38;
	[tilespmem:$0x1F000] =	vst v63  }
0x53: {  	_ =	swait.ge [sflag:s24], $0x2000  }
0x54: {  	[sflag:s24] =	ssyncset.done $0x0  }
0x55: {  	s18 =	rddreg [dreg:$0x8];
	[sflag:s24] =	ssyncadd.s32 $0xFFFFE000  }
0x56: {  	[tilespmem:s23], [sflag:$0x11] =	stream.linear.gather [spmem:s18], $0x2000, $0x38;
	[tilespmem:$0x1F000] =	vst v63  }
0x57: {  	_ =	swait.ge [sflag:s24], $0x2000  }
0x58: {  	[sflag:s24] =	ssyncset.done $0x0  }
0x59: {  	s22 =	rddreg [dreg:$0x10];
	[sflag:s24] =	ssyncadd.s32 $0xFFFFE000  }
0x5a: {  	[hbm4b:s22+s3] =	stream.linear.scatter [tilespmem:s23], [sflag:$0x11], $0x2000, $0x38;
	[tilespmem:$0x1F000] =	vst v63  }
0x5b: {  	_ =	swait.ge [sflag:s24], $0x2000  }
0x5c: {  	[sflag:s24] =	ssyncset.done $0x0  }
0x5d: {  	s22 =	rddreg [dreg:$0xa];
	[sflag:s24] =	ssyncadd.s32 $0xFFFFE000  }
0x5e: {  	[tilespmem:s23], [sflag:$0x11] =	stream.linear.gather [spmem:s22], $0x1C40, $0x38;
	[tilespmem:$0x1F000] =	vst v63  }
0x5f: {  	_ =	swait.ge [sflag:s24], $0x1C40  }
0x60: {  	[sflag:s24] =	ssyncset.done $0x0  }
0x61: {  	s12 =	rddreg [dreg:$0x11];
	[sflag:s24] =	ssyncadd.s32 $0xFFFFE3C0  }
0x62: {  	[hbm4b:s12+s3] =	stream.linear.scatter [tilespmem:s23], [sflag:$0x11], $0x1C40, $0x38;
	[tilespmem:$0x1F000] =	vst v63  }
0x63: {  	_ =	swait.ge [sflag:s24], $0x1C40  }
0x64: {  	s21 =	sadd.s32 $0x1, s21;
	s14 =	rddreg [dreg:$0x12]  }
0x65: {  	p0 =	sne.s32 s21, s14  }
.Ltmp1:
0x66: {  	_ = 	snop;
	(pc) =	sbr.rel @!p0 .LBB2_5-.Ltmp1, $3  }
0x67: {  	_ =	sdelay $0x1  }
0x68: {  	[sflag:s24] =	ssyncset.done $0x0  }
0x69: {  	[sflag:s24] =	ssyncadd.s32 $0xFFFFE3C0  }
.LBB2_1:
0x6a: {  	s6 =	rddreg [dreg:$0x3]  }
0x6b: {  	[tilespmem:s23], [sflag:$0x11] =	stream.linear.gather [hbm4b:s6+s3], $0x2000, $0x38;
	[tilespmem:$0x1F000] =	vst v63  }
0x6c: {  	_ =	swait.ge [sflag:s24], $0x2000  }
0x6d: {  	[sflag:s24] =	ssyncset.done $0x0  }
0x6e: {  	[sflag:s24] =	ssyncadd.s32 $0xFFFFE000  }
0x6f: {  	[spmem:s17] =	stream.linear.scatter [tilespmem:s23], [sflag:$0x11], $0x2000, $0x38;
	[tilespmem:$0x1F000] =	vst v63  }
0x70: {  	_ =	swait.ge [sflag:s24], $0x2000  }
0x71: {  	[sflag:s24] =	ssyncset.done $0x0  }
0x72: {  	s12 =	smov.u32 s17;
	s17 =	rddreg [dreg:$0x4];
	[sflag:s24] =	ssyncadd.s32 $0xFFFFE000  }
0x73: {  	[tilespmem:s23], [sflag:$0x11] =	stream.linear.gather [hbm4b:s17+s3], $0x2000, $0x38;
	[tilespmem:$0x1F000] =	vst v63  }
0x74: {  	_ =	swait.ge [sflag:s24], $0x2000  }
0x75: {  	[sflag:s24] =	ssyncset.done $0x0  }
0x76: {  	[sflag:s24] =	ssyncadd.s32 $0xFFFFE000  }
0x77: {  	[spmem:s8] =	stream.linear.scatter [tilespmem:s23], [sflag:$0x11], $0x2000, $0x38;
	[tilespmem:$0x1F000] =	vst v63  }
0x78: {  	_ =	swait.ge [sflag:s24], $0x2000  }
0x79: {  	[sflag:s24] =	ssyncset.done $0x0  }
0x7a: {  	s14 =	smov.u32 s8;
	s8 =	rddreg [dreg:$0x5];
	[sflag:s24] =	ssyncadd.s32 $0xFFFFE000  }
0x7b: {  	[tilespmem:s23], [sflag:$0x11] =	stream.linear.gather [hbm4b:s8+s3], $0x2000, $0x38;
	[tilespmem:$0x1F000] =	vst v63  }
0x7c: {  	_ =	swait.ge [sflag:s24], $0x2000  }
0x7d: {  	[sflag:s24] =	ssyncset.done $0x0  }
0x7e: {  	[sflag:s24] =	ssyncadd.s32 $0xFFFFE000  }
0x7f: {  	[spmem:s10] =	stream.linear.scatter [tilespmem:s23], [sflag:$0x11], $0x2000, $0x38;
	[tilespmem:$0x1F000] =	vst v63  }
0x80: {  	_ =	swait.ge [sflag:s24], $0x2000  }
0x81: {  	[sflag:s24] =	ssyncset.done $0x0  }
0x82: {  	s17 =	rddreg [dreg:$0x7];
	[sflag:s24] =	ssyncadd.s32 $0xFFFFE000  }
0x83: {  	[tilespmem:s23], [sflag:$0x11] =	stream.linear.gather [hbm4b:s17+s3], $0x2000, $0x38;
	[tilespmem:$0x1F000] =	vst v63  }
0x84: {  	_ =	swait.ge [sflag:s24], $0x2000  }
0x85: {  	[sflag:s24] =	ssyncset.done $0x0  }
0x86: {  	[sflag:s24] =	ssyncadd.s32 $0xFFFFE000  }
0x87: {  	[spmem:s18] =	stream.linear.scatter [tilespmem:s23], [sflag:$0x11], $0x2000, $0x38;
	[tilespmem:$0x1F000] =	vst v63  }
0x88: {  	_ =	swait.ge [sflag:s24], $0x2000  }
0x89: {  	[sflag:s24] =	ssyncset.done $0x0  }
0x8a: {  	s18 =	rddreg [dreg:$0x9];
	[sflag:s24] =	ssyncadd.s32 $0xFFFFE000  }
0x8b: {  	[tilespmem:s23], [sflag:$0x11] =	stream.linear.gather [hbm4b:s18+s3], $0x1C40, $0x38;
	[tilespmem:$0x1F000] =	vst v63  }
0x8c: {  	_ =	swait.ge [sflag:s24], $0x1C40  }
0x8d: {  	[sflag:s24] =	ssyncset.done $0x0  }
0x8e: {  	[sflag:s24] =	ssyncadd.s32 $0xFFFFE3C0  }
0x8f: {  	[spmem:s22] =	stream.linear.scatter [tilespmem:s23], [sflag:$0x11], $0x1C40, $0x38;
	[tilespmem:$0x1F000] =	vst v63  }
0x90: {  	_ =	swait.ge [sflag:s24], $0x1C40  }
0x91: {  	[sflag:s24] =	ssyncset.done $0x0  }
0x92: {  	s8 =	rddreg [dreg:$0xb];
	[sflag:s24] =	ssyncadd.s32 $0xFFFFE3C0  }
0x93: {  	[tilespmem:s3], [sflag:$0x11] =	stream.linear.gather [hbm4b:s8+s3], $0x2800, $0x38;
	[tilespmem:$0x1F000] =	vst v63  }
0x94: {  	_ =	swait.ge [sflag:s24], $0x2800  }
0x95: {  	[sflag:s24] =	ssyncset.done $0x0  }
0x96: {  	s17 =	simm.s32 $0x2800;
	s10 =	rddreg [dreg:$0xc];
	[sflag:s24] =	ssyncadd.s32 $0xFFFFD800  }
0x97: {  	[tilespmem:s17], [sflag:$0x11] =	stream.linear.gather [hbm4b:s10+s3], $0x2800, $0x38;
	[tilespmem:$0x1F000] =	vst v63  }
0x98: {  	_ =	swait.ge [sflag:s24], $0x2800  }
0x99: {  	[sflag:s24] =	ssyncset.done $0x0  }
0x9a: {  	[sflag:s24] =	ssyncadd.s32 $0xFFFFD800  }
0x9b: {  	[bflag:$0x0] =	sbarrier.arrive $0xFFFF  }
0x9c: {  	[tilespmem:s23], [sflag:$0x1] =	stream.indirect.gather [hbm4b:s4+s26], $0x40, s3, s26, $0xb8;
	[tilespmem:$0x1F000] =	vst v63  }
0x9d: {  	_ = 	snop  }
0x9e: {  	[tilespmem:s28], [sflag:$0x2] =	stream.indirect.gather [hbm4b:s4+s26], $0x40, s26, s26, $0xb8;
	[tilespmem:$0x1F000] =	vst v63  }
0x9f: {  	s18 =	simm.s32 $0x100  }
0xa0: {  	[tilespmem:s30], [sflag:$0x3] =	stream.indirect.gather [hbm4b:s4+s26], $0x40, s18, s26, $0xb8;
	[tilespmem:$0x1F000] =	vst v63  }
0xa1: {  	s22 =	simm.s32 $0x180  }
0xa2: {  	[tilespmem:s0], [sflag:$0x4] =	stream.indirect.gather [hbm4b:s4+s26], $0x40, s22, s26, $0xb8;
	[tilespmem:$0x1F000] =	vst v63  }
0xa3: {  	s22 =	simm.s32 $0x0  }
.LBB2_2:
0xa4: {  	_ =	swait.ge [sflag:s1], $0x2000  }
0xa5: {  	s17 =	sshra.s32 s22, $0x2;
	[sflag:s1] =	ssyncset.done $0x0  }
0xa6: {  	p0 =	seq.s32 s22, $0x0;
	s18 =	sadd.s32 $0x2800, s17;
	[sflag:s1] =	ssyncadd.s32 $0xFFFFE000  }
0xa7: {  	[spmem:s2] =	stream.indirect.scatter.add.f32 [tilespmem:s23], [sflag:$0x9], $0x40, s18, s26, $0xb8;
	[tilespmem:$0x1F000] =	vst v63  }
0xa8: {  	s18 =	simm.s32 @!p0 $0xD  }
0xa9: {  	_ =	swait.ge @!p0 [sflag:s18], $0x2000  }
0xaa: {  	[sflag:s18] =	ssyncset.done @!p0 $0x0  }
0xab: {  	s8 =	sadd.s32 $0x200, s17;
	[sflag:s18] =	ssyncadd.s32 @!p0 $0xFFFFE000  }
0xac: {  	[tilespmem:s25], [sflag:$0x5] =	stream.indirect.gather [hbm4b:s4+s26], $0x40, s8, s26, $0xb8;
	[tilespmem:$0x1F000] =	vst v63  }
0xad: {  	_ =	swait.ge [sflag:s29], $0x2000  }
0xae: {  	[sflag:s29] =	ssyncset.done $0x0  }
0xaf: {  	s10 =	sadd.s32 $0x2880, s17;
	s18 =	simm.s32 @!p0 $0xE;
	[sflag:s29] =	ssyncadd.s32 $0xFFFFE000  }
0xb0: {  	[spmem:s2] =	stream.indirect.scatter.add.f32 [tilespmem:s28], [sflag:$0xA], $0x40, s10, s26, $0xb8;
	[tilespmem:$0x1F000] =	vst v63  }
0xb1: {  	_ =	swait.ge @!p0 [sflag:s18], $0x2000  }
0xb2: {  	[sflag:s18] =	ssyncset.done @!p0 $0x0  }
0xb3: {  	s6 =	sadd.s32 $0x280, s17;
	[sflag:s18] =	ssyncadd.s32 @!p0 $0xFFFFE000  }
0xb4: {  	[tilespmem:s31], [sflag:$0x6] =	stream.indirect.gather [hbm4b:s4+s26], $0x40, s6, s26, $0xb8;
	[tilespmem:$0x1F000] =	vst v63  }
0xb5: {  	_ =	swait.ge [sflag:s5], $0x2000  }
0xb6: {  	[sflag:s5] =	ssyncset.done $0x0  }
0xb7: {  	s8 =	sadd.s32 $0x2900, s17;
	s18 =	simm.s32 @!p0 $0xF;
	[sflag:s5] =	ssyncadd.s32 $0xFFFFE000  }
0xb8: {  	[spmem:s2] =	stream.indirect.scatter.add.f32 [tilespmem:s30], [sflag:$0xB], $0x40, s8, s26, $0xb8;
	[tilespmem:$0x1F000] =	vst v63  }
0xb9: {  	_ =	swait.ge @!p0 [sflag:s18], $0x2000  }
0xba: {  	[sflag:s18] =	ssyncset.done @!p0 $0x0  }
0xbb: {  	s10 =	sadd.s32 $0x300, s17;
	[sflag:s18] =	ssyncadd.s32 @!p0 $0xFFFFE000  }
0xbc: {  	[tilespmem:s7], [sflag:$0x7] =	stream.indirect.gather [hbm4b:s4+s26], $0x40, s10, s26, $0xb8;
	[tilespmem:$0x1F000] =	vst v63  }
0xbd: {  	_ =	swait.ge [sflag:s9], $0x2000  }
0xbe: {  	[sflag:s9] =	ssyncset.done $0x0  }
0xbf: {  	s6 =	sadd.s32 $0x2980, s17;
	s18 =	simm.s32 @!p0 $0x10;
	[sflag:s9] =	ssyncadd.s32 $0xFFFFE000  }
0xc0: {  	[spmem:s2] =	stream.indirect.scatter.add.f32 [tilespmem:s0], [sflag:$0xC], $0x40, s6, s26, $0xb8;
	[tilespmem:$0x1F000] =	vst v63  }
0xc1: {  	_ =	swait.ge @!p0 [sflag:s18], $0x2000  }
0xc2: {  	[sflag:s18] =	ssyncset.done @!p0 $0x0  }
0xc3: {  	s8 =	sadd.s32 $0x380, s17;
	[sflag:s18] =	ssyncadd.s32 @!p0 $0xFFFFE000  }
0xc4: {  	[tilespmem:s11], [sflag:$0x8] =	stream.indirect.gather [hbm4b:s4+s26], $0x40, s8, s26, $0xb8;
	[tilespmem:$0x1F000] =	vst v63  }
0xc5: {  	_ =	swait.ge [sflag:s13], $0x2000  }
0xc6: {  	p0 =	seq.s32 s22, $0x9000;
	[sflag:s13] =	ssyncset.done $0x0  }
0xc7: {  	s10 =	sadd.s32 $0x2A00, s17;
	s18 =	simm.s32 @p0 $0x6;
	[sflag:s13] =	ssyncadd.s32 $0xFFFFE000  }
0xc8: {  	[spmem:s2] =	stream.indirect.scatter.add.f32 [tilespmem:s25], [sflag:$0xD], $0x40, s10, s26, $0xb8;
	[tilespmem:$0x1F000] =	vst v63  }
0xc9: {  	_ =	swait.ge @p0 [sflag:s18], $0x2000  }
0xca: {  	[sflag:s18] =	ssyncset.done @p0 $0x0  }
0xcb: {  	[sflag:s18] =	ssyncadd.s32 @p0 $0xFFFFE000;
	s18 =	sshra.s32 @p0 s22, $0x2  }
0xcc: {  	s6 =	simm.s32 @p0 $0x80;
	s8 =	simm.s32 @p0 $0xF000;
	s18 =	sadd.s32 @p0 $0x2A80, s18  }
0xcd: {  	[spmem:s2] =	stream.indirect.scatter.add.f32 @p0 [tilespmem:s8], [sflag:$0xE], $0x40, s18, s6, $0xb8;
	[tilespmem:$0x1F000] =	vst v63  }
0xce: {  	s6 =	simm.s32 @!p0 $0x9  }
0xcf: {  	_ =	swait.ge @!p0 [sflag:s6], $0x2000  }
0xd0: {  	[sflag:s6] =	ssyncset.done @!p0 $0x0  }
0xd1: {  	[sflag:s6] =	ssyncadd.s32 @!p0 $0xFFFFE000;
	s6 =	sshra.s32 @!p0 s22, $0x2  }
0xd2: {  	s10 =	simm.s32 @!p0 $0x5000;
	s18 =	simm.s32 @!p0 $0x80;
	s8 =	sadd.s32 @!p0 $0x400, s6  }
0xd3: {  	[tilespmem:s10], [sflag:$0x1] =	stream.indirect.gather @!p0 [hbm4b:s4+s18], $0x40, s8, s18, $0xb8;
	[tilespmem:$0x1F000] =	vst v63  }
0xd4: {  	s8 =	simm.s32 @!p0 $0x6  }
0xd5: {  	_ =	swait.ge @!p0 [sflag:s8], $0x2000  }
0xd6: {  	[sflag:s8] =	ssyncset.done @!p0 $0x0  }
0xd7: {  	s10 =	simm.s32 @!p0 $0xF000;
	[sflag:s8] =	ssyncadd.s32 @!p0 $0xFFFFE000;
	s8 =	sadd.s32 @!p0 $0x2A80, s6  }
0xd8: {  	[spmem:s2] =	stream.indirect.scatter.add.f32 @!p0 [tilespmem:s10], [sflag:$0xE], $0x40, s8, s18, $0xb8;
	[tilespmem:$0x1F000] =	vst v63  }
0xd9: {  	s8 =	simm.s32 @!p0 $0xA  }
0xda: {  	_ =	swait.ge @!p0 [sflag:s8], $0x2000  }
0xdb: {  	[sflag:s8] =	ssyncset.done @!p0 $0x0  }
0xdc: {  	s6 =	sadd.s32 @!p0 $0x480, s6;
	[sflag:s8] =	ssyncadd.s32 @!p0 $0xFFFFE000;
	s8 =	simm.s32 @!p0 $0x7000  }
0xdd: {  	[tilespmem:s8], [sflag:$0x2] =	stream.indirect.gather @!p0 [hbm4b:s4+s18], $0x40, s6, s18, $0xb8;
	[tilespmem:$0x1F000] =	vst v63  }
.Ltmp2:
0xde: {  	_ =	swait.ge [sflag:s15], $0x2000;
	(pc) =	sbr.rel @p0 .LBB2_4-.Ltmp2, $4  }
0xdf: {  	[sflag:s15] =	ssyncset.done $0x0  }
0xe0: {  	s18 =	sadd.s32 $0x2B00, s17;
	[sflag:s15] =	ssyncadd.s32 $0xFFFFE000  }
0xe1: {  	[spmem:s2] =	stream.indirect.scatter.add.f32 [tilespmem:s7], [sflag:$0xF], $0x40, s18, s26, $0xb8;
	[tilespmem:$0x1F000] =	vst v63  }
0xe2: {  	s18 =	sadd.s32 $0x2B80, s17  }
0xe3: {  	_ =	swait.ge [sflag:s19], $0x2000  }
0xe4: {  	[sflag:s19] =	ssyncset.done $0x0  }
0xe5: {  	s6 =	sadd.s32 $0x500, s17;
	[sflag:s19] =	ssyncadd.s32 $0xFFFFE000  }
0xe6: {  	[tilespmem:s30], [sflag:$0x3] =	stream.indirect.gather [hbm4b:s4+s26], $0x40, s6, s26, $0xb8;
	[tilespmem:$0x1F000] =	vst v63  }
0xe7: {  	_ =	swait.ge [sflag:s16], $0x2000  }
0xe8: {  	[sflag:s16] =	ssyncset.done $0x0  }
0xe9: {  	[sflag:s16] =	ssyncadd.s32 $0xFFFFE000  }
0xea: {  	[spmem:s2] =	stream.indirect.scatter.add.f32 [tilespmem:s11], [sflag:$0x10], $0x40, s18, s26, $0xb8;
	[tilespmem:$0x1F000] =	vst v63  }
.Ltmp3:
0xeb: {  	_ = 	snop;
	(pc) =	sbr.rel .LBB2_2-.Ltmp3, $4  }
0xec: {  	_ =	swait.ge [sflag:s20], $0x2000  }
0xed: {  	[sflag:s20] =	ssyncset.done $0x0  }
0xee: {  	s22 =	sadd.s32 $0x1000, s22;
	s18 =	sadd.s32 $0x580, s17;
	[sflag:s20] =	ssyncadd.s32 $0xFFFFE000  }
0xef: {  	[tilespmem:s0], [sflag:$0x4] =	stream.indirect.gather [hbm4b:s4+s26], $0x40, s18, s26, $0xb8;
	[tilespmem:$0x1F000] =	vst v63  }
.LBB2_5:
0xf0: {  	_ =	sfence.sel $0x180000  }
0xf1: {  	[bflag:$0x0] =	sbarrier.arrive $0xFFFF  }
0xf2: {  	_ =	strace $0x9000004A  }
0xf3: {  	s0 =	stileid.u32;
	[bflag:$0x2] =	sbarrier.arrive $0xFFFF  }
0xf4: {  	p0 =	sne.s32 s0, $0x0;
	s0 =	rddreg [dreg:$0x2]  }
0xf5: {  	s0 =	sadd.s32 @!p0 $0x100000, s0  }
0xf6: {  	[sflag:s0] =	ssyncadd.tile.s32 @!p0 $0x1;
	_ =	shalt  }
.Lfunc_end2:
_tile_overlayer_lowered:
.L_overlay_start_2:
0xf7: {  	(tag) =	ssettag $0x2  }
0xf8: {  	s0 =	rddreg [dreg:$0x0];
	s2 =	stileid.u32  }
0xf9: {  	s1 =	rddreg [dreg:$0x1];
	p0 =	sne.s32 s2, $0x0  }
0xfa: {  	s3 =	rddreg [dreg:$0x2];
	[bflag:$0x3] =	sbarrier.arrive $0xFFFF;
	s2 =	simm.s32 @!p0 $0x1C11  }
0xfb: {  	[timem:s3], [sflag:s2] =	dma.local @!p0 [hbm:s0], s1  }
0xfc: {  	s0 =	simm.s32 @!p0 $0x11  }
0xfd: {  	_ =	swait.ge @!p0 [sflag:s0], s1  }
0xfe: {  	s1 =	ssub.s32 @!p0 $0x0, s1;
	[sflag:s0] =	ssyncset.done @!p0 $0x0  }
0xff: {  	[sflag:s0] =	ssyncadd.s32 @!p0 s1  }
0x100: {  	[bflag:$0x3] =	sbarrier.arrive $0xFFFF  }
0x101: {  	_ =	shalt  }

// kernel: kernel.14.cloned.1.call-start
scs
__scs_entry_jumppad:
0x0: {  	(pc) =	sbr.rel $0x88, $3  }
0x1: {  	(tag) =	ssettag $0x0;
	lr =	simm.s32 $0x1  }
0x2: {  	[smem:$0x3F9B] =	sst lr;
	_ =	strace $0xD0000000  }
0x3: {  	_ = 	snop  }
0x4: {  	_ = 	snop  }
0x5: {  	_ = 	snop  }
0x6: {  	_ = 	snop  }
0x7: {  	_ = 	snop  }
__scs_overlays_trampoline_lowered:
0x8: {  	[smem:$0x3FAA] =	sst s0  }
0x9: {  	[smem:$0x3FAB] =	sst s1  }
0xa: {  	[smem:$0x3FAC] =	sst s2  }
0xb: {  	[smem:$0x3FAD] =	sst s3  }
0xc: {  	[smem:$0x3FAE] =	sst s4  }
0xd: {  	[smem:$0x3FAF] =	sst s5  }
0xe: {  	[smem:$0x3FB0] =	sst s6  }
0xf: {  	[smem:$0x3FB1] =	sst s7  }
0x10: {  	[smem:$0x3FB2] =	sst s8  }
0x11: {  	[smem:$0x3FB3] =	sst s9;
	s0 =	simm.s32 @!p0 $0x0  }
0x12: {  	s1 =	sld [smem:$0x3F99];
	s0 =	simm.s32 @p0 $0x1  }
0x13: {  	[smem:$0x3FB4] =	sst s0;
	s0 =	simm.s32 @!p1 $0x0  }
0x14: {  	s2 =	sld [smem:$0x3F98];
	s0 =	simm.s32 @p1 $0x1  }
0x15: {  	[smem:$0x3FB5] =	sst s0;
	s0 =	simm.s32 @!p2 $0x0  }
0x16: {  	s3 =	sld [smem:$0x3FDB];
	s0 =	simm.s32 @p2 $0x1  }
0x17: {  	s4 =	simm.s32 $0x1BF5;
	[smem:$0x3FB7] =	sst s0  }
0x18: {  	s0 =	sld [smem:$0x3F9A];
	_ =	swait.ge [sflag:s4], $0x0  }
0x19: {  	s7 =	sld [smem:$0x3F9B]  }
0x1a: {  	s8 =	sadd.s32 $0xFFFFE003, lr  }
0x1b: {  	s9 =	sadd.s32 $0xFFFFFEF7, lr;
	s5 =	simm.s32 $0xFFFFFFFF;
	p2 =	slt.u32 s8, $0xFFFFF086  }
0x1c: {  	p1 =	slt.u32 s9, $0xF7A;
	s5 =	simm.s32 @!p2 $0x0  }
0x1d: {  	s5 =	simm.s32 @p1 $0x1;
	p0 =	seq.s32 s7, s2  }
0x1e: {  	s7 =	smul.u32 @!p0 $0xF7A, s2;
	p2 =	seq.s32 @!p0 s5, $0x0  }
0x1f: {  	s9 =	smul.u32 $0xF7A, s1;
	s8 =	simm.s32 @!p0 $0x1BF5;
	p2 =	por !p2, p0  }
0x20: {  	[sflag:s8] =	ssyncset.s32 @!p0 $0xFFFFF086;
	s6 =	sadd.s32 @!p0 s3, s7;
	s7 =	simm.s32 @!p0 $0x108  }
0x21: {  	s3 =	sadd.s32 s3, s9;
	s6 =	sadd.s32 @!p0 $0x88, s6;
	s7 =	simm.s32 @p2 $0x1082  }
0x22: {  	[simem:s7], [sflag:s8] =	dma.local @!p0 [hbm:s6], $0xF7A  }
0x23: {  	s9 =	sor.u32 $0xD0000000, s2;
	s6 =	simm.s32 $0x108;
	_ =	swait.ge @!p0 [sflag:s8], $0x0  }
0x24: {  	s3 =	sadd.s32 $0x88, s3;
	s6 =	simm.s32 @!p1 $0x1082;
	[sflag:s4] =	ssyncset.s32 $0xFFFFF086  }
0x25: {  	[simem:s6], [sflag:s4] =	dma.local [hbm:s3], $0xF7A  }
0x26: {  	[smem:$0x3F9B] =	sst s1;
	(tag) =	ssettag s2;
	_ =	strace s9  }
0x27: {  	s1 =	sld [smem:$0x3FAB]  }
0x28: {  	s2 =	sld [smem:$0x3FAC]  }
0x29: {  	s4 =	sld [smem:$0x3FAE]  }
0x2a: {  	p0 =	seq.s32 s5, $0x0;
	s5 =	sld [smem:$0x3FAF]  }
0x2b: {  	s6 =	sld [smem:$0x3FB0]  }
0x2c: {  	s7 =	sld [smem:$0x3FB1]  }
0x2d: {  	s3 =	simm.s32 $0x108;
	s8 =	sld [smem:$0x3FB2]  }
0x2e: {  	s3 =	simm.s32 @!p0 $0x1082;
	s9 =	sld [smem:$0x3FB3]  }
0x2f: {  	lr =	sadd.s32 s0, s3;
	s0 =	sld [smem:$0x3FAA]  }
0x30: {  	s3 =	sld [smem:$0x3FAD]  }
0x31: {  	[smem:$0x3FB6] =	sst s10  }
0x32: {  	s10 =	sld [smem:$0x3FB4];
	_ =	sdelay $0x3  }
0x33: {  	p0 =	seq.s32 s10, $0x1;
	s10 =	sld [smem:$0x3FB6];
	_ =	sdelay $0x3  }
0x34: {  	[smem:$0x3FB6] =	sst s10  }
0x35: {  	s10 =	sld [smem:$0x3FB5];
	_ =	sdelay $0x3  }
0x36: {  	p1 =	seq.s32 s10, $0x1;
	s10 =	sld [smem:$0x3FB6];
	_ =	sdelay $0x3  }
0x37: {  	[smem:$0x3FB6] =	sst s10  }
0x38: {  	s10 =	sld [smem:$0x3FB7]  }
0x39: {  	_ = 	snop;
	(pc) =	sbr.ind lr, $3  }
0x3a: {  	_ = 	snop  }
0x3b: {  	_ = 	snop  }
0x3c: {  	p2 =	seq.s32 s10, $0x1;
	s10 =	sld [smem:$0x3FB6]  }
0x3d: {  	_ =	shalt  }
0x3e: {  	_ =	shalt  }
0x3f: {  	_ =	shalt  }
0x40: {  	_ =	shalt  }
0x41: {  	_ =	shalt  }
0x42: {  	_ =	shalt  }
0x43: {  	_ =	shalt  }
0x44: {  	_ =	shalt  }
0x45: {  	_ =	shalt  }
0x46: {  	_ =	shalt  }
0x47: {  	_ =	shalt  }
0x48: {  	_ =	shalt  }
0x49: {  	_ =	shalt  }
0x4a: {  	_ =	shalt  }
0x4b: {  	_ =	shalt  }
0x4c: {  	_ =	shalt  }
0x4d: {  	_ =	shalt  }
0x4e: {  	_ =	shalt  }
0x4f: {  	_ =	shalt  }
0x50: {  	_ =	shalt  }
0x51: {  	_ =	shalt  }
0x52: {  	_ =	shalt  }
0x53: {  	_ =	shalt  }
0x54: {  	_ =	shalt  }
0x55: {  	_ =	shalt  }
0x56: {  	_ =	shalt  }
0x57: {  	_ =	shalt  }
0x58: {  	_ =	shalt  }
0x59: {  	_ =	shalt  }
0x5a: {  	_ =	shalt  }
0x5b: {  	_ =	shalt  }
0x5c: {  	_ =	shalt  }
0x5d: {  	_ =	shalt  }
0x5e: {  	_ =	shalt  }
0x5f: {  	_ =	shalt  }
0x60: {  	_ =	shalt  }
0x61: {  	_ =	shalt  }
0x62: {  	_ =	shalt  }
0x63: {  	_ =	shalt  }
0x64: {  	_ =	shalt  }
0x65: {  	_ =	shalt  }
0x66: {  	_ =	shalt  }
0x67: {  	_ =	shalt  }
0x68: {  	_ =	shalt  }
0x69: {  	_ =	shalt  }
0x6a: {  	_ =	shalt  }
0x6b: {  	_ =	shalt  }
0x6c: {  	_ =	shalt  }
0x6d: {  	_ =	shalt  }
0x6e: {  	_ =	shalt  }
0x6f: {  	_ =	shalt  }
0x70: {  	_ =	shalt  }
0x71: {  	_ =	shalt  }
0x72: {  	_ =	shalt  }
0x73: {  	_ =	shalt  }
0x74: {  	_ =	shalt  }
0x75: {  	_ =	shalt  }
0x76: {  	_ =	shalt  }
0x77: {  	_ =	shalt  }
0x78: {  	_ =	shalt  }
0x79: {  	_ =	shalt  }
0x7a: {  	_ =	shalt  }
0x7b: {  	_ =	shalt  }
0x7c: {  	_ =	shalt  }
0x7d: {  	_ =	shalt  }
0x7e: {  	_ =	shalt  }
0x7f: {  	_ =	shalt  }
0x80: {  	_ =	shalt  }
0x81: {  	_ =	shalt  }
0x82: {  	_ =	shalt  }
0x83: {  	_ =	shalt  }
0x84: {  	_ =	shalt  }
0x85: {  	_ =	shalt  }
0x86: {  	_ =	shalt  }
0x87: {  	_ =	shalt  }
.Lfunc_end0:
.L_simem_size_0:
called_computation.2_lowered:
.L_overlay_start_0:
0x88: {  	s2 =	sld [smem:$0x3FD9]  }
0x89: {  	s3 =	sld [smem:$0x3FFE];
	_ =	sdelay $0x1  }
0x8a: {  	s1 =	srdreg.scid  }
0x8b: {  	s0 =	sand.u32 $0x1, s1  }
0x8c: {  	s17 =	sshll.u32 s0, $0xA;
	s2 =	sadd.s32 s3, s2  }
0x8d: {  	s2 =	sadd.s32 s2, s17  }
0x8e: {  	[smem:$0x3FC2] =	sst s2  }
0x8f: {  	_ = 	snop  }
0x90: {  	s2 =	sld [smem:$0x3FD0];
	(tm) =	ssettm $0x1  }
0x91: {  	s18 =	sld [smem:$0x3FFB];
	_ =	sdelay $0x3  }
0x92: {  	_ =	strace s18  }
0x93: {  	s3 =	sld [smem:$0x3FFC];
	_ =	sdelay $0x3  }
0x94: {  	_ =	strace s3  }
0x95: {  	s3 =	sld [smem:$0x3FFD];
	_ =	sdelay $0x3  }
0x96: {  	_ =	strace s3  }
0x97: {  	_ =	strace $0x8FFFFFFF  }
0x98: {  	s19 =	sld [smem:$0x3FDB];
	_ =	sdelay $0x1  }
0x99: {  	s4 =	simm.s32 $_scs_section_size  }
0x9a: {  	s5 =	simm.s32 $_size__tile_overlayer_lowered;
	s6 =	simm.s32 $_tile_overlayer_lowered  }
0x9b: {  	s22 =	simm.s32 $0x1BFF;
	s21 =	sshll.u32 s6, $0x1;
	s3 =	sadd.s32 s4, s19  }
0x9c: {  	s7 =	simm.s32 $0x0;
	s20 =	sshll.u32 s5, $0x1;
	s5 =	sadd.s32 s21, s3  }
0x9d: {  	[timem:s7], [sflag:s22] =	dma.local [hbm:s5], s20  }
0x9e: {  	_ =	swait.ge [sflag:s22], s20  }
0x9f: {  	s4 =	ssub.s32 $0x0, s20;
	[sflag:s22] =	ssyncset.done $0x0  }
0xa0: {  	[sflag:s22] =	ssyncadd.s32 s4;
	_ =	sdelay $0x1  }
0xa1: {  	s23 =	simm.s32 $0x1B8B  }
0xa2: {  	_ =	swait.ge [sflag:s23], $0x1  }
0xa3: {  	[sflag:s23] =	ssyncset.done $0x0  }
0xa4: {  	s25 =	simm.s32 $0x1B8E;
	s24 =	sld [smem:$0x3FFE];
	[sflag:s23] =	ssyncadd.s32 $0xFFFFFFFF  }
0xa5: {  	s26 =	simm.s32 $execute0_lowered;
	[smem:$0x3FD2] =	sst s25  }
0xa6: {  	s5 =	sshll.u32 s26, $0x1;
	_ =	strace $0x8000004C;
	[dreg:$0x1] =	wrdreg $0xFFFFFFFF  }
0xa7: {  	s28 =	simm.s32 $_size_execute0_lowered;
	s3 =	sadd.s32 s3, s5;
	[dreg:$0x0] =	wrdreg $0x0  }
0xa8: {  	s5 =	sshll.u32 s28, $0x1;
	[dreg:$0x2] =	wrdreg s3  }
0xa9: {  	[dreg:$0x3] =	wrdreg s5  }
0xaa: {  	[dreg:$0x4] =	wrdreg $0xC0  }
0xab: {  	_ =	task [dreg:s7], $0x5FFFF  }
0xac: {  	[dreg:$0x1] =	wrdreg $0xFFFFFFFF  }
0xad: {  	[dreg:$0x0] =	wrdreg $0x60  }
0xae: {  	[dreg:$0x2] =	wrdreg s24  }
0xaf: {  	[dreg:$0x3] =	wrdreg s2  }
0xb0: {  	[dreg:$0x4] =	wrdreg $0xD0000  }
0xb1: {  	[dreg:$0x5] =	wrdreg $0x120000  }
0xb2: {  	[dreg:$0x6] =	wrdreg $0x9  }
0xb3: {  	_ =	task.clear_ibuf [dreg:s7], $0x7FFFF;
	_ =	strace $0x9000004C  }
0xb4: {  	s29 =	simm.s32 $0x9;
	_ =	strace $0x8000004E  }
0xb5: {  	_ =	swait.ge [sflag:s29], $0x1  }
0xb6: {  	[sflag:s29] =	ssyncadd.s32 $0xFFFFFFFF  }
0xb7: {  	_ =	strace $0x9000004E  }
0xb8: {  	_ =	sfence  }
0xb9: {  	s30 =	sld [smem:$0x0];
	_ =	sdelay $0x2  }
0xba: {  	s31 =	sshll.u32 s1, $0xD;
	s1 =	sshrl.u32 s1, $0x2  }
0xbb: {  	s3 =	sand.u32 $0x4000, s31;
	s1 =	sadd.s32 s1, s30  }
0xbc: {  	s0 =	sor.u32 s3, s0;
	s1 =	sshll.u32 s1, $0x11  }
0xbd: {  	s0 =	sor.u32 s1, s0  }
0xbe: {  	s0 =	sadd.s32 $0x8F2B, s0  }
0xbf: {  	[sflag:s0] =	ssyncadd.remote.s32 $0x1  }
0xc0: {  	_ =	sfence.sel $0xFFFF  }
0xc1: {  	[dreg:$0x0] =	wrdreg $0xFFFFFFFF;
	(pc) =	sbr.abs _section_cstart, $3  }
0xc2: {  	[dreg:$0x1] =	wrdreg $0xFFFFFFFF  }
0xc3: {  	_ =	task.clear_ibuf [dreg:s7], $0x2FFFF;
	_ =	strace $0x9FFFFFFF  }
0xc4: {  	(tm) =	ssettm $0x7FFFFFFF  }
0xc5: {  	_ =	shalt  }
tec
execute0_lowered:
.L_overlay_start_1:
0x0: {  	(tag) =	ssettag $0x1  }
0x1: {  	s0 =	rddreg [dreg:$0x0]  }
0x2: {  	s1 =	srdreg.scid;
	s5 =	rddreg [dreg:$0x1]  }
0x3: {  	s2 =	rddreg [dreg:$0x2];
	s7 =	stileid.u32  }
0x4: {  	s3 =	rddreg [dreg:$0x3];
	s29 =	simm.s32 $0x5000;
	s1 =	sand.u32 $0x1, s1  }
0x5: {  	s30 =	simm.s32 $0x11;
	s31 =	simm.s32 $0x7000;
	s4 =	sshll.u32 s1, $0x4  }
0x6: {  	s16 =	ssub.s32 $0x2, s1;
	s1 =	smul.u32 $0x4E200, s1;
	s6 =	sor.u32 s7, s4  }
0x7: {  	s4 =	simm.s32 $0x0;
	s7 =	smul.u32 $0x4E20, s7;
	s9 =	sshrl.u32 s16, $0x1  }
0x8: {  	s6 =	smul.u32 $0x500, s6;
	[smem:$0x7FF] =	sst s4;
	s11 =	ssub.s32 s16, s9  }
0x9: {  	_ =	strace $0x8000004D;
	s10 =	sshrl.u32 s7, $0x3;
	s18 =	sadd.s32 $0x1000, s7  }
0xa: {  	s20 =	sadd.s32 s7, s2;
	s19 =	sadd.s32 s7, s3;
	s13 =	sadd.s32 $0x2000, s7  }
0xb: {  	s14 =	sadd.s32 $0x3000, s7;
	s8 =	sadd.s32 s6, s0;
	s0 =	sadd.s32 $0x16200, s0  }
0xc: {  	s17 =	sadd.s32 s5, s10;
	[dreg:$0x6] =	wrdreg s19;
	s21 =	sshrl.u32 s18, $0x3  }
0xd: {  	s9 =	sadd.s32 s18, s2;
	s23 =	sadd.s32 s18, s3;
	s12 =	sshrl.u32 s13, $0x3  }
0xe: {  	s15 =	sshrl.u32 s14, $0x3;
	s25 =	sadd.s32 s13, s3;
	s6 =	sadd.s32 $0x4000, s7  }
0xf: {  	s7 =	sadd.s32 s7, s1;
	s10 =	sadd.s32 s1, s18;
	[dreg:$0xa] =	wrdreg s20  }
0x10: {  	s18 =	sadd.s32 s1, s14;
	[dreg:$0x5] =	wrdreg s17;
	s22 =	sadd.s32 s5, s21  }
0x11: {  	[dreg:$0x8] =	wrdreg s23;
	s24 =	sadd.s32 s5, s12;
	s12 =	sadd.s32 s13, s2  }
0x12: {  	[dreg:$0xb] =	wrdreg s25;
	s26 =	sadd.s32 s5, s15;
	s16 =	sshrl.u32 s6, $0x3  }
0x13: {  	s7 =	sshrl.u32 s7, $0x3;
	s10 =	sshrl.u32 s10, $0x3;
	[dreg:$0x13] =	wrdreg s9  }
0x14: {  	s17 =	sadd.s32 s1, s13;
	s1 =	sadd.s32 s1, s6;
	[dreg:$0x7] =	wrdreg s22  }
0x15: {  	s21 =	sadd.s32 s14, s3;
	s28 =	sadd.s32 s6, s2;
	[dreg:$0x9] =	wrdreg s24  }
0x16: {  	s23 =	sadd.s32 s6, s3;
	s25 =	sadd.s32 $0xC200, s8;
	[dreg:$0xc] =	wrdreg s26  }
0x17: {  	s13 =	simm.s32 $0x3;
	s15 =	simm.s32 $0x4;
	[dreg:$0x14] =	wrdreg s21  }
0x18: {  	s5 =	sadd.s32 s5, s16;
	s7 =	sadd.s32 s0, s7;
	[dreg:$0x16] =	wrdreg s23  }
0x19: {  	s16 =	sadd.s32 s0, s10;
	s1 =	sshrl.u32 s1, $0x3;
	[dreg:$0x18] =	wrdreg s25  }
0x1a: {  	s22 =	sadd.s32 s14, s2;
	s24 =	sadd.s32 $0x2200, s8;
	[dreg:$0x15] =	wrdreg s12  }
0x1b: {  	s26 =	smax.u32 s11, $0x1;
	s8 =	simm.s32 $0x9000;
	[dreg:$0xd] =	wrdreg s5  }
0x1c: {  	s10 =	simm.s32 $0x2;
	s11 =	simm.s32 $0xA000;
	[dreg:$0xe] =	wrdreg s7  }
0x1d: {  	s14 =	simm.s32 $0xB000;
	s25 =	simm.s32 $0xC;
	[dreg:$0xf] =	wrdreg s16  }
0x1e: {  	s5 =	sshrl.u32 s17, $0x3;
	s7 =	sshrl.u32 s18, $0x3;
	[dreg:$0x17] =	wrdreg s24  }
0x1f: {  	[dreg:$0x19] =	wrdreg s26;
	s16 =	simm.s32 $0xC000;
	s17 =	simm.s32 $0x5  }
.Ltmp0:
0x20: {  	s18 =	simm.s32 $0x7;
	s5 =	sadd.s32 s0, s5;
	(pc) =	sbr.rel .LBB2_1-.Ltmp0, $4  }
0x21: {  	s24 =	simm.s32 $0xB;
	s19 =	sadd.s32 s0, s7;
	[dreg:$0x10] =	wrdreg s5  }
0x22: {  	s26 =	simm.s32 $0x0;
	s0 =	sadd.s32 s0, s1;
	[dreg:$0x11] =	wrdreg s19  }
0x23: {  	s1 =	simm.s32 $0x80;
	s7 =	simm.s32 $0x1;
	[dreg:$0x12] =	wrdreg s0  }
0x24: {  	s0 =	simm.s32 $0x6000;
	s5 =	simm.s32 $0x8000;
	s19 =	simm.s32 $0x8  }
.LBB2_4:
0x25: {  	_ =	swait.ge [sflag:s19], $0x1000  }
0x26: {  	[sflag:s19] =	ssyncset.done $0x0  }
0x27: {  	s6 =	simm.s32 $0x9;
	[sflag:s19] =	ssyncadd.s32 $0xFFFFF000  }
0x28: {  	[spmem:s2] =	stream.indirect.scatter.add.f32 [tilespmem:s16], [sflag:$0x10], $0x20, s22, s1, $0xb8;
	[tilespmem:$0x16E20] =	vst v63  }
0x29: {  	_ =	swait.ge [sflag:s6], $0x1000  }
0x2a: {  	[sflag:s6] =	ssyncset.done $0x0  }
0x2b: {  	s22 =	simm.s32 $0xA;
	[sflag:s6] =	ssyncadd.s32 $0xFFFFF000  }
0x2c: {  	_ =	swait.ge [sflag:s22], $0x1000  }
0x2d: {  	[sflag:s22] =	ssyncset.done $0x0  }
0x2e: {  	[sflag:s22] =	ssyncadd.s32 $0xFFFFF000  }
0x2f: {  	_ =	swait.ge [sflag:s24], $0x1000  }
0x30: {  	[sflag:s24] =	ssyncset.done $0x0  }
0x31: {  	[sflag:s24] =	ssyncadd.s32 $0xFFFFF000  }
0x32: {  	_ =	swait.ge [sflag:s25], $0x1000  }
0x33: {  	[sflag:s25] =	ssyncset.done $0x0  }
0x34: {  	s9 =	simm.s32 $0xD;
	[sflag:s25] =	ssyncadd.s32 $0xFFFFF000  }
0x35: {  	_ =	swait.ge [sflag:s9], $0x1000  }
0x36: {  	[sflag:s9] =	ssyncset.done $0x0  }
0x37: {  	s12 =	simm.s32 $0xE;
	[sflag:s9] =	ssyncadd.s32 $0xFFFFF000  }
0x38: {  	_ =	swait.ge [sflag:s12], $0x1000  }
0x39: {  	[sflag:s12] =	ssyncset.done $0x0  }
0x3a: {  	s20 =	simm.s32 $0xF;
	[sflag:s12] =	ssyncadd.s32 $0xFFFFF000  }
0x3b: {  	_ =	swait.ge [sflag:s20], $0x1000  }
0x3c: {  	[sflag:s20] =	ssyncset.done $0x0  }
0x3d: {  	s22 =	simm.s32 $0x10;
	[sflag:s20] =	ssyncadd.s32 $0xFFFFF000  }
0x3e: {  	_ =	swait.ge [sflag:s22], $0x1000  }
0x3f: {  	[sflag:s22] =	ssyncset.done $0x0  }
0x40: {  	[sflag:s22] =	ssyncadd.s32 $0xFFFFF000  }
0x41: {  	[bflag:$0x0] =	sbarrier.arrive $0xFFFF  }
0x42: {  	s20 =	rddreg [dreg:$0xa]  }
0x43: {  	[tilespmem:s29], [sflag:$0x11] =	stream.linear.gather [spmem:s20], $0x1000, $0x38;
	[tilespmem:$0x16E20] =	vst v63  }
0x44: {  	_ =	swait.ge [sflag:s30], $0x1000  }
0x45: {  	[sflag:s30] =	ssyncset.done $0x0  }
0x46: {  	s9 =	rddreg [dreg:$0xe];
	[sflag:s30] =	ssyncadd.s32 $0xFFFFF000  }
0x47: {  	[hbm4b:s9+s4] =	stream.linear.scatter [tilespmem:s29], [sflag:$0x11], $0x1000, $0x38;
	[tilespmem:$0x16E20] =	vst v63  }
0x48: {  	_ =	swait.ge [sflag:s30], $0x1000  }
0x49: {  	[sflag:s30] =	ssyncset.done $0x0  }
0x4a: {  	s9 =	rddreg [dreg:$0x13];
	[sflag:s30] =	ssyncadd.s32 $0xFFFFF000  }
0x4b: {  	[tilespmem:s29], [sflag:$0x11] =	stream.linear.gather [spmem:s9], $0x1000, $0x38;
	[tilespmem:$0x16E20] =	vst v63  }
0x4c: {  	_ =	swait.ge [sflag:s30], $0x1000  }
0x4d: {  	[sflag:s30] =	ssyncset.done $0x0  }
0x4e: {  	s12 =	rddreg [dreg:$0xf];
	[sflag:s30] =	ssyncadd.s32 $0xFFFFF000  }
0x4f: {  	[hbm4b:s12+s4] =	stream.linear.scatter [tilespmem:s29], [sflag:$0x11], $0x1000, $0x38;
	[tilespmem:$0x16E20] =	vst v63  }
0x50: {  	_ =	swait.ge [sflag:s30], $0x1000  }
0x51: {  	[sflag:s30] =	ssyncset.done $0x0  }
0x52: {  	s12 =	rddreg [dreg:$0x15];
	[sflag:s30] =	ssyncadd.s32 $0xFFFFF000  }
0x53: {  	[tilespmem:s29], [sflag:$0x11] =	stream.linear.gather [spmem:s12], $0x1000, $0x38;
	[tilespmem:$0x16E20] =	vst v63  }
0x54: {  	_ =	swait.ge [sflag:s30], $0x1000  }
0x55: {  	[sflag:s30] =	ssyncset.done $0x0  }
0x56: {  	s22 =	rddreg [dreg:$0x10];
	[sflag:s30] =	ssyncadd.s32 $0xFFFFF000  }
0x57: {  	[hbm4b:s22+s4] =	stream.linear.scatter [tilespmem:s29], [sflag:$0x11], $0x1000, $0x38;
	[tilespmem:$0x16E20] =	vst v63  }
0x58: {  	_ =	swait.ge [sflag:s30], $0x1000  }
0x59: {  	[sflag:s30] =	ssyncset.done $0x0  }
0x5a: {  	[sflag:s30] =	ssyncadd.s32 $0xFFFFF000  }
0x5b: {  	[tilespmem:s29], [sflag:$0x11] =	stream.linear.gather [spmem:s23], $0x1000, $0x38;
	[tilespmem:$0x16E20] =	vst v63  }
0x5c: {  	_ =	swait.ge [sflag:s30], $0x1000  }
0x5d: {  	[sflag:s30] =	ssyncset.done $0x0  }
0x5e: {  	s22 =	smov.u32 s23;
	s23 =	rddreg [dreg:$0x11];
	[sflag:s30] =	ssyncadd.s32 $0xFFFFF000  }
0x5f: {  	[hbm4b:s23+s4] =	stream.linear.scatter [tilespmem:s29], [sflag:$0x11], $0x1000, $0x38;
	[tilespmem:$0x16E20] =	vst v63  }
0x60: {  	_ =	swait.ge [sflag:s30], $0x1000  }
0x61: {  	[sflag:s30] =	ssyncset.done $0x0  }
0x62: {  	[sflag:s30] =	ssyncadd.s32 $0xFFFFF000  }
0x63: {  	[tilespmem:s29], [sflag:$0x11] =	stream.linear.gather [spmem:s21], $0xE20, $0x38;
	[tilespmem:$0x16E20] =	vst v63  }
0x64: {  	_ =	swait.ge [sflag:s30], $0xE20  }
0x65: {  	[sflag:s30] =	ssyncset.done $0x0  }
0x66: {  	s28 =	smov.u32 s21;
	s21 =	rddreg [dreg:$0x12];
	[sflag:s30] =	ssyncadd.s32 $0xFFFFF1E0  }
0x67: {  	[hbm4b:s21+s4] =	stream.linear.scatter [tilespmem:s29], [sflag:$0x11], $0xE20, $0x38;
	[tilespmem:$0x16E20] =	vst v63  }
0x68: {  	_ =	swait.ge [sflag:s30], $0xE20  }
0x69: {  	s26 =	sadd.s32 $0x1, s26;
	s23 =	rddreg [dreg:$0x19]  }
0x6a: {  	p0 =	sne.s32 s26, s23  }
.Ltmp1:
0x6b: {  	_ = 	snop;
	(pc) =	sbr.rel @!p0 .LBB2_5-.Ltmp1, $3  }
0x6c: {  	_ =	sdelay $0x1  }
0x6d: {  	[sflag:s30] =	ssyncset.done $0x0  }
0x6e: {  	[sflag:s30] =	ssyncadd.s32 $0xFFFFF1E0  }
.LBB2_1:
0x6f: {  	s6 =	rddreg [dreg:$0x5]  }
0x70: {  	[tilespmem:s29], [sflag:$0x11] =	stream.linear.gather [hbm4b:s6+s4], $0x1000, $0x38;
	[tilespmem:$0x16E20] =	vst v63  }
0x71: {  	_ =	swait.ge [sflag:s30], $0x1000  }
0x72: {  	[sflag:s30] =	ssyncset.done $0x0  }
0x73: {  	[sflag:s30] =	ssyncadd.s32 $0xFFFFF000  }
0x74: {  	[spmem:s20] =	stream.linear.scatter [tilespmem:s29], [sflag:$0x11], $0x1000, $0x38;
	[tilespmem:$0x16E20] =	vst v63  }
0x75: {  	_ =	swait.ge [sflag:s30], $0x1000  }
0x76: {  	[sflag:s30] =	ssyncset.done $0x0  }
0x77: {  	s21 =	rddreg [dreg:$0x6];
	[sflag:s30] =	ssyncadd.s32 $0xFFFFF000  }
0x78: {  	[spmem:s21] =	stream.linear.scatter [tilespmem:s29], [sflag:$0x11], $0x1000, $0x38;
	[tilespmem:$0x16E20] =	vst v63  }
0x79: {  	_ =	swait.ge [sflag:s30], $0x1000  }
0x7a: {  	[sflag:s30] =	ssyncset.done $0x0  }
0x7b: {  	s23 =	rddreg [dreg:$0x7];
	[sflag:s30] =	ssyncadd.s32 $0xFFFFF000  }
0x7c: {  	[tilespmem:s29], [sflag:$0x11] =	stream.linear.gather [hbm4b:s23+s4], $0x1000, $0x38;
	[tilespmem:$0x16E20] =	vst v63  }
0x7d: {  	_ =	swait.ge [sflag:s30], $0x1000  }
0x7e: {  	[sflag:s30] =	ssyncset.done $0x0  }
0x7f: {  	[sflag:s30] =	ssyncadd.s32 $0xFFFFF000  }
0x80: {  	[spmem:s9] =	stream.linear.scatter [tilespmem:s29], [sflag:$0x11], $0x1000, $0x38;
	[tilespmem:$0x16E20] =	vst v63  }
0x81: {  	_ =	swait.ge [sflag:s30], $0x1000  }
0x82: {  	[sflag:s30] =	ssyncset.done $0x0  }
0x83: {  	s9 =	rddreg [dreg:$0x8];
	[sflag:s30] =	ssyncadd.s32 $0xFFFFF000  }
0x84: {  	[spmem:s9] =	stream.linear.scatter [tilespmem:s29], [sflag:$0x11], $0x1000, $0x38;
	[tilespmem:$0x16E20] =	vst v63  }
0x85: {  	_ =	swait.ge [sflag:s30], $0x1000  }
0x86: {  	[sflag:s30] =	ssyncset.done $0x0  }
0x87: {  	s20 =	rddreg [dreg:$0x9];
	[sflag:s30] =	ssyncadd.s32 $0xFFFFF000  }
0x88: {  	[tilespmem:s29], [sflag:$0x11] =	stream.linear.gather [hbm4b:s20+s4], $0x1000, $0x38;
	[tilespmem:$0x16E20] =	vst v63  }
0x89: {  	_ =	swait.ge [sflag:s30], $0x1000  }
0x8a: {  	[sflag:s30] =	ssyncset.done $0x0  }
0x8b: {  	[sflag:s30] =	ssyncadd.s32 $0xFFFFF000  }
0x8c: {  	[spmem:s12] =	stream.linear.scatter [tilespmem:s29], [sflag:$0x11], $0x1000, $0x38;
	[tilespmem:$0x16E20] =	vst v63  }
0x8d: {  	_ =	swait.ge [sflag:s30], $0x1000  }
0x8e: {  	[sflag:s30] =	ssyncset.done $0x0  }
0x8f: {  	s21 =	rddreg [dreg:$0xb];
	[sflag:s30] =	ssyncadd.s32 $0xFFFFF000  }
0x90: {  	[spmem:s21] =	stream.linear.scatter [tilespmem:s29], [sflag:$0x11], $0x1000, $0x38;
	[tilespmem:$0x16E20] =	vst v63  }
0x91: {  	_ =	swait.ge [sflag:s30], $0x1000  }
0x92: {  	[sflag:s30] =	ssyncset.done $0x0  }
0x93: {  	s23 =	rddreg [dreg:$0xc];
	[sflag:s30] =	ssyncadd.s32 $0xFFFFF000  }
0x94: {  	[tilespmem:s29], [sflag:$0x11] =	stream.linear.gather [hbm4b:s23+s4], $0x1000, $0x38;
	[tilespmem:$0x16E20] =	vst v63  }
0x95: {  	_ =	swait.ge [sflag:s30], $0x1000  }
0x96: {  	[sflag:s30] =	ssyncset.done $0x0  }
0x97: {  	[sflag:s30] =	ssyncadd.s32 $0xFFFFF000  }
0x98: {  	[spmem:s22] =	stream.linear.scatter [tilespmem:s29], [sflag:$0x11], $0x1000, $0x38;
	[tilespmem:$0x16E20] =	vst v63  }
0x99: {  	_ =	swait.ge [sflag:s30], $0x1000  }
0x9a: {  	[sflag:s30] =	ssyncset.done $0x0  }
0x9b: {  	s9 =	rddreg [dreg:$0x14];
	[sflag:s30] =	ssyncadd.s32 $0xFFFFF000  }
0x9c: {  	[spmem:s9] =	stream.linear.scatter [tilespmem:s29], [sflag:$0x11], $0x1000, $0x38;
	[tilespmem:$0x16E20] =	vst v63  }
0x9d: {  	_ =	swait.ge [sflag:s30], $0x1000  }
0x9e: {  	[sflag:s30] =	ssyncset.done $0x0  }
0x9f: {  	s12 =	rddreg [dreg:$0xd];
	[sflag:s30] =	ssyncadd.s32 $0xFFFFF000  }
0xa0: {  	[tilespmem:s29], [sflag:$0x11] =	stream.linear.gather [hbm4b:s12+s4], $0xE20, $0x38;
	[tilespmem:$0x16E20] =	vst v63  }
0xa1: {  	_ =	swait.ge [sflag:s30], $0xE20  }
0xa2: {  	[sflag:s30] =	ssyncset.done $0x0  }
0xa3: {  	[sflag:s30] =	ssyncadd.s32 $0xFFFFF1E0  }
0xa4: {  	[spmem:s28] =	stream.linear.scatter [tilespmem:s29], [sflag:$0x11], $0xE20, $0x38;
	[tilespmem:$0x16E20] =	vst v63  }
0xa5: {  	_ =	swait.ge [sflag:s30], $0xE20  }
0xa6: {  	[sflag:s30] =	ssyncset.done $0x0  }
0xa7: {  	s20 =	rddreg [dreg:$0x16];
	[sflag:s30] =	ssyncadd.s32 $0xFFFFF1E0  }
0xa8: {  	[spmem:s20] =	stream.linear.scatter [tilespmem:s29], [sflag:$0x11], $0xE20, $0x38;
	[tilespmem:$0x16E20] =	vst v63  }
0xa9: {  	_ =	swait.ge [sflag:s30], $0xE20  }
0xaa: {  	[sflag:s30] =	ssyncset.done $0x0  }
0xab: {  	s23 =	smov.u32 s22;
	s22 =	rddreg [dreg:$0x17];
	[sflag:s30] =	ssyncadd.s32 $0xFFFFF1E0  }
0xac: {  	[tilespmem:s4], [sflag:$0x11] =	stream.linear.gather [hbm4b:s22+s4], $0x2800, $0x38;
	[tilespmem:$0x16E20] =	vst v63  }
0xad: {  	_ =	swait.ge [sflag:s30], $0x2800  }
0xae: {  	[sflag:s30] =	ssyncset.done $0x0  }
0xaf: {  	s12 =	simm.s32 $0x2800;
	s9 =	rddreg [dreg:$0x18];
	[sflag:s30] =	ssyncadd.s32 $0xFFFFD800  }
0xb0: {  	[tilespmem:s12], [sflag:$0x11] =	stream.linear.gather [hbm4b:s9+s4], $0x2800, $0x38;
	[tilespmem:$0x16E20] =	vst v63  }
0xb1: {  	_ =	swait.ge [sflag:s30], $0x2800  }
0xb2: {  	[sflag:s30] =	ssyncset.done $0x0  }
0xb3: {  	[sflag:s30] =	ssyncadd.s32 $0xFFFFD800  }
0xb4: {  	[bflag:$0x0] =	sbarrier.arrive $0xFFFF  }
0xb5: {  	[tilespmem:s29], [sflag:$0x1] =	stream.indirect.gather [spmem:s3], $0x20, s4, s1, $0xb8;
	[tilespmem:$0x16E20] =	vst v63  }
0xb6: {  	_ = 	snop  }
0xb7: {  	[tilespmem:s0], [sflag:$0x2] =	stream.indirect.gather [spmem:s3], $0x20, s1, s1, $0xb8;
	[tilespmem:$0x16E20] =	vst v63  }
0xb8: {  	s20 =	simm.s32 $0x100  }
0xb9: {  	[tilespmem:s31], [sflag:$0x3] =	stream.indirect.gather [spmem:s3], $0x20, s20, s1, $0xb8;
	[tilespmem:$0x16E20] =	vst v63  }
0xba: {  	s21 =	smov.u32 s28;
	s28 =	simm.s32 $0x0;
	s22 =	simm.s32 $0x180  }
0xbb: {  	[tilespmem:s5], [sflag:$0x4] =	stream.indirect.gather [spmem:s3], $0x20, s22, s1, $0xb8;
	[tilespmem:$0x16E20] =	vst v63  }
.LBB2_2:
0xbc: {  	_ =	swait.ge [sflag:s7], $0x1000  }
0xbd: {  	s20 =	sshra.s32 s28, $0x2;
	[sflag:s7] =	ssyncset.done $0x0  }
0xbe: {  	p0 =	seq.s32 s28, $0x0;
	s22 =	sadd.s32 $0x2800, s20;
	[sflag:s7] =	ssyncadd.s32 $0xFFFFF000  }
0xbf: {  	[spmem:s2] =	stream.indirect.scatter.add.f32 [tilespmem:s29], [sflag:$0x9], $0x20, s22, s1, $0xb8;
	[tilespmem:$0x16E20] =	vst v63  }
0xc0: {  	s22 =	simm.s32 @!p0 $0xD  }
0xc1: {  	_ =	swait.ge @!p0 [sflag:s22], $0x1000  }
0xc2: {  	[sflag:s22] =	ssyncset.done @!p0 $0x0  }
0xc3: {  	s9 =	sadd.s32 $0x200, s20;
	[sflag:s22] =	ssyncadd.s32 @!p0 $0xFFFFF000  }
0xc4: {  	[tilespmem:s8], [sflag:$0x5] =	stream.indirect.gather [spmem:s3], $0x20, s9, s1, $0xb8;
	[tilespmem:$0x16E20] =	vst v63  }
0xc5: {  	_ =	swait.ge [sflag:s10], $0x1000  }
0xc6: {  	[sflag:s10] =	ssyncset.done $0x0  }
0xc7: {  	s12 =	sadd.s32 $0x2880, s20;
	s22 =	simm.s32 @!p0 $0xE;
	[sflag:s10] =	ssyncadd.s32 $0xFFFFF000  }
0xc8: {  	[spmem:s2] =	stream.indirect.scatter.add.f32 [tilespmem:s0], [sflag:$0xA], $0x20, s12, s1, $0xb8;
	[tilespmem:$0x16E20] =	vst v63  }
0xc9: {  	_ =	swait.ge @!p0 [sflag:s22], $0x1000  }
0xca: {  	[sflag:s22] =	ssyncset.done @!p0 $0x0  }
0xcb: {  	s6 =	sadd.s32 $0x280, s20;
	[sflag:s22] =	ssyncadd.s32 @!p0 $0xFFFFF000  }
0xcc: {  	[tilespmem:s11], [sflag:$0x6] =	stream.indirect.gather [spmem:s3], $0x20, s6, s1, $0xb8;
	[tilespmem:$0x16E20] =	vst v63  }
0xcd: {  	_ =	swait.ge [sflag:s13], $0x1000  }
0xce: {  	[sflag:s13] =	ssyncset.done $0x0  }
0xcf: {  	s9 =	sadd.s32 $0x2900, s20;
	s22 =	simm.s32 @!p0 $0xF;
	[sflag:s13] =	ssyncadd.s32 $0xFFFFF000  }
0xd0: {  	[spmem:s2] =	stream.indirect.scatter.add.f32 [tilespmem:s31], [sflag:$0xB], $0x20, s9, s1, $0xb8;
	[tilespmem:$0x16E20] =	vst v63  }
0xd1: {  	_ =	swait.ge @!p0 [sflag:s22], $0x1000  }
0xd2: {  	[sflag:s22] =	ssyncset.done @!p0 $0x0  }
0xd3: {  	s12 =	sadd.s32 $0x300, s20;
	[sflag:s22] =	ssyncadd.s32 @!p0 $0xFFFFF000  }
0xd4: {  	[tilespmem:s14], [sflag:$0x7] =	stream.indirect.gather [spmem:s3], $0x20, s12, s1, $0xb8;
	[tilespmem:$0x16E20] =	vst v63  }
0xd5: {  	_ =	swait.ge [sflag:s15], $0x1000  }
0xd6: {  	[sflag:s15] =	ssyncset.done $0x0  }
0xd7: {  	s6 =	sadd.s32 $0x2980, s20;
	s22 =	simm.s32 @!p0 $0x10;
	[sflag:s15] =	ssyncadd.s32 $0xFFFFF000  }
0xd8: {  	[spmem:s2] =	stream.indirect.scatter.add.f32 [tilespmem:s5], [sflag:$0xC], $0x20, s6, s1, $0xb8;
	[tilespmem:$0x16E20] =	vst v63  }
0xd9: {  	_ =	swait.ge @!p0 [sflag:s22], $0x1000  }
0xda: {  	[sflag:s22] =	ssyncset.done @!p0 $0x0  }
0xdb: {  	s9 =	sadd.s32 $0x380, s20;
	[sflag:s22] =	ssyncadd.s32 @!p0 $0xFFFFF000  }
0xdc: {  	[tilespmem:s16], [sflag:$0x8] =	stream.indirect.gather [spmem:s3], $0x20, s9, s1, $0xb8;
	[tilespmem:$0x16E20] =	vst v63  }
0xdd: {  	_ =	swait.ge [sflag:s17], $0x1000  }
0xde: {  	p0 =	seq.s32 s28, $0x9000;
	[sflag:s17] =	ssyncset.done $0x0  }
0xdf: {  	s12 =	sadd.s32 $0x2A00, s20;
	s22 =	simm.s32 @p0 $0x6;
	[sflag:s17] =	ssyncadd.s32 $0xFFFFF000  }
0xe0: {  	[spmem:s2] =	stream.indirect.scatter.add.f32 [tilespmem:s8], [sflag:$0xD], $0x20, s12, s1, $0xb8;
	[tilespmem:$0x16E20] =	vst v63  }
0xe1: {  	_ =	swait.ge @p0 [sflag:s22], $0x1000  }
0xe2: {  	[sflag:s22] =	ssyncset.done @p0 $0x0  }
0xe3: {  	[sflag:s22] =	ssyncadd.s32 @p0 $0xFFFFF000;
	s22 =	sshra.s32 @p0 s28, $0x2  }
0xe4: {  	s6 =	simm.s32 @p0 $0x80;
	s9 =	simm.s32 @p0 $0xA000;
	s22 =	sadd.s32 @p0 $0x2A80, s22  }
0xe5: {  	[spmem:s2] =	stream.indirect.scatter.add.f32 @p0 [tilespmem:s9], [sflag:$0xE], $0x20, s22, s6, $0xb8;
	[tilespmem:$0x16E20] =	vst v63  }
0xe6: {  	s6 =	simm.s32 @!p0 $0x9  }
0xe7: {  	_ =	swait.ge @!p0 [sflag:s6], $0x1000  }
0xe8: {  	[sflag:s6] =	ssyncset.done @!p0 $0x0  }
0xe9: {  	[sflag:s6] =	ssyncadd.s32 @!p0 $0xFFFFF000;
	s6 =	sshra.s32 @!p0 s28, $0x2  }
0xea: {  	s12 =	simm.s32 @!p0 $0x5000;
	s22 =	simm.s32 @!p0 $0x80;
	s9 =	sadd.s32 @!p0 $0x400, s6  }
0xeb: {  	[tilespmem:s12], [sflag:$0x1] =	stream.indirect.gather @!p0 [spmem:s3], $0x20, s9, s22, $0xb8;
	[tilespmem:$0x16E20] =	vst v63  }
0xec: {  	s9 =	simm.s32 @!p0 $0x6  }
0xed: {  	_ =	swait.ge @!p0 [sflag:s9], $0x1000  }
0xee: {  	[sflag:s9] =	ssyncset.done @!p0 $0x0  }
0xef: {  	s12 =	simm.s32 @!p0 $0xA000;
	[sflag:s9] =	ssyncadd.s32 @!p0 $0xFFFFF000;
	s9 =	sadd.s32 @!p0 $0x2A80, s6  }
0xf0: {  	[spmem:s2] =	stream.indirect.scatter.add.f32 @!p0 [tilespmem:s12], [sflag:$0xE], $0x20, s9, s22, $0xb8;
	[tilespmem:$0x16E20] =	vst v63  }
0xf1: {  	s9 =	simm.s32 @!p0 $0xA  }
0xf2: {  	_ =	swait.ge @!p0 [sflag:s9], $0x1000  }
0xf3: {  	[sflag:s9] =	ssyncset.done @!p0 $0x0  }
0xf4: {  	s6 =	sadd.s32 @!p0 $0x480, s6;
	[sflag:s9] =	ssyncadd.s32 @!p0 $0xFFFFF000;
	s9 =	simm.s32 @!p0 $0x6000  }
0xf5: {  	[tilespmem:s9], [sflag:$0x2] =	stream.indirect.gather @!p0 [spmem:s3], $0x20, s6, s22, $0xb8;
	[tilespmem:$0x16E20] =	vst v63  }
.Ltmp2:
0xf6: {  	_ =	swait.ge [sflag:s18], $0x1000;
	(pc) =	sbr.rel @p0 .LBB2_4-.Ltmp2, $4  }
0xf7: {  	[sflag:s18] =	ssyncset.done $0x0  }
0xf8: {  	s22 =	sadd.s32 $0x2B00, s20;
	[sflag:s18] =	ssyncadd.s32 $0xFFFFF000  }
0xf9: {  	[spmem:s2] =	stream.indirect.scatter.add.f32 [tilespmem:s14], [sflag:$0xF], $0x20, s22, s1, $0xb8;
	[tilespmem:$0x16E20] =	vst v63  }
0xfa: {  	s22 =	sadd.s32 $0x2B80, s20  }
0xfb: {  	_ =	swait.ge [sflag:s24], $0x1000  }
0xfc: {  	[sflag:s24] =	ssyncset.done $0x0  }
0xfd: {  	s6 =	sadd.s32 $0x500, s20;
	[sflag:s24] =	ssyncadd.s32 $0xFFFFF000  }
0xfe: {  	[tilespmem:s31], [sflag:$0x3] =	stream.indirect.gather [spmem:s3], $0x20, s6, s1, $0xb8;
	[tilespmem:$0x16E20] =	vst v63  }
0xff: {  	_ =	swait.ge [sflag:s19], $0x1000  }
0x100: {  	[sflag:s19] =	ssyncset.done $0x0  }
0x101: {  	[sflag:s19] =	ssyncadd.s32 $0xFFFFF000  }
0x102: {  	[spmem:s2] =	stream.indirect.scatter.add.f32 [tilespmem:s16], [sflag:$0x10], $0x20, s22, s1, $0xb8;
	[tilespmem:$0x16E20] =	vst v63  }
.Ltmp3:
0x103: {  	_ = 	snop;
	(pc) =	sbr.rel .LBB2_2-.Ltmp3, $4  }
0x104: {  	_ =	swait.ge [sflag:s25], $0x1000  }
0x105: {  	[sflag:s25] =	ssyncset.done $0x0  }
0x106: {  	s28 =	sadd.s32 $0x1000, s28;
	s22 =	sadd.s32 $0x580, s20;
	[sflag:s25] =	ssyncadd.s32 $0xFFFFF000  }
0x107: {  	[tilespmem:s5], [sflag:$0x4] =	stream.indirect.gather [spmem:s3], $0x20, s22, s1, $0xb8;
	[tilespmem:$0x16E20] =	vst v63  }
.LBB2_5:
0x108: {  	_ =	sfence.sel $0x180000  }
0x109: {  	[bflag:$0x0] =	sbarrier.arrive $0xFFFF  }
0x10a: {  	_ =	strace $0x9000004D  }
0x10b: {  	s0 =	stileid.u32;
	[bflag:$0x2] =	sbarrier.arrive $0xFFFF  }
0x10c: {  	p0 =	sne.s32 s0, $0x0;
	s0 =	rddreg [dreg:$0x4]  }
0x10d: {  	s0 =	sadd.s32 @!p0 $0x100000, s0  }
0x10e: {  	[sflag:s0] =	ssyncadd.tile.s32 @!p0 $0x1;
	_ =	shalt  }
.Lfunc_end2:
_tile_overlayer_lowered:
.L_overlay_start_2:
0x10f: {  	(tag) =	ssettag $0x2  }
0x110: {  	s0 =	rddreg [dreg:$0x0];
	s2 =	stileid.u32  }
0x111: {  	s1 =	rddreg [dreg:$0x1];
	p0 =	sne.s32 s2, $0x0  }
0x112: {  	s3 =	rddreg [dreg:$0x2];
	[bflag:$0x3] =	sbarrier.arrive $0xFFFF;
	s2 =	simm.s32 @!p0 $0x1C11  }
0x113: {  	[timem:s3], [sflag:s2] =	dma.local @!p0 [hbm:s0], s1  }
0x114: {  	s0 =	simm.s32 @!p0 $0x11  }
0x115: {  	_ =	swait.ge @!p0 [sflag:s0], s1  }
0x116: {  	s1 =	ssub.s32 @!p0 $0x0, s1;
	[sflag:s0] =	ssyncset.done @!p0 $0x0  }
0x117: {  	[sflag:s0] =	ssyncadd.s32 @!p0 s1  }
0x118: {  	[bflag:$0x3] =	sbarrier.arrive $0xFFFF  }
0x119: {  	_ =	shalt  }

// kernel: kernel.8.cloned.1.call-start
scs
__scs_entry_jumppad:
0x0: {  	(pc) =	sbr.rel $0x88, $3  }
0x1: {  	(tag) =	ssettag $0x0;
	lr =	simm.s32 $0x1  }
0x2: {  	[smem:$0x3F9B] =	sst lr;
	_ =	strace $0xD0000000  }
0x3: {  	_ = 	snop  }
0x4: {  	_ = 	snop  }
0x5: {  	_ = 	snop  }
0x6: {  	_ = 	snop  }
0x7: {  	_ = 	snop  }
__scs_overlays_trampoline_lowered:
0x8: {  	[smem:$0x3FAA] =	sst s0  }
0x9: {  	[smem:$0x3FAB] =	sst s1  }
0xa: {  	[smem:$0x3FAC] =	sst s2  }
0xb: {  	[smem:$0x3FAD] =	sst s3  }
0xc: {  	[smem:$0x3FAE] =	sst s4  }
0xd: {  	[smem:$0x3FAF] =	sst s5  }
0xe: {  	[smem:$0x3FB0] =	sst s6  }
0xf: {  	[smem:$0x3FB1] =	sst s7  }
0x10: {  	[smem:$0x3FB2] =	sst s8  }
0x11: {  	[smem:$0x3FB3] =	sst s9;
	s0 =	simm.s32 @!p0 $0x0  }
0x12: {  	s1 =	sld [smem:$0x3F99];
	s0 =	simm.s32 @p0 $0x1  }
0x13: {  	[smem:$0x3FB4] =	sst s0;
	s0 =	simm.s32 @!p1 $0x0  }
0x14: {  	s2 =	sld [smem:$0x3F98];
	s0 =	simm.s32 @p1 $0x1  }
0x15: {  	[smem:$0x3FB5] =	sst s0;
	s0 =	simm.s32 @!p2 $0x0  }
0x16: {  	s3 =	sld [smem:$0x3FDB];
	s0 =	simm.s32 @p2 $0x1  }
0x17: {  	s4 =	simm.s32 $0x1BF5;
	[smem:$0x3FB7] =	sst s0  }
0x18: {  	s0 =	sld [smem:$0x3F9A];
	_ =	swait.ge [sflag:s4], $0x0  }
0x19: {  	s7 =	sld [smem:$0x3F9B]  }
0x1a: {  	s8 =	sadd.s32 $0xFFFFE003, lr  }
0x1b: {  	s9 =	sadd.s32 $0xFFFFFEF7, lr;
	s5 =	simm.s32 $0xFFFFFFFF;
	p2 =	slt.u32 s8, $0xFFFFF086  }
0x1c: {  	p1 =	slt.u32 s9, $0xF7A;
	s5 =	simm.s32 @!p2 $0x0  }
0x1d: {  	s5 =	simm.s32 @p1 $0x1;
	p0 =	seq.s32 s7, s2  }
0x1e: {  	s7 =	smul.u32 @!p0 $0xF7A, s2;
	p2 =	seq.s32 @!p0 s5, $0x0  }
0x1f: {  	s9 =	smul.u32 $0xF7A, s1;
	s8 =	simm.s32 @!p0 $0x1BF5;
	p2 =	por !p2, p0  }
0x20: {  	[sflag:s8] =	ssyncset.s32 @!p0 $0xFFFFF086;
	s6 =	sadd.s32 @!p0 s3, s7;
	s7 =	simm.s32 @!p0 $0x108  }
0x21: {  	s3 =	sadd.s32 s3, s9;
	s6 =	sadd.s32 @!p0 $0x88, s6;
	s7 =	simm.s32 @p2 $0x1082  }
0x22: {  	[simem:s7], [sflag:s8] =	dma.local @!p0 [hbm:s6], $0xF7A  }
0x23: {  	s9 =	sor.u32 $0xD0000000, s2;
	s6 =	simm.s32 $0x108;
	_ =	swait.ge @!p0 [sflag:s8], $0x0  }
0x24: {  	s3 =	sadd.s32 $0x88, s3;
	s6 =	simm.s32 @!p1 $0x1082;
	[sflag:s4] =	ssyncset.s32 $0xFFFFF086  }
0x25: {  	[simem:s6], [sflag:s4] =	dma.local [hbm:s3], $0xF7A  }
0x26: {  	[smem:$0x3F9B] =	sst s1;
	(tag) =	ssettag s2;
	_ =	strace s9  }
0x27: {  	s1 =	sld [smem:$0x3FAB]  }
0x28: {  	s2 =	sld [smem:$0x3FAC]  }
0x29: {  	s4 =	sld [smem:$0x3FAE]  }
0x2a: {  	p0 =	seq.s32 s5, $0x0;
	s5 =	sld [smem:$0x3FAF]  }
0x2b: {  	s6 =	sld [smem:$0x3FB0]  }
0x2c: {  	s7 =	sld [smem:$0x3FB1]  }
0x2d: {  	s3 =	simm.s32 $0x108;
	s8 =	sld [smem:$0x3FB2]  }
0x2e: {  	s3 =	simm.s32 @!p0 $0x1082;
	s9 =	sld [smem:$0x3FB3]  }
0x2f: {  	lr =	sadd.s32 s0, s3;
	s0 =	sld [smem:$0x3FAA]  }
0x30: {  	s3 =	sld [smem:$0x3FAD]  }
0x31: {  	[smem:$0x3FB6] =	sst s10  }
0x32: {  	s10 =	sld [smem:$0x3FB4];
	_ =	sdelay $0x3  }
0x33: {  	p0 =	seq.s32 s10, $0x1;
	s10 =	sld [smem:$0x3FB6];
	_ =	sdelay $0x3  }
0x34: {  	[smem:$0x3FB6] =	sst s10  }
0x35: {  	s10 =	sld [smem:$0x3FB5];
	_ =	sdelay $0x3  }
0x36: {  	p1 =	seq.s32 s10, $0x1;
	s10 =	sld [smem:$0x3FB6];
	_ =	sdelay $0x3  }
0x37: {  	[smem:$0x3FB6] =	sst s10  }
0x38: {  	s10 =	sld [smem:$0x3FB7]  }
0x39: {  	_ = 	snop;
	(pc) =	sbr.ind lr, $3  }
0x3a: {  	_ = 	snop  }
0x3b: {  	_ = 	snop  }
0x3c: {  	p2 =	seq.s32 s10, $0x1;
	s10 =	sld [smem:$0x3FB6]  }
0x3d: {  	_ =	shalt  }
0x3e: {  	_ =	shalt  }
0x3f: {  	_ =	shalt  }
0x40: {  	_ =	shalt  }
0x41: {  	_ =	shalt  }
0x42: {  	_ =	shalt  }
0x43: {  	_ =	shalt  }
0x44: {  	_ =	shalt  }
0x45: {  	_ =	shalt  }
0x46: {  	_ =	shalt  }
0x47: {  	_ =	shalt  }
0x48: {  	_ =	shalt  }
0x49: {  	_ =	shalt  }
0x4a: {  	_ =	shalt  }
0x4b: {  	_ =	shalt  }
0x4c: {  	_ =	shalt  }
0x4d: {  	_ =	shalt  }
0x4e: {  	_ =	shalt  }
0x4f: {  	_ =	shalt  }
0x50: {  	_ =	shalt  }
0x51: {  	_ =	shalt  }
0x52: {  	_ =	shalt  }
0x53: {  	_ =	shalt  }
0x54: {  	_ =	shalt  }
0x55: {  	_ =	shalt  }
0x56: {  	_ =	shalt  }
0x57: {  	_ =	shalt  }
0x58: {  	_ =	shalt  }
0x59: {  	_ =	shalt  }
0x5a: {  	_ =	shalt  }
0x5b: {  	_ =	shalt  }
0x5c: {  	_ =	shalt  }
0x5d: {  	_ =	shalt  }
0x5e: {  	_ =	shalt  }
0x5f: {  	_ =	shalt  }
0x60: {  	_ =	shalt  }
0x61: {  	_ =	shalt  }
0x62: {  	_ =	shalt  }
0x63: {  	_ =	shalt  }
0x64: {  	_ =	shalt  }
0x65: {  	_ =	shalt  }
0x66: {  	_ =	shalt  }
0x67: {  	_ =	shalt  }
0x68: {  	_ =	shalt  }
0x69: {  	_ =	shalt  }
0x6a: {  	_ =	shalt  }
0x6b: {  	_ =	shalt  }
0x6c: {  	_ =	shalt  }
0x6d: {  	_ =	shalt  }
0x6e: {  	_ =	shalt  }
0x6f: {  	_ =	shalt  }
0x70: {  	_ =	shalt  }
0x71: {  	_ =	shalt  }
0x72: {  	_ =	shalt  }
0x73: {  	_ =	shalt  }
0x74: {  	_ =	shalt  }
0x75: {  	_ =	shalt  }
0x76: {  	_ =	shalt  }
0x77: {  	_ =	shalt  }
0x78: {  	_ =	shalt  }
0x79: {  	_ =	shalt  }
0x7a: {  	_ =	shalt  }
0x7b: {  	_ =	shalt  }
0x7c: {  	_ =	shalt  }
0x7d: {  	_ =	shalt  }
0x7e: {  	_ =	shalt  }
0x7f: {  	_ =	shalt  }
0x80: {  	_ =	shalt  }
0x81: {  	_ =	shalt  }
0x82: {  	_ =	shalt  }
0x83: {  	_ =	shalt  }
0x84: {  	_ =	shalt  }
0x85: {  	_ =	shalt  }
0x86: {  	_ =	shalt  }
0x87: {  	_ =	shalt  }
.Lfunc_end0:
.L_simem_size_0:
called_computation_lowered:
.L_overlay_start_0:
0x88: {  	s2 =	sld [smem:$0x3FD9]  }
0x89: {  	s3 =	sld [smem:$0x3FFE];
	_ =	sdelay $0x1  }
0x8a: {  	s1 =	srdreg.scid  }
0x8b: {  	s0 =	sand.u32 $0x1, s1  }
0x8c: {  	s17 =	sshll.u32 s0, $0xA;
	s2 =	sadd.s32 s3, s2  }
0x8d: {  	s2 =	sadd.s32 s2, s17  }
0x8e: {  	[smem:$0x3FC2] =	sst s2  }
0x8f: {  	_ = 	snop  }
0x90: {  	s2 =	sld [smem:$0x3FD0];
	(tm) =	ssettm $0x1  }
0x91: {  	s18 =	sld [smem:$0x3FFB];
	_ =	sdelay $0x3  }
0x92: {  	_ =	strace s18  }
0x93: {  	s3 =	sld [smem:$0x3FFC];
	_ =	sdelay $0x3  }
0x94: {  	_ =	strace s3  }
0x95: {  	s3 =	sld [smem:$0x3FFD];
	_ =	sdelay $0x3  }
0x96: {  	_ =	strace s3  }
0x97: {  	_ =	strace $0x8FFFFFFF  }
0x98: {  	s19 =	sld [smem:$0x3FDB];
	_ =	sdelay $0x1  }
0x99: {  	s4 =	simm.s32 $_scs_section_size  }
0x9a: {  	s5 =	simm.s32 $_size__tile_overlayer_lowered;
	s6 =	simm.s32 $_tile_overlayer_lowered  }
0x9b: {  	s22 =	simm.s32 $0x1BFF;
	s21 =	sshll.u32 s6, $0x1;
	s3 =	sadd.s32 s4, s19  }
0x9c: {  	s7 =	simm.s32 $0x0;
	s20 =	sshll.u32 s5, $0x1;
	s5 =	sadd.s32 s21, s3  }
0x9d: {  	[timem:s7], [sflag:s22] =	dma.local [hbm:s5], s20  }
0x9e: {  	_ =	swait.ge [sflag:s22], s20  }
0x9f: {  	s4 =	ssub.s32 $0x0, s20;
	[sflag:s22] =	ssyncset.done $0x0  }
0xa0: {  	[sflag:s22] =	ssyncadd.s32 s4;
	_ =	sdelay $0x1  }
0xa1: {  	s23 =	simm.s32 $0x1B8B  }
0xa2: {  	_ =	swait.ge [sflag:s23], $0x1  }
0xa3: {  	[sflag:s23] =	ssyncset.done $0x0  }
0xa4: {  	s25 =	simm.s32 $0x1B8E;
	s24 =	sld [smem:$0x3FFE];
	[sflag:s23] =	ssyncadd.s32 $0xFFFFFFFF  }
0xa5: {  	s26 =	simm.s32 $execute0_lowered;
	[smem:$0x3FD2] =	sst s25  }
0xa6: {  	s5 =	sshll.u32 s26, $0x1;
	_ =	strace $0x80000046;
	[dreg:$0x1] =	wrdreg $0xFFFFFFFF  }
0xa7: {  	s28 =	simm.s32 $_size_execute0_lowered;
	s3 =	sadd.s32 s3, s5;
	[dreg:$0x0] =	wrdreg $0x0  }
0xa8: {  	s5 =	sshll.u32 s28, $0x1;
	[dreg:$0x2] =	wrdreg s3  }
0xa9: {  	[dreg:$0x3] =	wrdreg s5  }
0xaa: {  	[dreg:$0x4] =	wrdreg $0xC0  }
0xab: {  	_ =	task [dreg:s7], $0x5FFFF  }
0xac: {  	[dreg:$0x1] =	wrdreg $0xFFFFFFFF  }
0xad: {  	[dreg:$0x0] =	wrdreg $0x60  }
0xae: {  	[dreg:$0x2] =	wrdreg s2  }
0xaf: {  	[dreg:$0x3] =	wrdreg s24  }
0xb0: {  	[dreg:$0x4] =	wrdreg $0x29E00  }
0xb1: {  	[dreg:$0x5] =	wrdreg $0x9  }
0xb2: {  	_ =	task.clear_ibuf [dreg:s7], $0x6FFFF;
	_ =	strace $0x90000046  }
0xb3: {  	s29 =	simm.s32 $0x9;
	_ =	strace $0x80000048  }
0xb4: {  	_ =	swait.ge [sflag:s29], $0x1  }
0xb5: {  	[sflag:s29] =	ssyncadd.s32 $0xFFFFFFFF  }
0xb6: {  	_ =	strace $0x90000048  }
0xb7: {  	_ =	sfence  }
0xb8: {  	s30 =	sld [smem:$0x0];
	_ =	sdelay $0x2  }
0xb9: {  	s31 =	sshll.u32 s1, $0xD;
	s1 =	sshrl.u32 s1, $0x2  }
0xba: {  	s3 =	sand.u32 $0x4000, s31;
	s1 =	sadd.s32 s1, s30  }
0xbb: {  	s0 =	sor.u32 s3, s0;
	s1 =	sshll.u32 s1, $0x11  }
0xbc: {  	s0 =	sor.u32 s1, s0  }
0xbd: {  	s0 =	sadd.s32 $0x8F2B, s0  }
0xbe: {  	[sflag:s0] =	ssyncadd.remote.s32 $0x1  }
0xbf: {  	_ =	sfence.sel $0xFFFF  }
0xc0: {  	[dreg:$0x0] =	wrdreg $0xFFFFFFFF;
	(pc) =	sbr.abs _section_cstart, $3  }
0xc1: {  	[dreg:$0x1] =	wrdreg $0xFFFFFFFF  }
0xc2: {  	_ =	task.clear_ibuf [dreg:s7], $0x2FFFF;
	_ =	strace $0x9FFFFFFF  }
0xc3: {  	(tm) =	ssettm $0x7FFFFFFF  }
tec
execute0_lowered:
.L_overlay_start_1:
0x0: {  	(tag) =	ssettag $0x1  }
0x1: {  	s5 =	rddreg [dreg:$0x0]  }
0x2: {  	s4 =	rddreg [dreg:$0x1]  }
0x3: {  	s2 =	rddreg [dreg:$0x2]  }
0x4: {  	s0 =	rddreg [dreg:$0x3]  }
0x5: {  	s6 =	srdreg.scid;
	s1 =	stileid.u32;
	s3 =	simm.s32 $0x0  }
0x6: {  	s11 =	simm.s32 $0x2710;
	s6 =	sand.u32 $0x1, s6;
	s7 =	smul.u32 $0x280, s1  }
0x7: {  	s12 =	simm.s32 $0x1;
	[smem:$0x7FF] =	sst s3;
	s8 =	smul.u32 $0x2800, s6  }
0x8: {  	s13 =	simm.s32 $0x0;
	_ =	strace $0x80000047;
	s9 =	sshll.u32 s6, $0x4  }
0x9: {  	s6 =	ssub.s32 $0x2, s6;
	s9 =	sor.u32 s1, s9;
	s8 =	sadd.s32 s7, s8  }
0xa: {  	s10 =	sshrl.u32 s6, $0x1;
	s9 =	smul.u32 $0x4E2, s9;
	s8 =	sshrl.u32 s8, $0x3  }
0xb: {  	s10 =	ssub.s32 s6, s10;
	s8 =	sadd.s32 s8, s4;
	s4 =	sadd.s32 s7, s2  }
0xc: {  	s5 =	sadd.s32 s5, s9;
	s7 =	smax.u32 s10, $0x1;
	s9 =	simm.s32 $0x2  }
0xd: {  	v0 =	vimm.f32 $1.000000000e+00;
	v1 =	vimm.f32 $0.0e+00;
	s10 =	simm.s32 $0x50;
	s6 =	sadd.s32 $0x1800, s8;
	s8 =	simm.s32 $0x2760  }
.LBB2_1:
0xe: {  	[tilespmem:$0x2710] =	vst v0  }
0xf: {  	[tilespmem:$0x2720] =	vst v0  }
0x10: {  	[tilespmem:$0x2730] =	vst v0  }
0x11: {  	[tilespmem:$0x2740] =	vst v0  }
0x12: {  	[tilespmem:$0x2750] =	vst v0  }
0x13: {  	[tilespmem:$0x2760] =	vst v1  }
0x14: {  	[tilespmem:$0x2770] =	vst v1  }
0x15: {  	[tilespmem:$0x2780] =	vst v1  }
0x16: {  	[tilespmem:$0x2790] =	vst v1  }
0x17: {  	[tilespmem:$0x27A0] =	vst v1  }
0x18: {  	[tilespmem:$0x27B0] =	vst v1  }
0x19: {  	[tilespmem:$0x27C0] =	vst v1  }
0x1a: {  	[tilespmem:$0x27D0] =	vst v1  }
0x1b: {  	[tilespmem:$0x27E0] =	vst v1  }
0x1c: {  	[tilespmem:$0x27F0] =	vst v1  }
0x1d: {  	[tilespmem:$0x2800] =	vst v1  }
0x1e: {  	[tilespmem:$0x2810] =	vst v1  }
0x1f: {  	[tilespmem:$0x2820] =	vst v1  }
0x20: {  	[tilespmem:$0x2830] =	vst v1  }
0x21: {  	[tilespmem:$0x2840] =	vst v1  }
0x22: {  	[tilespmem:$0x2850] =	vst v1  }
0x23: {  	[tilespmem:$0x2860] =	vst v1  }
0x24: {  	[tilespmem:$0x2870] =	vst v1  }
0x25: {  	[tilespmem:$0x2880] =	vst v1  }
0x26: {  	[tilespmem:$0x2890] =	vst v1  }
0x27: {  	[tilespmem:$0x28A0] =	vst v1  }
0x28: {  	[tilespmem:$0x28B0] =	vst v1  }
0x29: {  	[tilespmem:$0x28C0] =	vst v1  }
0x2a: {  	[tilespmem:$0x28D0] =	vst v1  }
0x2b: {  	[tilespmem:$0x28E0] =	vst v1  }
0x2c: {  	[tilespmem:$0x28F0] =	vst v1  }
0x2d: {  	[tilespmem:$0x2900] =	vst v1  }
0x2e: {  	[tilespmem:$0x2910] =	vst v1  }
0x2f: {  	[tilespmem:$0x2920] =	vst v1  }
0x30: {  	[tilespmem:$0x2930] =	vst v1  }
0x31: {  	[tilespmem:$0x2940] =	vst v1  }
0x32: {  	[tilespmem:$0x2950] =	vst v1  }
0x33: {  	[tilespmem:$0x2960] =	vst v1  }
0x34: {  	[tilespmem:$0x2970] =	vst v1  }
0x35: {  	[tilespmem:$0x2980] =	vst v1  }
0x36: {  	[tilespmem:$0x2990] =	vst v1  }
0x37: {  	[tilespmem:$0x29A0] =	vst v1  }
0x38: {  	[tilespmem:$0x29B0] =	vst v1  }
0x39: {  	[tilespmem:$0x29C0] =	vst v1  }
0x3a: {  	[tilespmem:$0x29D0] =	vst v1  }
0x3b: {  	[spmem:s4] =	stream.linear.scatter [tilespmem:s8], [sflag:$0x2], $0x280, $0x38;
	[tilespmem:$0x2C60] =	vst v63  }
0x3c: {  	_ =	swait.ge [sflag:s9], $0x280  }
0x3d: {  	[sflag:s9] =	ssyncset.done $0x0  }
0x3e: {  	[sflag:s9] =	ssyncadd.s32 $0xFFFFFD80  }
0x3f: {  	[tilespmem:s3], [sflag:$0x2] =	stream.linear.gather [hbm4b:s5+s3], $0x2710, $0x38;
	[tilespmem:$0x2C60] =	vst v63  }
0x40: {  	_ =	swait.ge [sflag:s9], $0x2710  }
0x41: {  	[sflag:s9] =	ssyncset.done $0x0  }
0x42: {  	p0 =	por $0x1, $0x1;
	[sflag:s9] =	ssyncadd.s32 $0xFFFFD8F0  }
0x43: {  	s16 =	simm.s32 @!p0 $0x1;
	[bflag:$0x0] =	sbarrier.arrive $0xFFFF  }
0x44: {  	[spmem:s2] =	stream.indirect.scatter.add.f32 [tilespmem:s11], [sflag:$0x1], $0x1, s3, s10, $0xb8;
	[tilespmem:$0x2C60] =	vst v63  }
0x45: {  	_ =	swait.ge @!p0 [sflag:s16], $0x50  }
0x46: {  	s14 =	simm.s32 $0x1;
	s15 =	simm.s32 $0x0;
	[sflag:s16] =	ssyncset.done @!p0 $0x0  }
.LBB2_2:
0x47: {  	[sflag:s16] =	ssyncadd.s32 @!p0 $0xFFFFFFB0  }
0x48: {  	s15 =	sadd.s32 $0x50, s15;
	s16 =	smov.u32 s14;
	s14 =	sadd.s32 $0x1, s14  }
0x49: {  	p1 =	sne.s32 s14, $0x7D  }
0x4a: {  	[spmem:s2] =	stream.indirect.scatter.add.f32 [tilespmem:s11], [sflag:$0x1], $0x1, s15, s10, $0xb8;
	[tilespmem:$0x2C60] =	vst v63  }
.Ltmp0:
0x4b: {  	_ = 	snop;
	(pc) =	sbr.rel @p1 .LBB2_2-.Ltmp0, $4  }
0x4c: {  	p0 =	slt.u32 s16, $0x8  }
0x4d: {  	s16 =	simm.s32 @!p0 $0x1  }
0x4e: {  	_ =	swait.ge @!p0 [sflag:s16], $0x50  }
0x4f: {  	[sflag:s16] =	ssyncset.done @!p0 $0x0  }
0x50: {  	[sflag:s16] =	ssyncadd.s32 @!p0 $0xFFFFFFB0  }
0x51: {  	_ =	swait.ge [sflag:s12], $0x50  }
0x52: {  	[sflag:s12] =	ssyncset.done $0x0  }
0x53: {  	[sflag:s12] =	ssyncadd.s32 $0xFFFFFFB0  }
0x54: {  	_ =	swait.ge [sflag:s12], $0x50  }
0x55: {  	[sflag:s12] =	ssyncset.done $0x0  }
0x56: {  	[sflag:s12] =	ssyncadd.s32 $0xFFFFFFB0  }
0x57: {  	_ =	swait.ge [sflag:s12], $0x50  }
0x58: {  	[sflag:s12] =	ssyncset.done $0x0  }
0x59: {  	[sflag:s12] =	ssyncadd.s32 $0xFFFFFFB0  }
0x5a: {  	_ =	swait.ge [sflag:s12], $0x50  }
0x5b: {  	[sflag:s12] =	ssyncset.done $0x0  }
0x5c: {  	[sflag:s12] =	ssyncadd.s32 $0xFFFFFFB0  }
0x5d: {  	_ =	swait.ge [sflag:s12], $0x50  }
0x5e: {  	[sflag:s12] =	ssyncset.done $0x0  }
0x5f: {  	[sflag:s12] =	ssyncadd.s32 $0xFFFFFFB0  }
0x60: {  	_ =	swait.ge [sflag:s12], $0x50  }
0x61: {  	[sflag:s12] =	ssyncset.done $0x0  }
0x62: {  	[sflag:s12] =	ssyncadd.s32 $0xFFFFFFB0  }
0x63: {  	_ =	swait.ge [sflag:s12], $0x50  }
0x64: {  	[sflag:s12] =	ssyncset.done $0x0  }
0x65: {  	[sflag:s12] =	ssyncadd.s32 $0xFFFFFFB0  }
0x66: {  	_ =	swait.ge [sflag:s12], $0x50  }
0x67: {  	[sflag:s12] =	ssyncset.done $0x0  }
0x68: {  	[sflag:s12] =	ssyncadd.s32 $0xFFFFFFB0  }
0x69: {  	[bflag:$0x0] =	sbarrier.arrive $0xFFFF  }
0x6a: {  	[tilespmem:s8], [sflag:$0x2] =	stream.linear.gather [spmem:s4], $0x280, $0x38;
	[tilespmem:$0x2C60] =	vst v63  }
0x6b: {  	s13 =	sadd.s32 $0x1, s13;
	_ =	swait.ge [sflag:s9], $0x280  }
0x6c: {  	p0 =	sne.s32 s13, s7;
	[sflag:s9] =	ssyncset.done $0x0  }
.Ltmp1:
0x6d: {  	[sflag:s9] =	ssyncadd.s32 $0xFFFFFD80;
	(pc) =	sbr.rel @p0 .LBB2_1-.Ltmp1, $4  }
0x6e: {  	[hbm4b:s6+s3] =	stream.linear.scatter [tilespmem:s8], [sflag:$0x2], $0x280, $0x38;
	[tilespmem:$0x2C60] =	vst v63  }
0x6f: {  	_ =	swait.ge [sflag:s9], $0x280  }
0x70: {  	[sflag:s9] =	ssyncset.done $0x0  }
0x71: {  	[sflag:s9] =	ssyncadd.s32 $0xFFFFFD80  }
0x72: {  	_ =	sfence.sel $0x180000  }
0x73: {  	[bflag:$0x0] =	sbarrier.arrive $0xFFFF  }
0x74: {  	p0 =	sne.s32 s1, $0x0;
	_ =	strace $0x90000047  }
0x75: {  	s0 =	sadd.s32 @!p0 $0x100000, s0;
	[bflag:$0x2] =	sbarrier.arrive $0xFFFF  }
0x76: {  	[sflag:s0] =	ssyncadd.tile.s32 @!p0 $0x1;
	_ =	shalt  }
.Lfunc_end2:
_tile_overlayer_lowered:
.L_overlay_start_2:
0x77: {  	(tag) =	ssettag $0x2  }
0x78: {  	s0 =	rddreg [dreg:$0x0];
	s2 =	stileid.u32  }
0x79: {  	s1 =	rddreg [dreg:$0x1];
	p0 =	sne.s32 s2, $0x0  }
0x7a: {  	s3 =	rddreg [dreg:$0x2];
	[bflag:$0x3] =	sbarrier.arrive $0xFFFF;
	s2 =	simm.s32 @!p0 $0x1C02  }
0x7b: {  	[timem:s3], [sflag:s2] =	dma.local @!p0 [hbm:s0], s1  }
0x7c: {  	s0 =	simm.s32 @!p0 $0x2  }
0x7d: {  	_ =	swait.ge @!p0 [sflag:s0], s1  }
0x7e: {  	s1 =	ssub.s32 @!p0 $0x0, s1;
	[sflag:s0] =	ssyncset.done @!p0 $0x0  }
0x7f: {  	[sflag:s0] =	ssyncadd.s32 @!p0 s1  }
0x80: {  	[bflag:$0x3] =	sbarrier.arrive $0xFFFF  }
0x81: {  	_ =	shalt  }

</sc_bundles>
